<compile_context>
chip_gen: v7x
topology: tpu7x:2x2x1
jax: 0.10.2.dev20260603
libtpu: 0.0.44.dev20260713+nightly
codegen_flags: <defaults>
</compile_context>

<pallas_src>
import functools

import jax
import jax.numpy as jnp
import numpy as np
from jax import lax
from jax.experimental import pallas as pl
from jax.experimental.pallas import tpu as pltpu
from jax.experimental.pallas import tpu_sc as plsc

N = 10000
E = 320000
F = 128
GN = 64
NB = 64

NC = 2
NS = 16
NW = NC * NS
CHUNK = 128
EPT = 10240
NCHUNK = EPT // CHUNK
TOTCHUNK = NW * NCHUNK
C0CH = 110
C1CH = 50
EPAD = NW * EPT
NPAD = 10240
BN = 512
NBLK = NPAD // BN
RPT = 640
LASTR = N - (NS - 1) * RPT
BE = 1024


def _softsign(v):
    return v / (1.0 + jnp.abs(v))




def _edge_body(ea_ref, tc_ref, tn_ref,
               we1c, be1c, we2c, be2c,
               we1n, be1n, we2n, be2n,
               mc_ref, mn_ref):
    ea = ea_ref[:]
    eacol = ea[:, None]
    hc = _softsign(eacol * we1c[:] + be1c[:])
    mc = _softsign(jnp.dot(hc, we2c[:], preferred_element_type=jnp.float32)
                   + be2c[:])
    hn = _softsign(eacol * we1n[:] + be1n[:])
    mn = _softsign(jnp.dot(hn, we2n[:], preferred_element_type=jnp.float32)
                   + be2n[:])
    maskc = (ea <= tc_ref[0]).astype(jnp.float32)[:, None]
    maskn = (ea <= tn_ref[0]).astype(jnp.float32)[:, None]
    mc_ref[:] = mc * maskc
    mn_ref[:] = mn * maskn


def _edge_weights(ea_pad, t_cov, t_ncov,
                  We1_c, be1_c, We2_c, be2_c,
                  We1_n, be1_n, We2_n, be2_n):
    full = lambda a: pl.BlockSpec(a.shape, lambda i: (0,) * a.ndim)
    smem = pl.BlockSpec(memory_space=pltpu.SMEM)
    return pl.pallas_call(
        _edge_body,
        grid=(EPAD // BE,),
        in_specs=[
            pl.BlockSpec((BE,), lambda i: (i,)),
            smem, smem,
            full(We1_c), full(be1_c), full(We2_c), full(be2_c),
            full(We1_n), full(be1_n), full(We2_n), full(be2_n),
        ],
        out_specs=[
            pl.BlockSpec((BE, F), lambda i: (i, 0)),
            pl.BlockSpec((BE, F), lambda i: (i, 0)),
        ],
        out_shape=[
            jax.ShapeDtypeStruct((EPAD, F), jnp.float32),
            jax.ShapeDtypeStruct((EPAD, F), jnp.float32),
        ],
    )(ea_pad, t_cov, t_ncov,
      We1_c, be1_c, We2_c, be2_c,
      We1_n, be1_n, We2_n, be2_n)


def _sc_agg_body(x_hbm, idx_hbm, m_hbm, zeros_hbm, parts_hbm,
                 idx_v, xs_v, xd_v, mm_v, acc,
                 gx0, gd0, sf0, sb0):
    c = lax.axis_index("c")
    s = lax.axis_index("s")

    @pl.loop(0, CHUNK)
    def _zrow(e):
        for v in range(F // 16):
            xs_v[e, pl.ds(v * 16, 16)] = jnp.zeros((16,), jnp.float32)

    @pl.when(s < NS - 1)
    def _():
        for k in range(RPT // CHUNK):
            pltpu.sync_copy(xs_v, acc.at[pl.ds(s * RPT + k * CHUNK, CHUNK)])

    @pl.when(s == NS - 1)
    def _():
        base = (NS - 1) * RPT
        for k in range(LASTR // CHUNK):
            pltpu.sync_copy(xs_v, acc.at[pl.ds(base + k * CHUNK, CHUNK)])
        rem = LASTR % CHUNK
        if rem:
            pltpu.sync_copy(xs_v.at[pl.ds(0, rem)],
                            acc.at[pl.ds(base + LASTR - rem, rem)])

    plsc.subcore_barrier()

    cbase = jnp.where(c == 0, s * C0CH, NS * C0CH + s * C1CH)
    ccnt = jnp.where(c == 0, C0CH, C1CH)
    @pl.loop(0, ccnt)
    def _chunk(jj):
        j = cbase + jj
        pltpu.sync_copy(idx_hbm.at[j], idx_v)
        d0 = pltpu.async_copy(x_hbm.at[idx_v.at[0]], xs_v, gx0)
        d1 = pltpu.async_copy(x_hbm.at[idx_v.at[1]], xd_v, gd0)
        pltpu.sync_copy(m_hbm.at[j], mm_v)
        d0.wait()
        d1.wait()

        @pl.loop(0, CHUNK)
        def _row(e):
            for v in range(F // 16):
                sl = pl.ds(v * 16, 16)
                mm = mm_v[e, sl]
                xs_v[e, sl] = xs_v[e, sl] * mm
                xd_v[e, sl] = xd_v[e, sl] * mm

        d2 = pltpu.async_copy(xs_v, acc.at[idx_v.at[1]], sf0, add=True)
        d3 = pltpu.async_copy(xd_v, acc.at[idx_v.at[0]], sb0, add=True)
        d2.wait()
        d3.wait()

    plsc.subcore_barrier()

    @pl.when(s < NS - 1)
    def _():
        pltpu.sync_copy(acc.at[pl.ds(s * RPT, RPT)],
                        parts_hbm.at[c].at[pl.ds(s * RPT, RPT)])

    @pl.when(s == NS - 1)
    def _():
        pltpu.sync_copy(acc.at[pl.ds((NS - 1) * RPT, LASTR)],
                        parts_hbm.at[c].at[pl.ds((NS - 1) * RPT, LASTR)])
        pltpu.sync_copy(zeros_hbm.at[pl.ds(0, NPAD - N)],
                        parts_hbm.at[c].at[pl.ds(N, NPAD - N)])


@functools.cache
def _build_sc_kernel():
    return pl.kernel(
        _sc_agg_body,
        out_type=jax.ShapeDtypeStruct((NC, NPAD, F), jnp.float32),
        mesh=plsc.VectorSubcoreMesh(core_axis_name="c", subcore_axis_name="s",
                                    num_cores=NC, num_subcores=NS),
        scratch_types=(
            [
                pltpu.VMEM((2, CHUNK), jnp.int32),
                pltpu.VMEM((CHUNK, F), jnp.float32),
                pltpu.VMEM((CHUNK, F), jnp.float32),
                pltpu.VMEM((CHUNK, F), jnp.float32),
                pltpu.VMEM_SHARED((N, F), jnp.float32),
            ]
            + [pltpu.SemaphoreType.DMA] * 4
        ),
    )


def _sc_aggregate(x_pad, idx, m, zeros_hbm):
    return _build_sc_kernel()(x_pad, idx, m, zeros_hbm)


def _node_body(x_ref, a0_ref, a1_ref, t_ref,
               we1, be1, we2, be2,
               wroot, broot, wi1a, wi1b, bi1, wi2, bi2, wj, bj,
               out_ref):
    x = x_ref[:]
    hl = _softsign(we1[:] + be1[:])
    ml = _softsign(jnp.dot(hl, we2[:], preferred_element_type=jnp.float32)
                   + be2[:])
    ml = ml * jnp.where(t_ref[0] >= 1.0, 1.0, 0.0)
    h1 = (a0_ref[0] + a1_ref[0] + 2.0 * x * ml
          + jnp.dot(x, wroot[:], preferred_element_type=jnp.float32)
          + broot[:])
    a = _softsign(jnp.dot(h1, wi1a[:], preferred_element_type=jnp.float32)
                  + jnp.dot(x, wi1b[:], preferred_element_type=jnp.float32)
                  + bi1[:])
    a = _softsign(jnp.dot(a, wi2[:], preferred_element_type=jnp.float32)
                  + bi2[:])
    sm = jax.nn.softmax(a, axis=1)
    out_ref[:] = sm * _softsign(
        jnp.dot(x, wj[:], preferred_element_type=jnp.float32) + bj[:])


def _node_update(x_pad, parts, t,
                 We1, be1, We2, be2,
                 Wroot, broot, Wi1, bi1, Wi2, bi2, Wj, bj, width):
    full = lambda a: pl.BlockSpec(a.shape, lambda i: (0,) * a.ndim)
    smem = pl.BlockSpec(memory_space=pltpu.SMEM)
    blk = lambda w: pl.BlockSpec((BN, w), lambda i: (i, 0))
    wi1a = Wi1[:F]
    wi1b = Wi1[F:]
    return pl.pallas_call(
        _node_body,
        grid=(NBLK,),
        in_specs=[
            blk(F),
            pl.BlockSpec((1, BN, F), lambda i: (0, i, 0)),
            pl.BlockSpec((1, BN, F), lambda i: (1, i, 0)),
            smem,
            full(We1), full(be1), full(We2), full(be2),
            full(Wroot), full(broot), full(wi1a), full(wi1b), full(bi1),
            full(Wi2), full(bi2), full(Wj), full(bj),
        ],
        out_specs=blk(width),
        out_shape=jax.ShapeDtypeStruct((NPAD, width), jnp.float32),
    )(x_pad, parts, parts, t,
      We1, be1, We2, be2,
      Wroot, broot, wi1a, wi1b, bi1, Wi2, bi2, Wj, bj)


def _pool_body(x_ref, h_ref, b_ref,
               wf0, bf0, wf1, bf1, wf2, bf2,
               out_ref, pool):
    i = pl.program_id(0)

    @pl.when(i == 0)
    def _():
        pool[:] = jnp.zeros_like(pool)

    lig = jnp.where(x_ref[:, 14:15] == -1.0, 0.0, h_ref[:])
    seg = b_ref[:][:, None]
    oh = (seg == lax.broadcasted_iota(jnp.int32, (BN, NB), 1)
          ).astype(jnp.float32)
    pool[:] += lax.dot_general(oh, lig, (((0,), (0,)), ((), ())),
                               preferred_element_type=jnp.float32)

    @pl.when(i == NBLK - 1)
    def _():
        h = jax.nn.relu(jnp.dot(pool[:], wf0[:],
                                preferred_element_type=jnp.float32) + bf0[:])
        h = jax.nn.relu(jnp.dot(h, wf1[:],
                                preferred_element_type=jnp.float32) + bf1[:])
        out_ref[:] = jnp.dot(h, wf2[:],
                             preferred_element_type=jnp.float32) + bf2[:]


def _pool_mlp(x_pad, ncov, batch_pad, Wf0, bf0, Wf1, bf1, Wf2, bf2):
    full = lambda a: pl.BlockSpec(a.shape, lambda i: (0,) * a.ndim)
    return pl.pallas_call(
        _pool_body,
        grid=(NBLK,),
        in_specs=[
            pl.BlockSpec((BN, F), lambda i: (i, 0)),
            pl.BlockSpec((BN, GN), lambda i: (i, 0)),
            pl.BlockSpec((BN,), lambda i: (i,)),
            full(Wf0), full(bf0), full(Wf1), full(bf1), full(Wf2), full(bf2),
        ],
        out_specs=pl.BlockSpec((NB, 1), lambda i: (0, 0)),
        out_shape=jax.ShapeDtypeStruct((NB, 1), jnp.float32),
        scratch_shapes=[pltpu.VMEM((NB, NB), jnp.float32)],
    )(x_pad, ncov, batch_pad, Wf0, bf0, Wf1, bf1, Wf2, bf2)


def kernel(x, edge_index, edge_attr, batch, t_cov, t_ncov,
           We1_c, be1_c, We2_c, be2_c, Wroot_c, broot_c,
           Wi1_c, bi1_c, Wi2_c, bi2_c, Wj_c, bj_c,
           We1_n, be1_n, We2_n, be2_n, Wroot_n, broot_n,
           Wi1_n, bi1_n, Wi2_n, bi2_n, Wj_n, bj_n,
           Wf0, bf0, Wf1, bf1, Wf2, bf2):
    epad = EPAD - E
    ea_pad = jnp.concatenate([edge_attr,
                              jnp.full((epad,), 2.0, jnp.float32)])
    src_pad = jnp.concatenate([edge_index[0],
                               jnp.zeros((epad,), jnp.int32)])
    dst_pad = jnp.concatenate([edge_index[1],
                               jnp.zeros((epad,), jnp.int32)])
    x_pad = jnp.concatenate([x, jnp.zeros((NPAD - N, F), jnp.float32)])
    batch_pad = jnp.concatenate([batch,
                                 jnp.full((NPAD - N,), NB, jnp.int32)])
    zeros_hbm = jnp.zeros((RPT, F), jnp.float32)

    m_c, m_n = _edge_weights(ea_pad, t_cov, t_ncov,
                             We1_c, be1_c, We2_c, be2_c,
                             We1_n, be1_n, We2_n, be2_n)
    idx = jnp.stack([src_pad.reshape(TOTCHUNK, CHUNK),
                     dst_pad.reshape(TOTCHUNK, CHUNK)], axis=1)
    m_c = m_c.reshape(TOTCHUNK, CHUNK, F)
    m_n = m_n.reshape(TOTCHUNK, CHUNK, F)

    parts_c = _sc_aggregate(x_pad, idx, m_c, zeros_hbm)
    cov = _node_update(x_pad, parts_c, t_cov,
                       We1_c, be1_c, We2_c, be2_c,
                       Wroot_c, broot_c, Wi1_c, bi1_c,
                       Wi2_c, bi2_c, Wj_c, bj_c, F)

    parts_n = _sc_aggregate(cov, idx, m_n, zeros_hbm)
    ncov = _node_update(cov, parts_n, t_ncov,
                        We1_n, be1_n, We2_n, be2_n,
                        Wroot_n, broot_n, Wi1_n, bi1_n,
                        Wi2_n, bi2_n, Wj_n, bj_n, GN)

    return _pool_mlp(x_pad, ncov, batch_pad, Wf0, bf0, Wf1, bf1, Wf2, bf2)

# --- scband reference (transcript-rebuilt; emitter-appended) ---
"""Pipeline reference for scband-potential-net-parallel-16174846837228 (READ-ONLY COPY).

The authoritative reference and input builder live on the scoring server;
editing this copy changes nothing except your own understanding.
"""

import jax, jax.numpy as jnp
import numpy as np

N = 10000
E = 320000
F = 128
GC = 128
GN = 64
NB = 64


def softsign(v):
    return v / (1.0 + jnp.abs(v))


def setup_inputs(seed: int = 0):
    key = jax.random.key(seed)
    ks = jax.random.split(key, 48)
    s = lambda i, sh: jax.random.normal(ks[i], sh, dtype=jnp.float32) * 0.05
    inp = {}
    inp["x"] = jax.random.normal(ks[0], (N, F), dtype=jnp.float32)
    inp["edge_index"] = jax.random.randint(ks[1], (2, E), 0, N, dtype=jnp.int32)
    inp["edge_attr"] = jax.random.uniform(ks[2], (E,), dtype=jnp.float32)
    inp["batch"] = jnp.sort(jax.random.randint(ks[3], (N,), 0, NB, dtype=jnp.int32))
    # learned graph thresholds (GraphThreshold parameters)
    inp["t_cov"] = jnp.array([0.3], dtype=jnp.float32)
    inp["t_ncov"] = jnp.array([0.7], dtype=jnp.float32)
    # covalent propagation params (feat=F, gather=GC)
    inp["We1_c"] = s(4, (1, F // 2)); inp["be1_c"] = jnp.zeros((F // 2,), jnp.float32)
    inp["We2_c"] = s(5, (F // 2, F)); inp["be2_c"] = jnp.zeros((F,), jnp.float32)
    inp["Wroot_c"] = s(6, (F, F)); inp["broot_c"] = jnp.zeros((F,), jnp.float32)
    inp["Wi1_c"] = s(7, (2 * F, F)); inp["bi1_c"] = jnp.zeros((F,), jnp.float32)
    inp["Wi2_c"] = s(8, (F, GC)); inp["bi2_c"] = jnp.zeros((GC,), jnp.float32)
    inp["Wj_c"] = s(9, (F, GC)); inp["bj_c"] = jnp.zeros((GC,), jnp.float32)
    # non-covalent propagation params (feat=GC, gather=GN)
    inp["We1_n"] = s(10, (1, GC // 2)); inp["be1_n"] = jnp.zeros((GC // 2,), jnp.float32)
    inp["We2_n"] = s(11, (GC // 2, GC)); inp["be2_n"] = jnp.zeros((GC,), jnp.float32)
    inp["Wroot_n"] = s(12, (GC, GC)); inp["broot_n"] = jnp.zeros((GC,), jnp.float32)
    inp["Wi1_n"] = s(13, (2 * GC, GC)); inp["bi1_n"] = jnp.zeros((GC,), jnp.float32)
    inp["Wi2_n"] = s(14, (GC, GN)); inp["bi2_n"] = jnp.zeros((GN,), jnp.float32)
    inp["Wj_n"] = s(15, (GC, GN)); inp["bj_n"] = jnp.zeros((GN,), jnp.float32)
    # output fully-connected params (GN -> int(GN/1.5) -> int(GN/2) -> out)
    h0 = int(GN / 1.5); h1 = int(GN / 2)
    inp["Wf0"] = s(16, (GN, h0)); inp["bf0"] = jnp.zeros((h0,), jnp.float32)
    inp["Wf1"] = s(17, (h0, h1)); inp["bf1"] = jnp.zeros((h1,), jnp.float32)
    inp["Wf2"] = s(18, (h1, 1)); inp["bf2"] = jnp.zeros((1,), jnp.float32)
    return inp


def _propagate(x_in, src, dst, ea, mask, We1, be1, We2, be2, Wroot, broot, Wi1, bi1, Wi2, bi2, Wj, bj):
    # NNConv-style propagation: edge network maps scalar edge_attr to a
    # per-edge modulation vector; masked (thresholded) edges contribute zero.
    ew = softsign(softsign(ea[:, None] @ We1 + be1) @ We2 + be2)
    m = ew * mask[:, None]
    agg = jnp.zeros((x_in.shape[0], m.shape[1]), x_in.dtype)
    # undirected: messages in both directions (stack([cat(row,col),cat(col,row)]))
    agg = agg.at[dst].add(x_in[src] * m)
    agg = agg.at[src].add(x_in[dst] * m)
    h1 = agg + x_in @ Wroot + broot
    # PotentialNetAttention gate: softmax(net_i(cat[h1,h0])) * net_j(h0)
    a = softsign(jnp.concatenate([h1, x_in], axis=1) @ Wi1 + bi1)
    a = softsign(a @ Wi2 + bi2)
    return jax.nn.softmax(a, axis=1) * softsign(x_in @ Wj + bj)


def reference(x, edge_index, edge_attr, batch, t_cov, t_ncov,
              We1_c, be1_c, We2_c, be2_c, Wroot_c, broot_c, Wi1_c, bi1_c, Wi2_c, bi2_c, Wj_c, bj_c,
              We1_n, be1_n, We2_n, be2_n, Wroot_n, broot_n, Wi1_n, bi1_n, Wi2_n, bi2_n, Wj_n, bj_n,
              Wf0, bf0, Wf1, bf1, Wf2, bf2):
    n = x.shape[0]
    loop = jnp.arange(n, dtype=edge_index.dtype)
    # add_self_loops with edge weight 1.0
    src = jnp.concatenate([edge_index[0], loop])
    dst = jnp.concatenate([edge_index[1], loop])
    ea = jnp.concatenate([edge_attr, jnp.ones((n,), edge_attr.dtype)])
    # GraphThreshold: keep edges with edge_attr <= t (as multiplicative mask,
    # equivalent for 'add' aggregation)
    mask_c = (ea <= t_cov[0]).astype(x.dtype)
    mask_n = (ea <= t_ncov[0]).astype(x.dtype)
    cov_x = _propagate(x, src, dst, ea, mask_c, We1_c, be1_c, We2_c, be2_c, Wroot_c, broot_c, Wi1_c, bi1_c, Wi2_c, bi2_c, Wj_c, bj_c)
    ncov_x = _propagate(cov_x, src, dst, ea, mask_n, We1_n, be1_n, We2_n, be2_n, Wroot_n, broot_n, Wi1_n, bi1_n, Wi2_n, bi2_n, Wj_n, bj_n)
    # zero out non-ligand nodes (x[:, 14] == -1)
    lig = jnp.where(x[:, 14:15] == -1.0, 0.0, ncov_x)
    pool = jax.ops.segment_sum(lig, batch, num_segments=NB)
    h = jax.nn.relu(pool @ Wf0 + bf0)
    h = jax.nn.relu(h @ Wf1 + bf1)
    return h @ Wf2 + bf2

if __name__ == "__main__":
    import jax
    _d = setup_inputs()
    print(jax.jit(kernel)(*tuple(_d.values())))

</pallas_src>

<mosaic_0001>
#map = affine_map<(d0, d1) -> (0, 0)>
#map1 = affine_map<(d0, d1) -> (0, 0, 0)>
module attributes {stable_mosaic.version = 14 : i64} {
  func.func @_sc_agg_body(%arg0: i32, %arg1: i32, %arg2: memref<10240x128xf32, #tpu.memory_space<hbm>>, %arg3: memref<2560x2x128xi32, #tpu.memory_space<hbm>>, %arg4: memref<2560x128x128xf32, #tpu.memory_space<hbm>>, %arg5: memref<640x128xf32, #tpu.memory_space<hbm>>, %arg6: memref<2x10240x128xf32, #tpu.memory_space<hbm>>, %arg7: memref<2x128xi32, #tpu.memory_space<vmem>>, %arg8: memref<128x128xf32, #tpu.memory_space<vmem>>, %arg9: memref<128x128xf32, #tpu.memory_space<vmem>>, %arg10: memref<128x128xf32, #tpu.memory_space<vmem>>, %arg11: memref<10000x128xf32, #tpu.memory_space<vmem_shared>>, %arg12: memref<!tpu.dma_semaphore, #tpu.memory_space<semaphore_mem>>, %arg13: memref<!tpu.dma_semaphore, #tpu.memory_space<semaphore_mem>>, %arg14: memref<!tpu.dma_semaphore, #tpu.memory_space<semaphore_mem>>, %arg15: memref<!tpu.dma_semaphore, #tpu.memory_space<semaphore_mem>>) attributes {dimension_semantics = [#tpu.dimension_semantics<core_parallel>, #tpu.dimension_semantics<subcore_parallel>], iteration_bounds = array<i64: 2, 16>, scalar_prefetch = 0 : i64, scratch_operands = 9 : i64, tpu.core_type = #tpu.core_type<sc_vector_subcore>, window_params = [{transform_indices = #map}, {transform_indices = #map1}, {transform_indices = #map1}, {transform_indices = #map}, {transform_indices = #map1}]} {
    %scan3A = arith.constant 0 : i32
    %scan3A_0 = arith.constant 128 : i32
    %scan3A_1 = arith.addi %scan3A, %scan3A_0 : i32
    %scan3A_2 = arith.constant 1 : i32
    scf.for %scan3A_47 = %scan3A to %scan3A_1 step %scan3A_2  : i32 {
      %mul3A_48 = arith.constant 1 : i32
      %mul3A_49 = arith.muli %scan3A_47, %mul3A_48 : i32
      %add3A_50 = arith.constant 0 : i32
      %add3A_51 = arith.addi %add3A_50, %mul3A_49 : i32
      %broadcast_in_dim3A = arith.constant 0.000000e+00 : f32
      %broadcast_in_dim3A_52 = vector.broadcast %broadcast_in_dim3A : f32 to vector<16xf32>
      %swap3A = arith.index_cast %add3A_51 : i32 to index
      %swap3A_53 = arith.constant 0 : index
      %swap3A_54 = tpu.vector_load %arg8[%swap3A, %swap3A_53] {strides = array<i32>} : memref<128x128xf32, #tpu.memory_space<vmem>>, vector<1x16xf32>,
      %swap3A_55 = vector.shape_cast %swap3A_54 : vector<1x16xf32> to vector<16xf32>
      %swap3A_56 = vector.shape_cast %broadcast_in_dim3A_52 : vector<16xf32> to vector<1x16xf32>
      tpu.vector_store %arg8[%swap3A, %swap3A_53], %swap3A_56 {strides = array<i32>} : memref<128x128xf32, #tpu.memory_space<vmem>>, vector<1x16xf32>,
      %broadcast_in_dim3A_57 = arith.constant 0.000000e+00 : f32
      %broadcast_in_dim3A_58 = vector.broadcast %broadcast_in_dim3A_57 : f32 to vector<16xf32>
      %swap3A_59 = arith.index_cast %add3A_51 : i32 to index
      %swap3A_60 = arith.constant 16 : index
      %swap3A_61 = tpu.vector_load %arg8[%swap3A_59, %swap3A_60] {strides = array<i32>} : memref<128x128xf32, #tpu.memory_space<vmem>>, vector<1x16xf32>,
      %swap3A_62 = vector.shape_cast %swap3A_61 : vector<1x16xf32> to vector<16xf32>
      %swap3A_63 = vector.shape_cast %broadcast_in_dim3A_58 : vector<16xf32> to vector<1x16xf32>
      tpu.vector_store %arg8[%swap3A_59, %swap3A_60], %swap3A_63 {strides = array<i32>} : memref<128x128xf32, #tpu.memory_space<vmem>>, vector<1x16xf32>,
      %broadcast_in_dim3A_64 = arith.constant 0.000000e+00 : f32
      %broadcast_in_dim3A_65 = vector.broadcast %broadcast_in_dim3A_64 : f32 to vector<16xf32>
      %swap3A_66 = arith.index_cast %add3A_51 : i32 to index
      %swap3A_67 = arith.constant 32 : index
      %swap3A_68 = tpu.vector_load %arg8[%swap3A_66, %swap3A_67] {strides = array<i32>} : memref<128x128xf32, #tpu.memory_space<vmem>>, vector<1x16xf32>,
      %swap3A_69 = vector.shape_cast %swap3A_68 : vector<1x16xf32> to vector<16xf32>
      %swap3A_70 = vector.shape_cast %broadcast_in_dim3A_65 : vector<16xf32> to vector<1x16xf32>
      tpu.vector_store %arg8[%swap3A_66, %swap3A_67], %swap3A_70 {strides = array<i32>} : memref<128x128xf32, #tpu.memory_space<vmem>>, vector<1x16xf32>,
      %broadcast_in_dim3A_71 = arith.constant 0.000000e+00 : f32
      %broadcast_in_dim3A_72 = vector.broadcast %broadcast_in_dim3A_71 : f32 to vector<16xf32>
      %swap3A_73 = arith.index_cast %add3A_51 : i32 to index
      %swap3A_74 = arith.constant 48 : index
      %swap3A_75 = tpu.vector_load %arg8[%swap3A_73, %swap3A_74] {strides = array<i32>} : memref<128x128xf32, #tpu.memory_space<vmem>>, vector<1x16xf32>,
      %swap3A_76 = vector.shape_cast %swap3A_75 : vector<1x16xf32> to vector<16xf32>
      %swap3A_77 = vector.shape_cast %broadcast_in_dim3A_72 : vector<16xf32> to vector<1x16xf32>
      tpu.vector_store %arg8[%swap3A_73, %swap3A_74], %swap3A_77 {strides = array<i32>} : memref<128x128xf32, #tpu.memory_space<vmem>>, vector<1x16xf32>,
      %broadcast_in_dim3A_78 = arith.constant 0.000000e+00 : f32
      %broadcast_in_dim3A_79 = vector.broadcast %broadcast_in_dim3A_78 : f32 to vector<16xf32>
      %swap3A_80 = arith.index_cast %add3A_51 : i32 to index
      %swap3A_81 = arith.constant 64 : index
      %swap3A_82 = tpu.vector_load %arg8[%swap3A_80, %swap3A_81] {strides = array<i32>} : memref<128x128xf32, #tpu.memory_space<vmem>>, vector<1x16xf32>,
      %swap3A_83 = vector.shape_cast %swap3A_82 : vector<1x16xf32> to vector<16xf32>
      %swap3A_84 = vector.shape_cast %broadcast_in_dim3A_79 : vector<16xf32> to vector<1x16xf32>
      tpu.vector_store %arg8[%swap3A_80, %swap3A_81], %swap3A_84 {strides = array<i32>} : memref<128x128xf32, #tpu.memory_space<vmem>>, vector<1x16xf32>,
      %broadcast_in_dim3A_85 = arith.constant 0.000000e+00 : f32
      %broadcast_in_dim3A_86 = vector.broadcast %broadcast_in_dim3A_85 : f32 to vector<16xf32>
      %swap3A_87 = arith.index_cast %add3A_51 : i32 to index
      %swap3A_88 = arith.constant 80 : index
      %swap3A_89 = tpu.vector_load %arg8[%swap3A_87, %swap3A_88] {strides = array<i32>} : memref<128x128xf32, #tpu.memory_space<vmem>>, vector<1x16xf32>,
      %swap3A_90 = vector.shape_cast %swap3A_89 : vector<1x16xf32> to vector<16xf32>
      %swap3A_91 = vector.shape_cast %broadcast_in_dim3A_86 : vector<16xf32> to vector<1x16xf32>
      tpu.vector_store %arg8[%swap3A_87, %swap3A_88], %swap3A_91 {strides = array<i32>} : memref<128x128xf32, #tpu.memory_space<vmem>>, vector<1x16xf32>,
      %broadcast_in_dim3A_92 = arith.constant 0.000000e+00 : f32
      %broadcast_in_dim3A_93 = vector.broadcast %broadcast_in_dim3A_92 : f32 to vector<16xf32>
      %swap3A_94 = arith.index_cast %add3A_51 : i32 to index
      %swap3A_95 = arith.constant 96 : index
      %swap3A_96 = tpu.vector_load %arg8[%swap3A_94, %swap3A_95] {strides = array<i32>} : memref<128x128xf32, #tpu.memory_space<vmem>>, vector<1x16xf32>,
      %swap3A_97 = vector.shape_cast %swap3A_96 : vector<1x16xf32> to vector<16xf32>
      %swap3A_98 = vector.shape_cast %broadcast_in_dim3A_93 : vector<16xf32> to vector<1x16xf32>
      tpu.vector_store %arg8[%swap3A_94, %swap3A_95], %swap3A_98 {strides = array<i32>} : memref<128x128xf32, #tpu.memory_space<vmem>>, vector<1x16xf32>,
      %broadcast_in_dim3A_99 = arith.constant 0.000000e+00 : f32
      %broadcast_in_dim3A_100 = vector.broadcast %broadcast_in_dim3A_99 : f32 to vector<16xf32>
      %swap3A_101 = arith.index_cast %add3A_51 : i32 to index
      %swap3A_102 = arith.constant 112 : index
      %swap3A_103 = tpu.vector_load %arg8[%swap3A_101, %swap3A_102] {strides = array<i32>} : memref<128x128xf32, #tpu.memory_space<vmem>>, vector<1x16xf32>,
      %swap3A_104 = vector.shape_cast %swap3A_103 : vector<1x16xf32> to vector<16xf32>
      %swap3A_105 = vector.shape_cast %broadcast_in_dim3A_100 : vector<16xf32> to vector<1x16xf32>
      tpu.vector_store %arg8[%swap3A_101, %swap3A_102], %swap3A_105 {strides = array<i32>} : memref<128x128xf32, #tpu.memory_space<vmem>>, vector<1x16xf32>,
    }
    %scan3A_3 = arith.constant 128 : i32
    %lt3A = arith.constant 15 : i32
    %lt3A_4 = arith.cmpi slt, %arg1, %lt3A : i32
    %convert_element_type3A = arith.extui %lt3A_4 : i1 to i32
    %cond3A = arith.constant 0 : i32
    %cond3A_5 = arith.cmpi ne, %convert_element_type3A, %cond3A : i32
    scf.if %cond3A_5 {
      %mul3A_47 = arith.constant 640 : i32
      %mul3A_48 = arith.muli %arg1, %mul3A_47 : i32
      %add3A_49 = arith.constant 0 : i32
      %add3A_50 = arith.addi %mul3A_48, %add3A_49 : i32
      "tpu.region"() ({
        %run_scoped3A = tpu.sem_alloc : memref<!tpu.dma_semaphore, #tpu.memory_space<semaphore_mem>>
        %dma_start3A = arith.constant 0 : i32
        %dma_start3A_67 = tpu.memref_slice %arg11[%add3A_50, %dma_start3A] : memref<10000x128xf32, #tpu.memory_space<vmem_shared>> -> memref<128x128xf32, #tpu.memory_space<vmem_shared>>
        %dma_start3A_68 = arith.constant 0 : i32
        %dma_start3A_69 = tpu.memref_slice %arg11[%add3A_50, %dma_start3A_68] : memref<10000x128xf32, #tpu.memory_space<vmem_shared>> -> memref<128x128xf32, #tpu.memory_space<vmem_shared>>
        tpu.enqueue_dma source(%arg8 : memref<128x128xf32, #tpu.memory_space<vmem>>) target(%dma_start3A_69 : memref<128x128xf32, #tpu.memory_space<vmem_shared>>) target_semaphore(%run_scoped3A : memref<!tpu.dma_semaphore, #tpu.memory_space<semaphore_mem>>)
        %dma_wait3A = arith.constant 0 : i32
        %dma_wait3A_70 = tpu.memref_slice %arg11[%add3A_50, %dma_wait3A] : memref<10000x128xf32, #tpu.memory_space<vmem_shared>> -> memref<128x128xf32, #tpu.memory_space<vmem_shared>>
        %dma_wait3A_71 = arith.constant 0 : i32
        %dma_wait3A_72 = tpu.memref_slice %arg11[%add3A_50, %dma_wait3A_71] : memref<10000x128xf32, #tpu.memory_space<vmem_shared>> -> memref<128x128xf32, #tpu.memory_space<vmem_shared>>
        tpu.wait_dma2 semaphore(%run_scoped3A : memref<!tpu.dma_semaphore, #tpu.memory_space<semaphore_mem>>) src(%arg8 : memref<128x128xf32, #tpu.memory_space<vmem>>) dst(%dma_wait3A_72 : memref<128x128xf32, #tpu.memory_space<vmem_shared>>)
        tpu.yield
      }) : () -> ()
      %mul3A_51 = arith.constant 640 : i32
      %mul3A_52 = arith.muli %arg1, %mul3A_51 : i32
      %add3A_53 = arith.constant 128 : i32
      %add3A_54 = arith.addi %mul3A_52, %add3A_53 : i32
      "tpu.region"() ({
        %run_scoped3A = tpu.sem_alloc : memref<!tpu.dma_semaphore, #tpu.memory_space<semaphore_mem>>
        %dma_start3A = arith.constant 0 : i32
        %dma_start3A_67 = tpu.memref_slice %arg11[%add3A_54, %dma_start3A] : memref<10000x128xf32, #tpu.memory_space<vmem_shared>> -> memref<128x128xf32, #tpu.memory_space<vmem_shared>>
        %dma_start3A_68 = arith.constant 0 : i32
        %dma_start3A_69 = tpu.memref_slice %arg11[%add3A_54, %dma_start3A_68] : memref<10000x128xf32, #tpu.memory_space<vmem_shared>> -> memref<128x128xf32, #tpu.memory_space<vmem_shared>>
        tpu.enqueue_dma source(%arg8 : memref<128x128xf32, #tpu.memory_space<vmem>>) target(%dma_start3A_69 : memref<128x128xf32, #tpu.memory_space<vmem_shared>>) target_semaphore(%run_scoped3A : memref<!tpu.dma_semaphore, #tpu.memory_space<semaphore_mem>>)
        %dma_wait3A = arith.constant 0 : i32
        %dma_wait3A_70 = tpu.memref_slice %arg11[%add3A_54, %dma_wait3A] : memref<10000x128xf32, #tpu.memory_space<vmem_shared>> -> memref<128x128xf32, #tpu.memory_space<vmem_shared>>
        %dma_wait3A_71 = arith.constant 0 : i32
        %dma_wait3A_72 = tpu.memref_slice %arg11[%add3A_54, %dma_wait3A_71] : memref<10000x128xf32, #tpu.memory_space<vmem_shared>> -> memref<128x128xf32, #tpu.memory_space<vmem_shared>>
        tpu.wait_dma2 semaphore(%run_scoped3A : memref<!tpu.dma_semaphore, #tpu.memory_space<semaphore_mem>>) src(%arg8 : memref<128x128xf32, #tpu.memory_space<vmem>>) dst(%dma_wait3A_72 : memref<128x128xf32, #tpu.memory_space<vmem_shared>>)
        tpu.yield
      }) : () -> ()
      %mul3A_55 = arith.constant 640 : i32
      %mul3A_56 = arith.muli %arg1, %mul3A_55 : i32
      %add3A_57 = arith.constant 256 : i32
      %add3A_58 = arith.addi %mul3A_56, %add3A_57 : i32
      "tpu.region"() ({
        %run_scoped3A = tpu.sem_alloc : memref<!tpu.dma_semaphore, #tpu.memory_space<semaphore_mem>>
        %dma_start3A = arith.constant 0 : i32
        %dma_start3A_67 = tpu.memref_slice %arg11[%add3A_58, %dma_start3A] : memref<10000x128xf32, #tpu.memory_space<vmem_shared>> -> memref<128x128xf32, #tpu.memory_space<vmem_shared>>
        %dma_start3A_68 = arith.constant 0 : i32
        %dma_start3A_69 = tpu.memref_slice %arg11[%add3A_58, %dma_start3A_68] : memref<10000x128xf32, #tpu.memory_space<vmem_shared>> -> memref<128x128xf32, #tpu.memory_space<vmem_shared>>
        tpu.enqueue_dma source(%arg8 : memref<128x128xf32, #tpu.memory_space<vmem>>) target(%dma_start3A_69 : memref<128x128xf32, #tpu.memory_space<vmem_shared>>) target_semaphore(%run_scoped3A : memref<!tpu.dma_semaphore, #tpu.memory_space<semaphore_mem>>)
        %dma_wait3A = arith.constant 0 : i32
        %dma_wait3A_70 = tpu.memref_slice %arg11[%add3A_58, %dma_wait3A] : memref<10000x128xf32, #tpu.memory_space<vmem_shared>> -> memref<128x128xf32, #tpu.memory_space<vmem_shared>>
        %dma_wait3A_71 = arith.constant 0 : i32
        %dma_wait3A_72 = tpu.memref_slice %arg11[%add3A_58, %dma_wait3A_71] : memref<10000x128xf32, #tpu.memory_space<vmem_shared>> -> memref<128x128xf32, #tpu.memory_space<vmem_shared>>
        tpu.wait_dma2 semaphore(%run_scoped3A : memref<!tpu.dma_semaphore, #tpu.memory_space<semaphore_mem>>) src(%arg8 : memref<128x128xf32, #tpu.memory_space<vmem>>) dst(%dma_wait3A_72 : memref<128x128xf32, #tpu.memory_space<vmem_shared>>)
        tpu.yield
      }) : () -> ()
      %mul3A_59 = arith.constant 640 : i32
      %mul3A_60 = arith.muli %arg1, %mul3A_59 : i32
      %add3A_61 = arith.constant 384 : i32
      %add3A_62 = arith.addi %mul3A_60, %add3A_61 : i32
      "tpu.region"() ({
        %run_scoped3A = tpu.sem_alloc : memref<!tpu.dma_semaphore, #tpu.memory_space<semaphore_mem>>
        %dma_start3A = arith.constant 0 : i32
        %dma_start3A_67 = tpu.memref_slice %arg11[%add3A_62, %dma_start3A] : memref<10000x128xf32, #tpu.memory_space<vmem_shared>> -> memref<128x128xf32, #tpu.memory_space<vmem_shared>>
        %dma_start3A_68 = arith.constant 0 : i32
        %dma_start3A_69 = tpu.memref_slice %arg11[%add3A_62, %dma_start3A_68] : memref<10000x128xf32, #tpu.memory_space<vmem_shared>> -> memref<128x128xf32, #tpu.memory_space<vmem_shared>>
        tpu.enqueue_dma source(%arg8 : memref<128x128xf32, #tpu.memory_space<vmem>>) target(%dma_start3A_69 : memref<128x128xf32, #tpu.memory_space<vmem_shared>>) target_semaphore(%run_scoped3A : memref<!tpu.dma_semaphore, #tpu.memory_space<semaphore_mem>>)
        %dma_wait3A = arith.constant 0 : i32
        %dma_wait3A_70 = tpu.memref_slice %arg11[%add3A_62, %dma_wait3A] : memref<10000x128xf32, #tpu.memory_space<vmem_shared>> -> memref<128x128xf32, #tpu.memory_space<vmem_shared>>
        %dma_wait3A_71 = arith.constant 0 : i32
        %dma_wait3A_72 = tpu.memref_slice %arg11[%add3A_62, %dma_wait3A_71] : memref<10000x128xf32, #tpu.memory_space<vmem_shared>> -> memref<128x128xf32, #tpu.memory_space<vmem_shared>>
        tpu.wait_dma2 semaphore(%run_scoped3A : memref<!tpu.dma_semaphore, #tpu.memory_space<semaphore_mem>>) src(%arg8 : memref<128x128xf32, #tpu.memory_space<vmem>>) dst(%dma_wait3A_72 : memref<128x128xf32, #tpu.memory_space<vmem_shared>>)
        tpu.yield
      }) : () -> ()
      %mul3A_63 = arith.constant 640 : i32
      %mul3A_64 = arith.muli %arg1, %mul3A_63 : i32
      %add3A_65 = arith.constant 512 : i32
      %add3A_66 = arith.addi %mul3A_64, %add3A_65 : i32
      "tpu.region"() ({
        %run_scoped3A = tpu.sem_alloc : memref<!tpu.dma_semaphore, #tpu.memory_space<semaphore_mem>>
        %dma_start3A = arith.constant 0 : i32
        %dma_start3A_67 = tpu.memref_slice %arg11[%add3A_66, %dma_start3A] : memref<10000x128xf32, #tpu.memory_space<vmem_shared>> -> memref<128x128xf32, #tpu.memory_space<vmem_shared>>
        %dma_start3A_68 = arith.constant 0 : i32
        %dma_start3A_69 = tpu.memref_slice %arg11[%add3A_66, %dma_start3A_68] : memref<10000x128xf32, #tpu.memory_space<vmem_shared>> -> memref<128x128xf32, #tpu.memory_space<vmem_shared>>
        tpu.enqueue_dma source(%arg8 : memref<128x128xf32, #tpu.memory_space<vmem>>) target(%dma_start3A_69 : memref<128x128xf32, #tpu.memory_space<vmem_shared>>) target_semaphore(%run_scoped3A : memref<!tpu.dma_semaphore, #tpu.memory_space<semaphore_mem>>)
        %dma_wait3A = arith.constant 0 : i32
        %dma_wait3A_70 = tpu.memref_slice %arg11[%add3A_66, %dma_wait3A] : memref<10000x128xf32, #tpu.memory_space<vmem_shared>> -> memref<128x128xf32, #tpu.memory_space<vmem_shared>>
        %dma_wait3A_71 = arith.constant 0 : i32
        %dma_wait3A_72 = tpu.memref_slice %arg11[%add3A_66, %dma_wait3A_71] : memref<10000x128xf32, #tpu.memory_space<vmem_shared>> -> memref<128x128xf32, #tpu.memory_space<vmem_shared>>
        tpu.wait_dma2 semaphore(%run_scoped3A : memref<!tpu.dma_semaphore, #tpu.memory_space<semaphore_mem>>) src(%arg8 : memref<128x128xf32, #tpu.memory_space<vmem>>) dst(%dma_wait3A_72 : memref<128x128xf32, #tpu.memory_space<vmem_shared>>)
        tpu.yield
      }) : () -> ()
    } else {
    }
    %eq3A = arith.constant 15 : i32
    %eq3A_6 = arith.cmpi eq, %arg1, %eq3A : i32
    %convert_element_type3A_7 = arith.extui %eq3A_6 : i1 to i32
    %cond3A_8 = arith.constant 0 : i32
    %cond3A_9 = arith.cmpi ne, %convert_element_type3A_7, %cond3A_8 : i32
    scf.if %cond3A_9 {
      "tpu.region"() ({
        %run_scoped3A = tpu.sem_alloc : memref<!tpu.dma_semaphore, #tpu.memory_space<semaphore_mem>>
        %dma_start3A = arith.constant 9600 : i32
        %dma_start3A_47 = arith.constant 0 : i32
        %dma_start3A_48 = tpu.memref_slice %arg11[%dma_start3A, %dma_start3A_47] : memref<10000x128xf32, #tpu.memory_space<vmem_shared>> -> memref<128x128xf32, #tpu.memory_space<vmem_shared>>
        %dma_start3A_49 = arith.constant 9600 : i32
        %dma_start3A_50 = arith.constant 0 : i32
        %dma_start3A_51 = tpu.memref_slice %arg11[%dma_start3A_49, %dma_start3A_50] : memref<10000x128xf32, #tpu.memory_space<vmem_shared>> -> memref<128x128xf32, #tpu.memory_space<vmem_shared>>
        tpu.enqueue_dma source(%arg8 : memref<128x128xf32, #tpu.memory_space<vmem>>) target(%dma_start3A_51 : memref<128x128xf32, #tpu.memory_space<vmem_shared>>) target_semaphore(%run_scoped3A : memref<!tpu.dma_semaphore, #tpu.memory_space<semaphore_mem>>)
        %dma_wait3A = arith.constant 9600 : i32
        %dma_wait3A_52 = arith.constant 0 : i32
        %dma_wait3A_53 = tpu.memref_slice %arg11[%dma_wait3A, %dma_wait3A_52] : memref<10000x128xf32, #tpu.memory_space<vmem_shared>> -> memref<128x128xf32, #tpu.memory_space<vmem_shared>>
        %dma_wait3A_54 = arith.constant 9600 : i32
        %dma_wait3A_55 = arith.constant 0 : i32
        %dma_wait3A_56 = tpu.memref_slice %arg11[%dma_wait3A_54, %dma_wait3A_55] : memref<10000x128xf32, #tpu.memory_space<vmem_shared>> -> memref<128x128xf32, #tpu.memory_space<vmem_shared>>
        tpu.wait_dma2 semaphore(%run_scoped3A : memref<!tpu.dma_semaphore, #tpu.memory_space<semaphore_mem>>) src(%arg8 : memref<128x128xf32, #tpu.memory_space<vmem>>) dst(%dma_wait3A_56 : memref<128x128xf32, #tpu.memory_space<vmem_shared>>)
        tpu.yield
      }) : () -> ()
      "tpu.region"() ({
        %run_scoped3A = tpu.sem_alloc : memref<!tpu.dma_semaphore, #tpu.memory_space<semaphore_mem>>
        %dma_start3A = arith.constant 9728 : i32
        %dma_start3A_47 = arith.constant 0 : i32
        %dma_start3A_48 = tpu.memref_slice %arg11[%dma_start3A, %dma_start3A_47] : memref<10000x128xf32, #tpu.memory_space<vmem_shared>> -> memref<128x128xf32, #tpu.memory_space<vmem_shared>>
        %dma_start3A_49 = arith.constant 9728 : i32
        %dma_start3A_50 = arith.constant 0 : i32
        %dma_start3A_51 = tpu.memref_slice %arg11[%dma_start3A_49, %dma_start3A_50] : memref<10000x128xf32, #tpu.memory_space<vmem_shared>> -> memref<128x128xf32, #tpu.memory_space<vmem_shared>>
        tpu.enqueue_dma source(%arg8 : memref<128x128xf32, #tpu.memory_space<vmem>>) target(%dma_start3A_51 : memref<128x128xf32, #tpu.memory_space<vmem_shared>>) target_semaphore(%run_scoped3A : memref<!tpu.dma_semaphore, #tpu.memory_space<semaphore_mem>>)
        %dma_wait3A = arith.constant 9728 : i32
        %dma_wait3A_52 = arith.constant 0 : i32
        %dma_wait3A_53 = tpu.memref_slice %arg11[%dma_wait3A, %dma_wait3A_52] : memref<10000x128xf32, #tpu.memory_space<vmem_shared>> -> memref<128x128xf32, #tpu.memory_space<vmem_shared>>
        %dma_wait3A_54 = arith.constant 9728 : i32
        %dma_wait3A_55 = arith.constant 0 : i32
        %dma_wait3A_56 = tpu.memref_slice %arg11[%dma_wait3A_54, %dma_wait3A_55] : memref<10000x128xf32, #tpu.memory_space<vmem_shared>> -> memref<128x128xf32, #tpu.memory_space<vmem_shared>>
        tpu.wait_dma2 semaphore(%run_scoped3A : memref<!tpu.dma_semaphore, #tpu.memory_space<semaphore_mem>>) src(%arg8 : memref<128x128xf32, #tpu.memory_space<vmem>>) dst(%dma_wait3A_56 : memref<128x128xf32, #tpu.memory_space<vmem_shared>>)
        tpu.yield
      }) : () -> ()
      "tpu.region"() ({
        %run_scoped3A = tpu.sem_alloc : memref<!tpu.dma_semaphore, #tpu.memory_space<semaphore_mem>>
        %dma_start3A = arith.constant 9856 : i32
        %dma_start3A_47 = arith.constant 0 : i32
        %dma_start3A_48 = tpu.memref_slice %arg11[%dma_start3A, %dma_start3A_47] : memref<10000x128xf32, #tpu.memory_space<vmem_shared>> -> memref<128x128xf32, #tpu.memory_space<vmem_shared>>
        %dma_start3A_49 = arith.constant 9856 : i32
        %dma_start3A_50 = arith.constant 0 : i32
        %dma_start3A_51 = tpu.memref_slice %arg11[%dma_start3A_49, %dma_start3A_50] : memref<10000x128xf32, #tpu.memory_space<vmem_shared>> -> memref<128x128xf32, #tpu.memory_space<vmem_shared>>
        tpu.enqueue_dma source(%arg8 : memref<128x128xf32, #tpu.memory_space<vmem>>) target(%dma_start3A_51 : memref<128x128xf32, #tpu.memory_space<vmem_shared>>) target_semaphore(%run_scoped3A : memref<!tpu.dma_semaphore, #tpu.memory_space<semaphore_mem>>)
        %dma_wait3A = arith.constant 9856 : i32
        %dma_wait3A_52 = arith.constant 0 : i32
        %dma_wait3A_53 = tpu.memref_slice %arg11[%dma_wait3A, %dma_wait3A_52] : memref<10000x128xf32, #tpu.memory_space<vmem_shared>> -> memref<128x128xf32, #tpu.memory_space<vmem_shared>>
        %dma_wait3A_54 = arith.constant 9856 : i32
        %dma_wait3A_55 = arith.constant 0 : i32
        %dma_wait3A_56 = tpu.memref_slice %arg11[%dma_wait3A_54, %dma_wait3A_55] : memref<10000x128xf32, #tpu.memory_space<vmem_shared>> -> memref<128x128xf32, #tpu.memory_space<vmem_shared>>
        tpu.wait_dma2 semaphore(%run_scoped3A : memref<!tpu.dma_semaphore, #tpu.memory_space<semaphore_mem>>) src(%arg8 : memref<128x128xf32, #tpu.memory_space<vmem>>) dst(%dma_wait3A_56 : memref<128x128xf32, #tpu.memory_space<vmem_shared>>)
        tpu.yield
      }) : () -> ()
      "tpu.region"() ({
        %run_scoped3A = tpu.sem_alloc : memref<!tpu.dma_semaphore, #tpu.memory_space<semaphore_mem>>
        %dma_start3A = arith.constant 0 : i32
        %dma_start3A_47 = arith.constant 0 : i32
        %dma_start3A_48 = tpu.memref_slice %arg8[%dma_start3A, %dma_start3A_47] : memref<128x128xf32, #tpu.memory_space<vmem>> -> memref<16x128xf32, #tpu.memory_space<vmem>>
        %dma_start3A_49 = arith.constant 9984 : i32
        %dma_start3A_50 = arith.constant 0 : i32
        %dma_start3A_51 = tpu.memref_slice %arg11[%dma_start3A_49, %dma_start3A_50] : memref<10000x128xf32, #tpu.memory_space<vmem_shared>> -> memref<16x128xf32, #tpu.memory_space<vmem_shared>>
        %dma_start3A_52 = arith.constant 9984 : i32
        %dma_start3A_53 = arith.constant 0 : i32
        %dma_start3A_54 = tpu.memref_slice %arg11[%dma_start3A_52, %dma_start3A_53] : memref<10000x128xf32, #tpu.memory_space<vmem_shared>> -> memref<16x128xf32, #tpu.memory_space<vmem_shared>>
        %dma_start3A_55 = arith.constant 0 : i32
        %dma_start3A_56 = arith.constant 0 : i32
        %dma_start3A_57 = tpu.memref_slice %arg8[%dma_start3A_55, %dma_start3A_56] : memref<128x128xf32, #tpu.memory_space<vmem>> -> memref<16x128xf32, #tpu.memory_space<vmem>>
        tpu.enqueue_dma source(%dma_start3A_57 : memref<16x128xf32, #tpu.memory_space<vmem>>) target(%dma_start3A_54 : memref<16x128xf32, #tpu.memory_space<vmem_shared>>) target_semaphore(%run_scoped3A : memref<!tpu.dma_semaphore, #tpu.memory_space<semaphore_mem>>)
        %dma_wait3A = arith.constant 0 : i32
        %dma_wait3A_58 = arith.constant 0 : i32
        %dma_wait3A_59 = tpu.memref_slice %arg8[%dma_wait3A, %dma_wait3A_58] : memref<128x128xf32, #tpu.memory_space<vmem>> -> memref<16x128xf32, #tpu.memory_space<vmem>>
        %dma_wait3A_60 = arith.constant 9984 : i32
        %dma_wait3A_61 = arith.constant 0 : i32
        %dma_wait3A_62 = tpu.memref_slice %arg11[%dma_wait3A_60, %dma_wait3A_61] : memref<10000x128xf32, #tpu.memory_space<vmem_shared>> -> memref<16x128xf32, #tpu.memory_space<vmem_shared>>
        %dma_wait3A_63 = arith.constant 9984 : i32
        %dma_wait3A_64 = arith.constant 0 : i32
        %dma_wait3A_65 = tpu.memref_slice %arg11[%dma_wait3A_63, %dma_wait3A_64] : memref<10000x128xf32, #tpu.memory_space<vmem_shared>> -> memref<16x128xf32, #tpu.memory_space<vmem_shared>>
        %dma_wait3A_66 = arith.constant 0 : i32
        %dma_wait3A_67 = arith.constant 0 : i32
        %dma_wait3A_68 = tpu.memref_slice %arg8[%dma_wait3A_66, %dma_wait3A_67] : memref<128x128xf32, #tpu.memory_space<vmem>> -> memref<16x128xf32, #tpu.memory_space<vmem>>
        tpu.wait_dma2 semaphore(%run_scoped3A : memref<!tpu.dma_semaphore, #tpu.memory_space<semaphore_mem>>) src(%dma_wait3A_68 : memref<16x128xf32, #tpu.memory_space<vmem>>) dst(%dma_wait3A_65 : memref<16x128xf32, #tpu.memory_space<vmem_shared>>)
        tpu.yield
      }) : () -> ()
    } else {
    }
    %barrier3A = arith.constant 0 : index
    tpu.barrier barrier_id(%barrier3A)
    %eq3A_10 = arith.constant 0 : i32
    %eq3A_11 = arith.cmpi eq, %arg0, %eq3A_10 : i32
    %mul3A = arith.constant 110 : i32
    %mul3A_12 = arith.muli %arg1, %mul3A : i32
    %mul3A_13 = arith.constant 50 : i32
    %mul3A_14 = arith.muli %arg1, %mul3A_13 : i32
    %add3A = arith.constant 1760 : i32
    %add3A_15 = arith.addi %add3A, %mul3A_14 : i32
    %select_n3A = arith.select %eq3A_11, %mul3A_12, %add3A_15 : i32
    %eq3A_16 = arith.constant 0 : i32
    %eq3A_17 = arith.cmpi eq, %arg0, %eq3A_16 : i32
    %jit3A = arith.constant 110 : i32
    %jit3A_18 = arith.constant 50 : i32
    %select_n3A_19 = arith.select %eq3A_17, %jit3A, %jit3A_18 : i32
    %sub3A = arith.constant 0 : i32
    %sub3A_20 = arith.subi %select_n3A_19, %sub3A : i32
    %sub3A_21 = arith.constant 1 : i32
    %sub3A_22 = arith.constant 1 : i32
    %sub3A_23 = arith.subi %sub3A_21, %sub3A_22 : i32
    %add3A_24 = arith.addi %sub3A_20, %sub3A_23 : i32
    %div3A = arith.constant 1 : i32
    %div3A_25 = arith.divsi %add3A_24, %div3A : i32
    %while3A = arith.constant 1 : i32
    %while3A_26 = arith.constant 0 : i32
    %while3A_27 = arith.constant 0 : i32
    %while3A_28 = arith.subi %div3A_25, %while3A_27 : i32
    %while3A_29 = arith.addi %while3A_27, %while3A_28 : i32
    %while3A_30 = arith.constant 1 : i32
    %while3A_31 = arith.divsi %while3A_28, %while3A_30 : i32
    %while3A_32 = arith.muli %while3A_31, %while3A_30 : i32
    %while3A_33 = arith.addi %while3A_27, %while3A_32 : i32
    %while3A_34 = arith.constant 1 : i32
    scf.for %while3A_47 = %while3A_27 to %while3A_33 step %while3A_34  : i32 {
      %mul3A_48 = arith.muli %while3A_47, %while3A : i32
      %add3A_49 = arith.addi %while3A_26, %mul3A_48 : i32
      %add3A_50 = arith.addi %select_n3A, %add3A_49 : i32
      "tpu.region"() ({
        %run_scoped3A = tpu.sem_alloc : memref<!tpu.dma_semaphore, #tpu.memory_space<semaphore_mem>>
        %dma_start3A_110 = arith.constant 0 : i32
        %dma_start3A_111 = arith.constant 0 : i32
        %dma_start3A_112 = tpu.memref_slice %arg3[%add3A_50, %dma_start3A_110, %dma_start3A_111] : memref<2560x2x128xi32, #tpu.memory_space<hbm>> -> memref<1x2x128xi32, #tpu.memory_space<hbm>>
        %dma_start3A_113 = tpu.memref_squeeze %dma_start3A_112 : memref<1x2x128xi32, #tpu.memory_space<hbm>> -> memref<2x128xi32, #tpu.memory_space<hbm>>
        %dma_start3A_114 = arith.constant 0 : i32
        %dma_start3A_115 = arith.constant 0 : i32
        %dma_start3A_116 = tpu.memref_slice %arg3[%add3A_50, %dma_start3A_114, %dma_start3A_115] : memref<2560x2x128xi32, #tpu.memory_space<hbm>> -> memref<1x2x128xi32, #tpu.memory_space<hbm>>
        %dma_start3A_117 = tpu.memref_squeeze %dma_start3A_116 : memref<1x2x128xi32, #tpu.memory_space<hbm>> -> memref<2x128xi32, #tpu.memory_space<hbm>>
        tpu.enqueue_dma source(%dma_start3A_117 : memref<2x128xi32, #tpu.memory_space<hbm>>) target(%arg7 : memref<2x128xi32, #tpu.memory_space<vmem>>) target_semaphore(%run_scoped3A : memref<!tpu.dma_semaphore, #tpu.memory_space<semaphore_mem>>)
        %dma_wait3A_118 = arith.constant 0 : i32
        %dma_wait3A_119 = arith.constant 0 : i32
        %dma_wait3A_120 = tpu.memref_slice %arg3[%add3A_50, %dma_wait3A_118, %dma_wait3A_119] : memref<2560x2x128xi32, #tpu.memory_space<hbm>> -> memref<1x2x128xi32, #tpu.memory_space<hbm>>
        %dma_wait3A_121 = tpu.memref_squeeze %dma_wait3A_120 : memref<1x2x128xi32, #tpu.memory_space<hbm>> -> memref<2x128xi32, #tpu.memory_space<hbm>>
        %dma_wait3A_122 = arith.constant 0 : i32
        %dma_wait3A_123 = arith.constant 0 : i32
        %dma_wait3A_124 = tpu.memref_slice %arg3[%add3A_50, %dma_wait3A_122, %dma_wait3A_123] : memref<2560x2x128xi32, #tpu.memory_space<hbm>> -> memref<1x2x128xi32, #tpu.memory_space<hbm>>
        %dma_wait3A_125 = tpu.memref_squeeze %dma_wait3A_124 : memref<1x2x128xi32, #tpu.memory_space<hbm>> -> memref<2x128xi32, #tpu.memory_space<hbm>>
        tpu.wait_dma2 semaphore(%run_scoped3A : memref<!tpu.dma_semaphore, #tpu.memory_space<semaphore_mem>>) src(%dma_wait3A_125 : memref<2x128xi32, #tpu.memory_space<hbm>>) dst(%arg7 : memref<2x128xi32, #tpu.memory_space<vmem>>)
        tpu.yield
      }) : () -> ()
      %dma_start3A = arith.constant 0 : i32
      %dma_start3A_51 = arith.constant 0 : i32
      %dma_start3A_52 = tpu.memref_slice %arg7[%dma_start3A, %dma_start3A_51] : memref<2x128xi32, #tpu.memory_space<vmem>> -> memref<1x128xi32, #tpu.memory_space<vmem>>
      %dma_start3A_53 = tpu.memref_squeeze %dma_start3A_52 : memref<1x128xi32, #tpu.memory_space<vmem>> -> memref<128xi32, #tpu.memory_space<vmem>>
      %dma_start3A_54 = arith.constant 0 : i32
      %dma_start3A_55 = arith.constant 0 : i32
      %dma_start3A_56 = tpu.memref_slice %arg2[%dma_start3A_54, %dma_start3A_55] : memref<10240x128xf32, #tpu.memory_space<hbm>> -> memref<10240x128xf32, #tpu.memory_space<hbm>>
      tpu.enqueue_indirect_dma source(%dma_start3A_56 : memref<10240x128xf32, #tpu.memory_space<hbm>>) target(%arg8 : memref<128x128xf32, #tpu.memory_space<vmem>>) offsets(%dma_start3A_53 : memref<128xi32, #tpu.memory_space<vmem>>) semaphore(%arg12 : memref<!tpu.dma_semaphore, #tpu.memory_space<semaphore_mem>>)
      %dma_start3A_57 = arith.constant 1 : i32
      %dma_start3A_58 = arith.constant 0 : i32
      %dma_start3A_59 = tpu.memref_slice %arg7[%dma_start3A_57, %dma_start3A_58] : memref<2x128xi32, #tpu.memory_space<vmem>> -> memref<1x128xi32, #tpu.memory_space<vmem>>
      %dma_start3A_60 = tpu.memref_squeeze %dma_start3A_59 : memref<1x128xi32, #tpu.memory_space<vmem>> -> memref<128xi32, #tpu.memory_space<vmem>>
      %dma_start3A_61 = arith.constant 0 : i32
      %dma_start3A_62 = arith.constant 0 : i32
      %dma_start3A_63 = tpu.memref_slice %arg2[%dma_start3A_61, %dma_start3A_62] : memref<10240x128xf32, #tpu.memory_space<hbm>> -> memref<10240x128xf32, #tpu.memory_space<hbm>>
      tpu.enqueue_indirect_dma source(%dma_start3A_63 : memref<10240x128xf32, #tpu.memory_space<hbm>>) target(%arg9 : memref<128x128xf32, #tpu.memory_space<vmem>>) offsets(%dma_start3A_60 : memref<128xi32, #tpu.memory_space<vmem>>) semaphore(%arg13 : memref<!tpu.dma_semaphore, #tpu.memory_space<semaphore_mem>>)
      "tpu.region"() ({
        %run_scoped3A = tpu.sem_alloc : memref<!tpu.dma_semaphore, #tpu.memory_space<semaphore_mem>>
        %dma_start3A_110 = arith.constant 0 : i32
        %dma_start3A_111 = arith.constant 0 : i32
        %dma_start3A_112 = tpu.memref_slice %arg4[%add3A_50, %dma_start3A_110, %dma_start3A_111] : memref<2560x128x128xf32, #tpu.memory_space<hbm>> -> memref<1x128x128xf32, #tpu.memory_space<hbm>>
        %dma_start3A_113 = tpu.memref_squeeze %dma_start3A_112 : memref<1x128x128xf32, #tpu.memory_space<hbm>> -> memref<128x128xf32, #tpu.memory_space<hbm>>
        %dma_start3A_114 = arith.constant 0 : i32
        %dma_start3A_115 = arith.constant 0 : i32
        %dma_start3A_116 = tpu.memref_slice %arg4[%add3A_50, %dma_start3A_114, %dma_start3A_115] : memref<2560x128x128xf32, #tpu.memory_space<hbm>> -> memref<1x128x128xf32, #tpu.memory_space<hbm>>
        %dma_start3A_117 = tpu.memref_squeeze %dma_start3A_116 : memref<1x128x128xf32, #tpu.memory_space<hbm>> -> memref<128x128xf32, #tpu.memory_space<hbm>>
        tpu.enqueue_dma source(%dma_start3A_117 : memref<128x128xf32, #tpu.memory_space<hbm>>) target(%arg10 : memref<128x128xf32, #tpu.memory_space<vmem>>) target_semaphore(%run_scoped3A : memref<!tpu.dma_semaphore, #tpu.memory_space<semaphore_mem>>)
        %dma_wait3A_118 = arith.constant 0 : i32
        %dma_wait3A_119 = arith.constant 0 : i32
        %dma_wait3A_120 = tpu.memref_slice %arg4[%add3A_50, %dma_wait3A_118, %dma_wait3A_119] : memref<2560x128x128xf32, #tpu.memory_space<hbm>> -> memref<1x128x128xf32, #tpu.memory_space<hbm>>
        %dma_wait3A_121 = tpu.memref_squeeze %dma_wait3A_120 : memref<1x128x128xf32, #tpu.memory_space<hbm>> -> memref<128x128xf32, #tpu.memory_space<hbm>>
        %dma_wait3A_122 = arith.constant 0 : i32
        %dma_wait3A_123 = arith.constant 0 : i32
        %dma_wait3A_124 = tpu.memref_slice %arg4[%add3A_50, %dma_wait3A_122, %dma_wait3A_123] : memref<2560x128x128xf32, #tpu.memory_space<hbm>> -> memref<1x128x128xf32, #tpu.memory_space<hbm>>
        %dma_wait3A_125 = tpu.memref_squeeze %dma_wait3A_124 : memref<1x128x128xf32, #tpu.memory_space<hbm>> -> memref<128x128xf32, #tpu.memory_space<hbm>>
        tpu.wait_dma2 semaphore(%run_scoped3A : memref<!tpu.dma_semaphore, #tpu.memory_space<semaphore_mem>>) src(%dma_wait3A_125 : memref<128x128xf32, #tpu.memory_space<hbm>>) dst(%arg10 : memref<128x128xf32, #tpu.memory_space<vmem>>)
        tpu.yield
      }) : () -> ()
      %dma_wait3A = arith.constant 0 : i32
      %dma_wait3A_64 = arith.constant 0 : i32
      %dma_wait3A_65 = tpu.memref_slice %arg7[%dma_wait3A, %dma_wait3A_64] : memref<2x128xi32, #tpu.memory_space<vmem>> -> memref<1x128xi32, #tpu.memory_space<vmem>>
      %dma_wait3A_66 = tpu.memref_squeeze %dma_wait3A_65 : memref<1x128xi32, #tpu.memory_space<vmem>> -> memref<128xi32, #tpu.memory_space<vmem>>
      %dma_wait3A_67 = arith.constant 0 : i32
      %dma_wait3A_68 = arith.constant 0 : i32
      %dma_wait3A_69 = tpu.memref_slice %arg2[%dma_wait3A_67, %dma_wait3A_68] : memref<10240x128xf32, #tpu.memory_space<hbm>> -> memref<10240x128xf32, #tpu.memory_space<hbm>>
      tpu.wait_indirect_dma semaphore(%arg12 : memref<!tpu.dma_semaphore, #tpu.memory_space<semaphore_mem>>) src(%dma_wait3A_69 : memref<10240x128xf32, #tpu.memory_space<hbm>>) dst(%arg8 : memref<128x128xf32, #tpu.memory_space<vmem>>)
      %dma_wait3A_70 = arith.constant 1 : i32
      %dma_wait3A_71 = arith.constant 0 : i32
      %dma_wait3A_72 = tpu.memref_slice %arg7[%dma_wait3A_70, %dma_wait3A_71] : memref<2x128xi32, #tpu.memory_space<vmem>> -> memref<1x128xi32, #tpu.memory_space<vmem>>
      %dma_wait3A_73 = tpu.memref_squeeze %dma_wait3A_72 : memref<1x128xi32, #tpu.memory_space<vmem>> -> memref<128xi32, #tpu.memory_space<vmem>>
      %dma_wait3A_74 = arith.constant 0 : i32
      %dma_wait3A_75 = arith.constant 0 : i32
      %dma_wait3A_76 = tpu.memref_slice %arg2[%dma_wait3A_74, %dma_wait3A_75] : memref<10240x128xf32, #tpu.memory_space<hbm>> -> memref<10240x128xf32, #tpu.memory_space<hbm>>
      tpu.wait_indirect_dma semaphore(%arg13 : memref<!tpu.dma_semaphore, #tpu.memory_space<semaphore_mem>>) src(%dma_wait3A_76 : memref<10240x128xf32, #tpu.memory_space<hbm>>) dst(%arg9 : memref<128x128xf32, #tpu.memory_space<vmem>>)
      %scan3A_77 = arith.constant 0 : i32
      %scan3A_78 = arith.constant 128 : i32
      %scan3A_79 = arith.addi %scan3A_77, %scan3A_78 : i32
      %scan3A_80 = arith.constant 1 : i32
      scf.for %scan3A_110 = %scan3A_77 to %scan3A_79 step %scan3A_80  : i32 {
        %mul3A_111 = arith.constant 1 : i32
        %mul3A_112 = arith.muli %scan3A_110, %mul3A_111 : i32
        %add3A_113 = arith.constant 0 : i32
        %add3A_114 = arith.addi %add3A_113, %mul3A_112 : i32
        %get3A = arith.index_cast %add3A_114 : i32 to index
        %get3A_115 = arith.constant 0 : index
        %get3A_116 = tpu.vector_load %arg10[%get3A, %get3A_115] {strides = array<i32>} : memref<128x128xf32, #tpu.memory_space<vmem>>, vector<1x16xf32>,
        %get3A_117 = vector.shape_cast %get3A_116 : vector<1x16xf32> to vector<16xf32>
        %get3A_118 = arith.index_cast %add3A_114 : i32 to index
        %get3A_119 = arith.constant 0 : index
        %get3A_120 = tpu.vector_load %arg8[%get3A_118, %get3A_119] {strides = array<i32>} : memref<128x128xf32, #tpu.memory_space<vmem>>, vector<1x16xf32>,
        %get3A_121 = vector.shape_cast %get3A_120 : vector<1x16xf32> to vector<16xf32>
        %mul3A_122 = arith.mulf %get3A_121, %get3A_117 : vector<16xf32>
        %swap3A = arith.index_cast %add3A_114 : i32 to index
        %swap3A_123 = arith.constant 0 : index
        %swap3A_124 = tpu.vector_load %arg8[%swap3A, %swap3A_123] {strides = array<i32>} : memref<128x128xf32, #tpu.memory_space<vmem>>, vector<1x16xf32>,
        %swap3A_125 = vector.shape_cast %swap3A_124 : vector<1x16xf32> to vector<16xf32>
        %swap3A_126 = vector.shape_cast %mul3A_122 : vector<16xf32> to vector<1x16xf32>
        tpu.vector_store %arg8[%swap3A, %swap3A_123], %swap3A_126 {strides = array<i32>} : memref<128x128xf32, #tpu.memory_space<vmem>>, vector<1x16xf32>,
        %get3A_127 = arith.index_cast %add3A_114 : i32 to index
        %get3A_128 = arith.constant 0 : index
        %get3A_129 = tpu.vector_load %arg9[%get3A_127, %get3A_128] {strides = array<i32>} : memref<128x128xf32, #tpu.memory_space<vmem>>, vector<1x16xf32>,
        %get3A_130 = vector.shape_cast %get3A_129 : vector<1x16xf32> to vector<16xf32>
        %mul3A_131 = arith.mulf %get3A_130, %get3A_117 : vector<16xf32>
        %swap3A_132 = arith.index_cast %add3A_114 : i32 to index
        %swap3A_133 = arith.constant 0 : index
        %swap3A_134 = tpu.vector_load %arg9[%swap3A_132, %swap3A_133] {strides = array<i32>} : memref<128x128xf32, #tpu.memory_space<vmem>>, vector<1x16xf32>,
        %swap3A_135 = vector.shape_cast %swap3A_134 : vector<1x16xf32> to vector<16xf32>
        %swap3A_136 = vector.shape_cast %mul3A_131 : vector<16xf32> to vector<1x16xf32>
        tpu.vector_store %arg9[%swap3A_132, %swap3A_133], %swap3A_136 {strides = array<i32>} : memref<128x128xf32, #tpu.memory_space<vmem>>, vector<1x16xf32>,
        %get3A_137 = arith.index_cast %add3A_114 : i32 to index
        %get3A_138 = arith.constant 16 : index
        %get3A_139 = tpu.vector_load %arg10[%get3A_137, %get3A_138] {strides = array<i32>} : memref<128x128xf32, #tpu.memory_space<vmem>>, vector<1x16xf32>,
        %get3A_140 = vector.shape_cast %get3A_139 : vector<1x16xf32> to vector<16xf32>
        %get3A_141 = arith.index_cast %add3A_114 : i32 to index
        %get3A_142 = arith.constant 16 : index
        %get3A_143 = tpu.vector_load %arg8[%get3A_141, %get3A_142] {strides = array<i32>} : memref<128x128xf32, #tpu.memory_space<vmem>>, vector<1x16xf32>,
        %get3A_144 = vector.shape_cast %get3A_143 : vector<1x16xf32> to vector<16xf32>
        %mul3A_145 = arith.mulf %get3A_144, %get3A_140 : vector<16xf32>
        %swap3A_146 = arith.index_cast %add3A_114 : i32 to index
        %swap3A_147 = arith.constant 16 : index
        %swap3A_148 = tpu.vector_load %arg8[%swap3A_146, %swap3A_147] {strides = array<i32>} : memref<128x128xf32, #tpu.memory_space<vmem>>, vector<1x16xf32>,
        %swap3A_149 = vector.shape_cast %swap3A_148 : vector<1x16xf32> to vector<16xf32>
        %swap3A_150 = vector.shape_cast %mul3A_145 : vector<16xf32> to vector<1x16xf32>
        tpu.vector_store %arg8[%swap3A_146, %swap3A_147], %swap3A_150 {strides = array<i32>} : memref<128x128xf32, #tpu.memory_space<vmem>>, vector<1x16xf32>,
        %get3A_151 = arith.index_cast %add3A_114 : i32 to index
        %get3A_152 = arith.constant 16 : index
        %get3A_153 = tpu.vector_load %arg9[%get3A_151, %get3A_152] {strides = array<i32>} : memref<128x128xf32, #tpu.memory_space<vmem>>, vector<1x16xf32>,
        %get3A_154 = vector.shape_cast %get3A_153 : vector<1x16xf32> to vector<16xf32>
        %mul3A_155 = arith.mulf %get3A_154, %get3A_140 : vector<16xf32>
        %swap3A_156 = arith.index_cast %add3A_114 : i32 to index
        %swap3A_157 = arith.constant 16 : index
        %swap3A_158 = tpu.vector_load %arg9[%swap3A_156, %swap3A_157] {strides = array<i32>} : memref<128x128xf32, #tpu.memory_space<vmem>>, vector<1x16xf32>,
        %swap3A_159 = vector.shape_cast %swap3A_158 : vector<1x16xf32> to vector<16xf32>
        %swap3A_160 = vector.shape_cast %mul3A_155 : vector<16xf32> to vector<1x16xf32>
        tpu.vector_store %arg9[%swap3A_156, %swap3A_157], %swap3A_160 {strides = array<i32>} : memref<128x128xf32, #tpu.memory_space<vmem>>, vector<1x16xf32>,
        %get3A_161 = arith.index_cast %add3A_114 : i32 to index
        %get3A_162 = arith.constant 32 : index
        %get3A_163 = tpu.vector_load %arg10[%get3A_161, %get3A_162] {strides = array<i32>} : memref<128x128xf32, #tpu.memory_space<vmem>>, vector<1x16xf32>,
        %get3A_164 = vector.shape_cast %get3A_163 : vector<1x16xf32> to vector<16xf32>
        %get3A_165 = arith.index_cast %add3A_114 : i32 to index
        %get3A_166 = arith.constant 32 : index
        %get3A_167 = tpu.vector_load %arg8[%get3A_165, %get3A_166] {strides = array<i32>} : memref<128x128xf32, #tpu.memory_space<vmem>>, vector<1x16xf32>,
        %get3A_168 = vector.shape_cast %get3A_167 : vector<1x16xf32> to vector<16xf32>
        %mul3A_169 = arith.mulf %get3A_168, %get3A_164 : vector<16xf32>
        %swap3A_170 = arith.index_cast %add3A_114 : i32 to index
        %swap3A_171 = arith.constant 32 : index
        %swap3A_172 = tpu.vector_load %arg8[%swap3A_170, %swap3A_171] {strides = array<i32>} : memref<128x128xf32, #tpu.memory_space<vmem>>, vector<1x16xf32>,
        %swap3A_173 = vector.shape_cast %swap3A_172 : vector<1x16xf32> to vector<16xf32>
        %swap3A_174 = vector.shape_cast %mul3A_169 : vector<16xf32> to vector<1x16xf32>
        tpu.vector_store %arg8[%swap3A_170, %swap3A_171], %swap3A_174 {strides = array<i32>} : memref<128x128xf32, #tpu.memory_space<vmem>>, vector<1x16xf32>,
        %get3A_175 = arith.index_cast %add3A_114 : i32 to index
        %get3A_176 = arith.constant 32 : index
        %get3A_177 = tpu.vector_load %arg9[%get3A_175, %get3A_176] {strides = array<i32>} : memref<128x128xf32, #tpu.memory_space<vmem>>, vector<1x16xf32>,
        %get3A_178 = vector.shape_cast %get3A_177 : vector<1x16xf32> to vector<16xf32>
        %mul3A_179 = arith.mulf %get3A_178, %get3A_164 : vector<16xf32>
        %swap3A_180 = arith.index_cast %add3A_114 : i32 to index
        %swap3A_181 = arith.constant 32 : index
        %swap3A_182 = tpu.vector_load %arg9[%swap3A_180, %swap3A_181] {strides = array<i32>} : memref<128x128xf32, #tpu.memory_space<vmem>>, vector<1x16xf32>,
        %swap3A_183 = vector.shape_cast %swap3A_182 : vector<1x16xf32> to vector<16xf32>
        %swap3A_184 = vector.shape_cast %mul3A_179 : vector<16xf32> to vector<1x16xf32>
        tpu.vector_store %arg9[%swap3A_180, %swap3A_181], %swap3A_184 {strides = array<i32>} : memref<128x128xf32, #tpu.memory_space<vmem>>, vector<1x16xf32>,
        %get3A_185 = arith.index_cast %add3A_114 : i32 to index
        %get3A_186 = arith.constant 48 : index
        %get3A_187 = tpu.vector_load %arg10[%get3A_185, %get3A_186] {strides = array<i32>} : memref<128x128xf32, #tpu.memory_space<vmem>>, vector<1x16xf32>,
        %get3A_188 = vector.shape_cast %get3A_187 : vector<1x16xf32> to vector<16xf32>
        %get3A_189 = arith.index_cast %add3A_114 : i32 to index
        %get3A_190 = arith.constant 48 : index
        %get3A_191 = tpu.vector_load %arg8[%get3A_189, %get3A_190] {strides = array<i32>} : memref<128x128xf32, #tpu.memory_space<vmem>>, vector<1x16xf32>,
        %get3A_192 = vector.shape_cast %get3A_191 : vector<1x16xf32> to vector<16xf32>
        %mul3A_193 = arith.mulf %get3A_192, %get3A_188 : vector<16xf32>
        %swap3A_194 = arith.index_cast %add3A_114 : i32 to index
        %swap3A_195 = arith.constant 48 : index
        %swap3A_196 = tpu.vector_load %arg8[%swap3A_194, %swap3A_195] {strides = array<i32>} : memref<128x128xf32, #tpu.memory_space<vmem>>, vector<1x16xf32>,
        %swap3A_197 = vector.shape_cast %swap3A_196 : vector<1x16xf32> to vector<16xf32>
        %swap3A_198 = vector.shape_cast %mul3A_193 : vector<16xf32> to vector<1x16xf32>
        tpu.vector_store %arg8[%swap3A_194, %swap3A_195], %swap3A_198 {strides = array<i32>} : memref<128x128xf32, #tpu.memory_space<vmem>>, vector<1x16xf32>,
        %get3A_199 = arith.index_cast %add3A_114 : i32 to index
        %get3A_200 = arith.constant 48 : index
        %get3A_201 = tpu.vector_load %arg9[%get3A_199, %get3A_200] {strides = array<i32>} : memref<128x128xf32, #tpu.memory_space<vmem>>, vector<1x16xf32>,
        %get3A_202 = vector.shape_cast %get3A_201 : vector<1x16xf32> to vector<16xf32>
        %mul3A_203 = arith.mulf %get3A_202, %get3A_188 : vector<16xf32>
        %swap3A_204 = arith.index_cast %add3A_114 : i32 to index
        %swap3A_205 = arith.constant 48 : index
        %swap3A_206 = tpu.vector_load %arg9[%swap3A_204, %swap3A_205] {strides = array<i32>} : memref<128x128xf32, #tpu.memory_space<vmem>>, vector<1x16xf32>,
        %swap3A_207 = vector.shape_cast %swap3A_206 : vector<1x16xf32> to vector<16xf32>
        %swap3A_208 = vector.shape_cast %mul3A_203 : vector<16xf32> to vector<1x16xf32>
        tpu.vector_store %arg9[%swap3A_204, %swap3A_205], %swap3A_208 {strides = array<i32>} : memref<128x128xf32, #tpu.memory_space<vmem>>, vector<1x16xf32>,
        %get3A_209 = arith.index_cast %add3A_114 : i32 to index
        %get3A_210 = arith.constant 64 : index
        %get3A_211 = tpu.vector_load %arg10[%get3A_209, %get3A_210] {strides = array<i32>} : memref<128x128xf32, #tpu.memory_space<vmem>>, vector<1x16xf32>,
        %get3A_212 = vector.shape_cast %get3A_211 : vector<1x16xf32> to vector<16xf32>
        %get3A_213 = arith.index_cast %add3A_114 : i32 to index
        %get3A_214 = arith.constant 64 : index
        %get3A_215 = tpu.vector_load %arg8[%get3A_213, %get3A_214] {strides = array<i32>} : memref<128x128xf32, #tpu.memory_space<vmem>>, vector<1x16xf32>,
        %get3A_216 = vector.shape_cast %get3A_215 : vector<1x16xf32> to vector<16xf32>
        %mul3A_217 = arith.mulf %get3A_216, %get3A_212 : vector<16xf32>
        %swap3A_218 = arith.index_cast %add3A_114 : i32 to index
        %swap3A_219 = arith.constant 64 : index
        %swap3A_220 = tpu.vector_load %arg8[%swap3A_218, %swap3A_219] {strides = array<i32>} : memref<128x128xf32, #tpu.memory_space<vmem>>, vector<1x16xf32>,
        %swap3A_221 = vector.shape_cast %swap3A_220 : vector<1x16xf32> to vector<16xf32>
        %swap3A_222 = vector.shape_cast %mul3A_217 : vector<16xf32> to vector<1x16xf32>
        tpu.vector_store %arg8[%swap3A_218, %swap3A_219], %swap3A_222 {strides = array<i32>} : memref<128x128xf32, #tpu.memory_space<vmem>>, vector<1x16xf32>,
        %get3A_223 = arith.index_cast %add3A_114 : i32 to index
        %get3A_224 = arith.constant 64 : index
        %get3A_225 = tpu.vector_load %arg9[%get3A_223, %get3A_224] {strides = array<i32>} : memref<128x128xf32, #tpu.memory_space<vmem>>, vector<1x16xf32>,
        %get3A_226 = vector.shape_cast %get3A_225 : vector<1x16xf32> to vector<16xf32>
        %mul3A_227 = arith.mulf %get3A_226, %get3A_212 : vector<16xf32>
        %swap3A_228 = arith.index_cast %add3A_114 : i32 to index
        %swap3A_229 = arith.constant 64 : index
        %swap3A_230 = tpu.vector_load %arg9[%swap3A_228, %swap3A_229] {strides = array<i32>} : memref<128x128xf32, #tpu.memory_space<vmem>>, vector<1x16xf32>,
        %swap3A_231 = vector.shape_cast %swap3A_230 : vector<1x16xf32> to vector<16xf32>
        %swap3A_232 = vector.shape_cast %mul3A_227 : vector<16xf32> to vector<1x16xf32>
        tpu.vector_store %arg9[%swap3A_228, %swap3A_229], %swap3A_232 {strides = array<i32>} : memref<128x128xf32, #tpu.memory_space<vmem>>, vector<1x16xf32>,
        %get3A_233 = arith.index_cast %add3A_114 : i32 to index
        %get3A_234 = arith.constant 80 : index
        %get3A_235 = tpu.vector_load %arg10[%get3A_233, %get3A_234] {strides = array<i32>} : memref<128x128xf32, #tpu.memory_space<vmem>>, vector<1x16xf32>,
        %get3A_236 = vector.shape_cast %get3A_235 : vector<1x16xf32> to vector<16xf32>
        %get3A_237 = arith.index_cast %add3A_114 : i32 to index
        %get3A_238 = arith.constant 80 : index
        %get3A_239 = tpu.vector_load %arg8[%get3A_237, %get3A_238] {strides = array<i32>} : memref<128x128xf32, #tpu.memory_space<vmem>>, vector<1x16xf32>,
        %get3A_240 = vector.shape_cast %get3A_239 : vector<1x16xf32> to vector<16xf32>
        %mul3A_241 = arith.mulf %get3A_240, %get3A_236 : vector<16xf32>
        %swap3A_242 = arith.index_cast %add3A_114 : i32 to index
        %swap3A_243 = arith.constant 80 : index
        %swap3A_244 = tpu.vector_load %arg8[%swap3A_242, %swap3A_243] {strides = array<i32>} : memref<128x128xf32, #tpu.memory_space<vmem>>, vector<1x16xf32>,
        %swap3A_245 = vector.shape_cast %swap3A_244 : vector<1x16xf32> to vector<16xf32>
        %swap3A_246 = vector.shape_cast %mul3A_241 : vector<16xf32> to vector<1x16xf32>
        tpu.vector_store %arg8[%swap3A_242, %swap3A_243], %swap3A_246 {strides = array<i32>} : memref<128x128xf32, #tpu.memory_space<vmem>>, vector<1x16xf32>,
        %get3A_247 = arith.index_cast %add3A_114 : i32 to index
        %get3A_248 = arith.constant 80 : index
        %get3A_249 = tpu.vector_load %arg9[%get3A_247, %get3A_248] {strides = array<i32>} : memref<128x128xf32, #tpu.memory_space<vmem>>, vector<1x16xf32>,
        %get3A_250 = vector.shape_cast %get3A_249 : vector<1x16xf32> to vector<16xf32>
        %mul3A_251 = arith.mulf %get3A_250, %get3A_236 : vector<16xf32>
        %swap3A_252 = arith.index_cast %add3A_114 : i32 to index
        %swap3A_253 = arith.constant 80 : index
        %swap3A_254 = tpu.vector_load %arg9[%swap3A_252, %swap3A_253] {strides = array<i32>} : memref<128x128xf32, #tpu.memory_space<vmem>>, vector<1x16xf32>,
        %swap3A_255 = vector.shape_cast %swap3A_254 : vector<1x16xf32> to vector<16xf32>
        %swap3A_256 = vector.shape_cast %mul3A_251 : vector<16xf32> to vector<1x16xf32>
        tpu.vector_store %arg9[%swap3A_252, %swap3A_253], %swap3A_256 {strides = array<i32>} : memref<128x128xf32, #tpu.memory_space<vmem>>, vector<1x16xf32>,
        %get3A_257 = arith.index_cast %add3A_114 : i32 to index
        %get3A_258 = arith.constant 96 : index
        %get3A_259 = tpu.vector_load %arg10[%get3A_257, %get3A_258] {strides = array<i32>} : memref<128x128xf32, #tpu.memory_space<vmem>>, vector<1x16xf32>,
        %get3A_260 = vector.shape_cast %get3A_259 : vector<1x16xf32> to vector<16xf32>
        %get3A_261 = arith.index_cast %add3A_114 : i32 to index
        %get3A_262 = arith.constant 96 : index
        %get3A_263 = tpu.vector_load %arg8[%get3A_261, %get3A_262] {strides = array<i32>} : memref<128x128xf32, #tpu.memory_space<vmem>>, vector<1x16xf32>,
        %get3A_264 = vector.shape_cast %get3A_263 : vector<1x16xf32> to vector<16xf32>
        %mul3A_265 = arith.mulf %get3A_264, %get3A_260 : vector<16xf32>
        %swap3A_266 = arith.index_cast %add3A_114 : i32 to index
        %swap3A_267 = arith.constant 96 : index
        %swap3A_268 = tpu.vector_load %arg8[%swap3A_266, %swap3A_267] {strides = array<i32>} : memref<128x128xf32, #tpu.memory_space<vmem>>, vector<1x16xf32>,
        %swap3A_269 = vector.shape_cast %swap3A_268 : vector<1x16xf32> to vector<16xf32>
        %swap3A_270 = vector.shape_cast %mul3A_265 : vector<16xf32> to vector<1x16xf32>
        tpu.vector_store %arg8[%swap3A_266, %swap3A_267], %swap3A_270 {strides = array<i32>} : memref<128x128xf32, #tpu.memory_space<vmem>>, vector<1x16xf32>,
        %get3A_271 = arith.index_cast %add3A_114 : i32 to index
        %get3A_272 = arith.constant 96 : index
        %get3A_273 = tpu.vector_load %arg9[%get3A_271, %get3A_272] {strides = array<i32>} : memref<128x128xf32, #tpu.memory_space<vmem>>, vector<1x16xf32>,
        %get3A_274 = vector.shape_cast %get3A_273 : vector<1x16xf32> to vector<16xf32>
        %mul3A_275 = arith.mulf %get3A_274, %get3A_260 : vector<16xf32>
        %swap3A_276 = arith.index_cast %add3A_114 : i32 to index
        %swap3A_277 = arith.constant 96 : index
        %swap3A_278 = tpu.vector_load %arg9[%swap3A_276, %swap3A_277] {strides = array<i32>} : memref<128x128xf32, #tpu.memory_space<vmem>>, vector<1x16xf32>,
        %swap3A_279 = vector.shape_cast %swap3A_278 : vector<1x16xf32> to vector<16xf32>
        %swap3A_280 = vector.shape_cast %mul3A_275 : vector<16xf32> to vector<1x16xf32>
        tpu.vector_store %arg9[%swap3A_276, %swap3A_277], %swap3A_280 {strides = array<i32>} : memref<128x128xf32, #tpu.memory_space<vmem>>, vector<1x16xf32>,
        %get3A_281 = arith.index_cast %add3A_114 : i32 to index
        %get3A_282 = arith.constant 112 : index
        %get3A_283 = tpu.vector_load %arg10[%get3A_281, %get3A_282] {strides = array<i32>} : memref<128x128xf32, #tpu.memory_space<vmem>>, vector<1x16xf32>,
        %get3A_284 = vector.shape_cast %get3A_283 : vector<1x16xf32> to vector<16xf32>
        %get3A_285 = arith.index_cast %add3A_114 : i32 to index
        %get3A_286 = arith.constant 112 : index
        %get3A_287 = tpu.vector_load %arg8[%get3A_285, %get3A_286] {strides = array<i32>} : memref<128x128xf32, #tpu.memory_space<vmem>>, vector<1x16xf32>,
        %get3A_288 = vector.shape_cast %get3A_287 : vector<1x16xf32> to vector<16xf32>
        %mul3A_289 = arith.mulf %get3A_288, %get3A_284 : vector<16xf32>
        %swap3A_290 = arith.index_cast %add3A_114 : i32 to index
        %swap3A_291 = arith.constant 112 : index
        %swap3A_292 = tpu.vector_load %arg8[%swap3A_290, %swap3A_291] {strides = array<i32>} : memref<128x128xf32, #tpu.memory_space<vmem>>, vector<1x16xf32>,
        %swap3A_293 = vector.shape_cast %swap3A_292 : vector<1x16xf32> to vector<16xf32>
        %swap3A_294 = vector.shape_cast %mul3A_289 : vector<16xf32> to vector<1x16xf32>
        tpu.vector_store %arg8[%swap3A_290, %swap3A_291], %swap3A_294 {strides = array<i32>} : memref<128x128xf32, #tpu.memory_space<vmem>>, vector<1x16xf32>,
        %get3A_295 = arith.index_cast %add3A_114 : i32 to index
        %get3A_296 = arith.constant 112 : index
        %get3A_297 = tpu.vector_load %arg9[%get3A_295, %get3A_296] {strides = array<i32>} : memref<128x128xf32, #tpu.memory_space<vmem>>, vector<1x16xf32>,
        %get3A_298 = vector.shape_cast %get3A_297 : vector<1x16xf32> to vector<16xf32>
        %mul3A_299 = arith.mulf %get3A_298, %get3A_284 : vector<16xf32>
        %swap3A_300 = arith.index_cast %add3A_114 : i32 to index
        %swap3A_301 = arith.constant 112 : index
        %swap3A_302 = tpu.vector_load %arg9[%swap3A_300, %swap3A_301] {strides = array<i32>} : memref<128x128xf32, #tpu.memory_space<vmem>>, vector<1x16xf32>,
        %swap3A_303 = vector.shape_cast %swap3A_302 : vector<1x16xf32> to vector<16xf32>
        %swap3A_304 = vector.shape_cast %mul3A_299 : vector<16xf32> to vector<1x16xf32>
        tpu.vector_store %arg9[%swap3A_300, %swap3A_301], %swap3A_304 {strides = array<i32>} : memref<128x128xf32, #tpu.memory_space<vmem>>, vector<1x16xf32>,
      }
      %scan3A_81 = arith.constant 128 : i32
      %dma_start3A_82 = arith.constant 1 : i32
      %dma_start3A_83 = arith.constant 0 : i32
      %dma_start3A_84 = tpu.memref_slice %arg7[%dma_start3A_82, %dma_start3A_83] : memref<2x128xi32, #tpu.memory_space<vmem>> -> memref<1x128xi32, #tpu.memory_space<vmem>>
      %dma_start3A_85 = tpu.memref_squeeze %dma_start3A_84 : memref<1x128xi32, #tpu.memory_space<vmem>> -> memref<128xi32, #tpu.memory_space<vmem>>
      %dma_start3A_86 = arith.constant 0 : i32
      %dma_start3A_87 = arith.constant 0 : i32
      %dma_start3A_88 = tpu.memref_slice %arg11[%dma_start3A_86, %dma_start3A_87] : memref<10000x128xf32, #tpu.memory_space<vmem_shared>> -> memref<10000x128xf32, #tpu.memory_space<vmem_shared>>
      tpu.enqueue_indirect_dma source(%arg8 : memref<128x128xf32, #tpu.memory_space<vmem>>) target(%dma_start3A_88 : memref<10000x128xf32, #tpu.memory_space<vmem_shared>>) offsets(%dma_start3A_85 : memref<128xi32, #tpu.memory_space<vmem>>) semaphore(%arg14 : memref<!tpu.dma_semaphore, #tpu.memory_space<semaphore_mem>>) {add = true}
      %dma_start3A_89 = arith.constant 0 : i32
      %dma_start3A_90 = arith.constant 0 : i32
      %dma_start3A_91 = tpu.memref_slice %arg7[%dma_start3A_89, %dma_start3A_90] : memref<2x128xi32, #tpu.memory_space<vmem>> -> memref<1x128xi32, #tpu.memory_space<vmem>>
      %dma_start3A_92 = tpu.memref_squeeze %dma_start3A_91 : memref<1x128xi32, #tpu.memory_space<vmem>> -> memref<128xi32, #tpu.memory_space<vmem>>
      %dma_start3A_93 = arith.constant 0 : i32
      %dma_start3A_94 = arith.constant 0 : i32
      %dma_start3A_95 = tpu.memref_slice %arg11[%dma_start3A_93, %dma_start3A_94] : memref<10000x128xf32, #tpu.memory_space<vmem_shared>> -> memref<10000x128xf32, #tpu.memory_space<vmem_shared>>
      tpu.enqueue_indirect_dma source(%arg9 : memref<128x128xf32, #tpu.memory_space<vmem>>) target(%dma_start3A_95 : memref<10000x128xf32, #tpu.memory_space<vmem_shared>>) offsets(%dma_start3A_92 : memref<128xi32, #tpu.memory_space<vmem>>) semaphore(%arg15 : memref<!tpu.dma_semaphore, #tpu.memory_space<semaphore_mem>>) {add = true}
      %dma_wait3A_96 = arith.constant 1 : i32
      %dma_wait3A_97 = arith.constant 0 : i32
      %dma_wait3A_98 = tpu.memref_slice %arg7[%dma_wait3A_96, %dma_wait3A_97] : memref<2x128xi32, #tpu.memory_space<vmem>> -> memref<1x128xi32, #tpu.memory_space<vmem>>
      %dma_wait3A_99 = tpu.memref_squeeze %dma_wait3A_98 : memref<1x128xi32, #tpu.memory_space<vmem>> -> memref<128xi32, #tpu.memory_space<vmem>>
      %dma_wait3A_100 = arith.constant 0 : i32
      %dma_wait3A_101 = arith.constant 0 : i32
      %dma_wait3A_102 = tpu.memref_slice %arg11[%dma_wait3A_100, %dma_wait3A_101] : memref<10000x128xf32, #tpu.memory_space<vmem_shared>> -> memref<10000x128xf32, #tpu.memory_space<vmem_shared>>
      tpu.wait_indirect_dma semaphore(%arg14 : memref<!tpu.dma_semaphore, #tpu.memory_space<semaphore_mem>>) src(%arg8 : memref<128x128xf32, #tpu.memory_space<vmem>>) dst(%dma_wait3A_102 : memref<10000x128xf32, #tpu.memory_space<vmem_shared>>)
      %dma_wait3A_103 = arith.constant 0 : i32
      %dma_wait3A_104 = arith.constant 0 : i32
      %dma_wait3A_105 = tpu.memref_slice %arg7[%dma_wait3A_103, %dma_wait3A_104] : memref<2x128xi32, #tpu.memory_space<vmem>> -> memref<1x128xi32, #tpu.memory_space<vmem>>
      %dma_wait3A_106 = tpu.memref_squeeze %dma_wait3A_105 : memref<1x128xi32, #tpu.memory_space<vmem>> -> memref<128xi32, #tpu.memory_space<vmem>>
      %dma_wait3A_107 = arith.constant 0 : i32
      %dma_wait3A_108 = arith.constant 0 : i32
      %dma_wait3A_109 = tpu.memref_slice %arg11[%dma_wait3A_107, %dma_wait3A_108] : memref<10000x128xf32, #tpu.memory_space<vmem_shared>> -> memref<10000x128xf32, #tpu.memory_space<vmem_shared>>
      tpu.wait_indirect_dma semaphore(%arg15 : memref<!tpu.dma_semaphore, #tpu.memory_space<semaphore_mem>>) src(%arg9 : memref<128x128xf32, #tpu.memory_space<vmem>>) dst(%dma_wait3A_109 : memref<10000x128xf32, #tpu.memory_space<vmem_shared>>)
    }
    %while3A_35 = arith.constant 1 : i32
    scf.for %while3A_47 = %while3A_33 to %while3A_29 step %while3A_35  : i32 {
      %mul3A_48 = arith.muli %while3A_47, %while3A : i32
      %add3A_49 = arith.addi %while3A_26, %mul3A_48 : i32
      %add3A_50 = arith.addi %select_n3A, %add3A_49 : i32
      "tpu.region"() ({
        %run_scoped3A = tpu.sem_alloc : memref<!tpu.dma_semaphore, #tpu.memory_space<semaphore_mem>>
        %dma_start3A_110 = arith.constant 0 : i32
        %dma_start3A_111 = arith.constant 0 : i32
        %dma_start3A_112 = tpu.memref_slice %arg3[%add3A_50, %dma_start3A_110, %dma_start3A_111] : memref<2560x2x128xi32, #tpu.memory_space<hbm>> -> memref<1x2x128xi32, #tpu.memory_space<hbm>>
        %dma_start3A_113 = tpu.memref_squeeze %dma_start3A_112 : memref<1x2x128xi32, #tpu.memory_space<hbm>> -> memref<2x128xi32, #tpu.memory_space<hbm>>
        %dma_start3A_114 = arith.constant 0 : i32
        %dma_start3A_115 = arith.constant 0 : i32
        %dma_start3A_116 = tpu.memref_slice %arg3[%add3A_50, %dma_start3A_114, %dma_start3A_115] : memref<2560x2x128xi32, #tpu.memory_space<hbm>> -> memref<1x2x128xi32, #tpu.memory_space<hbm>>
        %dma_start3A_117 = tpu.memref_squeeze %dma_start3A_116 : memref<1x2x128xi32, #tpu.memory_space<hbm>> -> memref<2x128xi32, #tpu.memory_space<hbm>>
        tpu.enqueue_dma source(%dma_start3A_117 : memref<2x128xi32, #tpu.memory_space<hbm>>) target(%arg7 : memref<2x128xi32, #tpu.memory_space<vmem>>) target_semaphore(%run_scoped3A : memref<!tpu.dma_semaphore, #tpu.memory_space<semaphore_mem>>)
        %dma_wait3A_118 = arith.constant 0 : i32
        %dma_wait3A_119 = arith.constant 0 : i32
        %dma_wait3A_120 = tpu.memref_slice %arg3[%add3A_50, %dma_wait3A_118, %dma_wait3A_119] : memref<2560x2x128xi32, #tpu.memory_space<hbm>> -> memref<1x2x128xi32, #tpu.memory_space<hbm>>
        %dma_wait3A_121 = tpu.memref_squeeze %dma_wait3A_120 : memref<1x2x128xi32, #tpu.memory_space<hbm>> -> memref<2x128xi32, #tpu.memory_space<hbm>>
        %dma_wait3A_122 = arith.constant 0 : i32
        %dma_wait3A_123 = arith.constant 0 : i32
        %dma_wait3A_124 = tpu.memref_slice %arg3[%add3A_50, %dma_wait3A_122, %dma_wait3A_123] : memref<2560x2x128xi32, #tpu.memory_space<hbm>> -> memref<1x2x128xi32, #tpu.memory_space<hbm>>
        %dma_wait3A_125 = tpu.memref_squeeze %dma_wait3A_124 : memref<1x2x128xi32, #tpu.memory_space<hbm>> -> memref<2x128xi32, #tpu.memory_space<hbm>>
        tpu.wait_dma2 semaphore(%run_scoped3A : memref<!tpu.dma_semaphore, #tpu.memory_space<semaphore_mem>>) src(%dma_wait3A_125 : memref<2x128xi32, #tpu.memory_space<hbm>>) dst(%arg7 : memref<2x128xi32, #tpu.memory_space<vmem>>)
        tpu.yield
      }) : () -> ()
      %dma_start3A = arith.constant 0 : i32
      %dma_start3A_51 = arith.constant 0 : i32
      %dma_start3A_52 = tpu.memref_slice %arg7[%dma_start3A, %dma_start3A_51] : memref<2x128xi32, #tpu.memory_space<vmem>> -> memref<1x128xi32, #tpu.memory_space<vmem>>
      %dma_start3A_53 = tpu.memref_squeeze %dma_start3A_52 : memref<1x128xi32, #tpu.memory_space<vmem>> -> memref<128xi32, #tpu.memory_space<vmem>>
      %dma_start3A_54 = arith.constant 0 : i32
      %dma_start3A_55 = arith.constant 0 : i32
      %dma_start3A_56 = tpu.memref_slice %arg2[%dma_start3A_54, %dma_start3A_55] : memref<10240x128xf32, #tpu.memory_space<hbm>> -> memref<10240x128xf32, #tpu.memory_space<hbm>>
      tpu.enqueue_indirect_dma source(%dma_start3A_56 : memref<10240x128xf32, #tpu.memory_space<hbm>>) target(%arg8 : memref<128x128xf32, #tpu.memory_space<vmem>>) offsets(%dma_start3A_53 : memref<128xi32, #tpu.memory_space<vmem>>) semaphore(%arg12 : memref<!tpu.dma_semaphore, #tpu.memory_space<semaphore_mem>>)
      %dma_start3A_57 = arith.constant 1 : i32
      %dma_start3A_58 = arith.constant 0 : i32
      %dma_start3A_59 = tpu.memref_slice %arg7[%dma_start3A_57, %dma_start3A_58] : memref<2x128xi32, #tpu.memory_space<vmem>> -> memref<1x128xi32, #tpu.memory_space<vmem>>
      %dma_start3A_60 = tpu.memref_squeeze %dma_start3A_59 : memref<1x128xi32, #tpu.memory_space<vmem>> -> memref<128xi32, #tpu.memory_space<vmem>>
      %dma_start3A_61 = arith.constant 0 : i32
      %dma_start3A_62 = arith.constant 0 : i32
      %dma_start3A_63 = tpu.memref_slice %arg2[%dma_start3A_61, %dma_start3A_62] : memref<10240x128xf32, #tpu.memory_space<hbm>> -> memref<10240x128xf32, #tpu.memory_space<hbm>>
      tpu.enqueue_indirect_dma source(%dma_start3A_63 : memref<10240x128xf32, #tpu.memory_space<hbm>>) target(%arg9 : memref<128x128xf32, #tpu.memory_space<vmem>>) offsets(%dma_start3A_60 : memref<128xi32, #tpu.memory_space<vmem>>) semaphore(%arg13 : memref<!tpu.dma_semaphore, #tpu.memory_space<semaphore_mem>>)
      "tpu.region"() ({
        %run_scoped3A = tpu.sem_alloc : memref<!tpu.dma_semaphore, #tpu.memory_space<semaphore_mem>>
        %dma_start3A_110 = arith.constant 0 : i32
        %dma_start3A_111 = arith.constant 0 : i32
        %dma_start3A_112 = tpu.memref_slice %arg4[%add3A_50, %dma_start3A_110, %dma_start3A_111] : memref<2560x128x128xf32, #tpu.memory_space<hbm>> -> memref<1x128x128xf32, #tpu.memory_space<hbm>>
        %dma_start3A_113 = tpu.memref_squeeze %dma_start3A_112 : memref<1x128x128xf32, #tpu.memory_space<hbm>> -> memref<128x128xf32, #tpu.memory_space<hbm>>
        %dma_start3A_114 = arith.constant 0 : i32
        %dma_start3A_115 = arith.constant 0 : i32
        %dma_start3A_116 = tpu.memref_slice %arg4[%add3A_50, %dma_start3A_114, %dma_start3A_115] : memref<2560x128x128xf32, #tpu.memory_space<hbm>> -> memref<1x128x128xf32, #tpu.memory_space<hbm>>
        %dma_start3A_117 = tpu.memref_squeeze %dma_start3A_116 : memref<1x128x128xf32, #tpu.memory_space<hbm>> -> memref<128x128xf32, #tpu.memory_space<hbm>>
        tpu.enqueue_dma source(%dma_start3A_117 : memref<128x128xf32, #tpu.memory_space<hbm>>) target(%arg10 : memref<128x128xf32, #tpu.memory_space<vmem>>) target_semaphore(%run_scoped3A : memref<!tpu.dma_semaphore, #tpu.memory_space<semaphore_mem>>)
        %dma_wait3A_118 = arith.constant 0 : i32
        %dma_wait3A_119 = arith.constant 0 : i32
        %dma_wait3A_120 = tpu.memref_slice %arg4[%add3A_50, %dma_wait3A_118, %dma_wait3A_119] : memref<2560x128x128xf32, #tpu.memory_space<hbm>> -> memref<1x128x128xf32, #tpu.memory_space<hbm>>
        %dma_wait3A_121 = tpu.memref_squeeze %dma_wait3A_120 : memref<1x128x128xf32, #tpu.memory_space<hbm>> -> memref<128x128xf32, #tpu.memory_space<hbm>>
        %dma_wait3A_122 = arith.constant 0 : i32
        %dma_wait3A_123 = arith.constant 0 : i32
        %dma_wait3A_124 = tpu.memref_slice %arg4[%add3A_50, %dma_wait3A_122, %dma_wait3A_123] : memref<2560x128x128xf32, #tpu.memory_space<hbm>> -> memref<1x128x128xf32, #tpu.memory_space<hbm>>
        %dma_wait3A_125 = tpu.memref_squeeze %dma_wait3A_124 : memref<1x128x128xf32, #tpu.memory_space<hbm>> -> memref<128x128xf32, #tpu.memory_space<hbm>>
        tpu.wait_dma2 semaphore(%run_scoped3A : memref<!tpu.dma_semaphore, #tpu.memory_space<semaphore_mem>>) src(%dma_wait3A_125 : memref<128x128xf32, #tpu.memory_space<hbm>>) dst(%arg10 : memref<128x128xf32, #tpu.memory_space<vmem>>)
        tpu.yield
      }) : () -> ()
      %dma_wait3A = arith.constant 0 : i32
      %dma_wait3A_64 = arith.constant 0 : i32
      %dma_wait3A_65 = tpu.memref_slice %arg7[%dma_wait3A, %dma_wait3A_64] : memref<2x128xi32, #tpu.memory_space<vmem>> -> memref<1x128xi32, #tpu.memory_space<vmem>>
      %dma_wait3A_66 = tpu.memref_squeeze %dma_wait3A_65 : memref<1x128xi32, #tpu.memory_space<vmem>> -> memref<128xi32, #tpu.memory_space<vmem>>
      %dma_wait3A_67 = arith.constant 0 : i32
      %dma_wait3A_68 = arith.constant 0 : i32
      %dma_wait3A_69 = tpu.memref_slice %arg2[%dma_wait3A_67, %dma_wait3A_68] : memref<10240x128xf32, #tpu.memory_space<hbm>> -> memref<10240x128xf32, #tpu.memory_space<hbm>>
      tpu.wait_indirect_dma semaphore(%arg12 : memref<!tpu.dma_semaphore, #tpu.memory_space<semaphore_mem>>) src(%dma_wait3A_69 : memref<10240x128xf32, #tpu.memory_space<hbm>>) dst(%arg8 : memref<128x128xf32, #tpu.memory_space<vmem>>)
      %dma_wait3A_70 = arith.constant 1 : i32
      %dma_wait3A_71 = arith.constant 0 : i32
      %dma_wait3A_72 = tpu.memref_slice %arg7[%dma_wait3A_70, %dma_wait3A_71] : memref<2x128xi32, #tpu.memory_space<vmem>> -> memref<1x128xi32, #tpu.memory_space<vmem>>
      %dma_wait3A_73 = tpu.memref_squeeze %dma_wait3A_72 : memref<1x128xi32, #tpu.memory_space<vmem>> -> memref<128xi32, #tpu.memory_space<vmem>>
      %dma_wait3A_74 = arith.constant 0 : i32
      %dma_wait3A_75 = arith.constant 0 : i32
      %dma_wait3A_76 = tpu.memref_slice %arg2[%dma_wait3A_74, %dma_wait3A_75] : memref<10240x128xf32, #tpu.memory_space<hbm>> -> memref<10240x128xf32, #tpu.memory_space<hbm>>
      tpu.wait_indirect_dma semaphore(%arg13 : memref<!tpu.dma_semaphore, #tpu.memory_space<semaphore_mem>>) src(%dma_wait3A_76 : memref<10240x128xf32, #tpu.memory_space<hbm>>) dst(%arg9 : memref<128x128xf32, #tpu.memory_space<vmem>>)
      %scan3A_77 = arith.constant 0 : i32
      %scan3A_78 = arith.constant 128 : i32
      %scan3A_79 = arith.addi %scan3A_77, %scan3A_78 : i32
      %scan3A_80 = arith.constant 1 : i32
      scf.for %scan3A_110 = %scan3A_77 to %scan3A_79 step %scan3A_80  : i32 {
        %mul3A_111 = arith.constant 1 : i32
        %mul3A_112 = arith.muli %scan3A_110, %mul3A_111 : i32
        %add3A_113 = arith.constant 0 : i32
        %add3A_114 = arith.addi %add3A_113, %mul3A_112 : i32
        %get3A = arith.index_cast %add3A_114 : i32 to index
        %get3A_115 = arith.constant 0 : index
        %get3A_116 = tpu.vector_load %arg10[%get3A, %get3A_115] {strides = array<i32>} : memref<128x128xf32, #tpu.memory_space<vmem>>, vector<1x16xf32>,
        %get3A_117 = vector.shape_cast %get3A_116 : vector<1x16xf32> to vector<16xf32>
        %get3A_118 = arith.index_cast %add3A_114 : i32 to index
        %get3A_119 = arith.constant 0 : index
        %get3A_120 = tpu.vector_load %arg8[%get3A_118, %get3A_119] {strides = array<i32>} : memref<128x128xf32, #tpu.memory_space<vmem>>, vector<1x16xf32>,
        %get3A_121 = vector.shape_cast %get3A_120 : vector<1x16xf32> to vector<16xf32>
        %mul3A_122 = arith.mulf %get3A_121, %get3A_117 : vector<16xf32>
        %swap3A = arith.index_cast %add3A_114 : i32 to index
        %swap3A_123 = arith.constant 0 : index
        %swap3A_124 = tpu.vector_load %arg8[%swap3A, %swap3A_123] {strides = array<i32>} : memref<128x128xf32, #tpu.memory_space<vmem>>, vector<1x16xf32>,
        %swap3A_125 = vector.shape_cast %swap3A_124 : vector<1x16xf32> to vector<16xf32>
        %swap3A_126 = vector.shape_cast %mul3A_122 : vector<16xf32> to vector<1x16xf32>
        tpu.vector_store %arg8[%swap3A, %swap3A_123], %swap3A_126 {strides = array<i32>} : memref<128x128xf32, #tpu.memory_space<vmem>>, vector<1x16xf32>,
        %get3A_127 = arith.index_cast %add3A_114 : i32 to index
        %get3A_128 = arith.constant 0 : index
        %get3A_129 = tpu.vector_load %arg9[%get3A_127, %get3A_128] {strides = array<i32>} : memref<128x128xf32, #tpu.memory_space<vmem>>, vector<1x16xf32>,
        %get3A_130 = vector.shape_cast %get3A_129 : vector<1x16xf32> to vector<16xf32>
        %mul3A_131 = arith.mulf %get3A_130, %get3A_117 : vector<16xf32>
        %swap3A_132 = arith.index_cast %add3A_114 : i32 to index
        %swap3A_133 = arith.constant 0 : index
        %swap3A_134 = tpu.vector_load %arg9[%swap3A_132, %swap3A_133] {strides = array<i32>} : memref<128x128xf32, #tpu.memory_space<vmem>>, vector<1x16xf32>,
        %swap3A_135 = vector.shape_cast %swap3A_134 : vector<1x16xf32> to vector<16xf32>
        %swap3A_136 = vector.shape_cast %mul3A_131 : vector<16xf32> to vector<1x16xf32>
        tpu.vector_store %arg9[%swap3A_132, %swap3A_133], %swap3A_136 {strides = array<i32>} : memref<128x128xf32, #tpu.memory_space<vmem>>, vector<1x16xf32>,
        %get3A_137 = arith.index_cast %add3A_114 : i32 to index
        %get3A_138 = arith.constant 16 : index
        %get3A_139 = tpu.vector_load %arg10[%get3A_137, %get3A_138] {strides = array<i32>} : memref<128x128xf32, #tpu.memory_space<vmem>>, vector<1x16xf32>,
        %get3A_140 = vector.shape_cast %get3A_139 : vector<1x16xf32> to vector<16xf32>
        %get3A_141 = arith.index_cast %add3A_114 : i32 to index
        %get3A_142 = arith.constant 16 : index
        %get3A_143 = tpu.vector_load %arg8[%get3A_141, %get3A_142] {strides = array<i32>} : memref<128x128xf32, #tpu.memory_space<vmem>>, vector<1x16xf32>,
        %get3A_144 = vector.shape_cast %get3A_143 : vector<1x16xf32> to vector<16xf32>
        %mul3A_145 = arith.mulf %get3A_144, %get3A_140 : vector<16xf32>
        %swap3A_146 = arith.index_cast %add3A_114 : i32 to index
        %swap3A_147 = arith.constant 16 : index
        %swap3A_148 = tpu.vector_load %arg8[%swap3A_146, %swap3A_147] {strides = array<i32>} : memref<128x128xf32, #tpu.memory_space<vmem>>, vector<1x16xf32>,
        %swap3A_149 = vector.shape_cast %swap3A_148 : vector<1x16xf32> to vector<16xf32>
        %swap3A_150 = vector.shape_cast %mul3A_145 : vector<16xf32> to vector<1x16xf32>
        tpu.vector_store %arg8[%swap3A_146, %swap3A_147], %swap3A_150 {strides = array<i32>} : memref<128x128xf32, #tpu.memory_space<vmem>>, vector<1x16xf32>,
        %get3A_151 = arith.index_cast %add3A_114 : i32 to index
        %get3A_152 = arith.constant 16 : index
        %get3A_153 = tpu.vector_load %arg9[%get3A_151, %get3A_152] {strides = array<i32>} : memref<128x128xf32, #tpu.memory_space<vmem>>, vector<1x16xf32>,
        %get3A_154 = vector.shape_cast %get3A_153 : vector<1x16xf32> to vector<16xf32>
        %mul3A_155 = arith.mulf %get3A_154, %get3A_140 : vector<16xf32>
        %swap3A_156 = arith.index_cast %add3A_114 : i32 to index
        %swap3A_157 = arith.constant 16 : index
        %swap3A_158 = tpu.vector_load %arg9[%swap3A_156, %swap3A_157] {strides = array<i32>} : memref<128x128xf32, #tpu.memory_space<vmem>>, vector<1x16xf32>,
        %swap3A_159 = vector.shape_cast %swap3A_158 : vector<1x16xf32> to vector<16xf32>
        %swap3A_160 = vector.shape_cast %mul3A_155 : vector<16xf32> to vector<1x16xf32>
        tpu.vector_store %arg9[%swap3A_156, %swap3A_157], %swap3A_160 {strides = array<i32>} : memref<128x128xf32, #tpu.memory_space<vmem>>, vector<1x16xf32>,
        %get3A_161 = arith.index_cast %add3A_114 : i32 to index
        %get3A_162 = arith.constant 32 : index
        %get3A_163 = tpu.vector_load %arg10[%get3A_161, %get3A_162] {strides = array<i32>} : memref<128x128xf32, #tpu.memory_space<vmem>>, vector<1x16xf32>,
        %get3A_164 = vector.shape_cast %get3A_163 : vector<1x16xf32> to vector<16xf32>
        %get3A_165 = arith.index_cast %add3A_114 : i32 to index
        %get3A_166 = arith.constant 32 : index
        %get3A_167 = tpu.vector_load %arg8[%get3A_165, %get3A_166] {strides = array<i32>} : memref<128x128xf32, #tpu.memory_space<vmem>>, vector<1x16xf32>,
        %get3A_168 = vector.shape_cast %get3A_167 : vector<1x16xf32> to vector<16xf32>
        %mul3A_169 = arith.mulf %get3A_168, %get3A_164 : vector<16xf32>
        %swap3A_170 = arith.index_cast %add3A_114 : i32 to index
        %swap3A_171 = arith.constant 32 : index
        %swap3A_172 = tpu.vector_load %arg8[%swap3A_170, %swap3A_171] {strides = array<i32>} : memref<128x128xf32, #tpu.memory_space<vmem>>, vector<1x16xf32>,
        %swap3A_173 = vector.shape_cast %swap3A_172 : vector<1x16xf32> to vector<16xf32>
        %swap3A_174 = vector.shape_cast %mul3A_169 : vector<16xf32> to vector<1x16xf32>
        tpu.vector_store %arg8[%swap3A_170, %swap3A_171], %swap3A_174 {strides = array<i32>} : memref<128x128xf32, #tpu.memory_space<vmem>>, vector<1x16xf32>,
        %get3A_175 = arith.index_cast %add3A_114 : i32 to index
        %get3A_176 = arith.constant 32 : index
        %get3A_177 = tpu.vector_load %arg9[%get3A_175, %get3A_176] {strides = array<i32>} : memref<128x128xf32, #tpu.memory_space<vmem>>, vector<1x16xf32>,
        %get3A_178 = vector.shape_cast %get3A_177 : vector<1x16xf32> to vector<16xf32>
        %mul3A_179 = arith.mulf %get3A_178, %get3A_164 : vector<16xf32>
        %swap3A_180 = arith.index_cast %add3A_114 : i32 to index
        %swap3A_181 = arith.constant 32 : index
        %swap3A_182 = tpu.vector_load %arg9[%swap3A_180, %swap3A_181] {strides = array<i32>} : memref<128x128xf32, #tpu.memory_space<vmem>>, vector<1x16xf32>,
        %swap3A_183 = vector.shape_cast %swap3A_182 : vector<1x16xf32> to vector<16xf32>
        %swap3A_184 = vector.shape_cast %mul3A_179 : vector<16xf32> to vector<1x16xf32>
        tpu.vector_store %arg9[%swap3A_180, %swap3A_181], %swap3A_184 {strides = array<i32>} : memref<128x128xf32, #tpu.memory_space<vmem>>, vector<1x16xf32>,
        %get3A_185 = arith.index_cast %add3A_114 : i32 to index
        %get3A_186 = arith.constant 48 : index
        %get3A_187 = tpu.vector_load %arg10[%get3A_185, %get3A_186] {strides = array<i32>} : memref<128x128xf32, #tpu.memory_space<vmem>>, vector<1x16xf32>,
        %get3A_188 = vector.shape_cast %get3A_187 : vector<1x16xf32> to vector<16xf32>
        %get3A_189 = arith.index_cast %add3A_114 : i32 to index
        %get3A_190 = arith.constant 48 : index
        %get3A_191 = tpu.vector_load %arg8[%get3A_189, %get3A_190] {strides = array<i32>} : memref<128x128xf32, #tpu.memory_space<vmem>>, vector<1x16xf32>,
        %get3A_192 = vector.shape_cast %get3A_191 : vector<1x16xf32> to vector<16xf32>
        %mul3A_193 = arith.mulf %get3A_192, %get3A_188 : vector<16xf32>
        %swap3A_194 = arith.index_cast %add3A_114 : i32 to index
        %swap3A_195 = arith.constant 48 : index
        %swap3A_196 = tpu.vector_load %arg8[%swap3A_194, %swap3A_195] {strides = array<i32>} : memref<128x128xf32, #tpu.memory_space<vmem>>, vector<1x16xf32>,
        %swap3A_197 = vector.shape_cast %swap3A_196 : vector<1x16xf32> to vector<16xf32>
        %swap3A_198 = vector.shape_cast %mul3A_193 : vector<16xf32> to vector<1x16xf32>
        tpu.vector_store %arg8[%swap3A_194, %swap3A_195], %swap3A_198 {strides = array<i32>} : memref<128x128xf32, #tpu.memory_space<vmem>>, vector<1x16xf32>,
        %get3A_199 = arith.index_cast %add3A_114 : i32 to index
        %get3A_200 = arith.constant 48 : index
        %get3A_201 = tpu.vector_load %arg9[%get3A_199, %get3A_200] {strides = array<i32>} : memref<128x128xf32, #tpu.memory_space<vmem>>, vector<1x16xf32>,
        %get3A_202 = vector.shape_cast %get3A_201 : vector<1x16xf32> to vector<16xf32>
        %mul3A_203 = arith.mulf %get3A_202, %get3A_188 : vector<16xf32>
        %swap3A_204 = arith.index_cast %add3A_114 : i32 to index
        %swap3A_205 = arith.constant 48 : index
        %swap3A_206 = tpu.vector_load %arg9[%swap3A_204, %swap3A_205] {strides = array<i32>} : memref<128x128xf32, #tpu.memory_space<vmem>>, vector<1x16xf32>,
        %swap3A_207 = vector.shape_cast %swap3A_206 : vector<1x16xf32> to vector<16xf32>
        %swap3A_208 = vector.shape_cast %mul3A_203 : vector<16xf32> to vector<1x16xf32>
        tpu.vector_store %arg9[%swap3A_204, %swap3A_205], %swap3A_208 {strides = array<i32>} : memref<128x128xf32, #tpu.memory_space<vmem>>, vector<1x16xf32>,
        %get3A_209 = arith.index_cast %add3A_114 : i32 to index
        %get3A_210 = arith.constant 64 : index
        %get3A_211 = tpu.vector_load %arg10[%get3A_209, %get3A_210] {strides = array<i32>} : memref<128x128xf32, #tpu.memory_space<vmem>>, vector<1x16xf32>,
        %get3A_212 = vector.shape_cast %get3A_211 : vector<1x16xf32> to vector<16xf32>
        %get3A_213 = arith.index_cast %add3A_114 : i32 to index
        %get3A_214 = arith.constant 64 : index
        %get3A_215 = tpu.vector_load %arg8[%get3A_213, %get3A_214] {strides = array<i32>} : memref<128x128xf32, #tpu.memory_space<vmem>>, vector<1x16xf32>,
        %get3A_216 = vector.shape_cast %get3A_215 : vector<1x16xf32> to vector<16xf32>
        %mul3A_217 = arith.mulf %get3A_216, %get3A_212 : vector<16xf32>
        %swap3A_218 = arith.index_cast %add3A_114 : i32 to index
        %swap3A_219 = arith.constant 64 : index
        %swap3A_220 = tpu.vector_load %arg8[%swap3A_218, %swap3A_219] {strides = array<i32>} : memref<128x128xf32, #tpu.memory_space<vmem>>, vector<1x16xf32>,
        %swap3A_221 = vector.shape_cast %swap3A_220 : vector<1x16xf32> to vector<16xf32>
        %swap3A_222 = vector.shape_cast %mul3A_217 : vector<16xf32> to vector<1x16xf32>
        tpu.vector_store %arg8[%swap3A_218, %swap3A_219], %swap3A_222 {strides = array<i32>} : memref<128x128xf32, #tpu.memory_space<vmem>>, vector<1x16xf32>,
        %get3A_223 = arith.index_cast %add3A_114 : i32 to index
        %get3A_224 = arith.constant 64 : index
        %get3A_225 = tpu.vector_load %arg9[%get3A_223, %get3A_224] {strides = array<i32>} : memref<128x128xf32, #tpu.memory_space<vmem>>, vector<1x16xf32>,
        %get3A_226 = vector.shape_cast %get3A_225 : vector<1x16xf32> to vector<16xf32>
        %mul3A_227 = arith.mulf %get3A_226, %get3A_212 : vector<16xf32>
        %swap3A_228 = arith.index_cast %add3A_114 : i32 to index
        %swap3A_229 = arith.constant 64 : index
        %swap3A_230 = tpu.vector_load %arg9[%swap3A_228, %swap3A_229] {strides = array<i32>} : memref<128x128xf32, #tpu.memory_space<vmem>>, vector<1x16xf32>,
        %swap3A_231 = vector.shape_cast %swap3A_230 : vector<1x16xf32> to vector<16xf32>
        %swap3A_232 = vector.shape_cast %mul3A_227 : vector<16xf32> to vector<1x16xf32>
        tpu.vector_store %arg9[%swap3A_228, %swap3A_229], %swap3A_232 {strides = array<i32>} : memref<128x128xf32, #tpu.memory_space<vmem>>, vector<1x16xf32>,
        %get3A_233 = arith.index_cast %add3A_114 : i32 to index
        %get3A_234 = arith.constant 80 : index
        %get3A_235 = tpu.vector_load %arg10[%get3A_233, %get3A_234] {strides = array<i32>} : memref<128x128xf32, #tpu.memory_space<vmem>>, vector<1x16xf32>,
        %get3A_236 = vector.shape_cast %get3A_235 : vector<1x16xf32> to vector<16xf32>
        %get3A_237 = arith.index_cast %add3A_114 : i32 to index
        %get3A_238 = arith.constant 80 : index
        %get3A_239 = tpu.vector_load %arg8[%get3A_237, %get3A_238] {strides = array<i32>} : memref<128x128xf32, #tpu.memory_space<vmem>>, vector<1x16xf32>,
        %get3A_240 = vector.shape_cast %get3A_239 : vector<1x16xf32> to vector<16xf32>
        %mul3A_241 = arith.mulf %get3A_240, %get3A_236 : vector<16xf32>
        %swap3A_242 = arith.index_cast %add3A_114 : i32 to index
        %swap3A_243 = arith.constant 80 : index
        %swap3A_244 = tpu.vector_load %arg8[%swap3A_242, %swap3A_243] {strides = array<i32>} : memref<128x128xf32, #tpu.memory_space<vmem>>, vector<1x16xf32>,
        %swap3A_245 = vector.shape_cast %swap3A_244 : vector<1x16xf32> to vector<16xf32>
        %swap3A_246 = vector.shape_cast %mul3A_241 : vector<16xf32> to vector<1x16xf32>
        tpu.vector_store %arg8[%swap3A_242, %swap3A_243], %swap3A_246 {strides = array<i32>} : memref<128x128xf32, #tpu.memory_space<vmem>>, vector<1x16xf32>,
        %get3A_247 = arith.index_cast %add3A_114 : i32 to index
        %get3A_248 = arith.constant 80 : index
        %get3A_249 = tpu.vector_load %arg9[%get3A_247, %get3A_248] {strides = array<i32>} : memref<128x128xf32, #tpu.memory_space<vmem>>, vector<1x16xf32>,
        %get3A_250 = vector.shape_cast %get3A_249 : vector<1x16xf32> to vector<16xf32>
        %mul3A_251 = arith.mulf %get3A_250, %get3A_236 : vector<16xf32>
        %swap3A_252 = arith.index_cast %add3A_114 : i32 to index
        %swap3A_253 = arith.constant 80 : index
        %swap3A_254 = tpu.vector_load %arg9[%swap3A_252, %swap3A_253] {strides = array<i32>} : memref<128x128xf32, #tpu.memory_space<vmem>>, vector<1x16xf32>,
        %swap3A_255 = vector.shape_cast %swap3A_254 : vector<1x16xf32> to vector<16xf32>
        %swap3A_256 = vector.shape_cast %mul3A_251 : vector<16xf32> to vector<1x16xf32>
        tpu.vector_store %arg9[%swap3A_252, %swap3A_253], %swap3A_256 {strides = array<i32>} : memref<128x128xf32, #tpu.memory_space<vmem>>, vector<1x16xf32>,
        %get3A_257 = arith.index_cast %add3A_114 : i32 to index
        %get3A_258 = arith.constant 96 : index
        %get3A_259 = tpu.vector_load %arg10[%get3A_257, %get3A_258] {strides = array<i32>} : memref<128x128xf32, #tpu.memory_space<vmem>>, vector<1x16xf32>,
        %get3A_260 = vector.shape_cast %get3A_259 : vector<1x16xf32> to vector<16xf32>
        %get3A_261 = arith.index_cast %add3A_114 : i32 to index
        %get3A_262 = arith.constant 96 : index
        %get3A_263 = tpu.vector_load %arg8[%get3A_261, %get3A_262] {strides = array<i32>} : memref<128x128xf32, #tpu.memory_space<vmem>>, vector<1x16xf32>,
        %get3A_264 = vector.shape_cast %get3A_263 : vector<1x16xf32> to vector<16xf32>
        %mul3A_265 = arith.mulf %get3A_264, %get3A_260 : vector<16xf32>
        %swap3A_266 = arith.index_cast %add3A_114 : i32 to index
        %swap3A_267 = arith.constant 96 : index
        %swap3A_268 = tpu.vector_load %arg8[%swap3A_266, %swap3A_267] {strides = array<i32>} : memref<128x128xf32, #tpu.memory_space<vmem>>, vector<1x16xf32>,
        %swap3A_269 = vector.shape_cast %swap3A_268 : vector<1x16xf32> to vector<16xf32>
        %swap3A_270 = vector.shape_cast %mul3A_265 : vector<16xf32> to vector<1x16xf32>
        tpu.vector_store %arg8[%swap3A_266, %swap3A_267], %swap3A_270 {strides = array<i32>} : memref<128x128xf32, #tpu.memory_space<vmem>>, vector<1x16xf32>,
        %get3A_271 = arith.index_cast %add3A_114 : i32 to index
        %get3A_272 = arith.constant 96 : index
        %get3A_273 = tpu.vector_load %arg9[%get3A_271, %get3A_272] {strides = array<i32>} : memref<128x128xf32, #tpu.memory_space<vmem>>, vector<1x16xf32>,
        %get3A_274 = vector.shape_cast %get3A_273 : vector<1x16xf32> to vector<16xf32>
        %mul3A_275 = arith.mulf %get3A_274, %get3A_260 : vector<16xf32>
        %swap3A_276 = arith.index_cast %add3A_114 : i32 to index
        %swap3A_277 = arith.constant 96 : index
        %swap3A_278 = tpu.vector_load %arg9[%swap3A_276, %swap3A_277] {strides = array<i32>} : memref<128x128xf32, #tpu.memory_space<vmem>>, vector<1x16xf32>,
        %swap3A_279 = vector.shape_cast %swap3A_278 : vector<1x16xf32> to vector<16xf32>
        %swap3A_280 = vector.shape_cast %mul3A_275 : vector<16xf32> to vector<1x16xf32>
        tpu.vector_store %arg9[%swap3A_276, %swap3A_277], %swap3A_280 {strides = array<i32>} : memref<128x128xf32, #tpu.memory_space<vmem>>, vector<1x16xf32>,
        %get3A_281 = arith.index_cast %add3A_114 : i32 to index
        %get3A_282 = arith.constant 112 : index
        %get3A_283 = tpu.vector_load %arg10[%get3A_281, %get3A_282] {strides = array<i32>} : memref<128x128xf32, #tpu.memory_space<vmem>>, vector<1x16xf32>,
        %get3A_284 = vector.shape_cast %get3A_283 : vector<1x16xf32> to vector<16xf32>
        %get3A_285 = arith.index_cast %add3A_114 : i32 to index
        %get3A_286 = arith.constant 112 : index
        %get3A_287 = tpu.vector_load %arg8[%get3A_285, %get3A_286] {strides = array<i32>} : memref<128x128xf32, #tpu.memory_space<vmem>>, vector<1x16xf32>,
        %get3A_288 = vector.shape_cast %get3A_287 : vector<1x16xf32> to vector<16xf32>
        %mul3A_289 = arith.mulf %get3A_288, %get3A_284 : vector<16xf32>
        %swap3A_290 = arith.index_cast %add3A_114 : i32 to index
        %swap3A_291 = arith.constant 112 : index
        %swap3A_292 = tpu.vector_load %arg8[%swap3A_290, %swap3A_291] {strides = array<i32>} : memref<128x128xf32, #tpu.memory_space<vmem>>, vector<1x16xf32>,
        %swap3A_293 = vector.shape_cast %swap3A_292 : vector<1x16xf32> to vector<16xf32>
        %swap3A_294 = vector.shape_cast %mul3A_289 : vector<16xf32> to vector<1x16xf32>
        tpu.vector_store %arg8[%swap3A_290, %swap3A_291], %swap3A_294 {strides = array<i32>} : memref<128x128xf32, #tpu.memory_space<vmem>>, vector<1x16xf32>,
        %get3A_295 = arith.index_cast %add3A_114 : i32 to index
        %get3A_296 = arith.constant 112 : index
        %get3A_297 = tpu.vector_load %arg9[%get3A_295, %get3A_296] {strides = array<i32>} : memref<128x128xf32, #tpu.memory_space<vmem>>, vector<1x16xf32>,
        %get3A_298 = vector.shape_cast %get3A_297 : vector<1x16xf32> to vector<16xf32>
        %mul3A_299 = arith.mulf %get3A_298, %get3A_284 : vector<16xf32>
        %swap3A_300 = arith.index_cast %add3A_114 : i32 to index
        %swap3A_301 = arith.constant 112 : index
        %swap3A_302 = tpu.vector_load %arg9[%swap3A_300, %swap3A_301] {strides = array<i32>} : memref<128x128xf32, #tpu.memory_space<vmem>>, vector<1x16xf32>,
        %swap3A_303 = vector.shape_cast %swap3A_302 : vector<1x16xf32> to vector<16xf32>
        %swap3A_304 = vector.shape_cast %mul3A_299 : vector<16xf32> to vector<1x16xf32>
        tpu.vector_store %arg9[%swap3A_300, %swap3A_301], %swap3A_304 {strides = array<i32>} : memref<128x128xf32, #tpu.memory_space<vmem>>, vector<1x16xf32>,
      }
      %scan3A_81 = arith.constant 128 : i32
      %dma_start3A_82 = arith.constant 1 : i32
      %dma_start3A_83 = arith.constant 0 : i32
      %dma_start3A_84 = tpu.memref_slice %arg7[%dma_start3A_82, %dma_start3A_83] : memref<2x128xi32, #tpu.memory_space<vmem>> -> memref<1x128xi32, #tpu.memory_space<vmem>>
      %dma_start3A_85 = tpu.memref_squeeze %dma_start3A_84 : memref<1x128xi32, #tpu.memory_space<vmem>> -> memref<128xi32, #tpu.memory_space<vmem>>
      %dma_start3A_86 = arith.constant 0 : i32
      %dma_start3A_87 = arith.constant 0 : i32
      %dma_start3A_88 = tpu.memref_slice %arg11[%dma_start3A_86, %dma_start3A_87] : memref<10000x128xf32, #tpu.memory_space<vmem_shared>> -> memref<10000x128xf32, #tpu.memory_space<vmem_shared>>
      tpu.enqueue_indirect_dma source(%arg8 : memref<128x128xf32, #tpu.memory_space<vmem>>) target(%dma_start3A_88 : memref<10000x128xf32, #tpu.memory_space<vmem_shared>>) offsets(%dma_start3A_85 : memref<128xi32, #tpu.memory_space<vmem>>) semaphore(%arg14 : memref<!tpu.dma_semaphore, #tpu.memory_space<semaphore_mem>>) {add = true}
      %dma_start3A_89 = arith.constant 0 : i32
      %dma_start3A_90 = arith.constant 0 : i32
      %dma_start3A_91 = tpu.memref_slice %arg7[%dma_start3A_89, %dma_start3A_90] : memref<2x128xi32, #tpu.memory_space<vmem>> -> memref<1x128xi32, #tpu.memory_space<vmem>>
      %dma_start3A_92 = tpu.memref_squeeze %dma_start3A_91 : memref<1x128xi32, #tpu.memory_space<vmem>> -> memref<128xi32, #tpu.memory_space<vmem>>
      %dma_start3A_93 = arith.constant 0 : i32
      %dma_start3A_94 = arith.constant 0 : i32
      %dma_start3A_95 = tpu.memref_slice %arg11[%dma_start3A_93, %dma_start3A_94] : memref<10000x128xf32, #tpu.memory_space<vmem_shared>> -> memref<10000x128xf32, #tpu.memory_space<vmem_shared>>
      tpu.enqueue_indirect_dma source(%arg9 : memref<128x128xf32, #tpu.memory_space<vmem>>) target(%dma_start3A_95 : memref<10000x128xf32, #tpu.memory_space<vmem_shared>>) offsets(%dma_start3A_92 : memref<128xi32, #tpu.memory_space<vmem>>) semaphore(%arg15 : memref<!tpu.dma_semaphore, #tpu.memory_space<semaphore_mem>>) {add = true}
      %dma_wait3A_96 = arith.constant 1 : i32
      %dma_wait3A_97 = arith.constant 0 : i32
      %dma_wait3A_98 = tpu.memref_slice %arg7[%dma_wait3A_96, %dma_wait3A_97] : memref<2x128xi32, #tpu.memory_space<vmem>> -> memref<1x128xi32, #tpu.memory_space<vmem>>
      %dma_wait3A_99 = tpu.memref_squeeze %dma_wait3A_98 : memref<1x128xi32, #tpu.memory_space<vmem>> -> memref<128xi32, #tpu.memory_space<vmem>>
      %dma_wait3A_100 = arith.constant 0 : i32
      %dma_wait3A_101 = arith.constant 0 : i32
      %dma_wait3A_102 = tpu.memref_slice %arg11[%dma_wait3A_100, %dma_wait3A_101] : memref<10000x128xf32, #tpu.memory_space<vmem_shared>> -> memref<10000x128xf32, #tpu.memory_space<vmem_shared>>
      tpu.wait_indirect_dma semaphore(%arg14 : memref<!tpu.dma_semaphore, #tpu.memory_space<semaphore_mem>>) src(%arg8 : memref<128x128xf32, #tpu.memory_space<vmem>>) dst(%dma_wait3A_102 : memref<10000x128xf32, #tpu.memory_space<vmem_shared>>)
      %dma_wait3A_103 = arith.constant 0 : i32
      %dma_wait3A_104 = arith.constant 0 : i32
      %dma_wait3A_105 = tpu.memref_slice %arg7[%dma_wait3A_103, %dma_wait3A_104] : memref<2x128xi32, #tpu.memory_space<vmem>> -> memref<1x128xi32, #tpu.memory_space<vmem>>
      %dma_wait3A_106 = tpu.memref_squeeze %dma_wait3A_105 : memref<1x128xi32, #tpu.memory_space<vmem>> -> memref<128xi32, #tpu.memory_space<vmem>>
      %dma_wait3A_107 = arith.constant 0 : i32
      %dma_wait3A_108 = arith.constant 0 : i32
      %dma_wait3A_109 = tpu.memref_slice %arg11[%dma_wait3A_107, %dma_wait3A_108] : memref<10000x128xf32, #tpu.memory_space<vmem_shared>> -> memref<10000x128xf32, #tpu.memory_space<vmem_shared>>
      tpu.wait_indirect_dma semaphore(%arg15 : memref<!tpu.dma_semaphore, #tpu.memory_space<semaphore_mem>>) src(%arg9 : memref<128x128xf32, #tpu.memory_space<vmem>>) dst(%dma_wait3A_109 : memref<10000x128xf32, #tpu.memory_space<vmem_shared>>)
    }
    %barrier3A_36 = arith.constant 0 : index
    tpu.barrier barrier_id(%barrier3A_36)
    %lt3A_37 = arith.constant 15 : i32
    %lt3A_38 = arith.cmpi slt, %arg1, %lt3A_37 : i32
    %convert_element_type3A_39 = arith.extui %lt3A_38 : i1 to i32
    %cond3A_40 = arith.constant 0 : i32
    %cond3A_41 = arith.cmpi ne, %convert_element_type3A_39, %cond3A_40 : i32
    scf.if %cond3A_41 {
      %mul3A_47 = arith.constant 640 : i32
      %mul3A_48 = arith.muli %arg1, %mul3A_47 : i32
      %mul3A_49 = arith.constant 640 : i32
      %mul3A_50 = arith.muli %arg1, %mul3A_49 : i32
      "tpu.region"() ({
        %run_scoped3A = tpu.sem_alloc : memref<!tpu.dma_semaphore, #tpu.memory_space<semaphore_mem>>
        %dma_start3A = arith.constant 0 : i32
        %dma_start3A_51 = arith.constant 0 : i32
        %dma_start3A_52 = tpu.memref_slice %arg6[%arg0, %dma_start3A, %dma_start3A_51] : memref<2x10240x128xf32, #tpu.memory_space<hbm>> -> memref<1x10240x128xf32, #tpu.memory_space<hbm>>
        %dma_start3A_53 = tpu.memref_squeeze %dma_start3A_52 : memref<1x10240x128xf32, #tpu.memory_space<hbm>> -> memref<10240x128xf32, #tpu.memory_space<hbm>>
        %dma_start3A_54 = arith.constant 0 : i32
        %dma_start3A_55 = tpu.memref_slice %dma_start3A_53[%mul3A_50, %dma_start3A_54] : memref<10240x128xf32, #tpu.memory_space<hbm>> -> memref<640x128xf32, #tpu.memory_space<hbm>>
        %dma_start3A_56 = arith.constant 0 : i32
        %dma_start3A_57 = tpu.memref_slice %arg11[%mul3A_48, %dma_start3A_56] : memref<10000x128xf32, #tpu.memory_space<vmem_shared>> -> memref<640x128xf32, #tpu.memory_space<vmem_shared>>
        tpu.enqueue_dma source(%dma_start3A_57 : memref<640x128xf32, #tpu.memory_space<vmem_shared>>) target(%dma_start3A_55 : memref<640x128xf32, #tpu.memory_space<hbm>>) target_semaphore(%run_scoped3A : memref<!tpu.dma_semaphore, #tpu.memory_space<semaphore_mem>>)
        %dma_wait3A = arith.constant 0 : i32
        %dma_wait3A_58 = arith.constant 0 : i32
        %dma_wait3A_59 = tpu.memref_slice %arg6[%arg0, %dma_wait3A, %dma_wait3A_58] : memref<2x10240x128xf32, #tpu.memory_space<hbm>> -> memref<1x10240x128xf32, #tpu.memory_space<hbm>>
        %dma_wait3A_60 = tpu.memref_squeeze %dma_wait3A_59 : memref<1x10240x128xf32, #tpu.memory_space<hbm>> -> memref<10240x128xf32, #tpu.memory_space<hbm>>
        %dma_wait3A_61 = arith.constant 0 : i32
        %dma_wait3A_62 = tpu.memref_slice %dma_wait3A_60[%mul3A_50, %dma_wait3A_61] : memref<10240x128xf32, #tpu.memory_space<hbm>> -> memref<640x128xf32, #tpu.memory_space<hbm>>
        %dma_wait3A_63 = arith.constant 0 : i32
        %dma_wait3A_64 = tpu.memref_slice %arg11[%mul3A_48, %dma_wait3A_63] : memref<10000x128xf32, #tpu.memory_space<vmem_shared>> -> memref<640x128xf32, #tpu.memory_space<vmem_shared>>
        tpu.wait_dma2 semaphore(%run_scoped3A : memref<!tpu.dma_semaphore, #tpu.memory_space<semaphore_mem>>) src(%dma_wait3A_64 : memref<640x128xf32, #tpu.memory_space<vmem_shared>>) dst(%dma_wait3A_62 : memref<640x128xf32, #tpu.memory_space<hbm>>)
        tpu.yield
      }) : () -> ()
    } else {
    }
    %eq3A_42 = arith.constant 15 : i32
    %eq3A_43 = arith.cmpi eq, %arg1, %eq3A_42 : i32
    %convert_element_type3A_44 = arith.extui %eq3A_43 : i1 to i32
    %cond3A_45 = arith.constant 0 : i32
    %cond3A_46 = arith.cmpi ne, %convert_element_type3A_44, %cond3A_45 : i32
    scf.if %cond3A_46 {
      "tpu.region"() ({
        %run_scoped3A = tpu.sem_alloc : memref<!tpu.dma_semaphore, #tpu.memory_space<semaphore_mem>>
        %dma_start3A = arith.constant 0 : i32
        %dma_start3A_47 = arith.constant 0 : i32
        %dma_start3A_48 = tpu.memref_slice %arg6[%arg0, %dma_start3A, %dma_start3A_47] : memref<2x10240x128xf32, #tpu.memory_space<hbm>> -> memref<1x10240x128xf32, #tpu.memory_space<hbm>>
        %dma_start3A_49 = tpu.memref_squeeze %dma_start3A_48 : memref<1x10240x128xf32, #tpu.memory_space<hbm>> -> memref<10240x128xf32, #tpu.memory_space<hbm>>
        %dma_start3A_50 = arith.constant 9600 : i32
        %dma_start3A_51 = arith.constant 0 : i32
        %dma_start3A_52 = tpu.memref_slice %dma_start3A_49[%dma_start3A_50, %dma_start3A_51] : memref<10240x128xf32, #tpu.memory_space<hbm>> -> memref<400x128xf32, #tpu.memory_space<hbm>>
        %dma_start3A_53 = arith.constant 9600 : i32
        %dma_start3A_54 = arith.constant 0 : i32
        %dma_start3A_55 = tpu.memref_slice %arg11[%dma_start3A_53, %dma_start3A_54] : memref<10000x128xf32, #tpu.memory_space<vmem_shared>> -> memref<400x128xf32, #tpu.memory_space<vmem_shared>>
        tpu.enqueue_dma source(%dma_start3A_55 : memref<400x128xf32, #tpu.memory_space<vmem_shared>>) target(%dma_start3A_52 : memref<400x128xf32, #tpu.memory_space<hbm>>) target_semaphore(%run_scoped3A : memref<!tpu.dma_semaphore, #tpu.memory_space<semaphore_mem>>)
        %dma_wait3A = arith.constant 0 : i32
        %dma_wait3A_56 = arith.constant 0 : i32
        %dma_wait3A_57 = tpu.memref_slice %arg6[%arg0, %dma_wait3A, %dma_wait3A_56] : memref<2x10240x128xf32, #tpu.memory_space<hbm>> -> memref<1x10240x128xf32, #tpu.memory_space<hbm>>
        %dma_wait3A_58 = tpu.memref_squeeze %dma_wait3A_57 : memref<1x10240x128xf32, #tpu.memory_space<hbm>> -> memref<10240x128xf32, #tpu.memory_space<hbm>>
        %dma_wait3A_59 = arith.constant 9600 : i32
        %dma_wait3A_60 = arith.constant 0 : i32
        %dma_wait3A_61 = tpu.memref_slice %dma_wait3A_58[%dma_wait3A_59, %dma_wait3A_60] : memref<10240x128xf32, #tpu.memory_space<hbm>> -> memref<400x128xf32, #tpu.memory_space<hbm>>
        %dma_wait3A_62 = arith.constant 9600 : i32
        %dma_wait3A_63 = arith.constant 0 : i32
        %dma_wait3A_64 = tpu.memref_slice %arg11[%dma_wait3A_62, %dma_wait3A_63] : memref<10000x128xf32, #tpu.memory_space<vmem_shared>> -> memref<400x128xf32, #tpu.memory_space<vmem_shared>>
        tpu.wait_dma2 semaphore(%run_scoped3A : memref<!tpu.dma_semaphore, #tpu.memory_space<semaphore_mem>>) src(%dma_wait3A_64 : memref<400x128xf32, #tpu.memory_space<vmem_shared>>) dst(%dma_wait3A_61 : memref<400x128xf32, #tpu.memory_space<hbm>>)
        tpu.yield
      }) : () -> ()
      "tpu.region"() ({
        %run_scoped3A = tpu.sem_alloc : memref<!tpu.dma_semaphore, #tpu.memory_space<semaphore_mem>>
        %dma_start3A = arith.constant 0 : i32
        %dma_start3A_47 = arith.constant 0 : i32
        %dma_start3A_48 = tpu.memref_slice %arg6[%arg0, %dma_start3A, %dma_start3A_47] : memref<2x10240x128xf32, #tpu.memory_space<hbm>> -> memref<1x10240x128xf32, #tpu.memory_space<hbm>>
        %dma_start3A_49 = tpu.memref_squeeze %dma_start3A_48 : memref<1x10240x128xf32, #tpu.memory_space<hbm>> -> memref<10240x128xf32, #tpu.memory_space<hbm>>
        %dma_start3A_50 = arith.constant 10000 : i32
        %dma_start3A_51 = arith.constant 0 : i32
        %dma_start3A_52 = tpu.memref_slice %dma_start3A_49[%dma_start3A_50, %dma_start3A_51] : memref<10240x128xf32, #tpu.memory_space<hbm>> -> memref<240x128xf32, #tpu.memory_space<hbm>>
        %dma_start3A_53 = arith.constant 0 : i32
        %dma_start3A_54 = arith.constant 0 : i32
        %dma_start3A_55 = tpu.memref_slice %arg5[%dma_start3A_53, %dma_start3A_54] : memref<640x128xf32, #tpu.memory_space<hbm>> -> memref<240x128xf32, #tpu.memory_space<hbm>>
        tpu.enqueue_dma source(%dma_start3A_55 : memref<240x128xf32, #tpu.memory_space<hbm>>) target(%dma_start3A_52 : memref<240x128xf32, #tpu.memory_space<hbm>>) target_semaphore(%run_scoped3A : memref<!tpu.dma_semaphore, #tpu.memory_space<semaphore_mem>>)
        %dma_wait3A = arith.constant 0 : i32
        %dma_wait3A_56 = arith.constant 0 : i32
        %dma_wait3A_57 = tpu.memref_slice %arg6[%arg0, %dma_wait3A, %dma_wait3A_56] : memref<2x10240x128xf32, #tpu.memory_space<hbm>> -> memref<1x10240x128xf32, #tpu.memory_space<hbm>>
        %dma_wait3A_58 = tpu.memref_squeeze %dma_wait3A_57 : memref<1x10240x128xf32, #tpu.memory_space<hbm>> -> memref<10240x128xf32, #tpu.memory_space<hbm>>
        %dma_wait3A_59 = arith.constant 10000 : i32
        %dma_wait3A_60 = arith.constant 0 : i32
        %dma_wait3A_61 = tpu.memref_slice %dma_wait3A_58[%dma_wait3A_59, %dma_wait3A_60] : memref<10240x128xf32, #tpu.memory_space<hbm>> -> memref<240x128xf32, #tpu.memory_space<hbm>>
        %dma_wait3A_62 = arith.constant 0 : i32
        %dma_wait3A_63 = arith.constant 0 : i32
        %dma_wait3A_64 = tpu.memref_slice %arg5[%dma_wait3A_62, %dma_wait3A_63] : memref<640x128xf32, #tpu.memory_space<hbm>> -> memref<240x128xf32, #tpu.memory_space<hbm>>
        tpu.wait_dma2 semaphore(%run_scoped3A : memref<!tpu.dma_semaphore, #tpu.memory_space<semaphore_mem>>) src(%dma_wait3A_64 : memref<240x128xf32, #tpu.memory_space<hbm>>) dst(%dma_wait3A_61 : memref<240x128xf32, #tpu.memory_space<hbm>>)
        tpu.yield
      }) : () -> ()
    } else {
    }
    return
  }
}

#map = affine_map<(d0, d1) -> (0, 0)>
#map1 = affine_map<(d0, d1) -> (0, 0, 0)>
module attributes {stable_mosaic.version = 14 : i64} {
  func.func @_sc_agg_body(%arg0: i32, %arg1: i32, %arg2: memref<10240x128xf32, #tpu.memory_space<hbm>>, %arg3: memref<2560x2x128xi32, #tpu.memory_space<hbm>>, %arg4: memref<2560x128x128xf32, #tpu.memory_space<hbm>>, %arg5: memref<640x128xf32, #tpu.memory_space<hbm>>, %arg6: memref<2x10240x128xf32, #tpu.memory_space<hbm>>, %arg7: memref<2x128xi32, #tpu.memory_space<vmem>>, %arg8: memref<128x128xf32, #tpu.memory_space<vmem>>, %arg9: memref<128x128xf32, #tpu.memory_space<vmem>>, %arg10: memref<128x128xf32, #tpu.memory_space<vmem>>, %arg11: memref<10000x128xf32, #tpu.memory_space<vmem_shared>>, %arg12: memref<!tpu.dma_semaphore, #tpu.memory_space<semaphore_mem>>, %arg13: memref<!tpu.dma_semaphore, #tpu.memory_space<semaphore_mem>>, %arg14: memref<!tpu.dma_semaphore, #tpu.memory_space<semaphore_mem>>, %arg15: memref<!tpu.dma_semaphore, #tpu.memory_space<semaphore_mem>>) attributes {dimension_semantics = [#tpu.dimension_semantics<core_parallel>, #tpu.dimension_semantics<subcore_parallel>], iteration_bounds = array<i64: 2, 16>, scalar_prefetch = 0 : i64, scratch_operands = 9 : i64, tpu.core_type = #tpu.core_type<sc_vector_subcore>, window_params = [{transform_indices = #map}, {transform_indices = #map1}, {transform_indices = #map1}, {transform_indices = #map}, {transform_indices = #map1}]} {
    %scan3A = arith.constant 0 : i32
    %scan3A_0 = arith.constant 128 : i32
    %scan3A_1 = arith.addi %scan3A, %scan3A_0 : i32
    %scan3A_2 = arith.constant 1 : i32
    scf.for %scan3A_47 = %scan3A to %scan3A_1 step %scan3A_2  : i32 {
      %mul3A_48 = arith.constant 1 : i32
      %mul3A_49 = arith.muli %scan3A_47, %mul3A_48 : i32
      %add3A_50 = arith.constant 0 : i32
      %add3A_51 = arith.addi %add3A_50, %mul3A_49 : i32
      %broadcast_in_dim3A = arith.constant 0.000000e+00 : f32
      %broadcast_in_dim3A_52 = vector.broadcast %broadcast_in_dim3A : f32 to vector<16xf32>
      %swap3A = arith.index_cast %add3A_51 : i32 to index
      %swap3A_53 = arith.constant 0 : index
      %swap3A_54 = tpu.vector_load %arg8[%swap3A, %swap3A_53] {strides = array<i32>} : memref<128x128xf32, #tpu.memory_space<vmem>>, vector<1x16xf32>,
      %swap3A_55 = vector.shape_cast %swap3A_54 : vector<1x16xf32> to vector<16xf32>
      %swap3A_56 = vector.shape_cast %broadcast_in_dim3A_52 : vector<16xf32> to vector<1x16xf32>
      tpu.vector_store %arg8[%swap3A, %swap3A_53], %swap3A_56 {strides = array<i32>} : memref<128x128xf32, #tpu.memory_space<vmem>>, vector<1x16xf32>,
      %broadcast_in_dim3A_57 = arith.constant 0.000000e+00 : f32
      %broadcast_in_dim3A_58 = vector.broadcast %broadcast_in_dim3A_57 : f32 to vector<16xf32>
      %swap3A_59 = arith.index_cast %add3A_51 : i32 to index
      %swap3A_60 = arith.constant 16 : index
      %swap3A_61 = tpu.vector_load %arg8[%swap3A_59, %swap3A_60] {strides = array<i32>} : memref<128x128xf32, #tpu.memory_space<vmem>>, vector<1x16xf32>,
      %swap3A_62 = vector.shape_cast %swap3A_61 : vector<1x16xf32> to vector<16xf32>
      %swap3A_63 = vector.shape_cast %broadcast_in_dim3A_58 : vector<16xf32> to vector<1x16xf32>
      tpu.vector_store %arg8[%swap3A_59, %swap3A_60], %swap3A_63 {strides = array<i32>} : memref<128x128xf32, #tpu.memory_space<vmem>>, vector<1x16xf32>,
      %broadcast_in_dim3A_64 = arith.constant 0.000000e+00 : f32
      %broadcast_in_dim3A_65 = vector.broadcast %broadcast_in_dim3A_64 : f32 to vector<16xf32>
      %swap3A_66 = arith.index_cast %add3A_51 : i32 to index
      %swap3A_67 = arith.constant 32 : index
      %swap3A_68 = tpu.vector_load %arg8[%swap3A_66, %swap3A_67] {strides = array<i32>} : memref<128x128xf32, #tpu.memory_space<vmem>>, vector<1x16xf32>,
      %swap3A_69 = vector.shape_cast %swap3A_68 : vector<1x16xf32> to vector<16xf32>
      %swap3A_70 = vector.shape_cast %broadcast_in_dim3A_65 : vector<16xf32> to vector<1x16xf32>
      tpu.vector_store %arg8[%swap3A_66, %swap3A_67], %swap3A_70 {strides = array<i32>} : memref<128x128xf32, #tpu.memory_space<vmem>>, vector<1x16xf32>,
      %broadcast_in_dim3A_71 = arith.constant 0.000000e+00 : f32
      %broadcast_in_dim3A_72 = vector.broadcast %broadcast_in_dim3A_71 : f32 to vector<16xf32>
      %swap3A_73 = arith.index_cast %add3A_51 : i32 to index
      %swap3A_74 = arith.constant 48 : index
      %swap3A_75 = tpu.vector_load %arg8[%swap3A_73, %swap3A_74] {strides = array<i32>} : memref<128x128xf32, #tpu.memory_space<vmem>>, vector<1x16xf32>,
      %swap3A_76 = vector.shape_cast %swap3A_75 : vector<1x16xf32> to vector<16xf32>
      %swap3A_77 = vector.shape_cast %broadcast_in_dim3A_72 : vector<16xf32> to vector<1x16xf32>
      tpu.vector_store %arg8[%swap3A_73, %swap3A_74], %swap3A_77 {strides = array<i32>} : memref<128x128xf32, #tpu.memory_space<vmem>>, vector<1x16xf32>,
      %broadcast_in_dim3A_78 = arith.constant 0.000000e+00 : f32
      %broadcast_in_dim3A_79 = vector.broadcast %broadcast_in_dim3A_78 : f32 to vector<16xf32>
      %swap3A_80 = arith.index_cast %add3A_51 : i32 to index
      %swap3A_81 = arith.constant 64 : index
      %swap3A_82 = tpu.vector_load %arg8[%swap3A_80, %swap3A_81] {strides = array<i32>} : memref<128x128xf32, #tpu.memory_space<vmem>>, vector<1x16xf32>,
      %swap3A_83 = vector.shape_cast %swap3A_82 : vector<1x16xf32> to vector<16xf32>
      %swap3A_84 = vector.shape_cast %broadcast_in_dim3A_79 : vector<16xf32> to vector<1x16xf32>
      tpu.vector_store %arg8[%swap3A_80, %swap3A_81], %swap3A_84 {strides = array<i32>} : memref<128x128xf32, #tpu.memory_space<vmem>>, vector<1x16xf32>,
      %broadcast_in_dim3A_85 = arith.constant 0.000000e+00 : f32
      %broadcast_in_dim3A_86 = vector.broadcast %broadcast_in_dim3A_85 : f32 to vector<16xf32>
      %swap3A_87 = arith.index_cast %add3A_51 : i32 to index
      %swap3A_88 = arith.constant 80 : index
      %swap3A_89 = tpu.vector_load %arg8[%swap3A_87, %swap3A_88] {strides = array<i32>} : memref<128x128xf32, #tpu.memory_space<vmem>>, vector<1x16xf32>,
      %swap3A_90 = vector.shape_cast %swap3A_89 : vector<1x16xf32> to vector<16xf32>
      %swap3A_91 = vector.shape_cast %broadcast_in_dim3A_86 : vector<16xf32> to vector<1x16xf32>
      tpu.vector_store %arg8[%swap3A_87, %swap3A_88], %swap3A_91 {strides = array<i32>} : memref<128x128xf32, #tpu.memory_space<vmem>>, vector<1x16xf32>,
      %broadcast_in_dim3A_92 = arith.constant 0.000000e+00 : f32
      %broadcast_in_dim3A_93 = vector.broadcast %broadcast_in_dim3A_92 : f32 to vector<16xf32>
      %swap3A_94 = arith.index_cast %add3A_51 : i32 to index
      %swap3A_95 = arith.constant 96 : index
      %swap3A_96 = tpu.vector_load %arg8[%swap3A_94, %swap3A_95] {strides = array<i32>} : memref<128x128xf32, #tpu.memory_space<vmem>>, vector<1x16xf32>,
      %swap3A_97 = vector.shape_cast %swap3A_96 : vector<1x16xf32> to vector<16xf32>
      %swap3A_98 = vector.shape_cast %broadcast_in_dim3A_93 : vector<16xf32> to vector<1x16xf32>
      tpu.vector_store %arg8[%swap3A_94, %swap3A_95], %swap3A_98 {strides = array<i32>} : memref<128x128xf32, #tpu.memory_space<vmem>>, vector<1x16xf32>,
      %broadcast_in_dim3A_99 = arith.constant 0.000000e+00 : f32
      %broadcast_in_dim3A_100 = vector.broadcast %broadcast_in_dim3A_99 : f32 to vector<16xf32>
      %swap3A_101 = arith.index_cast %add3A_51 : i32 to index
      %swap3A_102 = arith.constant 112 : index
      %swap3A_103 = tpu.vector_load %arg8[%swap3A_101, %swap3A_102] {strides = array<i32>} : memref<128x128xf32, #tpu.memory_space<vmem>>, vector<1x16xf32>,
      %swap3A_104 = vector.shape_cast %swap3A_103 : vector<1x16xf32> to vector<16xf32>
      %swap3A_105 = vector.shape_cast %broadcast_in_dim3A_100 : vector<16xf32> to vector<1x16xf32>
      tpu.vector_store %arg8[%swap3A_101, %swap3A_102], %swap3A_105 {strides = array<i32>} : memref<128x128xf32, #tpu.memory_space<vmem>>, vector<1x16xf32>,
    }
    %scan3A_3 = arith.constant 128 : i32
    %lt3A = arith.constant 15 : i32
    %lt3A_4 = arith.cmpi slt, %arg1, %lt3A : i32
    %convert_element_type3A = arith.extui %lt3A_4 : i1 to i32
    %cond3A = arith.constant 0 : i32
    %cond3A_5 = arith.cmpi ne, %convert_element_type3A, %cond3A : i32
    scf.if %cond3A_5 {
      %mul3A_47 = arith.constant 640 : i32
      %mul3A_48 = arith.muli %arg1, %mul3A_47 : i32
      %add3A_49 = arith.constant 0 : i32
      %add3A_50 = arith.addi %mul3A_48, %add3A_49 : i32
      "tpu.region"() ({
        %run_scoped3A = tpu.sem_alloc : memref<!tpu.dma_semaphore, #tpu.memory_space<semaphore_mem>>
        %dma_start3A = arith.constant 0 : i32
        %dma_start3A_67 = tpu.memref_slice %arg11[%add3A_50, %dma_start3A] : memref<10000x128xf32, #tpu.memory_space<vmem_shared>> -> memref<128x128xf32, #tpu.memory_space<vmem_shared>>
        %dma_start3A_68 = arith.constant 0 : i32
        %dma_start3A_69 = tpu.memref_slice %arg11[%add3A_50, %dma_start3A_68] : memref<10000x128xf32, #tpu.memory_space<vmem_shared>> -> memref<128x128xf32, #tpu.memory_space<vmem_shared>>
        tpu.enqueue_dma source(%arg8 : memref<128x128xf32, #tpu.memory_space<vmem>>) target(%dma_start3A_69 : memref<128x128xf32, #tpu.memory_space<vmem_shared>>) target_semaphore(%run_scoped3A : memref<!tpu.dma_semaphore, #tpu.memory_space<semaphore_mem>>)
        %dma_wait3A = arith.constant 0 : i32
        %dma_wait3A_70 = tpu.memref_slice %arg11[%add3A_50, %dma_wait3A] : memref<10000x128xf32, #tpu.memory_space<vmem_shared>> -> memref<128x128xf32, #tpu.memory_space<vmem_shared>>
        %dma_wait3A_71 = arith.constant 0 : i32
        %dma_wait3A_72 = tpu.memref_slice %arg11[%add3A_50, %dma_wait3A_71] : memref<10000x128xf32, #tpu.memory_space<vmem_shared>> -> memref<128x128xf32, #tpu.memory_space<vmem_shared>>
        tpu.wait_dma2 semaphore(%run_scoped3A : memref<!tpu.dma_semaphore, #tpu.memory_space<semaphore_mem>>) src(%arg8 : memref<128x128xf32, #tpu.memory_space<vmem>>) dst(%dma_wait3A_72 : memref<128x128xf32, #tpu.memory_space<vmem_shared>>)
        tpu.yield
      }) : () -> ()
      %mul3A_51 = arith.constant 640 : i32
      %mul3A_52 = arith.muli %arg1, %mul3A_51 : i32
      %add3A_53 = arith.constant 128 : i32
      %add3A_54 = arith.addi %mul3A_52, %add3A_53 : i32
      "tpu.region"() ({
        %run_scoped3A = tpu.sem_alloc : memref<!tpu.dma_semaphore, #tpu.memory_space<semaphore_mem>>
        %dma_start3A = arith.constant 0 : i32
        %dma_start3A_67 = tpu.memref_slice %arg11[%add3A_54, %dma_start3A] : memref<10000x128xf32, #tpu.memory_space<vmem_shared>> -> memref<128x128xf32, #tpu.memory_space<vmem_shared>>
        %dma_start3A_68 = arith.constant 0 : i32
        %dma_start3A_69 = tpu.memref_slice %arg11[%add3A_54, %dma_start3A_68] : memref<10000x128xf32, #tpu.memory_space<vmem_shared>> -> memref<128x128xf32, #tpu.memory_space<vmem_shared>>
        tpu.enqueue_dma source(%arg8 : memref<128x128xf32, #tpu.memory_space<vmem>>) target(%dma_start3A_69 : memref<128x128xf32, #tpu.memory_space<vmem_shared>>) target_semaphore(%run_scoped3A : memref<!tpu.dma_semaphore, #tpu.memory_space<semaphore_mem>>)
        %dma_wait3A = arith.constant 0 : i32
        %dma_wait3A_70 = tpu.memref_slice %arg11[%add3A_54, %dma_wait3A] : memref<10000x128xf32, #tpu.memory_space<vmem_shared>> -> memref<128x128xf32, #tpu.memory_space<vmem_shared>>
        %dma_wait3A_71 = arith.constant 0 : i32
        %dma_wait3A_72 = tpu.memref_slice %arg11[%add3A_54, %dma_wait3A_71] : memref<10000x128xf32, #tpu.memory_space<vmem_shared>> -> memref<128x128xf32, #tpu.memory_space<vmem_shared>>
        tpu.wait_dma2 semaphore(%run_scoped3A : memref<!tpu.dma_semaphore, #tpu.memory_space<semaphore_mem>>) src(%arg8 : memref<128x128xf32, #tpu.memory_space<vmem>>) dst(%dma_wait3A_72 : memref<128x128xf32, #tpu.memory_space<vmem_shared>>)
        tpu.yield
      }) : () -> ()
      %mul3A_55 = arith.constant 640 : i32
      %mul3A_56 = arith.muli %arg1, %mul3A_55 : i32
      %add3A_57 = arith.constant 256 : i32
      %add3A_58 = arith.addi %mul3A_56, %add3A_57 : i32
      "tpu.region"() ({
        %run_scoped3A = tpu.sem_alloc : memref<!tpu.dma_semaphore, #tpu.memory_space<semaphore_mem>>
        %dma_start3A = arith.constant 0 : i32
        %dma_start3A_67 = tpu.memref_slice %arg11[%add3A_58, %dma_start3A] : memref<10000x128xf32, #tpu.memory_space<vmem_shared>> -> memref<128x128xf32, #tpu.memory_space<vmem_shared>>
        %dma_start3A_68 = arith.constant 0 : i32
        %dma_start3A_69 = tpu.memref_slice %arg11[%add3A_58, %dma_start3A_68] : memref<10000x128xf32, #tpu.memory_space<vmem_shared>> -> memref<128x128xf32, #tpu.memory_space<vmem_shared>>
        tpu.enqueue_dma source(%arg8 : memref<128x128xf32, #tpu.memory_space<vmem>>) target(%dma_start3A_69 : memref<128x128xf32, #tpu.memory_space<vmem_shared>>) target_semaphore(%run_scoped3A : memref<!tpu.dma_semaphore, #tpu.memory_space<semaphore_mem>>)
        %dma_wait3A = arith.constant 0 : i32
        %dma_wait3A_70 = tpu.memref_slice %arg11[%add3A_58, %dma_wait3A] : memref<10000x128xf32, #tpu.memory_space<vmem_shared>> -> memref<128x128xf32, #tpu.memory_space<vmem_shared>>
        %dma_wait3A_71 = arith.constant 0 : i32
        %dma_wait3A_72 = tpu.memref_slice %arg11[%add3A_58, %dma_wait3A_71] : memref<10000x128xf32, #tpu.memory_space<vmem_shared>> -> memref<128x128xf32, #tpu.memory_space<vmem_shared>>
        tpu.wait_dma2 semaphore(%run_scoped3A : memref<!tpu.dma_semaphore, #tpu.memory_space<semaphore_mem>>) src(%arg8 : memref<128x128xf32, #tpu.memory_space<vmem>>) dst(%dma_wait3A_72 : memref<128x128xf32, #tpu.memory_space<vmem_shared>>)
        tpu.yield
      }) : () -> ()
      %mul3A_59 = arith.constant 640 : i32
      %mul3A_60 = arith.muli %arg1, %mul3A_59 : i32
      %add3A_61 = arith.constant 384 : i32
      %add3A_62 = arith.addi %mul3A_60, %add3A_61 : i32
      "tpu.region"() ({
        %run_scoped3A = tpu.sem_alloc : memref<!tpu.dma_semaphore, #tpu.memory_space<semaphore_mem>>
        %dma_start3A = arith.constant 0 : i32
        %dma_start3A_67 = tpu.memref_slice %arg11[%add3A_62, %dma_start3A] : memref<10000x128xf32, #tpu.memory_space<vmem_shared>> -> memref<128x128xf32, #tpu.memory_space<vmem_shared>>
        %dma_start3A_68 = arith.constant 0 : i32
        %dma_start3A_69 = tpu.memref_slice %arg11[%add3A_62, %dma_start3A_68] : memref<10000x128xf32, #tpu.memory_space<vmem_shared>> -> memref<128x128xf32, #tpu.memory_space<vmem_shared>>
        tpu.enqueue_dma source(%arg8 : memref<128x128xf32, #tpu.memory_space<vmem>>) target(%dma_start3A_69 : memref<128x128xf32, #tpu.memory_space<vmem_shared>>) target_semaphore(%run_scoped3A : memref<!tpu.dma_semaphore, #tpu.memory_space<semaphore_mem>>)
        %dma_wait3A = arith.constant 0 : i32
        %dma_wait3A_70 = tpu.memref_slice %arg11[%add3A_62, %dma_wait3A] : memref<10000x128xf32, #tpu.memory_space<vmem_shared>> -> memref<128x128xf32, #tpu.memory_space<vmem_shared>>
        %dma_wait3A_71 = arith.constant 0 : i32
        %dma_wait3A_72 = tpu.memref_slice %arg11[%add3A_62, %dma_wait3A_71] : memref<10000x128xf32, #tpu.memory_space<vmem_shared>> -> memref<128x128xf32, #tpu.memory_space<vmem_shared>>
        tpu.wait_dma2 semaphore(%run_scoped3A : memref<!tpu.dma_semaphore, #tpu.memory_space<semaphore_mem>>) src(%arg8 : memref<128x128xf32, #tpu.memory_space<vmem>>) dst(%dma_wait3A_72 : memref<128x128xf32, #tpu.memory_space<vmem_shared>>)
        tpu.yield
      }) : () -> ()
      %mul3A_63 = arith.constant 640 : i32
      %mul3A_64 = arith.muli %arg1, %mul3A_63 : i32
      %add3A_65 = arith.constant 512 : i32
      %add3A_66 = arith.addi %mul3A_64, %add3A_65 : i32
      "tpu.region"() ({
        %run_scoped3A = tpu.sem_alloc : memref<!tpu.dma_semaphore, #tpu.memory_space<semaphore_mem>>
        %dma_start3A = arith.constant 0 : i32
        %dma_start3A_67 = tpu.memref_slice %arg11[%add3A_66, %dma_start3A] : memref<10000x128xf32, #tpu.memory_space<vmem_shared>> -> memref<128x128xf32, #tpu.memory_space<vmem_shared>>
        %dma_start3A_68 = arith.constant 0 : i32
        %dma_start3A_69 = tpu.memref_slice %arg11[%add3A_66, %dma_start3A_68] : memref<10000x128xf32, #tpu.memory_space<vmem_shared>> -> memref<128x128xf32, #tpu.memory_space<vmem_shared>>
        tpu.enqueue_dma source(%arg8 : memref<128x128xf32, #tpu.memory_space<vmem>>) target(%dma_start3A_69 : memref<128x128xf32, #tpu.memory_space<vmem_shared>>) target_semaphore(%run_scoped3A : memref<!tpu.dma_semaphore, #tpu.memory_space<semaphore_mem>>)
        %dma_wait3A = arith.constant 0 : i32
        %dma_wait3A_70 = tpu.memref_slice %arg11[%add3A_66, %dma_wait3A] : memref<10000x128xf32, #tpu.memory_space<vmem_shared>> -> memref<128x128xf32, #tpu.memory_space<vmem_shared>>
        %dma_wait3A_71 = arith.constant 0 : i32
        %dma_wait3A_72 = tpu.memref_slice %arg11[%add3A_66, %dma_wait3A_71] : memref<10000x128xf32, #tpu.memory_space<vmem_shared>> -> memref<128x128xf32, #tpu.memory_space<vmem_shared>>
        tpu.wait_dma2 semaphore(%run_scoped3A : memref<!tpu.dma_semaphore, #tpu.memory_space<semaphore_mem>>) src(%arg8 : memref<128x128xf32, #tpu.memory_space<vmem>>) dst(%dma_wait3A_72 : memref<128x128xf32, #tpu.memory_space<vmem_shared>>)
        tpu.yield
      }) : () -> ()
    } else {
    }
    %eq3A = arith.constant 15 : i32
    %eq3A_6 = arith.cmpi eq, %arg1, %eq3A : i32
    %convert_element_type3A_7 = arith.extui %eq3A_6 : i1 to i32
    %cond3A_8 = arith.constant 0 : i32
    %cond3A_9 = arith.cmpi ne, %convert_element_type3A_7, %cond3A_8 : i32
    scf.if %cond3A_9 {
      "tpu.region"() ({
        %run_scoped3A = tpu.sem_alloc : memref<!tpu.dma_semaphore, #tpu.memory_space<semaphore_mem>>
        %dma_start3A = arith.constant 9600 : i32
        %dma_start3A_47 = arith.constant 0 : i32
        %dma_start3A_48 = tpu.memref_slice %arg11[%dma_start3A, %dma_start3A_47] : memref<10000x128xf32, #tpu.memory_space<vmem_shared>> -> memref<128x128xf32, #tpu.memory_space<vmem_shared>>
        %dma_start3A_49 = arith.constant 9600 : i32
        %dma_start3A_50 = arith.constant 0 : i32
        %dma_start3A_51 = tpu.memref_slice %arg11[%dma_start3A_49, %dma_start3A_50] : memref<10000x128xf32, #tpu.memory_space<vmem_shared>> -> memref<128x128xf32, #tpu.memory_space<vmem_shared>>
        tpu.enqueue_dma source(%arg8 : memref<128x128xf32, #tpu.memory_space<vmem>>) target(%dma_start3A_51 : memref<128x128xf32, #tpu.memory_space<vmem_shared>>) target_semaphore(%run_scoped3A : memref<!tpu.dma_semaphore, #tpu.memory_space<semaphore_mem>>)
        %dma_wait3A = arith.constant 9600 : i32
        %dma_wait3A_52 = arith.constant 0 : i32
        %dma_wait3A_53 = tpu.memref_slice %arg11[%dma_wait3A, %dma_wait3A_52] : memref<10000x128xf32, #tpu.memory_space<vmem_shared>> -> memref<128x128xf32, #tpu.memory_space<vmem_shared>>
        %dma_wait3A_54 = arith.constant 9600 : i32
        %dma_wait3A_55 = arith.constant 0 : i32
        %dma_wait3A_56 = tpu.memref_slice %arg11[%dma_wait3A_54, %dma_wait3A_55] : memref<10000x128xf32, #tpu.memory_space<vmem_shared>> -> memref<128x128xf32, #tpu.memory_space<vmem_shared>>
        tpu.wait_dma2 semaphore(%run_scoped3A : memref<!tpu.dma_semaphore, #tpu.memory_space<semaphore_mem>>) src(%arg8 : memref<128x128xf32, #tpu.memory_space<vmem>>) dst(%dma_wait3A_56 : memref<128x128xf32, #tpu.memory_space<vmem_shared>>)
        tpu.yield
      }) : () -> ()
      "tpu.region"() ({
        %run_scoped3A = tpu.sem_alloc : memref<!tpu.dma_semaphore, #tpu.memory_space<semaphore_mem>>
        %dma_start3A = arith.constant 9728 : i32
        %dma_start3A_47 = arith.constant 0 : i32
        %dma_start3A_48 = tpu.memref_slice %arg11[%dma_start3A, %dma_start3A_47] : memref<10000x128xf32, #tpu.memory_space<vmem_shared>> -> memref<128x128xf32, #tpu.memory_space<vmem_shared>>
        %dma_start3A_49 = arith.constant 9728 : i32
        %dma_start3A_50 = arith.constant 0 : i32
        %dma_start3A_51 = tpu.memref_slice %arg11[%dma_start3A_49, %dma_start3A_50] : memref<10000x128xf32, #tpu.memory_space<vmem_shared>> -> memref<128x128xf32, #tpu.memory_space<vmem_shared>>
        tpu.enqueue_dma source(%arg8 : memref<128x128xf32, #tpu.memory_space<vmem>>) target(%dma_start3A_51 : memref<128x128xf32, #tpu.memory_space<vmem_shared>>) target_semaphore(%run_scoped3A : memref<!tpu.dma_semaphore, #tpu.memory_space<semaphore_mem>>)
        %dma_wait3A = arith.constant 9728 : i32
        %dma_wait3A_52 = arith.constant 0 : i32
        %dma_wait3A_53 = tpu.memref_slice %arg11[%dma_wait3A, %dma_wait3A_52] : memref<10000x128xf32, #tpu.memory_space<vmem_shared>> -> memref<128x128xf32, #tpu.memory_space<vmem_shared>>
        %dma_wait3A_54 = arith.constant 9728 : i32
        %dma_wait3A_55 = arith.constant 0 : i32
        %dma_wait3A_56 = tpu.memref_slice %arg11[%dma_wait3A_54, %dma_wait3A_55] : memref<10000x128xf32, #tpu.memory_space<vmem_shared>> -> memref<128x128xf32, #tpu.memory_space<vmem_shared>>
        tpu.wait_dma2 semaphore(%run_scoped3A : memref<!tpu.dma_semaphore, #tpu.memory_space<semaphore_mem>>) src(%arg8 : memref<128x128xf32, #tpu.memory_space<vmem>>) dst(%dma_wait3A_56 : memref<128x128xf32, #tpu.memory_space<vmem_shared>>)
        tpu.yield
      }) : () -> ()
      "tpu.region"() ({
        %run_scoped3A = tpu.sem_alloc : memref<!tpu.dma_semaphore, #tpu.memory_space<semaphore_mem>>
        %dma_start3A = arith.constant 9856 : i32
        %dma_start3A_47 = arith.constant 0 : i32
        %dma_start3A_48 = tpu.memref_slice %arg11[%dma_start3A, %dma_start3A_47] : memref<10000x128xf32, #tpu.memory_space<vmem_shared>> -> memref<128x128xf32, #tpu.memory_space<vmem_shared>>
        %dma_start3A_49 = arith.constant 9856 : i32
        %dma_start3A_50 = arith.constant 0 : i32
        %dma_start3A_51 = tpu.memref_slice %arg11[%dma_start3A_49, %dma_start3A_50] : memref<10000x128xf32, #tpu.memory_space<vmem_shared>> -> memref<128x128xf32, #tpu.memory_space<vmem_shared>>
        tpu.enqueue_dma source(%arg8 : memref<128x128xf32, #tpu.memory_space<vmem>>) target(%dma_start3A_51 : memref<128x128xf32, #tpu.memory_space<vmem_shared>>) target_semaphore(%run_scoped3A : memref<!tpu.dma_semaphore, #tpu.memory_space<semaphore_mem>>)
        %dma_wait3A = arith.constant 9856 : i32
        %dma_wait3A_52 = arith.constant 0 : i32
        %dma_wait3A_53 = tpu.memref_slice %arg11[%dma_wait3A, %dma_wait3A_52] : memref<10000x128xf32, #tpu.memory_space<vmem_shared>> -> memref<128x128xf32, #tpu.memory_space<vmem_shared>>
        %dma_wait3A_54 = arith.constant 9856 : i32
        %dma_wait3A_55 = arith.constant 0 : i32
        %dma_wait3A_56 = tpu.memref_slice %arg11[%dma_wait3A_54, %dma_wait3A_55] : memref<10000x128xf32, #tpu.memory_space<vmem_shared>> -> memref<128x128xf32, #tpu.memory_space<vmem_shared>>
        tpu.wait_dma2 semaphore(%run_scoped3A : memref<!tpu.dma_semaphore, #tpu.memory_space<semaphore_mem>>) src(%arg8 : memref<128x128xf32, #tpu.memory_space<vmem>>) dst(%dma_wait3A_56 : memref<128x128xf32, #tpu.memory_space<vmem_shared>>)
        tpu.yield
      }) : () -> ()
      "tpu.region"() ({
        %run_scoped3A = tpu.sem_alloc : memref<!tpu.dma_semaphore, #tpu.memory_space<semaphore_mem>>
        %dma_start3A = arith.constant 0 : i32
        %dma_start3A_47 = arith.constant 0 : i32
        %dma_start3A_48 = tpu.memref_slice %arg8[%dma_start3A, %dma_start3A_47] : memref<128x128xf32, #tpu.memory_space<vmem>> -> memref<16x128xf32, #tpu.memory_space<vmem>>
        %dma_start3A_49 = arith.constant 9984 : i32
        %dma_start3A_50 = arith.constant 0 : i32
        %dma_start3A_51 = tpu.memref_slice %arg11[%dma_start3A_49, %dma_start3A_50] : memref<10000x128xf32, #tpu.memory_space<vmem_shared>> -> memref<16x128xf32, #tpu.memory_space<vmem_shared>>
        %dma_start3A_52 = arith.constant 9984 : i32
        %dma_start3A_53 = arith.constant 0 : i32
        %dma_start3A_54 = tpu.memref_slice %arg11[%dma_start3A_52, %dma_start3A_53] : memref<10000x128xf32, #tpu.memory_space<vmem_shared>> -> memref<16x128xf32, #tpu.memory_space<vmem_shared>>
        %dma_start3A_55 = arith.constant 0 : i32
        %dma_start3A_56 = arith.constant 0 : i32
        %dma_start3A_57 = tpu.memref_slice %arg8[%dma_start3A_55, %dma_start3A_56] : memref<128x128xf32, #tpu.memory_space<vmem>> -> memref<16x128xf32, #tpu.memory_space<vmem>>
        tpu.enqueue_dma source(%dma_start3A_57 : memref<16x128xf32, #tpu.memory_space<vmem>>) target(%dma_start3A_54 : memref<16x128xf32, #tpu.memory_space<vmem_shared>>) target_semaphore(%run_scoped3A : memref<!tpu.dma_semaphore, #tpu.memory_space<semaphore_mem>>)
        %dma_wait3A = arith.constant 0 : i32
        %dma_wait3A_58 = arith.constant 0 : i32
        %dma_wait3A_59 = tpu.memref_slice %arg8[%dma_wait3A, %dma_wait3A_58] : memref<128x128xf32, #tpu.memory_space<vmem>> -> memref<16x128xf32, #tpu.memory_space<vmem>>
        %dma_wait3A_60 = arith.constant 9984 : i32
        %dma_wait3A_61 = arith.constant 0 : i32
        %dma_wait3A_62 = tpu.memref_slice %arg11[%dma_wait3A_60, %dma_wait3A_61] : memref<10000x128xf32, #tpu.memory_space<vmem_shared>> -> memref<16x128xf32, #tpu.memory_space<vmem_shared>>
        %dma_wait3A_63 = arith.constant 9984 : i32
        %dma_wait3A_64 = arith.constant 0 : i32
        %dma_wait3A_65 = tpu.memref_slice %arg11[%dma_wait3A_63, %dma_wait3A_64] : memref<10000x128xf32, #tpu.memory_space<vmem_shared>> -> memref<16x128xf32, #tpu.memory_space<vmem_shared>>
        %dma_wait3A_66 = arith.constant 0 : i32
        %dma_wait3A_67 = arith.constant 0 : i32
        %dma_wait3A_68 = tpu.memref_slice %arg8[%dma_wait3A_66, %dma_wait3A_67] : memref<128x128xf32, #tpu.memory_space<vmem>> -> memref<16x128xf32, #tpu.memory_space<vmem>>
        tpu.wait_dma2 semaphore(%run_scoped3A : memref<!tpu.dma_semaphore, #tpu.memory_space<semaphore_mem>>) src(%dma_wait3A_68 : memref<16x128xf32, #tpu.memory_space<vmem>>) dst(%dma_wait3A_65 : memref<16x128xf32, #tpu.memory_space<vmem_shared>>)
        tpu.yield
      }) : () -> ()
    } else {
    }
    %barrier3A = arith.constant 0 : index
    tpu.barrier barrier_id(%barrier3A)
    %eq3A_10 = arith.constant 0 : i32
    %eq3A_11 = arith.cmpi eq, %arg0, %eq3A_10 : i32
    %mul3A = arith.constant 110 : i32
    %mul3A_12 = arith.muli %arg1, %mul3A : i32
    %mul3A_13 = arith.constant 50 : i32
    %mul3A_14 = arith.muli %arg1, %mul3A_13 : i32
    %add3A = arith.constant 1760 : i32
    %add3A_15 = arith.addi %add3A, %mul3A_14 : i32
    %select_n3A = arith.select %eq3A_11, %mul3A_12, %add3A_15 : i32
    %eq3A_16 = arith.constant 0 : i32
    %eq3A_17 = arith.cmpi eq, %arg0, %eq3A_16 : i32
    %jit3A = arith.constant 110 : i32
    %jit3A_18 = arith.constant 50 : i32
    %select_n3A_19 = arith.select %eq3A_17, %jit3A, %jit3A_18 : i32
    %sub3A = arith.constant 0 : i32
    %sub3A_20 = arith.subi %select_n3A_19, %sub3A : i32
    %sub3A_21 = arith.constant 1 : i32
    %sub3A_22 = arith.constant 1 : i32
    %sub3A_23 = arith.subi %sub3A_21, %sub3A_22 : i32
    %add3A_24 = arith.addi %sub3A_20, %sub3A_23 : i32
    %div3A = arith.constant 1 : i32
    %div3A_25 = arith.divsi %add3A_24, %div3A : i32
    %while3A = arith.constant 1 : i32
    %while3A_26 = arith.constant 0 : i32
    %while3A_27 = arith.constant 0 : i32
    %while3A_28 = arith.subi %div3A_25, %while3A_27 : i32
    %while3A_29 = arith.addi %while3A_27, %while3A_28 : i32
    %while3A_30 = arith.constant 1 : i32
    %while3A_31 = arith.divsi %while3A_28, %while3A_30 : i32
    %while3A_32 = arith.muli %while3A_31, %while3A_30 : i32
    %while3A_33 = arith.addi %while3A_27, %while3A_32 : i32
    %while3A_34 = arith.constant 1 : i32
    scf.for %while3A_47 = %while3A_27 to %while3A_33 step %while3A_34  : i32 {
      %mul3A_48 = arith.muli %while3A_47, %while3A : i32
      %add3A_49 = arith.addi %while3A_26, %mul3A_48 : i32
      %add3A_50 = arith.addi %select_n3A, %add3A_49 : i32
      "tpu.region"() ({
        %run_scoped3A = tpu.sem_alloc : memref<!tpu.dma_semaphore, #tpu.memory_space<semaphore_mem>>
        %dma_start3A_110 = arith.constant 0 : i32
        %dma_start3A_111 = arith.constant 0 : i32
        %dma_start3A_112 = tpu.memref_slice %arg3[%add3A_50, %dma_start3A_110, %dma_start3A_111] : memref<2560x2x128xi32, #tpu.memory_space<hbm>> -> memref<1x2x128xi32, #tpu.memory_space<hbm>>
        %dma_start3A_113 = tpu.memref_squeeze %dma_start3A_112 : memref<1x2x128xi32, #tpu.memory_space<hbm>> -> memref<2x128xi32, #tpu.memory_space<hbm>>
        %dma_start3A_114 = arith.constant 0 : i32
        %dma_start3A_115 = arith.constant 0 : i32
        %dma_start3A_116 = tpu.memref_slice %arg3[%add3A_50, %dma_start3A_114, %dma_start3A_115] : memref<2560x2x128xi32, #tpu.memory_space<hbm>> -> memref<1x2x128xi32, #tpu.memory_space<hbm>>
        %dma_start3A_117 = tpu.memref_squeeze %dma_start3A_116 : memref<1x2x128xi32, #tpu.memory_space<hbm>> -> memref<2x128xi32, #tpu.memory_space<hbm>>
        tpu.enqueue_dma source(%dma_start3A_117 : memref<2x128xi32, #tpu.memory_space<hbm>>) target(%arg7 : memref<2x128xi32, #tpu.memory_space<vmem>>) target_semaphore(%run_scoped3A : memref<!tpu.dma_semaphore, #tpu.memory_space<semaphore_mem>>)
        %dma_wait3A_118 = arith.constant 0 : i32
        %dma_wait3A_119 = arith.constant 0 : i32
        %dma_wait3A_120 = tpu.memref_slice %arg3[%add3A_50, %dma_wait3A_118, %dma_wait3A_119] : memref<2560x2x128xi32, #tpu.memory_space<hbm>> -> memref<1x2x128xi32, #tpu.memory_space<hbm>>
        %dma_wait3A_121 = tpu.memref_squeeze %dma_wait3A_120 : memref<1x2x128xi32, #tpu.memory_space<hbm>> -> memref<2x128xi32, #tpu.memory_space<hbm>>
        %dma_wait3A_122 = arith.constant 0 : i32
        %dma_wait3A_123 = arith.constant 0 : i32
        %dma_wait3A_124 = tpu.memref_slice %arg3[%add3A_50, %dma_wait3A_122, %dma_wait3A_123] : memref<2560x2x128xi32, #tpu.memory_space<hbm>> -> memref<1x2x128xi32, #tpu.memory_space<hbm>>
        %dma_wait3A_125 = tpu.memref_squeeze %dma_wait3A_124 : memref<1x2x128xi32, #tpu.memory_space<hbm>> -> memref<2x128xi32, #tpu.memory_space<hbm>>
        tpu.wait_dma2 semaphore(%run_scoped3A : memref<!tpu.dma_semaphore, #tpu.memory_space<semaphore_mem>>) src(%dma_wait3A_125 : memref<2x128xi32, #tpu.memory_space<hbm>>) dst(%arg7 : memref<2x128xi32, #tpu.memory_space<vmem>>)
        tpu.yield
      }) : () -> ()
      %dma_start3A = arith.constant 0 : i32
      %dma_start3A_51 = arith.constant 0 : i32
      %dma_start3A_52 = tpu.memref_slice %arg7[%dma_start3A, %dma_start3A_51] : memref<2x128xi32, #tpu.memory_space<vmem>> -> memref<1x128xi32, #tpu.memory_space<vmem>>
      %dma_start3A_53 = tpu.memref_squeeze %dma_start3A_52 : memref<1x128xi32, #tpu.memory_space<vmem>> -> memref<128xi32, #tpu.memory_space<vmem>>
      %dma_start3A_54 = arith.constant 0 : i32
      %dma_start3A_55 = arith.constant 0 : i32
      %dma_start3A_56 = tpu.memref_slice %arg2[%dma_start3A_54, %dma_start3A_55] : memref<10240x128xf32, #tpu.memory_space<hbm>> -> memref<10240x128xf32, #tpu.memory_space<hbm>>
      tpu.enqueue_indirect_dma source(%dma_start3A_56 : memref<10240x128xf32, #tpu.memory_space<hbm>>) target(%arg8 : memref<128x128xf32, #tpu.memory_space<vmem>>) offsets(%dma_start3A_53 : memref<128xi32, #tpu.memory_space<vmem>>) semaphore(%arg12 : memref<!tpu.dma_semaphore, #tpu.memory_space<semaphore_mem>>)
      %dma_start3A_57 = arith.constant 1 : i32
      %dma_start3A_58 = arith.constant 0 : i32
      %dma_start3A_59 = tpu.memref_slice %arg7[%dma_start3A_57, %dma_start3A_58] : memref<2x128xi32, #tpu.memory_space<vmem>> -> memref<1x128xi32, #tpu.memory_space<vmem>>
      %dma_start3A_60 = tpu.memref_squeeze %dma_start3A_59 : memref<1x128xi32, #tpu.memory_space<vmem>> -> memref<128xi32, #tpu.memory_space<vmem>>
      %dma_start3A_61 = arith.constant 0 : i32
      %dma_start3A_62 = arith.constant 0 : i32
      %dma_start3A_63 = tpu.memref_slice %arg2[%dma_start3A_61, %dma_start3A_62] : memref<10240x128xf32, #tpu.memory_space<hbm>> -> memref<10240x128xf32, #tpu.memory_space<hbm>>
      tpu.enqueue_indirect_dma source(%dma_start3A_63 : memref<10240x128xf32, #tpu.memory_space<hbm>>) target(%arg9 : memref<128x128xf32, #tpu.memory_space<vmem>>) offsets(%dma_start3A_60 : memref<128xi32, #tpu.memory_space<vmem>>) semaphore(%arg13 : memref<!tpu.dma_semaphore, #tpu.memory_space<semaphore_mem>>)
      "tpu.region"() ({
        %run_scoped3A = tpu.sem_alloc : memref<!tpu.dma_semaphore, #tpu.memory_space<semaphore_mem>>
        %dma_start3A_110 = arith.constant 0 : i32
        %dma_start3A_111 = arith.constant 0 : i32
        %dma_start3A_112 = tpu.memref_slice %arg4[%add3A_50, %dma_start3A_110, %dma_start3A_111] : memref<2560x128x128xf32, #tpu.memory_space<hbm>> -> memref<1x128x128xf32, #tpu.memory_space<hbm>>
        %dma_start3A_113 = tpu.memref_squeeze %dma_start3A_112 : memref<1x128x128xf32, #tpu.memory_space<hbm>> -> memref<128x128xf32, #tpu.memory_space<hbm>>
        %dma_start3A_114 = arith.constant 0 : i32
        %dma_start3A_115 = arith.constant 0 : i32
        %dma_start3A_116 = tpu.memref_slice %arg4[%add3A_50, %dma_start3A_114, %dma_start3A_115] : memref<2560x128x128xf32, #tpu.memory_space<hbm>> -> memref<1x128x128xf32, #tpu.memory_space<hbm>>
        %dma_start3A_117 = tpu.memref_squeeze %dma_start3A_116 : memref<1x128x128xf32, #tpu.memory_space<hbm>> -> memref<128x128xf32, #tpu.memory_space<hbm>>
        tpu.enqueue_dma source(%dma_start3A_117 : memref<128x128xf32, #tpu.memory_space<hbm>>) target(%arg10 : memref<128x128xf32, #tpu.memory_space<vmem>>) target_semaphore(%run_scoped3A : memref<!tpu.dma_semaphore, #tpu.memory_space<semaphore_mem>>)
        %dma_wait3A_118 = arith.constant 0 : i32
        %dma_wait3A_119 = arith.constant 0 : i32
        %dma_wait3A_120 = tpu.memref_slice %arg4[%add3A_50, %dma_wait3A_118, %dma_wait3A_119] : memref<2560x128x128xf32, #tpu.memory_space<hbm>> -> memref<1x128x128xf32, #tpu.memory_space<hbm>>
        %dma_wait3A_121 = tpu.memref_squeeze %dma_wait3A_120 : memref<1x128x128xf32, #tpu.memory_space<hbm>> -> memref<128x128xf32, #tpu.memory_space<hbm>>
        %dma_wait3A_122 = arith.constant 0 : i32
        %dma_wait3A_123 = arith.constant 0 : i32
        %dma_wait3A_124 = tpu.memref_slice %arg4[%add3A_50, %dma_wait3A_122, %dma_wait3A_123] : memref<2560x128x128xf32, #tpu.memory_space<hbm>> -> memref<1x128x128xf32, #tpu.memory_space<hbm>>
        %dma_wait3A_125 = tpu.memref_squeeze %dma_wait3A_124 : memref<1x128x128xf32, #tpu.memory_space<hbm>> -> memref<128x128xf32, #tpu.memory_space<hbm>>
        tpu.wait_dma2 semaphore(%run_scoped3A : memref<!tpu.dma_semaphore, #tpu.memory_space<semaphore_mem>>) src(%dma_wait3A_125 : memref<128x128xf32, #tpu.memory_space<hbm>>) dst(%arg10 : memref<128x128xf32, #tpu.memory_space<vmem>>)
        tpu.yield
      }) : () -> ()
      %dma_wait3A = arith.constant 0 : i32
      %dma_wait3A_64 = arith.constant 0 : i32
      %dma_wait3A_65 = tpu.memref_slice %arg7[%dma_wait3A, %dma_wait3A_64] : memref<2x128xi32, #tpu.memory_space<vmem>> -> memref<1x128xi32, #tpu.memory_space<vmem>>
      %dma_wait3A_66 = tpu.memref_squeeze %dma_wait3A_65 : memref<1x128xi32, #tpu.memory_space<vmem>> -> memref<128xi32, #tpu.memory_space<vmem>>
      %dma_wait3A_67 = arith.constant 0 : i32
      %dma_wait3A_68 = arith.constant 0 : i32
      %dma_wait3A_69 = tpu.memref_slice %arg2[%dma_wait3A_67, %dma_wait3A_68] : memref<10240x128xf32, #tpu.memory_space<hbm>> -> memref<10240x128xf32, #tpu.memory_space<hbm>>
      tpu.wait_indirect_dma semaphore(%arg12 : memref<!tpu.dma_semaphore, #tpu.memory_space<semaphore_mem>>) src(%dma_wait3A_69 : memref<10240x128xf32, #tpu.memory_space<hbm>>) dst(%arg8 : memref<128x128xf32, #tpu.memory_space<vmem>>)
      %dma_wait3A_70 = arith.constant 1 : i32
      %dma_wait3A_71 = arith.constant 0 : i32
      %dma_wait3A_72 = tpu.memref_slice %arg7[%dma_wait3A_70, %dma_wait3A_71] : memref<2x128xi32, #tpu.memory_space<vmem>> -> memref<1x128xi32, #tpu.memory_space<vmem>>
      %dma_wait3A_73 = tpu.memref_squeeze %dma_wait3A_72 : memref<1x128xi32, #tpu.memory_space<vmem>> -> memref<128xi32, #tpu.memory_space<vmem>>
      %dma_wait3A_74 = arith.constant 0 : i32
      %dma_wait3A_75 = arith.constant 0 : i32
      %dma_wait3A_76 = tpu.memref_slice %arg2[%dma_wait3A_74, %dma_wait3A_75] : memref<10240x128xf32, #tpu.memory_space<hbm>> -> memref<10240x128xf32, #tpu.memory_space<hbm>>
      tpu.wait_indirect_dma semaphore(%arg13 : memref<!tpu.dma_semaphore, #tpu.memory_space<semaphore_mem>>) src(%dma_wait3A_76 : memref<10240x128xf32, #tpu.memory_space<hbm>>) dst(%arg9 : memref<128x128xf32, #tpu.memory_space<vmem>>)
      %scan3A_77 = arith.constant 0 : i32
      %scan3A_78 = arith.constant 128 : i32
      %scan3A_79 = arith.addi %scan3A_77, %scan3A_78 : i32
      %scan3A_80 = arith.constant 1 : i32
      scf.for %scan3A_110 = %scan3A_77 to %scan3A_79 step %scan3A_80  : i32 {
        %mul3A_111 = arith.constant 1 : i32
        %mul3A_112 = arith.muli %scan3A_110, %mul3A_111 : i32
        %add3A_113 = arith.constant 0 : i32
        %add3A_114 = arith.addi %add3A_113, %mul3A_112 : i32
        %get3A = arith.index_cast %add3A_114 : i32 to index
        %get3A_115 = arith.constant 0 : index
        %get3A_116 = tpu.vector_load %arg10[%get3A, %get3A_115] {strides = array<i32>} : memref<128x128xf32, #tpu.memory_space<vmem>>, vector<1x16xf32>,
        %get3A_117 = vector.shape_cast %get3A_116 : vector<1x16xf32> to vector<16xf32>
        %get3A_118 = arith.index_cast %add3A_114 : i32 to index
        %get3A_119 = arith.constant 0 : index
        %get3A_120 = tpu.vector_load %arg8[%get3A_118, %get3A_119] {strides = array<i32>} : memref<128x128xf32, #tpu.memory_space<vmem>>, vector<1x16xf32>,
        %get3A_121 = vector.shape_cast %get3A_120 : vector<1x16xf32> to vector<16xf32>
        %mul3A_122 = arith.mulf %get3A_121, %get3A_117 : vector<16xf32>
        %swap3A = arith.index_cast %add3A_114 : i32 to index
        %swap3A_123 = arith.constant 0 : index
        %swap3A_124 = tpu.vector_load %arg8[%swap3A, %swap3A_123] {strides = array<i32>} : memref<128x128xf32, #tpu.memory_space<vmem>>, vector<1x16xf32>,
        %swap3A_125 = vector.shape_cast %swap3A_124 : vector<1x16xf32> to vector<16xf32>
        %swap3A_126 = vector.shape_cast %mul3A_122 : vector<16xf32> to vector<1x16xf32>
        tpu.vector_store %arg8[%swap3A, %swap3A_123], %swap3A_126 {strides = array<i32>} : memref<128x128xf32, #tpu.memory_space<vmem>>, vector<1x16xf32>,
        %get3A_127 = arith.index_cast %add3A_114 : i32 to index
        %get3A_128 = arith.constant 0 : index
        %get3A_129 = tpu.vector_load %arg9[%get3A_127, %get3A_128] {strides = array<i32>} : memref<128x128xf32, #tpu.memory_space<vmem>>, vector<1x16xf32>,
        %get3A_130 = vector.shape_cast %get3A_129 : vector<1x16xf32> to vector<16xf32>
        %mul3A_131 = arith.mulf %get3A_130, %get3A_117 : vector<16xf32>
        %swap3A_132 = arith.index_cast %add3A_114 : i32 to index
        %swap3A_133 = arith.constant 0 : index
        %swap3A_134 = tpu.vector_load %arg9[%swap3A_132, %swap3A_133] {strides = array<i32>} : memref<128x128xf32, #tpu.memory_space<vmem>>, vector<1x16xf32>,
        %swap3A_135 = vector.shape_cast %swap3A_134 : vector<1x16xf32> to vector<16xf32>
        %swap3A_136 = vector.shape_cast %mul3A_131 : vector<16xf32> to vector<1x16xf32>
        tpu.vector_store %arg9[%swap3A_132, %swap3A_133], %swap3A_136 {strides = array<i32>} : memref<128x128xf32, #tpu.memory_space<vmem>>, vector<1x16xf32>,
        %get3A_137 = arith.index_cast %add3A_114 : i32 to index
        %get3A_138 = arith.constant 16 : index
        %get3A_139 = tpu.vector_load %arg10[%get3A_137, %get3A_138] {strides = array<i32>} : memref<128x128xf32, #tpu.memory_space<vmem>>, vector<1x16xf32>,
        %get3A_140 = vector.shape_cast %get3A_139 : vector<1x16xf32> to vector<16xf32>
        %get3A_141 = arith.index_cast %add3A_114 : i32 to index
        %get3A_142 = arith.constant 16 : index
        %get3A_143 = tpu.vector_load %arg8[%get3A_141, %get3A_142] {strides = array<i32>} : memref<128x128xf32, #tpu.memory_space<vmem>>, vector<1x16xf32>,
        %get3A_144 = vector.shape_cast %get3A_143 : vector<1x16xf32> to vector<16xf32>
        %mul3A_145 = arith.mulf %get3A_144, %get3A_140 : vector<16xf32>
        %swap3A_146 = arith.index_cast %add3A_114 : i32 to index
        %swap3A_147 = arith.constant 16 : index
        %swap3A_148 = tpu.vector_load %arg8[%swap3A_146, %swap3A_147] {strides = array<i32>} : memref<128x128xf32, #tpu.memory_space<vmem>>, vector<1x16xf32>,
        %swap3A_149 = vector.shape_cast %swap3A_148 : vector<1x16xf32> to vector<16xf32>
        %swap3A_150 = vector.shape_cast %mul3A_145 : vector<16xf32> to vector<1x16xf32>
        tpu.vector_store %arg8[%swap3A_146, %swap3A_147], %swap3A_150 {strides = array<i32>} : memref<128x128xf32, #tpu.memory_space<vmem>>, vector<1x16xf32>,
        %get3A_151 = arith.index_cast %add3A_114 : i32 to index
        %get3A_152 = arith.constant 16 : index
        %get3A_153 = tpu.vector_load %arg9[%get3A_151, %get3A_152] {strides = array<i32>} : memref<128x128xf32, #tpu.memory_space<vmem>>, vector<1x16xf32>,
        %get3A_154 = vector.shape_cast %get3A_153 : vector<1x16xf32> to vector<16xf32>
        %mul3A_155 = arith.mulf %get3A_154, %get3A_140 : vector<16xf32>
        %swap3A_156 = arith.index_cast %add3A_114 : i32 to index
        %swap3A_157 = arith.constant 16 : index
        %swap3A_158 = tpu.vector_load %arg9[%swap3A_156, %swap3A_157] {strides = array<i32>} : memref<128x128xf32, #tpu.memory_space<vmem>>, vector<1x16xf32>,
        %swap3A_159 = vector.shape_cast %swap3A_158 : vector<1x16xf32> to vector<16xf32>
        %swap3A_160 = vector.shape_cast %mul3A_155 : vector<16xf32> to vector<1x16xf32>
        tpu.vector_store %arg9[%swap3A_156, %swap3A_157], %swap3A_160 {strides = array<i32>} : memref<128x128xf32, #tpu.memory_space<vmem>>, vector<1x16xf32>,
        %get3A_161 = arith.index_cast %add3A_114 : i32 to index
        %get3A_162 = arith.constant 32 : index
        %get3A_163 = tpu.vector_load %arg10[%get3A_161, %get3A_162] {strides = array<i32>} : memref<128x128xf32, #tpu.memory_space<vmem>>, vector<1x16xf32>,
        %get3A_164 = vector.shape_cast %get3A_163 : vector<1x16xf32> to vector<16xf32>
        %get3A_165 = arith.index_cast %add3A_114 : i32 to index
        %get3A_166 = arith.constant 32 : index
        %get3A_167 = tpu.vector_load %arg8[%get3A_165, %get3A_166] {strides = array<i32>} : memref<128x128xf32, #tpu.memory_space<vmem>>, vector<1x16xf32>,
        %get3A_168 = vector.shape_cast %get3A_167 : vector<1x16xf32> to vector<16xf32>
        %mul3A_169 = arith.mulf %get3A_168, %get3A_164 : vector<16xf32>
        %swap3A_170 = arith.index_cast %add3A_114 : i32 to index
        %swap3A_171 = arith.constant 32 : index
        %swap3A_172 = tpu.vector_load %arg8[%swap3A_170, %swap3A_171] {strides = array<i32>} : memref<128x128xf32, #tpu.memory_space<vmem>>, vector<1x16xf32>,
        %swap3A_173 = vector.shape_cast %swap3A_172 : vector<1x16xf32> to vector<16xf32>
        %swap3A_174 = vector.shape_cast %mul3A_169 : vector<16xf32> to vector<1x16xf32>
        tpu.vector_store %arg8[%swap3A_170, %swap3A_171], %swap3A_174 {strides = array<i32>} : memref<128x128xf32, #tpu.memory_space<vmem>>, vector<1x16xf32>,
        %get3A_175 = arith.index_cast %add3A_114 : i32 to index
        %get3A_176 = arith.constant 32 : index
        %get3A_177 = tpu.vector_load %arg9[%get3A_175, %get3A_176] {strides = array<i32>} : memref<128x128xf32, #tpu.memory_space<vmem>>, vector<1x16xf32>,
        %get3A_178 = vector.shape_cast %get3A_177 : vector<1x16xf32> to vector<16xf32>
        %mul3A_179 = arith.mulf %get3A_178, %get3A_164 : vector<16xf32>
        %swap3A_180 = arith.index_cast %add3A_114 : i32 to index
        %swap3A_181 = arith.constant 32 : index
        %swap3A_182 = tpu.vector_load %arg9[%swap3A_180, %swap3A_181] {strides = array<i32>} : memref<128x128xf32, #tpu.memory_space<vmem>>, vector<1x16xf32>,
        %swap3A_183 = vector.shape_cast %swap3A_182 : vector<1x16xf32> to vector<16xf32>
        %swap3A_184 = vector.shape_cast %mul3A_179 : vector<16xf32> to vector<1x16xf32>
        tpu.vector_store %arg9[%swap3A_180, %swap3A_181], %swap3A_184 {strides = array<i32>} : memref<128x128xf32, #tpu.memory_space<vmem>>, vector<1x16xf32>,
        %get3A_185 = arith.index_cast %add3A_114 : i32 to index
        %get3A_186 = arith.constant 48 : index
        %get3A_187 = tpu.vector_load %arg10[%get3A_185, %get3A_186] {strides = array<i32>} : memref<128x128xf32, #tpu.memory_space<vmem>>, vector<1x16xf32>,
        %get3A_188 = vector.shape_cast %get3A_187 : vector<1x16xf32> to vector<16xf32>
        %get3A_189 = arith.index_cast %add3A_114 : i32 to index
        %get3A_190 = arith.constant 48 : index
        %get3A_191 = tpu.vector_load %arg8[%get3A_189, %get3A_190] {strides = array<i32>} : memref<128x128xf32, #tpu.memory_space<vmem>>, vector<1x16xf32>,
        %get3A_192 = vector.shape_cast %get3A_191 : vector<1x16xf32> to vector<16xf32>
        %mul3A_193 = arith.mulf %get3A_192, %get3A_188 : vector<16xf32>
        %swap3A_194 = arith.index_cast %add3A_114 : i32 to index
        %swap3A_195 = arith.constant 48 : index
        %swap3A_196 = tpu.vector_load %arg8[%swap3A_194, %swap3A_195] {strides = array<i32>} : memref<128x128xf32, #tpu.memory_space<vmem>>, vector<1x16xf32>,
        %swap3A_197 = vector.shape_cast %swap3A_196 : vector<1x16xf32> to vector<16xf32>
        %swap3A_198 = vector.shape_cast %mul3A_193 : vector<16xf32> to vector<1x16xf32>
        tpu.vector_store %arg8[%swap3A_194, %swap3A_195], %swap3A_198 {strides = array<i32>} : memref<128x128xf32, #tpu.memory_space<vmem>>, vector<1x16xf32>,
        %get3A_199 = arith.index_cast %add3A_114 : i32 to index
        %get3A_200 = arith.constant 48 : index
        %get3A_201 = tpu.vector_load %arg9[%get3A_199, %get3A_200] {strides = array<i32>} : memref<128x128xf32, #tpu.memory_space<vmem>>, vector<1x16xf32>,
        %get3A_202 = vector.shape_cast %get3A_201 : vector<1x16xf32> to vector<16xf32>
        %mul3A_203 = arith.mulf %get3A_202, %get3A_188 : vector<16xf32>
        %swap3A_204 = arith.index_cast %add3A_114 : i32 to index
        %swap3A_205 = arith.constant 48 : index
        %swap3A_206 = tpu.vector_load %arg9[%swap3A_204, %swap3A_205] {strides = array<i32>} : memref<128x128xf32, #tpu.memory_space<vmem>>, vector<1x16xf32>,
        %swap3A_207 = vector.shape_cast %swap3A_206 : vector<1x16xf32> to vector<16xf32>
        %swap3A_208 = vector.shape_cast %mul3A_203 : vector<16xf32> to vector<1x16xf32>
        tpu.vector_store %arg9[%swap3A_204, %swap3A_205], %swap3A_208 {strides = array<i32>} : memref<128x128xf32, #tpu.memory_space<vmem>>, vector<1x16xf32>,
        %get3A_209 = arith.index_cast %add3A_114 : i32 to index
        %get3A_210 = arith.constant 64 : index
        %get3A_211 = tpu.vector_load %arg10[%get3A_209, %get3A_210] {strides = array<i32>} : memref<128x128xf32, #tpu.memory_space<vmem>>, vector<1x16xf32>,
        %get3A_212 = vector.shape_cast %get3A_211 : vector<1x16xf32> to vector<16xf32>
        %get3A_213 = arith.index_cast %add3A_114 : i32 to index
        %get3A_214 = arith.constant 64 : index
        %get3A_215 = tpu.vector_load %arg8[%get3A_213, %get3A_214] {strides = array<i32>} : memref<128x128xf32, #tpu.memory_space<vmem>>, vector<1x16xf32>,
        %get3A_216 = vector.shape_cast %get3A_215 : vector<1x16xf32> to vector<16xf32>
        %mul3A_217 = arith.mulf %get3A_216, %get3A_212 : vector<16xf32>
        %swap3A_218 = arith.index_cast %add3A_114 : i32 to index
        %swap3A_219 = arith.constant 64 : index
        %swap3A_220 = tpu.vector_load %arg8[%swap3A_218, %swap3A_219] {strides = array<i32>} : memref<128x128xf32, #tpu.memory_space<vmem>>, vector<1x16xf32>,
        %swap3A_221 = vector.shape_cast %swap3A_220 : vector<1x16xf32> to vector<16xf32>
        %swap3A_222 = vector.shape_cast %mul3A_217 : vector<16xf32> to vector<1x16xf32>
        tpu.vector_store %arg8[%swap3A_218, %swap3A_219], %swap3A_222 {strides = array<i32>} : memref<128x128xf32, #tpu.memory_space<vmem>>, vector<1x16xf32>,
        %get3A_223 = arith.index_cast %add3A_114 : i32 to index
        %get3A_224 = arith.constant 64 : index
        %get3A_225 = tpu.vector_load %arg9[%get3A_223, %get3A_224] {strides = array<i32>} : memref<128x128xf32, #tpu.memory_space<vmem>>, vector<1x16xf32>,
        %get3A_226 = vector.shape_cast %get3A_225 : vector<1x16xf32> to vector<16xf32>
        %mul3A_227 = arith.mulf %get3A_226, %get3A_212 : vector<16xf32>
        %swap3A_228 = arith.index_cast %add3A_114 : i32 to index
        %swap3A_229 = arith.constant 64 : index
        %swap3A_230 = tpu.vector_load %arg9[%swap3A_228, %swap3A_229] {strides = array<i32>} : memref<128x128xf32, #tpu.memory_space<vmem>>, vector<1x16xf32>,
        %swap3A_231 = vector.shape_cast %swap3A_230 : vector<1x16xf32> to vector<16xf32>
        %swap3A_232 = vector.shape_cast %mul3A_227 : vector<16xf32> to vector<1x16xf32>
        tpu.vector_store %arg9[%swap3A_228, %swap3A_229], %swap3A_232 {strides = array<i32>} : memref<128x128xf32, #tpu.memory_space<vmem>>, vector<1x16xf32>,
        %get3A_233 = arith.index_cast %add3A_114 : i32 to index
        %get3A_234 = arith.constant 80 : index
        %get3A_235 = tpu.vector_load %arg10[%get3A_233, %get3A_234] {strides = array<i32>} : memref<128x128xf32, #tpu.memory_space<vmem>>, vector<1x16xf32>,
        %get3A_236 = vector.shape_cast %get3A_235 : vector<1x16xf32> to vector<16xf32>
        %get3A_237 = arith.index_cast %add3A_114 : i32 to index
        %get3A_238 = arith.constant 80 : index
        %get3A_239 = tpu.vector_load %arg8[%get3A_237, %get3A_238] {strides = array<i32>} : memref<128x128xf32, #tpu.memory_space<vmem>>, vector<1x16xf32>,
        %get3A_240 = vector.shape_cast %get3A_239 : vector<1x16xf32> to vector<16xf32>
        %mul3A_241 = arith.mulf %get3A_240, %get3A_236 : vector<16xf32>
        %swap3A_242 = arith.index_cast %add3A_114 : i32 to index
        %swap3A_243 = arith.constant 80 : index
        %swap3A_244 = tpu.vector_load %arg8[%swap3A_242, %swap3A_243] {strides = array<i32>} : memref<128x128xf32, #tpu.memory_space<vmem>>, vector<1x16xf32>,
        %swap3A_245 = vector.shape_cast %swap3A_244 : vector<1x16xf32> to vector<16xf32>
        %swap3A_246 = vector.shape_cast %mul3A_241 : vector<16xf32> to vector<1x16xf32>
        tpu.vector_store %arg8[%swap3A_242, %swap3A_243], %swap3A_246 {strides = array<i32>} : memref<128x128xf32, #tpu.memory_space<vmem>>, vector<1x16xf32>,
        %get3A_247 = arith.index_cast %add3A_114 : i32 to index
        %get3A_248 = arith.constant 80 : index
        %get3A_249 = tpu.vector_load %arg9[%get3A_247, %get3A_248] {strides = array<i32>} : memref<128x128xf32, #tpu.memory_space<vmem>>, vector<1x16xf32>,
        %get3A_250 = vector.shape_cast %get3A_249 : vector<1x16xf32> to vector<16xf32>
        %mul3A_251 = arith.mulf %get3A_250, %get3A_236 : vector<16xf32>
        %swap3A_252 = arith.index_cast %add3A_114 : i32 to index
        %swap3A_253 = arith.constant 80 : index
        %swap3A_254 = tpu.vector_load %arg9[%swap3A_252, %swap3A_253] {strides = array<i32>} : memref<128x128xf32, #tpu.memory_space<vmem>>, vector<1x16xf32>,
        %swap3A_255 = vector.shape_cast %swap3A_254 : vector<1x16xf32> to vector<16xf32>
        %swap3A_256 = vector.shape_cast %mul3A_251 : vector<16xf32> to vector<1x16xf32>
        tpu.vector_store %arg9[%swap3A_252, %swap3A_253], %swap3A_256 {strides = array<i32>} : memref<128x128xf32, #tpu.memory_space<vmem>>, vector<1x16xf32>,
        %get3A_257 = arith.index_cast %add3A_114 : i32 to index
        %get3A_258 = arith.constant 96 : index
        %get3A_259 = tpu.vector_load %arg10[%get3A_257, %get3A_258] {strides = array<i32>} : memref<128x128xf32, #tpu.memory_space<vmem>>, vector<1x16xf32>,
        %get3A_260 = vector.shape_cast %get3A_259 : vector<1x16xf32> to vector<16xf32>
        %get3A_261 = arith.index_cast %add3A_114 : i32 to index
        %get3A_262 = arith.constant 96 : index
        %get3A_263 = tpu.vector_load %arg8[%get3A_261, %get3A_262] {strides = array<i32>} : memref<128x128xf32, #tpu.memory_space<vmem>>, vector<1x16xf32>,
        %get3A_264 = vector.shape_cast %get3A_263 : vector<1x16xf32> to vector<16xf32>
        %mul3A_265 = arith.mulf %get3A_264, %get3A_260 : vector<16xf32>
        %swap3A_266 = arith.index_cast %add3A_114 : i32 to index
        %swap3A_267 = arith.constant 96 : index
        %swap3A_268 = tpu.vector_load %arg8[%swap3A_266, %swap3A_267] {strides = array<i32>} : memref<128x128xf32, #tpu.memory_space<vmem>>, vector<1x16xf32>,
        %swap3A_269 = vector.shape_cast %swap3A_268 : vector<1x16xf32> to vector<16xf32>
        %swap3A_270 = vector.shape_cast %mul3A_265 : vector<16xf32> to vector<1x16xf32>
        tpu.vector_store %arg8[%swap3A_266, %swap3A_267], %swap3A_270 {strides = array<i32>} : memref<128x128xf32, #tpu.memory_space<vmem>>, vector<1x16xf32>,
        %get3A_271 = arith.index_cast %add3A_114 : i32 to index
        %get3A_272 = arith.constant 96 : index
        %get3A_273 = tpu.vector_load %arg9[%get3A_271, %get3A_272] {strides = array<i32>} : memref<128x128xf32, #tpu.memory_space<vmem>>, vector<1x16xf32>,
        %get3A_274 = vector.shape_cast %get3A_273 : vector<1x16xf32> to vector<16xf32>
        %mul3A_275 = arith.mulf %get3A_274, %get3A_260 : vector<16xf32>
        %swap3A_276 = arith.index_cast %add3A_114 : i32 to index
        %swap3A_277 = arith.constant 96 : index
        %swap3A_278 = tpu.vector_load %arg9[%swap3A_276, %swap3A_277] {strides = array<i32>} : memref<128x128xf32, #tpu.memory_space<vmem>>, vector<1x16xf32>,
        %swap3A_279 = vector.shape_cast %swap3A_278 : vector<1x16xf32> to vector<16xf32>
        %swap3A_280 = vector.shape_cast %mul3A_275 : vector<16xf32> to vector<1x16xf32>
        tpu.vector_store %arg9[%swap3A_276, %swap3A_277], %swap3A_280 {strides = array<i32>} : memref<128x128xf32, #tpu.memory_space<vmem>>, vector<1x16xf32>,
        %get3A_281 = arith.index_cast %add3A_114 : i32 to index
        %get3A_282 = arith.constant 112 : index
        %get3A_283 = tpu.vector_load %arg10[%get3A_281, %get3A_282] {strides = array<i32>} : memref<128x128xf32, #tpu.memory_space<vmem>>, vector<1x16xf32>,
        %get3A_284 = vector.shape_cast %get3A_283 : vector<1x16xf32> to vector<16xf32>
        %get3A_285 = arith.index_cast %add3A_114 : i32 to index
        %get3A_286 = arith.constant 112 : index
        %get3A_287 = tpu.vector_load %arg8[%get3A_285, %get3A_286] {strides = array<i32>} : memref<128x128xf32, #tpu.memory_space<vmem>>, vector<1x16xf32>,
        %get3A_288 = vector.shape_cast %get3A_287 : vector<1x16xf32> to vector<16xf32>
        %mul3A_289 = arith.mulf %get3A_288, %get3A_284 : vector<16xf32>
        %swap3A_290 = arith.index_cast %add3A_114 : i32 to index
        %swap3A_291 = arith.constant 112 : index
        %swap3A_292 = tpu.vector_load %arg8[%swap3A_290, %swap3A_291] {strides = array<i32>} : memref<128x128xf32, #tpu.memory_space<vmem>>, vector<1x16xf32>,
        %swap3A_293 = vector.shape_cast %swap3A_292 : vector<1x16xf32> to vector<16xf32>
        %swap3A_294 = vector.shape_cast %mul3A_289 : vector<16xf32> to vector<1x16xf32>
        tpu.vector_store %arg8[%swap3A_290, %swap3A_291], %swap3A_294 {strides = array<i32>} : memref<128x128xf32, #tpu.memory_space<vmem>>, vector<1x16xf32>,
        %get3A_295 = arith.index_cast %add3A_114 : i32 to index
        %get3A_296 = arith.constant 112 : index
        %get3A_297 = tpu.vector_load %arg9[%get3A_295, %get3A_296] {strides = array<i32>} : memref<128x128xf32, #tpu.memory_space<vmem>>, vector<1x16xf32>,
        %get3A_298 = vector.shape_cast %get3A_297 : vector<1x16xf32> to vector<16xf32>
        %mul3A_299 = arith.mulf %get3A_298, %get3A_284 : vector<16xf32>
        %swap3A_300 = arith.index_cast %add3A_114 : i32 to index
        %swap3A_301 = arith.constant 112 : index
        %swap3A_302 = tpu.vector_load %arg9[%swap3A_300, %swap3A_301] {strides = array<i32>} : memref<128x128xf32, #tpu.memory_space<vmem>>, vector<1x16xf32>,
        %swap3A_303 = vector.shape_cast %swap3A_302 : vector<1x16xf32> to vector<16xf32>
        %swap3A_304 = vector.shape_cast %mul3A_299 : vector<16xf32> to vector<1x16xf32>
        tpu.vector_store %arg9[%swap3A_300, %swap3A_301], %swap3A_304 {strides = array<i32>} : memref<128x128xf32, #tpu.memory_space<vmem>>, vector<1x16xf32>,
      }
      %scan3A_81 = arith.constant 128 : i32
      %dma_start3A_82 = arith.constant 1 : i32
      %dma_start3A_83 = arith.constant 0 : i32
      %dma_start3A_84 = tpu.memref_slice %arg7[%dma_start3A_82, %dma_start3A_83] : memref<2x128xi32, #tpu.memory_space<vmem>> -> memref<1x128xi32, #tpu.memory_space<vmem>>
      %dma_start3A_85 = tpu.memref_squeeze %dma_start3A_84 : memref<1x128xi32, #tpu.memory_space<vmem>> -> memref<128xi32, #tpu.memory_space<vmem>>
      %dma_start3A_86 = arith.constant 0 : i32
      %dma_start3A_87 = arith.constant 0 : i32
      %dma_start3A_88 = tpu.memref_slice %arg11[%dma_start3A_86, %dma_start3A_87] : memref<10000x128xf32, #tpu.memory_space<vmem_shared>> -> memref<10000x128xf32, #tpu.memory_space<vmem_shared>>
      tpu.enqueue_indirect_dma source(%arg8 : memref<128x128xf32, #tpu.memory_space<vmem>>) target(%dma_start3A_88 : memref<10000x128xf32, #tpu.memory_space<vmem_shared>>) offsets(%dma_start3A_85 : memref<128xi32, #tpu.memory_space<vmem>>) semaphore(%arg14 : memref<!tpu.dma_semaphore, #tpu.memory_space<semaphore_mem>>) {add = true}
      %dma_start3A_89 = arith.constant 0 : i32
      %dma_start3A_90 = arith.constant 0 : i32
      %dma_start3A_91 = tpu.memref_slice %arg7[%dma_start3A_89, %dma_start3A_90] : memref<2x128xi32, #tpu.memory_space<vmem>> -> memref<1x128xi32, #tpu.memory_space<vmem>>
      %dma_start3A_92 = tpu.memref_squeeze %dma_start3A_91 : memref<1x128xi32, #tpu.memory_space<vmem>> -> memref<128xi32, #tpu.memory_space<vmem>>
      %dma_start3A_93 = arith.constant 0 : i32
      %dma_start3A_94 = arith.constant 0 : i32
      %dma_start3A_95 = tpu.memref_slice %arg11[%dma_start3A_93, %dma_start3A_94] : memref<10000x128xf32, #tpu.memory_space<vmem_shared>> -> memref<10000x128xf32, #tpu.memory_space<vmem_shared>>
      tpu.enqueue_indirect_dma source(%arg9 : memref<128x128xf32, #tpu.memory_space<vmem>>) target(%dma_start3A_95 : memref<10000x128xf32, #tpu.memory_space<vmem_shared>>) offsets(%dma_start3A_92 : memref<128xi32, #tpu.memory_space<vmem>>) semaphore(%arg15 : memref<!tpu.dma_semaphore, #tpu.memory_space<semaphore_mem>>) {add = true}
      %dma_wait3A_96 = arith.constant 1 : i32
      %dma_wait3A_97 = arith.constant 0 : i32
      %dma_wait3A_98 = tpu.memref_slice %arg7[%dma_wait3A_96, %dma_wait3A_97] : memref<2x128xi32, #tpu.memory_space<vmem>> -> memref<1x128xi32, #tpu.memory_space<vmem>>
      %dma_wait3A_99 = tpu.memref_squeeze %dma_wait3A_98 : memref<1x128xi32, #tpu.memory_space<vmem>> -> memref<128xi32, #tpu.memory_space<vmem>>
      %dma_wait3A_100 = arith.constant 0 : i32
      %dma_wait3A_101 = arith.constant 0 : i32
      %dma_wait3A_102 = tpu.memref_slice %arg11[%dma_wait3A_100, %dma_wait3A_101] : memref<10000x128xf32, #tpu.memory_space<vmem_shared>> -> memref<10000x128xf32, #tpu.memory_space<vmem_shared>>
      tpu.wait_indirect_dma semaphore(%arg14 : memref<!tpu.dma_semaphore, #tpu.memory_space<semaphore_mem>>) src(%arg8 : memref<128x128xf32, #tpu.memory_space<vmem>>) dst(%dma_wait3A_102 : memref<10000x128xf32, #tpu.memory_space<vmem_shared>>)
      %dma_wait3A_103 = arith.constant 0 : i32
      %dma_wait3A_104 = arith.constant 0 : i32
      %dma_wait3A_105 = tpu.memref_slice %arg7[%dma_wait3A_103, %dma_wait3A_104] : memref<2x128xi32, #tpu.memory_space<vmem>> -> memref<1x128xi32, #tpu.memory_space<vmem>>
      %dma_wait3A_106 = tpu.memref_squeeze %dma_wait3A_105 : memref<1x128xi32, #tpu.memory_space<vmem>> -> memref<128xi32, #tpu.memory_space<vmem>>
      %dma_wait3A_107 = arith.constant 0 : i32
      %dma_wait3A_108 = arith.constant 0 : i32
      %dma_wait3A_109 = tpu.memref_slice %arg11[%dma_wait3A_107, %dma_wait3A_108] : memref<10000x128xf32, #tpu.memory_space<vmem_shared>> -> memref<10000x128xf32, #tpu.memory_space<vmem_shared>>
      tpu.wait_indirect_dma semaphore(%arg15 : memref<!tpu.dma_semaphore, #tpu.memory_space<semaphore_mem>>) src(%arg9 : memref<128x128xf32, #tpu.memory_space<vmem>>) dst(%dma_wait3A_109 : memref<10000x128xf32, #tpu.memory_space<vmem_shared>>)
    }
    %while3A_35 = arith.constant 1 : i32
    scf.for %while3A_47 = %while3A_33 to %while3A_29 step %while3A_35  : i32 {
      %mul3A_48 = arith.muli %while3A_47, %while3A : i32
      %add3A_49 = arith.addi %while3A_26, %mul3A_48 : i32
      %add3A_50 = arith.addi %select_n3A, %add3A_49 : i32
      "tpu.region"() ({
        %run_scoped3A = tpu.sem_alloc : memref<!tpu.dma_semaphore, #tpu.memory_space<semaphore_mem>>
        %dma_start3A_110 = arith.constant 0 : i32
        %dma_start3A_111 = arith.constant 0 : i32
        %dma_start3A_112 = tpu.memref_slice %arg3[%add3A_50, %dma_start3A_110, %dma_start3A_111] : memref<2560x2x128xi32, #tpu.memory_space<hbm>> -> memref<1x2x128xi32, #tpu.memory_space<hbm>>
        %dma_start3A_113 = tpu.memref_squeeze %dma_start3A_112 : memref<1x2x128xi32, #tpu.memory_space<hbm>> -> memref<2x128xi32, #tpu.memory_space<hbm>>
        %dma_start3A_114 = arith.constant 0 : i32
        %dma_start3A_115 = arith.constant 0 : i32
        %dma_start3A_116 = tpu.memref_slice %arg3[%add3A_50, %dma_start3A_114, %dma_start3A_115] : memref<2560x2x128xi32, #tpu.memory_space<hbm>> -> memref<1x2x128xi32, #tpu.memory_space<hbm>>
        %dma_start3A_117 = tpu.memref_squeeze %dma_start3A_116 : memref<1x2x128xi32, #tpu.memory_space<hbm>> -> memref<2x128xi32, #tpu.memory_space<hbm>>
        tpu.enqueue_dma source(%dma_start3A_117 : memref<2x128xi32, #tpu.memory_space<hbm>>) target(%arg7 : memref<2x128xi32, #tpu.memory_space<vmem>>) target_semaphore(%run_scoped3A : memref<!tpu.dma_semaphore, #tpu.memory_space<semaphore_mem>>)
        %dma_wait3A_118 = arith.constant 0 : i32
        %dma_wait3A_119 = arith.constant 0 : i32
        %dma_wait3A_120 = tpu.memref_slice %arg3[%add3A_50, %dma_wait3A_118, %dma_wait3A_119] : memref<2560x2x128xi32, #tpu.memory_space<hbm>> -> memref<1x2x128xi32, #tpu.memory_space<hbm>>
        %dma_wait3A_121 = tpu.memref_squeeze %dma_wait3A_120 : memref<1x2x128xi32, #tpu.memory_space<hbm>> -> memref<2x128xi32, #tpu.memory_space<hbm>>
        %dma_wait3A_122 = arith.constant 0 : i32
        %dma_wait3A_123 = arith.constant 0 : i32
        %dma_wait3A_124 = tpu.memref_slice %arg3[%add3A_50, %dma_wait3A_122, %dma_wait3A_123] : memref<2560x2x128xi32, #tpu.memory_space<hbm>> -> memref<1x2x128xi32, #tpu.memory_space<hbm>>
        %dma_wait3A_125 = tpu.memref_squeeze %dma_wait3A_124 : memref<1x2x128xi32, #tpu.memory_space<hbm>> -> memref<2x128xi32, #tpu.memory_space<hbm>>
        tpu.wait_dma2 semaphore(%run_scoped3A : memref<!tpu.dma_semaphore, #tpu.memory_space<semaphore_mem>>) src(%dma_wait3A_125 : memref<2x128xi32, #tpu.memory_space<hbm>>) dst(%arg7 : memref<2x128xi32, #tpu.memory_space<vmem>>)
        tpu.yield
      }) : () -> ()
      %dma_start3A = arith.constant 0 : i32
      %dma_start3A_51 = arith.constant 0 : i32
      %dma_start3A_52 = tpu.memref_slice %arg7[%dma_start3A, %dma_start3A_51] : memref<2x128xi32, #tpu.memory_space<vmem>> -> memref<1x128xi32, #tpu.memory_space<vmem>>
      %dma_start3A_53 = tpu.memref_squeeze %dma_start3A_52 : memref<1x128xi32, #tpu.memory_space<vmem>> -> memref<128xi32, #tpu.memory_space<vmem>>
      %dma_start3A_54 = arith.constant 0 : i32
      %dma_start3A_55 = arith.constant 0 : i32
      %dma_start3A_56 = tpu.memref_slice %arg2[%dma_start3A_54, %dma_start3A_55] : memref<10240x128xf32, #tpu.memory_space<hbm>> -> memref<10240x128xf32, #tpu.memory_space<hbm>>
      tpu.enqueue_indirect_dma source(%dma_start3A_56 : memref<10240x128xf32, #tpu.memory_space<hbm>>) target(%arg8 : memref<128x128xf32, #tpu.memory_space<vmem>>) offsets(%dma_start3A_53 : memref<128xi32, #tpu.memory_space<vmem>>) semaphore(%arg12 : memref<!tpu.dma_semaphore, #tpu.memory_space<semaphore_mem>>)
      %dma_start3A_57 = arith.constant 1 : i32
      %dma_start3A_58 = arith.constant 0 : i32
      %dma_start3A_59 = tpu.memref_slice %arg7[%dma_start3A_57, %dma_start3A_58] : memref<2x128xi32, #tpu.memory_space<vmem>> -> memref<1x128xi32, #tpu.memory_space<vmem>>
      %dma_start3A_60 = tpu.memref_squeeze %dma_start3A_59 : memref<1x128xi32, #tpu.memory_space<vmem>> -> memref<128xi32, #tpu.memory_space<vmem>>
      %dma_start3A_61 = arith.constant 0 : i32
      %dma_start3A_62 = arith.constant 0 : i32
      %dma_start3A_63 = tpu.memref_slice %arg2[%dma_start3A_61, %dma_start3A_62] : memref<10240x128xf32, #tpu.memory_space<hbm>> -> memref<10240x128xf32, #tpu.memory_space<hbm>>
      tpu.enqueue_indirect_dma source(%dma_start3A_63 : memref<10240x128xf32, #tpu.memory_space<hbm>>) target(%arg9 : memref<128x128xf32, #tpu.memory_space<vmem>>) offsets(%dma_start3A_60 : memref<128xi32, #tpu.memory_space<vmem>>) semaphore(%arg13 : memref<!tpu.dma_semaphore, #tpu.memory_space<semaphore_mem>>)
      "tpu.region"() ({
        %run_scoped3A = tpu.sem_alloc : memref<!tpu.dma_semaphore, #tpu.memory_space<semaphore_mem>>
        %dma_start3A_110 = arith.constant 0 : i32
        %dma_start3A_111 = arith.constant 0 : i32
        %dma_start3A_112 = tpu.memref_slice %arg4[%add3A_50, %dma_start3A_110, %dma_start3A_111] : memref<2560x128x128xf32, #tpu.memory_space<hbm>> -> memref<1x128x128xf32, #tpu.memory_space<hbm>>
        %dma_start3A_113 = tpu.memref_squeeze %dma_start3A_112 : memref<1x128x128xf32, #tpu.memory_space<hbm>> -> memref<128x128xf32, #tpu.memory_space<hbm>>
        %dma_start3A_114 = arith.constant 0 : i32
        %dma_start3A_115 = arith.constant 0 : i32
        %dma_start3A_116 = tpu.memref_slice %arg4[%add3A_50, %dma_start3A_114, %dma_start3A_115] : memref<2560x128x128xf32, #tpu.memory_space<hbm>> -> memref<1x128x128xf32, #tpu.memory_space<hbm>>
        %dma_start3A_117 = tpu.memref_squeeze %dma_start3A_116 : memref<1x128x128xf32, #tpu.memory_space<hbm>> -> memref<128x128xf32, #tpu.memory_space<hbm>>
        tpu.enqueue_dma source(%dma_start3A_117 : memref<128x128xf32, #tpu.memory_space<hbm>>) target(%arg10 : memref<128x128xf32, #tpu.memory_space<vmem>>) target_semaphore(%run_scoped3A : memref<!tpu.dma_semaphore, #tpu.memory_space<semaphore_mem>>)
        %dma_wait3A_118 = arith.constant 0 : i32
        %dma_wait3A_119 = arith.constant 0 : i32
        %dma_wait3A_120 = tpu.memref_slice %arg4[%add3A_50, %dma_wait3A_118, %dma_wait3A_119] : memref<2560x128x128xf32, #tpu.memory_space<hbm>> -> memref<1x128x128xf32, #tpu.memory_space<hbm>>
        %dma_wait3A_121 = tpu.memref_squeeze %dma_wait3A_120 : memref<1x128x128xf32, #tpu.memory_space<hbm>> -> memref<128x128xf32, #tpu.memory_space<hbm>>
        %dma_wait3A_122 = arith.constant 0 : i32
        %dma_wait3A_123 = arith.constant 0 : i32
        %dma_wait3A_124 = tpu.memref_slice %arg4[%add3A_50, %dma_wait3A_122, %dma_wait3A_123] : memref<2560x128x128xf32, #tpu.memory_space<hbm>> -> memref<1x128x128xf32, #tpu.memory_space<hbm>>
        %dma_wait3A_125 = tpu.memref_squeeze %dma_wait3A_124 : memref<1x128x128xf32, #tpu.memory_space<hbm>> -> memref<128x128xf32, #tpu.memory_space<hbm>>
        tpu.wait_dma2 semaphore(%run_scoped3A : memref<!tpu.dma_semaphore, #tpu.memory_space<semaphore_mem>>) src(%dma_wait3A_125 : memref<128x128xf32, #tpu.memory_space<hbm>>) dst(%arg10 : memref<128x128xf32, #tpu.memory_space<vmem>>)
        tpu.yield
      }) : () -> ()
      %dma_wait3A = arith.constant 0 : i32
      %dma_wait3A_64 = arith.constant 0 : i32
      %dma_wait3A_65 = tpu.memref_slice %arg7[%dma_wait3A, %dma_wait3A_64] : memref<2x128xi32, #tpu.memory_space<vmem>> -> memref<1x128xi32, #tpu.memory_space<vmem>>
      %dma_wait3A_66 = tpu.memref_squeeze %dma_wait3A_65 : memref<1x128xi32, #tpu.memory_space<vmem>> -> memref<128xi32, #tpu.memory_space<vmem>>
      %dma_wait3A_67 = arith.constant 0 : i32
      %dma_wait3A_68 = arith.constant 0 : i32
      %dma_wait3A_69 = tpu.memref_slice %arg2[%dma_wait3A_67, %dma_wait3A_68] : memref<10240x128xf32, #tpu.memory_space<hbm>> -> memref<10240x128xf32, #tpu.memory_space<hbm>>
      tpu.wait_indirect_dma semaphore(%arg12 : memref<!tpu.dma_semaphore, #tpu.memory_space<semaphore_mem>>) src(%dma_wait3A_69 : memref<10240x128xf32, #tpu.memory_space<hbm>>) dst(%arg8 : memref<128x128xf32, #tpu.memory_space<vmem>>)
      %dma_wait3A_70 = arith.constant 1 : i32
      %dma_wait3A_71 = arith.constant 0 : i32
      %dma_wait3A_72 = tpu.memref_slice %arg7[%dma_wait3A_70, %dma_wait3A_71] : memref<2x128xi32, #tpu.memory_space<vmem>> -> memref<1x128xi32, #tpu.memory_space<vmem>>
      %dma_wait3A_73 = tpu.memref_squeeze %dma_wait3A_72 : memref<1x128xi32, #tpu.memory_space<vmem>> -> memref<128xi32, #tpu.memory_space<vmem>>
      %dma_wait3A_74 = arith.constant 0 : i32
      %dma_wait3A_75 = arith.constant 0 : i32
      %dma_wait3A_76 = tpu.memref_slice %arg2[%dma_wait3A_74, %dma_wait3A_75] : memref<10240x128xf32, #tpu.memory_space<hbm>> -> memref<10240x128xf32, #tpu.memory_space<hbm>>
      tpu.wait_indirect_dma semaphore(%arg13 : memref<!tpu.dma_semaphore, #tpu.memory_space<semaphore_mem>>) src(%dma_wait3A_76 : memref<10240x128xf32, #tpu.memory_space<hbm>>) dst(%arg9 : memref<128x128xf32, #tpu.memory_space<vmem>>)
      %scan3A_77 = arith.constant 0 : i32
      %scan3A_78 = arith.constant 128 : i32
      %scan3A_79 = arith.addi %scan3A_77, %scan3A_78 : i32
      %scan3A_80 = arith.constant 1 : i32
      scf.for %scan3A_110 = %scan3A_77 to %scan3A_79 step %scan3A_80  : i32 {
        %mul3A_111 = arith.constant 1 : i32
        %mul3A_112 = arith.muli %scan3A_110, %mul3A_111 : i32
        %add3A_113 = arith.constant 0 : i32
        %add3A_114 = arith.addi %add3A_113, %mul3A_112 : i32
        %get3A = arith.index_cast %add3A_114 : i32 to index
        %get3A_115 = arith.constant 0 : index
        %get3A_116 = tpu.vector_load %arg10[%get3A, %get3A_115] {strides = array<i32>} : memref<128x128xf32, #tpu.memory_space<vmem>>, vector<1x16xf32>,
        %get3A_117 = vector.shape_cast %get3A_116 : vector<1x16xf32> to vector<16xf32>
        %get3A_118 = arith.index_cast %add3A_114 : i32 to index
        %get3A_119 = arith.constant 0 : index
        %get3A_120 = tpu.vector_load %arg8[%get3A_118, %get3A_119] {strides = array<i32>} : memref<128x128xf32, #tpu.memory_space<vmem>>, vector<1x16xf32>,
        %get3A_121 = vector.shape_cast %get3A_120 : vector<1x16xf32> to vector<16xf32>
        %mul3A_122 = arith.mulf %get3A_121, %get3A_117 : vector<16xf32>
        %swap3A = arith.index_cast %add3A_114 : i32 to index
        %swap3A_123 = arith.constant 0 : index
        %swap3A_124 = tpu.vector_load %arg8[%swap3A, %swap3A_123] {strides = array<i32>} : memref<128x128xf32, #tpu.memory_space<vmem>>, vector<1x16xf32>,
        %swap3A_125 = vector.shape_cast %swap3A_124 : vector<1x16xf32> to vector<16xf32>
        %swap3A_126 = vector.shape_cast %mul3A_122 : vector<16xf32> to vector<1x16xf32>
        tpu.vector_store %arg8[%swap3A, %swap3A_123], %swap3A_126 {strides = array<i32>} : memref<128x128xf32, #tpu.memory_space<vmem>>, vector<1x16xf32>,
        %get3A_127 = arith.index_cast %add3A_114 : i32 to index
        %get3A_128 = arith.constant 0 : index
        %get3A_129 = tpu.vector_load %arg9[%get3A_127, %get3A_128] {strides = array<i32>} : memref<128x128xf32, #tpu.memory_space<vmem>>, vector<1x16xf32>,
        %get3A_130 = vector.shape_cast %get3A_129 : vector<1x16xf32> to vector<16xf32>
        %mul3A_131 = arith.mulf %get3A_130, %get3A_117 : vector<16xf32>
        %swap3A_132 = arith.index_cast %add3A_114 : i32 to index
        %swap3A_133 = arith.constant 0 : index
        %swap3A_134 = tpu.vector_load %arg9[%swap3A_132, %swap3A_133] {strides = array<i32>} : memref<128x128xf32, #tpu.memory_space<vmem>>, vector<1x16xf32>,
        %swap3A_135 = vector.shape_cast %swap3A_134 : vector<1x16xf32> to vector<16xf32>
        %swap3A_136 = vector.shape_cast %mul3A_131 : vector<16xf32> to vector<1x16xf32>
        tpu.vector_store %arg9[%swap3A_132, %swap3A_133], %swap3A_136 {strides = array<i32>} : memref<128x128xf32, #tpu.memory_space<vmem>>, vector<1x16xf32>,
        %get3A_137 = arith.index_cast %add3A_114 : i32 to index
        %get3A_138 = arith.constant 16 : index
        %get3A_139 = tpu.vector_load %arg10[%get3A_137, %get3A_138] {strides = array<i32>} : memref<128x128xf32, #tpu.memory_space<vmem>>, vector<1x16xf32>,
        %get3A_140 = vector.shape_cast %get3A_139 : vector<1x16xf32> to vector<16xf32>
        %get3A_141 = arith.index_cast %add3A_114 : i32 to index
        %get3A_142 = arith.constant 16 : index
        %get3A_143 = tpu.vector_load %arg8[%get3A_141, %get3A_142] {strides = array<i32>} : memref<128x128xf32, #tpu.memory_space<vmem>>, vector<1x16xf32>,
        %get3A_144 = vector.shape_cast %get3A_143 : vector<1x16xf32> to vector<16xf32>
        %mul3A_145 = arith.mulf %get3A_144, %get3A_140 : vector<16xf32>
        %swap3A_146 = arith.index_cast %add3A_114 : i32 to index
        %swap3A_147 = arith.constant 16 : index
        %swap3A_148 = tpu.vector_load %arg8[%swap3A_146, %swap3A_147] {strides = array<i32>} : memref<128x128xf32, #tpu.memory_space<vmem>>, vector<1x16xf32>,
        %swap3A_149 = vector.shape_cast %swap3A_148 : vector<1x16xf32> to vector<16xf32>
        %swap3A_150 = vector.shape_cast %mul3A_145 : vector<16xf32> to vector<1x16xf32>
        tpu.vector_store %arg8[%swap3A_146, %swap3A_147], %swap3A_150 {strides = array<i32>} : memref<128x128xf32, #tpu.memory_space<vmem>>, vector<1x16xf32>,
        %get3A_151 = arith.index_cast %add3A_114 : i32 to index
        %get3A_152 = arith.constant 16 : index
        %get3A_153 = tpu.vector_load %arg9[%get3A_151, %get3A_152] {strides = array<i32>} : memref<128x128xf32, #tpu.memory_space<vmem>>, vector<1x16xf32>,
        %get3A_154 = vector.shape_cast %get3A_153 : vector<1x16xf32> to vector<16xf32>
        %mul3A_155 = arith.mulf %get3A_154, %get3A_140 : vector<16xf32>
        %swap3A_156 = arith.index_cast %add3A_114 : i32 to index
        %swap3A_157 = arith.constant 16 : index
        %swap3A_158 = tpu.vector_load %arg9[%swap3A_156, %swap3A_157] {strides = array<i32>} : memref<128x128xf32, #tpu.memory_space<vmem>>, vector<1x16xf32>,
        %swap3A_159 = vector.shape_cast %swap3A_158 : vector<1x16xf32> to vector<16xf32>
        %swap3A_160 = vector.shape_cast %mul3A_155 : vector<16xf32> to vector<1x16xf32>
        tpu.vector_store %arg9[%swap3A_156, %swap3A_157], %swap3A_160 {strides = array<i32>} : memref<128x128xf32, #tpu.memory_space<vmem>>, vector<1x16xf32>,
        %get3A_161 = arith.index_cast %add3A_114 : i32 to index
        %get3A_162 = arith.constant 32 : index
        %get3A_163 = tpu.vector_load %arg10[%get3A_161, %get3A_162] {strides = array<i32>} : memref<128x128xf32, #tpu.memory_space<vmem>>, vector<1x16xf32>,
        %get3A_164 = vector.shape_cast %get3A_163 : vector<1x16xf32> to vector<16xf32>
        %get3A_165 = arith.index_cast %add3A_114 : i32 to index
        %get3A_166 = arith.constant 32 : index
        %get3A_167 = tpu.vector_load %arg8[%get3A_165, %get3A_166] {strides = array<i32>} : memref<128x128xf32, #tpu.memory_space<vmem>>, vector<1x16xf32>,
        %get3A_168 = vector.shape_cast %get3A_167 : vector<1x16xf32> to vector<16xf32>
        %mul3A_169 = arith.mulf %get3A_168, %get3A_164 : vector<16xf32>
        %swap3A_170 = arith.index_cast %add3A_114 : i32 to index
        %swap3A_171 = arith.constant 32 : index
        %swap3A_172 = tpu.vector_load %arg8[%swap3A_170, %swap3A_171] {strides = array<i32>} : memref<128x128xf32, #tpu.memory_space<vmem>>, vector<1x16xf32>,
        %swap3A_173 = vector.shape_cast %swap3A_172 : vector<1x16xf32> to vector<16xf32>
        %swap3A_174 = vector.shape_cast %mul3A_169 : vector<16xf32> to vector<1x16xf32>
        tpu.vector_store %arg8[%swap3A_170, %swap3A_171], %swap3A_174 {strides = array<i32>} : memref<128x128xf32, #tpu.memory_space<vmem>>, vector<1x16xf32>,
        %get3A_175 = arith.index_cast %add3A_114 : i32 to index
        %get3A_176 = arith.constant 32 : index
        %get3A_177 = tpu.vector_load %arg9[%get3A_175, %get3A_176] {strides = array<i32>} : memref<128x128xf32, #tpu.memory_space<vmem>>, vector<1x16xf32>,
        %get3A_178 = vector.shape_cast %get3A_177 : vector<1x16xf32> to vector<16xf32>
        %mul3A_179 = arith.mulf %get3A_178, %get3A_164 : vector<16xf32>
        %swap3A_180 = arith.index_cast %add3A_114 : i32 to index
        %swap3A_181 = arith.constant 32 : index
        %swap3A_182 = tpu.vector_load %arg9[%swap3A_180, %swap3A_181] {strides = array<i32>} : memref<128x128xf32, #tpu.memory_space<vmem>>, vector<1x16xf32>,
        %swap3A_183 = vector.shape_cast %swap3A_182 : vector<1x16xf32> to vector<16xf32>
        %swap3A_184 = vector.shape_cast %mul3A_179 : vector<16xf32> to vector<1x16xf32>
        tpu.vector_store %arg9[%swap3A_180, %swap3A_181], %swap3A_184 {strides = array<i32>} : memref<128x128xf32, #tpu.memory_space<vmem>>, vector<1x16xf32>,
        %get3A_185 = arith.index_cast %add3A_114 : i32 to index
        %get3A_186 = arith.constant 48 : index
        %get3A_187 = tpu.vector_load %arg10[%get3A_185, %get3A_186] {strides = array<i32>} : memref<128x128xf32, #tpu.memory_space<vmem>>, vector<1x16xf32>,
        %get3A_188 = vector.shape_cast %get3A_187 : vector<1x16xf32> to vector<16xf32>
        %get3A_189 = arith.index_cast %add3A_114 : i32 to index
        %get3A_190 = arith.constant 48 : index
        %get3A_191 = tpu.vector_load %arg8[%get3A_189, %get3A_190] {strides = array<i32>} : memref<128x128xf32, #tpu.memory_space<vmem>>, vector<1x16xf32>,
        %get3A_192 = vector.shape_cast %get3A_191 : vector<1x16xf32> to vector<16xf32>
        %mul3A_193 = arith.mulf %get3A_192, %get3A_188 : vector<16xf32>
        %swap3A_194 = arith.index_cast %add3A_114 : i32 to index
        %swap3A_195 = arith.constant 48 : index
        %swap3A_196 = tpu.vector_load %arg8[%swap3A_194, %swap3A_195] {strides = array<i32>} : memref<128x128xf32, #tpu.memory_space<vmem>>, vector<1x16xf32>,
        %swap3A_197 = vector.shape_cast %swap3A_196 : vector<1x16xf32> to vector<16xf32>
        %swap3A_198 = vector.shape_cast %mul3A_193 : vector<16xf32> to vector<1x16xf32>
        tpu.vector_store %arg8[%swap3A_194, %swap3A_195], %swap3A_198 {strides = array<i32>} : memref<128x128xf32, #tpu.memory_space<vmem>>, vector<1x16xf32>,
        %get3A_199 = arith.index_cast %add3A_114 : i32 to index
        %get3A_200 = arith.constant 48 : index
        %get3A_201 = tpu.vector_load %arg9[%get3A_199, %get3A_200] {strides = array<i32>} : memref<128x128xf32, #tpu.memory_space<vmem>>, vector<1x16xf32>,
        %get3A_202 = vector.shape_cast %get3A_201 : vector<1x16xf32> to vector<16xf32>
        %mul3A_203 = arith.mulf %get3A_202, %get3A_188 : vector<16xf32>
        %swap3A_204 = arith.index_cast %add3A_114 : i32 to index
        %swap3A_205 = arith.constant 48 : index
        %swap3A_206 = tpu.vector_load %arg9[%swap3A_204, %swap3A_205] {strides = array<i32>} : memref<128x128xf32, #tpu.memory_space<vmem>>, vector<1x16xf32>,
        %swap3A_207 = vector.shape_cast %swap3A_206 : vector<1x16xf32> to vector<16xf32>
        %swap3A_208 = vector.shape_cast %mul3A_203 : vector<16xf32> to vector<1x16xf32>
        tpu.vector_store %arg9[%swap3A_204, %swap3A_205], %swap3A_208 {strides = array<i32>} : memref<128x128xf32, #tpu.memory_space<vmem>>, vector<1x16xf32>,
        %get3A_209 = arith.index_cast %add3A_114 : i32 to index
        %get3A_210 = arith.constant 64 : index
        %get3A_211 = tpu.vector_load %arg10[%get3A_209, %get3A_210] {strides = array<i32>} : memref<128x128xf32, #tpu.memory_space<vmem>>, vector<1x16xf32>,
        %get3A_212 = vector.shape_cast %get3A_211 : vector<1x16xf32> to vector<16xf32>
        %get3A_213 = arith.index_cast %add3A_114 : i32 to index
        %get3A_214 = arith.constant 64 : index
        %get3A_215 = tpu.vector_load %arg8[%get3A_213, %get3A_214] {strides = array<i32>} : memref<128x128xf32, #tpu.memory_space<vmem>>, vector<1x16xf32>,
        %get3A_216 = vector.shape_cast %get3A_215 : vector<1x16xf32> to vector<16xf32>
        %mul3A_217 = arith.mulf %get3A_216, %get3A_212 : vector<16xf32>
        %swap3A_218 = arith.index_cast %add3A_114 : i32 to index
        %swap3A_219 = arith.constant 64 : index
        %swap3A_220 = tpu.vector_load %arg8[%swap3A_218, %swap3A_219] {strides = array<i32>} : memref<128x128xf32, #tpu.memory_space<vmem>>, vector<1x16xf32>,
        %swap3A_221 = vector.shape_cast %swap3A_220 : vector<1x16xf32> to vector<16xf32>
        %swap3A_222 = vector.shape_cast %mul3A_217 : vector<16xf32> to vector<1x16xf32>
        tpu.vector_store %arg8[%swap3A_218, %swap3A_219], %swap3A_222 {strides = array<i32>} : memref<128x128xf32, #tpu.memory_space<vmem>>, vector<1x16xf32>,
        %get3A_223 = arith.index_cast %add3A_114 : i32 to index
        %get3A_224 = arith.constant 64 : index
        %get3A_225 = tpu.vector_load %arg9[%get3A_223, %get3A_224] {strides = array<i32>} : memref<128x128xf32, #tpu.memory_space<vmem>>, vector<1x16xf32>,
        %get3A_226 = vector.shape_cast %get3A_225 : vector<1x16xf32> to vector<16xf32>
        %mul3A_227 = arith.mulf %get3A_226, %get3A_212 : vector<16xf32>
        %swap3A_228 = arith.index_cast %add3A_114 : i32 to index
        %swap3A_229 = arith.constant 64 : index
        %swap3A_230 = tpu.vector_load %arg9[%swap3A_228, %swap3A_229] {strides = array<i32>} : memref<128x128xf32, #tpu.memory_space<vmem>>, vector<1x16xf32>,
        %swap3A_231 = vector.shape_cast %swap3A_230 : vector<1x16xf32> to vector<16xf32>
        %swap3A_232 = vector.shape_cast %mul3A_227 : vector<16xf32> to vector<1x16xf32>
        tpu.vector_store %arg9[%swap3A_228, %swap3A_229], %swap3A_232 {strides = array<i32>} : memref<128x128xf32, #tpu.memory_space<vmem>>, vector<1x16xf32>,
        %get3A_233 = arith.index_cast %add3A_114 : i32 to index
        %get3A_234 = arith.constant 80 : index
        %get3A_235 = tpu.vector_load %arg10[%get3A_233, %get3A_234] {strides = array<i32>} : memref<128x128xf32, #tpu.memory_space<vmem>>, vector<1x16xf32>,
        %get3A_236 = vector.shape_cast %get3A_235 : vector<1x16xf32> to vector<16xf32>
        %get3A_237 = arith.index_cast %add3A_114 : i32 to index
        %get3A_238 = arith.constant 80 : index
        %get3A_239 = tpu.vector_load %arg8[%get3A_237, %get3A_238] {strides = array<i32>} : memref<128x128xf32, #tpu.memory_space<vmem>>, vector<1x16xf32>,
        %get3A_240 = vector.shape_cast %get3A_239 : vector<1x16xf32> to vector<16xf32>
        %mul3A_241 = arith.mulf %get3A_240, %get3A_236 : vector<16xf32>
        %swap3A_242 = arith.index_cast %add3A_114 : i32 to index
        %swap3A_243 = arith.constant 80 : index
        %swap3A_244 = tpu.vector_load %arg8[%swap3A_242, %swap3A_243] {strides = array<i32>} : memref<128x128xf32, #tpu.memory_space<vmem>>, vector<1x16xf32>,
        %swap3A_245 = vector.shape_cast %swap3A_244 : vector<1x16xf32> to vector<16xf32>
        %swap3A_246 = vector.shape_cast %mul3A_241 : vector<16xf32> to vector<1x16xf32>
        tpu.vector_store %arg8[%swap3A_242, %swap3A_243], %swap3A_246 {strides = array<i32>} : memref<128x128xf32, #tpu.memory_space<vmem>>, vector<1x16xf32>,
        %get3A_247 = arith.index_cast %add3A_114 : i32 to index
        %get3A_248 = arith.constant 80 : index
        %get3A_249 = tpu.vector_load %arg9[%get3A_247, %get3A_248] {strides = array<i32>} : memref<128x128xf32, #tpu.memory_space<vmem>>, vector<1x16xf32>,
        %get3A_250 = vector.shape_cast %get3A_249 : vector<1x16xf32> to vector<16xf32>
        %mul3A_251 = arith.mulf %get3A_250, %get3A_236 : vector<16xf32>
        %swap3A_252 = arith.index_cast %add3A_114 : i32 to index
        %swap3A_253 = arith.constant 80 : index
        %swap3A_254 = tpu.vector_load %arg9[%swap3A_252, %swap3A_253] {strides = array<i32>} : memref<128x128xf32, #tpu.memory_space<vmem>>, vector<1x16xf32>,
        %swap3A_255 = vector.shape_cast %swap3A_254 : vector<1x16xf32> to vector<16xf32>
        %swap3A_256 = vector.shape_cast %mul3A_251 : vector<16xf32> to vector<1x16xf32>
        tpu.vector_store %arg9[%swap3A_252, %swap3A_253], %swap3A_256 {strides = array<i32>} : memref<128x128xf32, #tpu.memory_space<vmem>>, vector<1x16xf32>,
        %get3A_257 = arith.index_cast %add3A_114 : i32 to index
        %get3A_258 = arith.constant 96 : index
        %get3A_259 = tpu.vector_load %arg10[%get3A_257, %get3A_258] {strides = array<i32>} : memref<128x128xf32, #tpu.memory_space<vmem>>, vector<1x16xf32>,
        %get3A_260 = vector.shape_cast %get3A_259 : vector<1x16xf32> to vector<16xf32>
        %get3A_261 = arith.index_cast %add3A_114 : i32 to index
        %get3A_262 = arith.constant 96 : index
        %get3A_263 = tpu.vector_load %arg8[%get3A_261, %get3A_262] {strides = array<i32>} : memref<128x128xf32, #tpu.memory_space<vmem>>, vector<1x16xf32>,
        %get3A_264 = vector.shape_cast %get3A_263 : vector<1x16xf32> to vector<16xf32>
        %mul3A_265 = arith.mulf %get3A_264, %get3A_260 : vector<16xf32>
        %swap3A_266 = arith.index_cast %add3A_114 : i32 to index
        %swap3A_267 = arith.constant 96 : index
        %swap3A_268 = tpu.vector_load %arg8[%swap3A_266, %swap3A_267] {strides = array<i32>} : memref<128x128xf32, #tpu.memory_space<vmem>>, vector<1x16xf32>,
        %swap3A_269 = vector.shape_cast %swap3A_268 : vector<1x16xf32> to vector<16xf32>
        %swap3A_270 = vector.shape_cast %mul3A_265 : vector<16xf32> to vector<1x16xf32>
        tpu.vector_store %arg8[%swap3A_266, %swap3A_267], %swap3A_270 {strides = array<i32>} : memref<128x128xf32, #tpu.memory_space<vmem>>, vector<1x16xf32>,
        %get3A_271 = arith.index_cast %add3A_114 : i32 to index
        %get3A_272 = arith.constant 96 : index
        %get3A_273 = tpu.vector_load %arg9[%get3A_271, %get3A_272] {strides = array<i32>} : memref<128x128xf32, #tpu.memory_space<vmem>>, vector<1x16xf32>,
        %get3A_274 = vector.shape_cast %get3A_273 : vector<1x16xf32> to vector<16xf32>
        %mul3A_275 = arith.mulf %get3A_274, %get3A_260 : vector<16xf32>
        %swap3A_276 = arith.index_cast %add3A_114 : i32 to index
        %swap3A_277 = arith.constant 96 : index
        %swap3A_278 = tpu.vector_load %arg9[%swap3A_276, %swap3A_277] {strides = array<i32>} : memref<128x128xf32, #tpu.memory_space<vmem>>, vector<1x16xf32>,
        %swap3A_279 = vector.shape_cast %swap3A_278 : vector<1x16xf32> to vector<16xf32>
        %swap3A_280 = vector.shape_cast %mul3A_275 : vector<16xf32> to vector<1x16xf32>
        tpu.vector_store %arg9[%swap3A_276, %swap3A_277], %swap3A_280 {strides = array<i32>} : memref<128x128xf32, #tpu.memory_space<vmem>>, vector<1x16xf32>,
        %get3A_281 = arith.index_cast %add3A_114 : i32 to index
        %get3A_282 = arith.constant 112 : index
        %get3A_283 = tpu.vector_load %arg10[%get3A_281, %get3A_282] {strides = array<i32>} : memref<128x128xf32, #tpu.memory_space<vmem>>, vector<1x16xf32>,
        %get3A_284 = vector.shape_cast %get3A_283 : vector<1x16xf32> to vector<16xf32>
        %get3A_285 = arith.index_cast %add3A_114 : i32 to index
        %get3A_286 = arith.constant 112 : index
        %get3A_287 = tpu.vector_load %arg8[%get3A_285, %get3A_286] {strides = array<i32>} : memref<128x128xf32, #tpu.memory_space<vmem>>, vector<1x16xf32>,
        %get3A_288 = vector.shape_cast %get3A_287 : vector<1x16xf32> to vector<16xf32>
        %mul3A_289 = arith.mulf %get3A_288, %get3A_284 : vector<16xf32>
        %swap3A_290 = arith.index_cast %add3A_114 : i32 to index
        %swap3A_291 = arith.constant 112 : index
        %swap3A_292 = tpu.vector_load %arg8[%swap3A_290, %swap3A_291] {strides = array<i32>} : memref<128x128xf32, #tpu.memory_space<vmem>>, vector<1x16xf32>,
        %swap3A_293 = vector.shape_cast %swap3A_292 : vector<1x16xf32> to vector<16xf32>
        %swap3A_294 = vector.shape_cast %mul3A_289 : vector<16xf32> to vector<1x16xf32>
        tpu.vector_store %arg8[%swap3A_290, %swap3A_291], %swap3A_294 {strides = array<i32>} : memref<128x128xf32, #tpu.memory_space<vmem>>, vector<1x16xf32>,
        %get3A_295 = arith.index_cast %add3A_114 : i32 to index
        %get3A_296 = arith.constant 112 : index
        %get3A_297 = tpu.vector_load %arg9[%get3A_295, %get3A_296] {strides = array<i32>} : memref<128x128xf32, #tpu.memory_space<vmem>>, vector<1x16xf32>,
        %get3A_298 = vector.shape_cast %get3A_297 : vector<1x16xf32> to vector<16xf32>
        %mul3A_299 = arith.mulf %get3A_298, %get3A_284 : vector<16xf32>
        %swap3A_300 = arith.index_cast %add3A_114 : i32 to index
        %swap3A_301 = arith.constant 112 : index
        %swap3A_302 = tpu.vector_load %arg9[%swap3A_300, %swap3A_301] {strides = array<i32>} : memref<128x128xf32, #tpu.memory_space<vmem>>, vector<1x16xf32>,
        %swap3A_303 = vector.shape_cast %swap3A_302 : vector<1x16xf32> to vector<16xf32>
        %swap3A_304 = vector.shape_cast %mul3A_299 : vector<16xf32> to vector<1x16xf32>
        tpu.vector_store %arg9[%swap3A_300, %swap3A_301], %swap3A_304 {strides = array<i32>} : memref<128x128xf32, #tpu.memory_space<vmem>>, vector<1x16xf32>,
      }
      %scan3A_81 = arith.constant 128 : i32
      %dma_start3A_82 = arith.constant 1 : i32
      %dma_start3A_83 = arith.constant 0 : i32
      %dma_start3A_84 = tpu.memref_slice %arg7[%dma_start3A_82, %dma_start3A_83] : memref<2x128xi32, #tpu.memory_space<vmem>> -> memref<1x128xi32, #tpu.memory_space<vmem>>
      %dma_start3A_85 = tpu.memref_squeeze %dma_start3A_84 : memref<1x128xi32, #tpu.memory_space<vmem>> -> memref<128xi32, #tpu.memory_space<vmem>>
      %dma_start3A_86 = arith.constant 0 : i32
      %dma_start3A_87 = arith.constant 0 : i32
      %dma_start3A_88 = tpu.memref_slice %arg11[%dma_start3A_86, %dma_start3A_87] : memref<10000x128xf32, #tpu.memory_space<vmem_shared>> -> memref<10000x128xf32, #tpu.memory_space<vmem_shared>>
      tpu.enqueue_indirect_dma source(%arg8 : memref<128x128xf32, #tpu.memory_space<vmem>>) target(%dma_start3A_88 : memref<10000x128xf32, #tpu.memory_space<vmem_shared>>) offsets(%dma_start3A_85 : memref<128xi32, #tpu.memory_space<vmem>>) semaphore(%arg14 : memref<!tpu.dma_semaphore, #tpu.memory_space<semaphore_mem>>) {add = true}
      %dma_start3A_89 = arith.constant 0 : i32
      %dma_start3A_90 = arith.constant 0 : i32
      %dma_start3A_91 = tpu.memref_slice %arg7[%dma_start3A_89, %dma_start3A_90] : memref<2x128xi32, #tpu.memory_space<vmem>> -> memref<1x128xi32, #tpu.memory_space<vmem>>
      %dma_start3A_92 = tpu.memref_squeeze %dma_start3A_91 : memref<1x128xi32, #tpu.memory_space<vmem>> -> memref<128xi32, #tpu.memory_space<vmem>>
      %dma_start3A_93 = arith.constant 0 : i32
      %dma_start3A_94 = arith.constant 0 : i32
      %dma_start3A_95 = tpu.memref_slice %arg11[%dma_start3A_93, %dma_start3A_94] : memref<10000x128xf32, #tpu.memory_space<vmem_shared>> -> memref<10000x128xf32, #tpu.memory_space<vmem_shared>>
      tpu.enqueue_indirect_dma source(%arg9 : memref<128x128xf32, #tpu.memory_space<vmem>>) target(%dma_start3A_95 : memref<10000x128xf32, #tpu.memory_space<vmem_shared>>) offsets(%dma_start3A_92 : memref<128xi32, #tpu.memory_space<vmem>>) semaphore(%arg15 : memref<!tpu.dma_semaphore, #tpu.memory_space<semaphore_mem>>) {add = true}
      %dma_wait3A_96 = arith.constant 1 : i32
      %dma_wait3A_97 = arith.constant 0 : i32
      %dma_wait3A_98 = tpu.memref_slice %arg7[%dma_wait3A_96, %dma_wait3A_97] : memref<2x128xi32, #tpu.memory_space<vmem>> -> memref<1x128xi32, #tpu.memory_space<vmem>>
      %dma_wait3A_99 = tpu.memref_squeeze %dma_wait3A_98 : memref<1x128xi32, #tpu.memory_space<vmem>> -> memref<128xi32, #tpu.memory_space<vmem>>
      %dma_wait3A_100 = arith.constant 0 : i32
      %dma_wait3A_101 = arith.constant 0 : i32
      %dma_wait3A_102 = tpu.memref_slice %arg11[%dma_wait3A_100, %dma_wait3A_101] : memref<10000x128xf32, #tpu.memory_space<vmem_shared>> -> memref<10000x128xf32, #tpu.memory_space<vmem_shared>>
      tpu.wait_indirect_dma semaphore(%arg14 : memref<!tpu.dma_semaphore, #tpu.memory_space<semaphore_mem>>) src(%arg8 : memref<128x128xf32, #tpu.memory_space<vmem>>) dst(%dma_wait3A_102 : memref<10000x128xf32, #tpu.memory_space<vmem_shared>>)
      %dma_wait3A_103 = arith.constant 0 : i32
      %dma_wait3A_104 = arith.constant 0 : i32
      %dma_wait3A_105 = tpu.memref_slice %arg7[%dma_wait3A_103, %dma_wait3A_104] : memref<2x128xi32, #tpu.memory_space<vmem>> -> memref<1x128xi32, #tpu.memory_space<vmem>>
      %dma_wait3A_106 = tpu.memref_squeeze %dma_wait3A_105 : memref<1x128xi32, #tpu.memory_space<vmem>> -> memref<128xi32, #tpu.memory_space<vmem>>
      %dma_wait3A_107 = arith.constant 0 : i32
      %dma_wait3A_108 = arith.constant 0 : i32
      %dma_wait3A_109 = tpu.memref_slice %arg11[%dma_wait3A_107, %dma_wait3A_108] : memref<10000x128xf32, #tpu.memory_space<vmem_shared>> -> memref<10000x128xf32, #tpu.memory_space<vmem_shared>>
      tpu.wait_indirect_dma semaphore(%arg15 : memref<!tpu.dma_semaphore, #tpu.memory_space<semaphore_mem>>) src(%arg9 : memref<128x128xf32, #tpu.memory_space<vmem>>) dst(%dma_wait3A_109 : memref<10000x128xf32, #tpu.memory_space<vmem_shared>>)
    }
    %barrier3A_36 = arith.constant 0 : index
    tpu.barrier barrier_id(%barrier3A_36)
    %lt3A_37 = arith.constant 15 : i32
    %lt3A_38 = arith.cmpi slt, %arg1, %lt3A_37 : i32
    %convert_element_type3A_39 = arith.extui %lt3A_38 : i1 to i32
    %cond3A_40 = arith.constant 0 : i32
    %cond3A_41 = arith.cmpi ne, %convert_element_type3A_39, %cond3A_40 : i32
    scf.if %cond3A_41 {
      %mul3A_47 = arith.constant 640 : i32
      %mul3A_48 = arith.muli %arg1, %mul3A_47 : i32
      %mul3A_49 = arith.constant 640 : i32
      %mul3A_50 = arith.muli %arg1, %mul3A_49 : i32
      "tpu.region"() ({
        %run_scoped3A = tpu.sem_alloc : memref<!tpu.dma_semaphore, #tpu.memory_space<semaphore_mem>>
        %dma_start3A = arith.constant 0 : i32
        %dma_start3A_51 = arith.constant 0 : i32
        %dma_start3A_52 = tpu.memref_slice %arg6[%arg0, %dma_start3A, %dma_start3A_51] : memref<2x10240x128xf32, #tpu.memory_space<hbm>> -> memref<1x10240x128xf32, #tpu.memory_space<hbm>>
        %dma_start3A_53 = tpu.memref_squeeze %dma_start3A_52 : memref<1x10240x128xf32, #tpu.memory_space<hbm>> -> memref<10240x128xf32, #tpu.memory_space<hbm>>
        %dma_start3A_54 = arith.constant 0 : i32
        %dma_start3A_55 = tpu.memref_slice %dma_start3A_53[%mul3A_50, %dma_start3A_54] : memref<10240x128xf32, #tpu.memory_space<hbm>> -> memref<640x128xf32, #tpu.memory_space<hbm>>
        %dma_start3A_56 = arith.constant 0 : i32
        %dma_start3A_57 = tpu.memref_slice %arg11[%mul3A_48, %dma_start3A_56] : memref<10000x128xf32, #tpu.memory_space<vmem_shared>> -> memref<640x128xf32, #tpu.memory_space<vmem_shared>>
        tpu.enqueue_dma source(%dma_start3A_57 : memref<640x128xf32, #tpu.memory_space<vmem_shared>>) target(%dma_start3A_55 : memref<640x128xf32, #tpu.memory_space<hbm>>) target_semaphore(%run_scoped3A : memref<!tpu.dma_semaphore, #tpu.memory_space<semaphore_mem>>)
        %dma_wait3A = arith.constant 0 : i32
        %dma_wait3A_58 = arith.constant 0 : i32
        %dma_wait3A_59 = tpu.memref_slice %arg6[%arg0, %dma_wait3A, %dma_wait3A_58] : memref<2x10240x128xf32, #tpu.memory_space<hbm>> -> memref<1x10240x128xf32, #tpu.memory_space<hbm>>
        %dma_wait3A_60 = tpu.memref_squeeze %dma_wait3A_59 : memref<1x10240x128xf32, #tpu.memory_space<hbm>> -> memref<10240x128xf32, #tpu.memory_space<hbm>>
        %dma_wait3A_61 = arith.constant 0 : i32
        %dma_wait3A_62 = tpu.memref_slice %dma_wait3A_60[%mul3A_50, %dma_wait3A_61] : memref<10240x128xf32, #tpu.memory_space<hbm>> -> memref<640x128xf32, #tpu.memory_space<hbm>>
        %dma_wait3A_63 = arith.constant 0 : i32
        %dma_wait3A_64 = tpu.memref_slice %arg11[%mul3A_48, %dma_wait3A_63] : memref<10000x128xf32, #tpu.memory_space<vmem_shared>> -> memref<640x128xf32, #tpu.memory_space<vmem_shared>>
        tpu.wait_dma2 semaphore(%run_scoped3A : memref<!tpu.dma_semaphore, #tpu.memory_space<semaphore_mem>>) src(%dma_wait3A_64 : memref<640x128xf32, #tpu.memory_space<vmem_shared>>) dst(%dma_wait3A_62 : memref<640x128xf32, #tpu.memory_space<hbm>>)
        tpu.yield
      }) : () -> ()
    } else {
    }
    %eq3A_42 = arith.constant 15 : i32
    %eq3A_43 = arith.cmpi eq, %arg1, %eq3A_42 : i32
    %convert_element_type3A_44 = arith.extui %eq3A_43 : i1 to i32
    %cond3A_45 = arith.constant 0 : i32
    %cond3A_46 = arith.cmpi ne, %convert_element_type3A_44, %cond3A_45 : i32
    scf.if %cond3A_46 {
      "tpu.region"() ({
        %run_scoped3A = tpu.sem_alloc : memref<!tpu.dma_semaphore, #tpu.memory_space<semaphore_mem>>
        %dma_start3A = arith.constant 0 : i32
        %dma_start3A_47 = arith.constant 0 : i32
        %dma_start3A_48 = tpu.memref_slice %arg6[%arg0, %dma_start3A, %dma_start3A_47] : memref<2x10240x128xf32, #tpu.memory_space<hbm>> -> memref<1x10240x128xf32, #tpu.memory_space<hbm>>
        %dma_start3A_49 = tpu.memref_squeeze %dma_start3A_48 : memref<1x10240x128xf32, #tpu.memory_space<hbm>> -> memref<10240x128xf32, #tpu.memory_space<hbm>>
        %dma_start3A_50 = arith.constant 9600 : i32
        %dma_start3A_51 = arith.constant 0 : i32
        %dma_start3A_52 = tpu.memref_slice %dma_start3A_49[%dma_start3A_50, %dma_start3A_51] : memref<10240x128xf32, #tpu.memory_space<hbm>> -> memref<400x128xf32, #tpu.memory_space<hbm>>
        %dma_start3A_53 = arith.constant 9600 : i32
        %dma_start3A_54 = arith.constant 0 : i32
        %dma_start3A_55 = tpu.memref_slice %arg11[%dma_start3A_53, %dma_start3A_54] : memref<10000x128xf32, #tpu.memory_space<vmem_shared>> -> memref<400x128xf32, #tpu.memory_space<vmem_shared>>
        tpu.enqueue_dma source(%dma_start3A_55 : memref<400x128xf32, #tpu.memory_space<vmem_shared>>) target(%dma_start3A_52 : memref<400x128xf32, #tpu.memory_space<hbm>>) target_semaphore(%run_scoped3A : memref<!tpu.dma_semaphore, #tpu.memory_space<semaphore_mem>>)
        %dma_wait3A = arith.constant 0 : i32
        %dma_wait3A_56 = arith.constant 0 : i32
        %dma_wait3A_57 = tpu.memref_slice %arg6[%arg0, %dma_wait3A, %dma_wait3A_56] : memref<2x10240x128xf32, #tpu.memory_space<hbm>> -> memref<1x10240x128xf32, #tpu.memory_space<hbm>>
        %dma_wait3A_58 = tpu.memref_squeeze %dma_wait3A_57 : memref<1x10240x128xf32, #tpu.memory_space<hbm>> -> memref<10240x128xf32, #tpu.memory_space<hbm>>
        %dma_wait3A_59 = arith.constant 9600 : i32
        %dma_wait3A_60 = arith.constant 0 : i32
        %dma_wait3A_61 = tpu.memref_slice %dma_wait3A_58[%dma_wait3A_59, %dma_wait3A_60] : memref<10240x128xf32, #tpu.memory_space<hbm>> -> memref<400x128xf32, #tpu.memory_space<hbm>>
        %dma_wait3A_62 = arith.constant 9600 : i32
        %dma_wait3A_63 = arith.constant 0 : i32
        %dma_wait3A_64 = tpu.memref_slice %arg11[%dma_wait3A_62, %dma_wait3A_63] : memref<10000x128xf32, #tpu.memory_space<vmem_shared>> -> memref<400x128xf32, #tpu.memory_space<vmem_shared>>
        tpu.wait_dma2 semaphore(%run_scoped3A : memref<!tpu.dma_semaphore, #tpu.memory_space<semaphore_mem>>) src(%dma_wait3A_64 : memref<400x128xf32, #tpu.memory_space<vmem_shared>>) dst(%dma_wait3A_61 : memref<400x128xf32, #tpu.memory_space<hbm>>)
        tpu.yield
      }) : () -> ()
      "tpu.region"() ({
        %run_scoped3A = tpu.sem_alloc : memref<!tpu.dma_semaphore, #tpu.memory_space<semaphore_mem>>
        %dma_start3A = arith.constant 0 : i32
        %dma_start3A_47 = arith.constant 0 : i32
        %dma_start3A_48 = tpu.memref_slice %arg6[%arg0, %dma_start3A, %dma_start3A_47] : memref<2x10240x128xf32, #tpu.memory_space<hbm>> -> memref<1x10240x128xf32, #tpu.memory_space<hbm>>
        %dma_start3A_49 = tpu.memref_squeeze %dma_start3A_48 : memref<1x10240x128xf32, #tpu.memory_space<hbm>> -> memref<10240x128xf32, #tpu.memory_space<hbm>>
        %dma_start3A_50 = arith.constant 10000 : i32
        %dma_start3A_51 = arith.constant 0 : i32
        %dma_start3A_52 = tpu.memref_slice %dma_start3A_49[%dma_start3A_50, %dma_start3A_51] : memref<10240x128xf32, #tpu.memory_space<hbm>> -> memref<240x128xf32, #tpu.memory_space<hbm>>
        %dma_start3A_53 = arith.constant 0 : i32
        %dma_start3A_54 = arith.constant 0 : i32
        %dma_start3A_55 = tpu.memref_slice %arg5[%dma_start3A_53, %dma_start3A_54] : memref<640x128xf32, #tpu.memory_space<hbm>> -> memref<240x128xf32, #tpu.memory_space<hbm>>
        tpu.enqueue_dma source(%dma_start3A_55 : memref<240x128xf32, #tpu.memory_space<hbm>>) target(%dma_start3A_52 : memref<240x128xf32, #tpu.memory_space<hbm>>) target_semaphore(%run_scoped3A : memref<!tpu.dma_semaphore, #tpu.memory_space<semaphore_mem>>)
        %dma_wait3A = arith.constant 0 : i32
        %dma_wait3A_56 = arith.constant 0 : i32
        %dma_wait3A_57 = tpu.memref_slice %arg6[%arg0, %dma_wait3A, %dma_wait3A_56] : memref<2x10240x128xf32, #tpu.memory_space<hbm>> -> memref<1x10240x128xf32, #tpu.memory_space<hbm>>
        %dma_wait3A_58 = tpu.memref_squeeze %dma_wait3A_57 : memref<1x10240x128xf32, #tpu.memory_space<hbm>> -> memref<10240x128xf32, #tpu.memory_space<hbm>>
        %dma_wait3A_59 = arith.constant 10000 : i32
        %dma_wait3A_60 = arith.constant 0 : i32
        %dma_wait3A_61 = tpu.memref_slice %dma_wait3A_58[%dma_wait3A_59, %dma_wait3A_60] : memref<10240x128xf32, #tpu.memory_space<hbm>> -> memref<240x128xf32, #tpu.memory_space<hbm>>
        %dma_wait3A_62 = arith.constant 0 : i32
        %dma_wait3A_63 = arith.constant 0 : i32
        %dma_wait3A_64 = tpu.memref_slice %arg5[%dma_wait3A_62, %dma_wait3A_63] : memref<640x128xf32, #tpu.memory_space<hbm>> -> memref<240x128xf32, #tpu.memory_space<hbm>>
        tpu.wait_dma2 semaphore(%run_scoped3A : memref<!tpu.dma_semaphore, #tpu.memory_space<semaphore_mem>>) src(%dma_wait3A_64 : memref<240x128xf32, #tpu.memory_space<hbm>>) dst(%dma_wait3A_61 : memref<240x128xf32, #tpu.memory_space<hbm>>)
        tpu.yield
      }) : () -> ()
    } else {
    }
    return
  }
}

module attributes {stable_mosaic.version = 14 : i64} {
  func.func @_edge_body(%arg0: i32, %arg1: memref<1024xf32, #tpu.memory_space<vmem>>, %arg2: memref<1xf32, #tpu.memory_space<smem>>, %arg3: memref<1xf32, #tpu.memory_space<smem>>, %arg4: memref<1x64xf32, #tpu.memory_space<vmem>>, %arg5: memref<64xf32, #tpu.memory_space<vmem>>, %arg6: memref<64x128xf32, #tpu.memory_space<vmem>>, %arg7: memref<128xf32, #tpu.memory_space<vmem>>, %arg8: memref<1x64xf32, #tpu.memory_space<vmem>>, %arg9: memref<64xf32, #tpu.memory_space<vmem>>, %arg10: memref<64x128xf32, #tpu.memory_space<vmem>>, %arg11: memref<128xf32, #tpu.memory_space<vmem>>, %arg12: memref<1024x128xf32, #tpu.memory_space<vmem>>, %arg13: memref<1024x128xf32, #tpu.memory_space<vmem>>) attributes {dimension_semantics = [#tpu.dimension_semantics<arbitrary>], iteration_bounds = array<i64: 320>, scalar_prefetch = 0 : i64, scratch_operands = 0 : i64, tpu.core_type = #tpu.core_type<tc>, window_params = [{transform_indices = @transform_0, window_bounds = array<i64: 1024>}, {transform_indices = @transform_1, window_bounds = array<i64: 1>}, {transform_indices = @transform_2, window_bounds = array<i64: 1>}, {pipeline_mode = #tpu.pipeline_mode<synchronous>, transform_indices = @transform_3, window_bounds = array<i64: 1, 64>}, {pipeline_mode = #tpu.pipeline_mode<synchronous>, transform_indices = @transform_4, window_bounds = array<i64: 64>}, {pipeline_mode = #tpu.pipeline_mode<synchronous>, transform_indices = @transform_5, window_bounds = array<i64: 64, 128>}, {pipeline_mode = #tpu.pipeline_mode<synchronous>, transform_indices = @transform_6, window_bounds = array<i64: 128>}, {pipeline_mode = #tpu.pipeline_mode<synchronous>, transform_indices = @transform_7, window_bounds = array<i64: 1, 64>}, {pipeline_mode = #tpu.pipeline_mode<synchronous>, transform_indices = @transform_8, window_bounds = array<i64: 64>}, {pipeline_mode = #tpu.pipeline_mode<synchronous>, transform_indices = @transform_9, window_bounds = array<i64: 64, 128>}, {pipeline_mode = #tpu.pipeline_mode<synchronous>, transform_indices = @transform_10, window_bounds = array<i64: 128>}, {transform_indices = @transform_11, window_bounds = array<i64: 1024, 128>}, {transform_indices = @transform_12, window_bounds = array<i64: 1024, 128>}]} {
    %get3A = arith.constant 0 : index
    %get3A_0 = vector.load %arg1[%get3A] : memref<1024xf32, #tpu.memory_space<vmem>>, vector<1024xf32>
    %broadcast_in_dim3A = vector.shape_cast %get3A_0 : vector<1024xf32> to vector<1024x1xf32>
    %get3A_1 = arith.constant 0 : index
    %get3A_2 = arith.constant 0 : index
    %get3A_3 = vector.load %arg4[%get3A_1, %get3A_2] : memref<1x64xf32, #tpu.memory_space<vmem>>, vector<1x64xf32>
    %mul3A = vector.broadcast %broadcast_in_dim3A : vector<1024x1xf32> to vector<1024x64xf32>
    %mul3A_4 = vector.broadcast %get3A_3 : vector<1x64xf32> to vector<1024x64xf32>
    %mul3A_5 = arith.mulf %mul3A, %mul3A_4 : vector<1024x64xf32>
    %get3A_6 = arith.constant 0 : index
    %get3A_7 = vector.load %arg5[%get3A_6] : memref<64xf32, #tpu.memory_space<vmem>>, vector<64xf32>
    %broadcast_in_dim3A_8 = vector.shape_cast %get3A_7 : vector<64xf32> to vector<1x64xf32>
    %add3A = vector.broadcast %broadcast_in_dim3A_8 : vector<1x64xf32> to vector<1024x64xf32>
    %add3A_9 = arith.addf %mul3A_5, %add3A : vector<1024x64xf32>
    %abs3A = math.absf %add3A_9 : vector<1024x64xf32>
    %add3A_10 = arith.constant 1.000000e+00 : f32
    %add3A_11 = vector.broadcast %add3A_10 : f32 to vector<1024x64xf32>
    %add3A_12 = arith.addf %add3A_11, %abs3A : vector<1024x64xf32>
    %div3A = arith.divf %add3A_9, %add3A_12 : vector<1024x64xf32>
    %get3A_13 = arith.constant 0 : index
    %get3A_14 = arith.constant 0 : index
    %get3A_15 = vector.load %arg6[%get3A_13, %get3A_14] : memref<64x128xf32, #tpu.memory_space<vmem>>, vector<64x128xf32>
    %dot_general3A = arith.constant dense<0.000000e+00> : vector<1024x128xf32>
    %dot_general3A_16 = tpu.matmul %div3A, %get3A_15, %dot_general3A {dimension_numbers = #tpu.dot_dimension_numbers<[1], [0], [0], [1], [0, 0, 1, 1], [], []>, transpose_lhs_hint = false} : vector<1024x64xf32>, vector<64x128xf32>, vector<1024x128xf32> -> vector<1024x128xf32>
    %get3A_17 = arith.constant 0 : index
    %get3A_18 = vector.load %arg7[%get3A_17] : memref<128xf32, #tpu.memory_space<vmem>>, vector<128xf32>
    %broadcast_in_dim3A_19 = vector.shape_cast %get3A_18 : vector<128xf32> to vector<1x128xf32>
    %add3A_20 = vector.broadcast %broadcast_in_dim3A_19 : vector<1x128xf32> to vector<1024x128xf32>
    %add3A_21 = arith.addf %dot_general3A_16, %add3A_20 : vector<1024x128xf32>
    %abs3A_22 = math.absf %add3A_21 : vector<1024x128xf32>
    %add3A_23 = arith.constant 1.000000e+00 : f32
    %add3A_24 = vector.broadcast %add3A_23 : f32 to vector<1024x128xf32>
    %add3A_25 = arith.addf %add3A_24, %abs3A_22 : vector<1024x128xf32>
    %div3A_26 = arith.divf %add3A_21, %add3A_25 : vector<1024x128xf32>
    %get3A_27 = arith.constant 0 : index
    %get3A_28 = arith.constant 0 : index
    %get3A_29 = vector.load %arg8[%get3A_27, %get3A_28] : memref<1x64xf32, #tpu.memory_space<vmem>>, vector<1x64xf32>
    %mul3A_30 = vector.broadcast %broadcast_in_dim3A : vector<1024x1xf32> to vector<1024x64xf32>
    %mul3A_31 = vector.broadcast %get3A_29 : vector<1x64xf32> to vector<1024x64xf32>
    %mul3A_32 = arith.mulf %mul3A_30, %mul3A_31 : vector<1024x64xf32>
    %get3A_33 = arith.constant 0 : index
    %get3A_34 = vector.load %arg9[%get3A_33] : memref<64xf32, #tpu.memory_space<vmem>>, vector<64xf32>
    %broadcast_in_dim3A_35 = vector.shape_cast %get3A_34 : vector<64xf32> to vector<1x64xf32>
    %add3A_36 = vector.broadcast %broadcast_in_dim3A_35 : vector<1x64xf32> to vector<1024x64xf32>
    %add3A_37 = arith.addf %mul3A_32, %add3A_36 : vector<1024x64xf32>
    %abs3A_38 = math.absf %add3A_37 : vector<1024x64xf32>
    %add3A_39 = arith.constant 1.000000e+00 : f32
    %add3A_40 = vector.broadcast %add3A_39 : f32 to vector<1024x64xf32>
    %add3A_41 = arith.addf %add3A_40, %abs3A_38 : vector<1024x64xf32>
    %div3A_42 = arith.divf %add3A_37, %add3A_41 : vector<1024x64xf32>
    %get3A_43 = arith.constant 0 : index
    %get3A_44 = arith.constant 0 : index
    %get3A_45 = vector.load %arg10[%get3A_43, %get3A_44] : memref<64x128xf32, #tpu.memory_space<vmem>>, vector<64x128xf32>
    %dot_general3A_46 = arith.constant dense<0.000000e+00> : vector<1024x128xf32>
    %dot_general3A_47 = tpu.matmul %div3A_42, %get3A_45, %dot_general3A_46 {dimension_numbers = #tpu.dot_dimension_numbers<[1], [0], [0], [1], [0, 0, 1, 1], [], []>, transpose_lhs_hint = false} : vector<1024x64xf32>, vector<64x128xf32>, vector<1024x128xf32> -> vector<1024x128xf32>
    %get3A_48 = arith.constant 0 : index
    %get3A_49 = vector.load %arg11[%get3A_48] : memref<128xf32, #tpu.memory_space<vmem>>, vector<128xf32>
    %broadcast_in_dim3A_50 = vector.shape_cast %get3A_49 : vector<128xf32> to vector<1x128xf32>
    %add3A_51 = vector.broadcast %broadcast_in_dim3A_50 : vector<1x128xf32> to vector<1024x128xf32>
    %add3A_52 = arith.addf %dot_general3A_47, %add3A_51 : vector<1024x128xf32>
    %abs3A_53 = math.absf %add3A_52 : vector<1024x128xf32>
    %add3A_54 = arith.constant 1.000000e+00 : f32
    %add3A_55 = vector.broadcast %add3A_54 : f32 to vector<1024x128xf32>
    %add3A_56 = arith.addf %add3A_55, %abs3A_53 : vector<1024x128xf32>
    %div3A_57 = arith.divf %add3A_52, %add3A_56 : vector<1024x128xf32>
    %get3A_58 = arith.constant 0 : index
    %get3A_59 = memref.load %arg2[%get3A_58] : memref<1xf32, #tpu.memory_space<smem>>
    %le3A = vector.broadcast %get3A_59 : f32 to vector<1024xf32>
    %le3A_60 = arith.cmpf ole, %get3A_0, %le3A : vector<1024xf32>
    %convert_element_type3A = arith.extui %le3A_60 : vector<1024xi1> to vector<1024xi32>
    %convert_element_type3A_61 = arith.sitofp %convert_element_type3A : vector<1024xi32> to vector<1024xf32>
    %broadcast_in_dim3A_62 = vector.shape_cast %convert_element_type3A_61 : vector<1024xf32> to vector<1024x1xf32>
    %get3A_63 = arith.constant 0 : index
    %get3A_64 = memref.load %arg3[%get3A_63] : memref<1xf32, #tpu.memory_space<smem>>
    %le3A_65 = vector.broadcast %get3A_64 : f32 to vector<1024xf32>
    %le3A_66 = arith.cmpf ole, %get3A_0, %le3A_65 : vector<1024xf32>
    %convert_element_type3A_67 = arith.extui %le3A_66 : vector<1024xi1> to vector<1024xi32>
    %convert_element_type3A_68 = arith.sitofp %convert_element_type3A_67 : vector<1024xi32> to vector<1024xf32>
    %broadcast_in_dim3A_69 = vector.shape_cast %convert_element_type3A_68 : vector<1024xf32> to vector<1024x1xf32>
    %mul3A_70 = vector.broadcast %broadcast_in_dim3A_62 : vector<1024x1xf32> to vector<1024x128xf32>
    %mul3A_71 = arith.mulf %div3A_26, %mul3A_70 : vector<1024x128xf32>
    %swap3A = arith.constant 0 : index
    %swap3A_72 = arith.constant 0 : index
    %swap3A_73 = vector.load %arg12[%swap3A, %swap3A_72] : memref<1024x128xf32, #tpu.memory_space<vmem>>, vector<1024x128xf32>
    tpu.vector_store %arg12[%swap3A, %swap3A_72], %mul3A_71 {strides = array<i32>} : memref<1024x128xf32, #tpu.memory_space<vmem>>, vector<1024x128xf32>,
    %mul3A_74 = vector.broadcast %broadcast_in_dim3A_69 : vector<1024x1xf32> to vector<1024x128xf32>
    %mul3A_75 = arith.mulf %div3A_57, %mul3A_74 : vector<1024x128xf32>
    %swap3A_76 = arith.constant 0 : index
    %swap3A_77 = arith.constant 0 : index
    %swap3A_78 = vector.load %arg13[%swap3A_76, %swap3A_77] : memref<1024x128xf32, #tpu.memory_space<vmem>>, vector<1024x128xf32>
    tpu.vector_store %arg13[%swap3A_76, %swap3A_77], %mul3A_75 {strides = array<i32>} : memref<1024x128xf32, #tpu.memory_space<vmem>>, vector<1024x128xf32>,
    return
  }
  func.func @transform_0(%arg0: i32) -> i32 {
    %c0_i32 = arith.constant 0 : i32
    return %arg0 : i32
  }
  func.func @transform_1(%arg0: i32) -> i32 {
    %c0_i32 = arith.constant 0 : i32
    %c0_i32_0 = arith.constant 0 : i32
    return %c0_i32 : i32
  }
  func.func @transform_2(%arg0: i32) -> i32 {
    %c0_i32 = arith.constant 0 : i32
    %c0_i32_0 = arith.constant 0 : i32
    return %c0_i32 : i32
  }
  func.func @transform_3(%arg0: i32) -> (i32, i32) {
    %c0_i32 = arith.constant 0 : i32
    %c0_i32_0 = arith.constant 0 : i32
    %c0_i32_1 = arith.constant 0 : i32
    return %c0_i32, %c0_i32_0 : i32, i32
  }
  func.func @transform_4(%arg0: i32) -> i32 {
    %c0_i32 = arith.constant 0 : i32
    %c0_i32_0 = arith.constant 0 : i32
    return %c0_i32 : i32
  }
  func.func @transform_5(%arg0: i32) -> (i32, i32) {
    %c0_i32 = arith.constant 0 : i32
    %c0_i32_0 = arith.constant 0 : i32
    %c0_i32_1 = arith.constant 0 : i32
    return %c0_i32, %c0_i32_0 : i32, i32
  }
  func.func @transform_6(%arg0: i32) -> i32 {
    %c0_i32 = arith.constant 0 : i32
    %c0_i32_0 = arith.constant 0 : i32
    return %c0_i32 : i32
  }
  func.func @transform_7(%arg0: i32) -> (i32, i32) {
    %c0_i32 = arith.constant 0 : i32
    %c0_i32_0 = arith.constant 0 : i32
    %c0_i32_1 = arith.constant 0 : i32
    return %c0_i32, %c0_i32_0 : i32, i32
  }
  func.func @transform_8(%arg0: i32) -> i32 {
    %c0_i32 = arith.constant 0 : i32
    %c0_i32_0 = arith.constant 0 : i32
    return %c0_i32 : i32
  }
  func.func @transform_9(%arg0: i32) -> (i32, i32) {
    %c0_i32 = arith.constant 0 : i32
    %c0_i32_0 = arith.constant 0 : i32
    %c0_i32_1 = arith.constant 0 : i32
    return %c0_i32, %c0_i32_0 : i32, i32
  }
  func.func @transform_10(%arg0: i32) -> i32 {
    %c0_i32 = arith.constant 0 : i32
    %c0_i32_0 = arith.constant 0 : i32
    return %c0_i32 : i32
  }
  func.func @transform_11(%arg0: i32) -> (i32, i32) {
    %c0_i32 = arith.constant 0 : i32
    %c0_i32_0 = arith.constant 0 : i32
    return %arg0, %c0_i32 : i32, i32
  }
  func.func @transform_12(%arg0: i32) -> (i32, i32) {
    %c0_i32 = arith.constant 0 : i32
    %c0_i32_0 = arith.constant 0 : i32
    return %arg0, %c0_i32 : i32, i32
  }
}

module attributes {stable_mosaic.version = 14 : i64} {
  func.func @_node_body(%arg0: i32, %arg1: memref<512x128xf32, #tpu.memory_space<vmem>>, %arg2: memref<1x512x128xf32, #tpu.memory_space<vmem>>, %arg3: memref<1x512x128xf32, #tpu.memory_space<vmem>>, %arg4: memref<1xf32, #tpu.memory_space<smem>>, %arg5: memref<1x64xf32, #tpu.memory_space<vmem>>, %arg6: memref<64xf32, #tpu.memory_space<vmem>>, %arg7: memref<64x128xf32, #tpu.memory_space<vmem>>, %arg8: memref<128xf32, #tpu.memory_space<vmem>>, %arg9: memref<128x128xf32, #tpu.memory_space<vmem>>, %arg10: memref<128xf32, #tpu.memory_space<vmem>>, %arg11: memref<128x128xf32, #tpu.memory_space<vmem>>, %arg12: memref<128x128xf32, #tpu.memory_space<vmem>>, %arg13: memref<128xf32, #tpu.memory_space<vmem>>, %arg14: memref<128x128xf32, #tpu.memory_space<vmem>>, %arg15: memref<128xf32, #tpu.memory_space<vmem>>, %arg16: memref<128x128xf32, #tpu.memory_space<vmem>>, %arg17: memref<128xf32, #tpu.memory_space<vmem>>, %arg18: memref<512x128xf32, #tpu.memory_space<vmem>>) attributes {dimension_semantics = [#tpu.dimension_semantics<arbitrary>], iteration_bounds = array<i64: 20>, scalar_prefetch = 0 : i64, scratch_operands = 0 : i64, tpu.core_type = #tpu.core_type<tc>, window_params = [{transform_indices = @transform_0, window_bounds = array<i64: 512, 128>}, {transform_indices = @transform_1, window_bounds = array<i64: 1, 512, 128>}, {transform_indices = @transform_2, window_bounds = array<i64: 1, 512, 128>}, {transform_indices = @transform_3, window_bounds = array<i64: 1>}, {pipeline_mode = #tpu.pipeline_mode<synchronous>, transform_indices = @transform_4, window_bounds = array<i64: 1, 64>}, {pipeline_mode = #tpu.pipeline_mode<synchronous>, transform_indices = @transform_5, window_bounds = array<i64: 64>}, {pipeline_mode = #tpu.pipeline_mode<synchronous>, transform_indices = @transform_6, window_bounds = array<i64: 64, 128>}, {pipeline_mode = #tpu.pipeline_mode<synchronous>, transform_indices = @transform_7, window_bounds = array<i64: 128>}, {pipeline_mode = #tpu.pipeline_mode<synchronous>, transform_indices = @transform_8, window_bounds = array<i64: 128, 128>}, {pipeline_mode = #tpu.pipeline_mode<synchronous>, transform_indices = @transform_9, window_bounds = array<i64: 128>}, {pipeline_mode = #tpu.pipeline_mode<synchronous>, transform_indices = @transform_10, window_bounds = array<i64: 128, 128>}, {pipeline_mode = #tpu.pipeline_mode<synchronous>, transform_indices = @transform_11, window_bounds = array<i64: 128, 128>}, {pipeline_mode = #tpu.pipeline_mode<synchronous>, transform_indices = @transform_12, window_bounds = array<i64: 128>}, {pipeline_mode = #tpu.pipeline_mode<synchronous>, transform_indices = @transform_13, window_bounds = array<i64: 128, 128>}, {pipeline_mode = #tpu.pipeline_mode<synchronous>, transform_indices = @transform_14, window_bounds = array<i64: 128>}, {pipeline_mode = #tpu.pipeline_mode<synchronous>, transform_indices = @transform_15, window_bounds = array<i64: 128, 128>}, {pipeline_mode = #tpu.pipeline_mode<synchronous>, transform_indices = @transform_16, window_bounds = array<i64: 128>}, {transform_indices = @transform_17, window_bounds = array<i64: 512, 128>}]} {
    %get3A = arith.constant 0 : index
    %get3A_0 = arith.constant 0 : index
    %get3A_1 = vector.load %arg1[%get3A, %get3A_0] : memref<512x128xf32, #tpu.memory_space<vmem>>, vector<512x128xf32>
    %get3A_2 = arith.constant 0 : index
    %get3A_3 = arith.constant 0 : index
    %get3A_4 = vector.load %arg5[%get3A_2, %get3A_3] : memref<1x64xf32, #tpu.memory_space<vmem>>, vector<1x64xf32>
    %get3A_5 = arith.constant 0 : index
    %get3A_6 = vector.load %arg6[%get3A_5] : memref<64xf32, #tpu.memory_space<vmem>>, vector<64xf32>
    %broadcast_in_dim3A = vector.shape_cast %get3A_6 : vector<64xf32> to vector<1x64xf32>
    %add3A = arith.addf %get3A_4, %broadcast_in_dim3A : vector<1x64xf32>
    %abs3A = math.absf %add3A : vector<1x64xf32>
    %add3A_7 = arith.constant 1.000000e+00 : f32
    %add3A_8 = vector.broadcast %add3A_7 : f32 to vector<1x64xf32>
    %add3A_9 = arith.addf %add3A_8, %abs3A : vector<1x64xf32>
    %div3A = arith.divf %add3A, %add3A_9 : vector<1x64xf32>
    %get3A_10 = arith.constant 0 : index
    %get3A_11 = arith.constant 0 : index
    %get3A_12 = vector.load %arg7[%get3A_10, %get3A_11] : memref<64x128xf32, #tpu.memory_space<vmem>>, vector<64x128xf32>
    %dot_general3A = arith.constant dense<0.000000e+00> : vector<1x128xf32>
    %dot_general3A_13 = tpu.matmul %div3A, %get3A_12, %dot_general3A {dimension_numbers = #tpu.dot_dimension_numbers<[1], [0], [0], [1], [0, 0, 1, 1], [], []>, transpose_lhs_hint = false} : vector<1x64xf32>, vector<64x128xf32>, vector<1x128xf32> -> vector<1x128xf32>
    %get3A_14 = arith.constant 0 : index
    %get3A_15 = vector.load %arg8[%get3A_14] : memref<128xf32, #tpu.memory_space<vmem>>, vector<128xf32>
    %broadcast_in_dim3A_16 = vector.shape_cast %get3A_15 : vector<128xf32> to vector<1x128xf32>
    %add3A_17 = arith.addf %dot_general3A_13, %broadcast_in_dim3A_16 : vector<1x128xf32>
    %abs3A_18 = math.absf %add3A_17 : vector<1x128xf32>
    %add3A_19 = arith.constant 1.000000e+00 : f32
    %add3A_20 = vector.broadcast %add3A_19 : f32 to vector<1x128xf32>
    %add3A_21 = arith.addf %add3A_20, %abs3A_18 : vector<1x128xf32>
    %div3A_22 = arith.divf %add3A_17, %add3A_21 : vector<1x128xf32>
    %get3A_23 = arith.constant 0 : index
    %get3A_24 = memref.load %arg4[%get3A_23] : memref<1xf32, #tpu.memory_space<smem>>
    %ge3A = arith.constant 1.000000e+00 : f32
    %ge3A_25 = arith.cmpf oge, %get3A_24, %ge3A : f32
    %jit3A = arith.constant 1.000000e+00 : f32
    %jit3A_26 = arith.constant 0.000000e+00 : f32
    %select_n3A = arith.select %ge3A_25, %jit3A, %jit3A_26 : f32
    %mul3A = vector.broadcast %select_n3A : f32 to vector<1x128xf32>
    %mul3A_27 = arith.mulf %div3A_22, %mul3A : vector<1x128xf32>
    %get3A_28 = arith.constant 0 : index
    %get3A_29 = arith.constant 0 : index
    %get3A_30 = arith.constant 0 : index
    %get3A_31 = vector.load %arg2[%get3A_28, %get3A_29, %get3A_30] : memref<1x512x128xf32, #tpu.memory_space<vmem>>, vector<1x512x128xf32>
    %get3A_32 = vector.shape_cast %get3A_31 : vector<1x512x128xf32> to vector<512x128xf32>
    %get3A_33 = arith.constant 0 : index
    %get3A_34 = arith.constant 0 : index
    %get3A_35 = arith.constant 0 : index
    %get3A_36 = vector.load %arg3[%get3A_33, %get3A_34, %get3A_35] : memref<1x512x128xf32, #tpu.memory_space<vmem>>, vector<1x512x128xf32>
    %get3A_37 = vector.shape_cast %get3A_36 : vector<1x512x128xf32> to vector<512x128xf32>
    %add3A_38 = arith.addf %get3A_32, %get3A_37 : vector<512x128xf32>
    %mul3A_39 = arith.constant 2.000000e+00 : f32
    %mul3A_40 = vector.broadcast %mul3A_39 : f32 to vector<512x128xf32>
    %mul3A_41 = arith.mulf %mul3A_40, %get3A_1 : vector<512x128xf32>
    %mul3A_42 = vector.broadcast %mul3A_27 : vector<1x128xf32> to vector<512x128xf32>
    %mul3A_43 = arith.mulf %mul3A_41, %mul3A_42 : vector<512x128xf32>
    %add3A_44 = arith.addf %add3A_38, %mul3A_43 : vector<512x128xf32>
    %get3A_45 = arith.constant 0 : index
    %get3A_46 = arith.constant 0 : index
    %get3A_47 = vector.load %arg9[%get3A_45, %get3A_46] : memref<128x128xf32, #tpu.memory_space<vmem>>, vector<128x128xf32>
    %dot_general3A_48 = arith.constant dense<0.000000e+00> : vector<512x128xf32>
    %dot_general3A_49 = tpu.matmul %get3A_1, %get3A_47, %dot_general3A_48 {dimension_numbers = #tpu.dot_dimension_numbers<[1], [0], [0], [1], [0, 0, 1, 1], [], []>, transpose_lhs_hint = false} : vector<512x128xf32>, vector<128x128xf32>, vector<512x128xf32> -> vector<512x128xf32>
    %add3A_50 = arith.addf %add3A_44, %dot_general3A_49 : vector<512x128xf32>
    %get3A_51 = arith.constant 0 : index
    %get3A_52 = vector.load %arg10[%get3A_51] : memref<128xf32, #tpu.memory_space<vmem>>, vector<128xf32>
    %broadcast_in_dim3A_53 = vector.shape_cast %get3A_52 : vector<128xf32> to vector<1x128xf32>
    %add3A_54 = vector.broadcast %broadcast_in_dim3A_53 : vector<1x128xf32> to vector<512x128xf32>
    %add3A_55 = arith.addf %add3A_50, %add3A_54 : vector<512x128xf32>
    %get3A_56 = arith.constant 0 : index
    %get3A_57 = arith.constant 0 : index
    %get3A_58 = vector.load %arg11[%get3A_56, %get3A_57] : memref<128x128xf32, #tpu.memory_space<vmem>>, vector<128x128xf32>
    %dot_general3A_59 = arith.constant dense<0.000000e+00> : vector<512x128xf32>
    %dot_general3A_60 = tpu.matmul %add3A_55, %get3A_58, %dot_general3A_59 {dimension_numbers = #tpu.dot_dimension_numbers<[1], [0], [0], [1], [0, 0, 1, 1], [], []>, transpose_lhs_hint = false} : vector<512x128xf32>, vector<128x128xf32>, vector<512x128xf32> -> vector<512x128xf32>
    %get3A_61 = arith.constant 0 : index
    %get3A_62 = arith.constant 0 : index
    %get3A_63 = vector.load %arg12[%get3A_61, %get3A_62] : memref<128x128xf32, #tpu.memory_space<vmem>>, vector<128x128xf32>
    %dot_general3A_64 = arith.constant dense<0.000000e+00> : vector<512x128xf32>
    %dot_general3A_65 = tpu.matmul %get3A_1, %get3A_63, %dot_general3A_64 {dimension_numbers = #tpu.dot_dimension_numbers<[1], [0], [0], [1], [0, 0, 1, 1], [], []>, transpose_lhs_hint = false} : vector<512x128xf32>, vector<128x128xf32>, vector<512x128xf32> -> vector<512x128xf32>
    %add3A_66 = arith.addf %dot_general3A_60, %dot_general3A_65 : vector<512x128xf32>
    %get3A_67 = arith.constant 0 : index
    %get3A_68 = vector.load %arg13[%get3A_67] : memref<128xf32, #tpu.memory_space<vmem>>, vector<128xf32>
    %broadcast_in_dim3A_69 = vector.shape_cast %get3A_68 : vector<128xf32> to vector<1x128xf32>
    %add3A_70 = vector.broadcast %broadcast_in_dim3A_69 : vector<1x128xf32> to vector<512x128xf32>
    %add3A_71 = arith.addf %add3A_66, %add3A_70 : vector<512x128xf32>
    %abs3A_72 = math.absf %add3A_71 : vector<512x128xf32>
    %add3A_73 = arith.constant 1.000000e+00 : f32
    %add3A_74 = vector.broadcast %add3A_73 : f32 to vector<512x128xf32>
    %add3A_75 = arith.addf %add3A_74, %abs3A_72 : vector<512x128xf32>
    %div3A_76 = arith.divf %add3A_71, %add3A_75 : vector<512x128xf32>
    %get3A_77 = arith.constant 0 : index
    %get3A_78 = arith.constant 0 : index
    %get3A_79 = vector.load %arg14[%get3A_77, %get3A_78] : memref<128x128xf32, #tpu.memory_space<vmem>>, vector<128x128xf32>
    %dot_general3A_80 = arith.constant dense<0.000000e+00> : vector<512x128xf32>
    %dot_general3A_81 = tpu.matmul %div3A_76, %get3A_79, %dot_general3A_80 {dimension_numbers = #tpu.dot_dimension_numbers<[1], [0], [0], [1], [0, 0, 1, 1], [], []>, transpose_lhs_hint = false} : vector<512x128xf32>, vector<128x128xf32>, vector<512x128xf32> -> vector<512x128xf32>
    %get3A_82 = arith.constant 0 : index
    %get3A_83 = vector.load %arg15[%get3A_82] : memref<128xf32, #tpu.memory_space<vmem>>, vector<128xf32>
    %broadcast_in_dim3A_84 = vector.shape_cast %get3A_83 : vector<128xf32> to vector<1x128xf32>
    %add3A_85 = vector.broadcast %broadcast_in_dim3A_84 : vector<1x128xf32> to vector<512x128xf32>
    %add3A_86 = arith.addf %dot_general3A_81, %add3A_85 : vector<512x128xf32>
    %abs3A_87 = math.absf %add3A_86 : vector<512x128xf32>
    %add3A_88 = arith.constant 1.000000e+00 : f32
    %add3A_89 = vector.broadcast %add3A_88 : f32 to vector<512x128xf32>
    %add3A_90 = arith.addf %add3A_89, %abs3A_87 : vector<512x128xf32>
    %div3A_91 = arith.divf %add3A_86, %add3A_90 : vector<512x128xf32>
    %reduce_max3A = arith.constant dense<0xFF800000> : vector<512xf32>
    %reduce_max3A_92 = vector.multi_reduction <maximumf>, %div3A_91, %reduce_max3A [1] : vector<512x128xf32> to vector<512xf32>
    %max3A = arith.constant 0xFF800000 : f32
    %max3A_93 = vector.broadcast %max3A : f32 to vector<512xf32>
    %max3A_94 = arith.maximumf %max3A_93, %reduce_max3A_92 : vector<512xf32>
    %broadcast_in_dim3A_95 = vector.shape_cast %max3A_94 : vector<512xf32> to vector<512x1xf32>
    %sub3A = vector.broadcast %broadcast_in_dim3A_95 : vector<512x1xf32> to vector<512x128xf32>
    %sub3A_96 = arith.subf %div3A_91, %sub3A : vector<512x128xf32>
    %exp3A = math.exp %sub3A_96 : vector<512x128xf32>
    %reduce_sum3A = arith.constant dense<0.000000e+00> : vector<512xf32>
    %reduce_sum3A_97 = vector.multi_reduction <add>, %exp3A, %reduce_sum3A [1] : vector<512x128xf32> to vector<512xf32>
    %broadcast_in_dim3A_98 = vector.shape_cast %reduce_sum3A_97 : vector<512xf32> to vector<512x1xf32>
    %div3A_99 = vector.broadcast %broadcast_in_dim3A_98 : vector<512x1xf32> to vector<512x128xf32>
    %div3A_100 = arith.divf %exp3A, %div3A_99 : vector<512x128xf32>
    %get3A_101 = arith.constant 0 : index
    %get3A_102 = arith.constant 0 : index
    %get3A_103 = vector.load %arg16[%get3A_101, %get3A_102] : memref<128x128xf32, #tpu.memory_space<vmem>>, vector<128x128xf32>
    %dot_general3A_104 = arith.constant dense<0.000000e+00> : vector<512x128xf32>
    %dot_general3A_105 = tpu.matmul %get3A_1, %get3A_103, %dot_general3A_104 {dimension_numbers = #tpu.dot_dimension_numbers<[1], [0], [0], [1], [0, 0, 1, 1], [], []>, transpose_lhs_hint = false} : vector<512x128xf32>, vector<128x128xf32>, vector<512x128xf32> -> vector<512x128xf32>
    %get3A_106 = arith.constant 0 : index
    %get3A_107 = vector.load %arg17[%get3A_106] : memref<128xf32, #tpu.memory_space<vmem>>, vector<128xf32>
    %broadcast_in_dim3A_108 = vector.shape_cast %get3A_107 : vector<128xf32> to vector<1x128xf32>
    %add3A_109 = vector.broadcast %broadcast_in_dim3A_108 : vector<1x128xf32> to vector<512x128xf32>
    %add3A_110 = arith.addf %dot_general3A_105, %add3A_109 : vector<512x128xf32>
    %abs3A_111 = math.absf %add3A_110 : vector<512x128xf32>
    %add3A_112 = arith.constant 1.000000e+00 : f32
    %add3A_113 = vector.broadcast %add3A_112 : f32 to vector<512x128xf32>
    %add3A_114 = arith.addf %add3A_113, %abs3A_111 : vector<512x128xf32>
    %div3A_115 = arith.divf %add3A_110, %add3A_114 : vector<512x128xf32>
    %mul3A_116 = arith.mulf %div3A_100, %div3A_115 : vector<512x128xf32>
    %swap3A = arith.constant 0 : index
    %swap3A_117 = arith.constant 0 : index
    %swap3A_118 = vector.load %arg18[%swap3A, %swap3A_117] : memref<512x128xf32, #tpu.memory_space<vmem>>, vector<512x128xf32>
    tpu.vector_store %arg18[%swap3A, %swap3A_117], %mul3A_116 {strides = array<i32>} : memref<512x128xf32, #tpu.memory_space<vmem>>, vector<512x128xf32>,
    return
  }
  func.func @transform_0(%arg0: i32) -> (i32, i32) {
    %c0_i32 = arith.constant 0 : i32
    %c0_i32_0 = arith.constant 0 : i32
    return %arg0, %c0_i32 : i32, i32
  }
  func.func @transform_1(%arg0: i32) -> (i32, i32, i32) {
    %c0_i32 = arith.constant 0 : i32
    %c0_i32_0 = arith.constant 0 : i32
    %c0_i32_1 = arith.constant 0 : i32
    return %c0_i32, %arg0, %c0_i32_0 : i32, i32, i32
  }
  func.func @transform_2(%arg0: i32) -> (i32, i32, i32) {
    %c1_i32 = arith.constant 1 : i32
    %c0_i32 = arith.constant 0 : i32
    %c0_i32_0 = arith.constant 0 : i32
    return %c1_i32, %arg0, %c0_i32 : i32, i32, i32
  }
  func.func @transform_3(%arg0: i32) -> i32 {
    %c0_i32 = arith.constant 0 : i32
    %c0_i32_0 = arith.constant 0 : i32
    return %c0_i32 : i32
  }
  func.func @transform_4(%arg0: i32) -> (i32, i32) {
    %c0_i32 = arith.constant 0 : i32
    %c0_i32_0 = arith.constant 0 : i32
    %c0_i32_1 = arith.constant 0 : i32
    return %c0_i32, %c0_i32_0 : i32, i32
  }
  func.func @transform_5(%arg0: i32) -> i32 {
    %c0_i32 = arith.constant 0 : i32
    %c0_i32_0 = arith.constant 0 : i32
    return %c0_i32 : i32
  }
  func.func @transform_6(%arg0: i32) -> (i32, i32) {
    %c0_i32 = arith.constant 0 : i32
    %c0_i32_0 = arith.constant 0 : i32
    %c0_i32_1 = arith.constant 0 : i32
    return %c0_i32, %c0_i32_0 : i32, i32
  }
  func.func @transform_7(%arg0: i32) -> i32 {
    %c0_i32 = arith.constant 0 : i32
    %c0_i32_0 = arith.constant 0 : i32
    return %c0_i32 : i32
  }
  func.func @transform_8(%arg0: i32) -> (i32, i32) {
    %c0_i32 = arith.constant 0 : i32
    %c0_i32_0 = arith.constant 0 : i32
    %c0_i32_1 = arith.constant 0 : i32
    return %c0_i32, %c0_i32_0 : i32, i32
  }
  func.func @transform_9(%arg0: i32) -> i32 {
    %c0_i32 = arith.constant 0 : i32
    %c0_i32_0 = arith.constant 0 : i32
    return %c0_i32 : i32
  }
  func.func @transform_10(%arg0: i32) -> (i32, i32) {
    %c0_i32 = arith.constant 0 : i32
    %c0_i32_0 = arith.constant 0 : i32
    %c0_i32_1 = arith.constant 0 : i32
    return %c0_i32, %c0_i32_0 : i32, i32
  }
  func.func @transform_11(%arg0: i32) -> (i32, i32) {
    %c0_i32 = arith.constant 0 : i32
    %c0_i32_0 = arith.constant 0 : i32
    %c0_i32_1 = arith.constant 0 : i32
    return %c0_i32, %c0_i32_0 : i32, i32
  }
  func.func @transform_12(%arg0: i32) -> i32 {
    %c0_i32 = arith.constant 0 : i32
    %c0_i32_0 = arith.constant 0 : i32
    return %c0_i32 : i32
  }
  func.func @transform_13(%arg0: i32) -> (i32, i32) {
    %c0_i32 = arith.constant 0 : i32
    %c0_i32_0 = arith.constant 0 : i32
    %c0_i32_1 = arith.constant 0 : i32
    return %c0_i32, %c0_i32_0 : i32, i32
  }
  func.func @transform_14(%arg0: i32) -> i32 {
    %c0_i32 = arith.constant 0 : i32
    %c0_i32_0 = arith.constant 0 : i32
    return %c0_i32 : i32
  }
  func.func @transform_15(%arg0: i32) -> (i32, i32) {
    %c0_i32 = arith.constant 0 : i32
    %c0_i32_0 = arith.constant 0 : i32
    %c0_i32_1 = arith.constant 0 : i32
    return %c0_i32, %c0_i32_0 : i32, i32
  }
  func.func @transform_16(%arg0: i32) -> i32 {
    %c0_i32 = arith.constant 0 : i32
    %c0_i32_0 = arith.constant 0 : i32
    return %c0_i32 : i32
  }
  func.func @transform_17(%arg0: i32) -> (i32, i32) {
    %c0_i32 = arith.constant 0 : i32
    %c0_i32_0 = arith.constant 0 : i32
    return %arg0, %c0_i32 : i32, i32
  }
}

module attributes {stable_mosaic.version = 14 : i64} {
  func.func @_node_body(%arg0: i32, %arg1: memref<512x128xf32, #tpu.memory_space<vmem>>, %arg2: memref<1x512x128xf32, #tpu.memory_space<vmem>>, %arg3: memref<1x512x128xf32, #tpu.memory_space<vmem>>, %arg4: memref<1xf32, #tpu.memory_space<smem>>, %arg5: memref<1x64xf32, #tpu.memory_space<vmem>>, %arg6: memref<64xf32, #tpu.memory_space<vmem>>, %arg7: memref<64x128xf32, #tpu.memory_space<vmem>>, %arg8: memref<128xf32, #tpu.memory_space<vmem>>, %arg9: memref<128x128xf32, #tpu.memory_space<vmem>>, %arg10: memref<128xf32, #tpu.memory_space<vmem>>, %arg11: memref<128x128xf32, #tpu.memory_space<vmem>>, %arg12: memref<128x128xf32, #tpu.memory_space<vmem>>, %arg13: memref<128xf32, #tpu.memory_space<vmem>>, %arg14: memref<128x64xf32, #tpu.memory_space<vmem>>, %arg15: memref<64xf32, #tpu.memory_space<vmem>>, %arg16: memref<128x64xf32, #tpu.memory_space<vmem>>, %arg17: memref<64xf32, #tpu.memory_space<vmem>>, %arg18: memref<512x64xf32, #tpu.memory_space<vmem>>) attributes {dimension_semantics = [#tpu.dimension_semantics<arbitrary>], iteration_bounds = array<i64: 20>, scalar_prefetch = 0 : i64, scratch_operands = 0 : i64, tpu.core_type = #tpu.core_type<tc>, window_params = [{transform_indices = @transform_0, window_bounds = array<i64: 512, 128>}, {transform_indices = @transform_1, window_bounds = array<i64: 1, 512, 128>}, {transform_indices = @transform_2, window_bounds = array<i64: 1, 512, 128>}, {transform_indices = @transform_3, window_bounds = array<i64: 1>}, {pipeline_mode = #tpu.pipeline_mode<synchronous>, transform_indices = @transform_4, window_bounds = array<i64: 1, 64>}, {pipeline_mode = #tpu.pipeline_mode<synchronous>, transform_indices = @transform_5, window_bounds = array<i64: 64>}, {pipeline_mode = #tpu.pipeline_mode<synchronous>, transform_indices = @transform_6, window_bounds = array<i64: 64, 128>}, {pipeline_mode = #tpu.pipeline_mode<synchronous>, transform_indices = @transform_7, window_bounds = array<i64: 128>}, {pipeline_mode = #tpu.pipeline_mode<synchronous>, transform_indices = @transform_8, window_bounds = array<i64: 128, 128>}, {pipeline_mode = #tpu.pipeline_mode<synchronous>, transform_indices = @transform_9, window_bounds = array<i64: 128>}, {pipeline_mode = #tpu.pipeline_mode<synchronous>, transform_indices = @transform_10, window_bounds = array<i64: 128, 128>}, {pipeline_mode = #tpu.pipeline_mode<synchronous>, transform_indices = @transform_11, window_bounds = array<i64: 128, 128>}, {pipeline_mode = #tpu.pipeline_mode<synchronous>, transform_indices = @transform_12, window_bounds = array<i64: 128>}, {pipeline_mode = #tpu.pipeline_mode<synchronous>, transform_indices = @transform_13, window_bounds = array<i64: 128, 64>}, {pipeline_mode = #tpu.pipeline_mode<synchronous>, transform_indices = @transform_14, window_bounds = array<i64: 64>}, {pipeline_mode = #tpu.pipeline_mode<synchronous>, transform_indices = @transform_15, window_bounds = array<i64: 128, 64>}, {pipeline_mode = #tpu.pipeline_mode<synchronous>, transform_indices = @transform_16, window_bounds = array<i64: 64>}, {transform_indices = @transform_17, window_bounds = array<i64: 512, 64>}]} {
    %get3A = arith.constant 0 : index
    %get3A_0 = arith.constant 0 : index
    %get3A_1 = vector.load %arg1[%get3A, %get3A_0] : memref<512x128xf32, #tpu.memory_space<vmem>>, vector<512x128xf32>
    %get3A_2 = arith.constant 0 : index
    %get3A_3 = arith.constant 0 : index
    %get3A_4 = vector.load %arg5[%get3A_2, %get3A_3] : memref<1x64xf32, #tpu.memory_space<vmem>>, vector<1x64xf32>
    %get3A_5 = arith.constant 0 : index
    %get3A_6 = vector.load %arg6[%get3A_5] : memref<64xf32, #tpu.memory_space<vmem>>, vector<64xf32>
    %broadcast_in_dim3A = vector.shape_cast %get3A_6 : vector<64xf32> to vector<1x64xf32>
    %add3A = arith.addf %get3A_4, %broadcast_in_dim3A : vector<1x64xf32>
    %abs3A = math.absf %add3A : vector<1x64xf32>
    %add3A_7 = arith.constant 1.000000e+00 : f32
    %add3A_8 = vector.broadcast %add3A_7 : f32 to vector<1x64xf32>
    %add3A_9 = arith.addf %add3A_8, %abs3A : vector<1x64xf32>
    %div3A = arith.divf %add3A, %add3A_9 : vector<1x64xf32>
    %get3A_10 = arith.constant 0 : index
    %get3A_11 = arith.constant 0 : index
    %get3A_12 = vector.load %arg7[%get3A_10, %get3A_11] : memref<64x128xf32, #tpu.memory_space<vmem>>, vector<64x128xf32>
    %dot_general3A = arith.constant dense<0.000000e+00> : vector<1x128xf32>
    %dot_general3A_13 = tpu.matmul %div3A, %get3A_12, %dot_general3A {dimension_numbers = #tpu.dot_dimension_numbers<[1], [0], [0], [1], [0, 0, 1, 1], [], []>, transpose_lhs_hint = false} : vector<1x64xf32>, vector<64x128xf32>, vector<1x128xf32> -> vector<1x128xf32>
    %get3A_14 = arith.constant 0 : index
    %get3A_15 = vector.load %arg8[%get3A_14] : memref<128xf32, #tpu.memory_space<vmem>>, vector<128xf32>
    %broadcast_in_dim3A_16 = vector.shape_cast %get3A_15 : vector<128xf32> to vector<1x128xf32>
    %add3A_17 = arith.addf %dot_general3A_13, %broadcast_in_dim3A_16 : vector<1x128xf32>
    %abs3A_18 = math.absf %add3A_17 : vector<1x128xf32>
    %add3A_19 = arith.constant 1.000000e+00 : f32
    %add3A_20 = vector.broadcast %add3A_19 : f32 to vector<1x128xf32>
    %add3A_21 = arith.addf %add3A_20, %abs3A_18 : vector<1x128xf32>
    %div3A_22 = arith.divf %add3A_17, %add3A_21 : vector<1x128xf32>
    %get3A_23 = arith.constant 0 : index
    %get3A_24 = memref.load %arg4[%get3A_23] : memref<1xf32, #tpu.memory_space<smem>>
    %ge3A = arith.constant 1.000000e+00 : f32
    %ge3A_25 = arith.cmpf oge, %get3A_24, %ge3A : f32
    %jit3A = arith.constant 1.000000e+00 : f32
    %jit3A_26 = arith.constant 0.000000e+00 : f32
    %select_n3A = arith.select %ge3A_25, %jit3A, %jit3A_26 : f32
    %mul3A = vector.broadcast %select_n3A : f32 to vector<1x128xf32>
    %mul3A_27 = arith.mulf %div3A_22, %mul3A : vector<1x128xf32>
    %get3A_28 = arith.constant 0 : index
    %get3A_29 = arith.constant 0 : index
    %get3A_30 = arith.constant 0 : index
    %get3A_31 = vector.load %arg2[%get3A_28, %get3A_29, %get3A_30] : memref<1x512x128xf32, #tpu.memory_space<vmem>>, vector<1x512x128xf32>
    %get3A_32 = vector.shape_cast %get3A_31 : vector<1x512x128xf32> to vector<512x128xf32>
    %get3A_33 = arith.constant 0 : index
    %get3A_34 = arith.constant 0 : index
    %get3A_35 = arith.constant 0 : index
    %get3A_36 = vector.load %arg3[%get3A_33, %get3A_34, %get3A_35] : memref<1x512x128xf32, #tpu.memory_space<vmem>>, vector<1x512x128xf32>
    %get3A_37 = vector.shape_cast %get3A_36 : vector<1x512x128xf32> to vector<512x128xf32>
    %add3A_38 = arith.addf %get3A_32, %get3A_37 : vector<512x128xf32>
    %mul3A_39 = arith.constant 2.000000e+00 : f32
    %mul3A_40 = vector.broadcast %mul3A_39 : f32 to vector<512x128xf32>
    %mul3A_41 = arith.mulf %mul3A_40, %get3A_1 : vector<512x128xf32>
    %mul3A_42 = vector.broadcast %mul3A_27 : vector<1x128xf32> to vector<512x128xf32>
    %mul3A_43 = arith.mulf %mul3A_41, %mul3A_42 : vector<512x128xf32>
    %add3A_44 = arith.addf %add3A_38, %mul3A_43 : vector<512x128xf32>
    %get3A_45 = arith.constant 0 : index
    %get3A_46 = arith.constant 0 : index
    %get3A_47 = vector.load %arg9[%get3A_45, %get3A_46] : memref<128x128xf32, #tpu.memory_space<vmem>>, vector<128x128xf32>
    %dot_general3A_48 = arith.constant dense<0.000000e+00> : vector<512x128xf32>
    %dot_general3A_49 = tpu.matmul %get3A_1, %get3A_47, %dot_general3A_48 {dimension_numbers = #tpu.dot_dimension_numbers<[1], [0], [0], [1], [0, 0, 1, 1], [], []>, transpose_lhs_hint = false} : vector<512x128xf32>, vector<128x128xf32>, vector<512x128xf32> -> vector<512x128xf32>
    %add3A_50 = arith.addf %add3A_44, %dot_general3A_49 : vector<512x128xf32>
    %get3A_51 = arith.constant 0 : index
    %get3A_52 = vector.load %arg10[%get3A_51] : memref<128xf32, #tpu.memory_space<vmem>>, vector<128xf32>
    %broadcast_in_dim3A_53 = vector.shape_cast %get3A_52 : vector<128xf32> to vector<1x128xf32>
    %add3A_54 = vector.broadcast %broadcast_in_dim3A_53 : vector<1x128xf32> to vector<512x128xf32>
    %add3A_55 = arith.addf %add3A_50, %add3A_54 : vector<512x128xf32>
    %get3A_56 = arith.constant 0 : index
    %get3A_57 = arith.constant 0 : index
    %get3A_58 = vector.load %arg11[%get3A_56, %get3A_57] : memref<128x128xf32, #tpu.memory_space<vmem>>, vector<128x128xf32>
    %dot_general3A_59 = arith.constant dense<0.000000e+00> : vector<512x128xf32>
    %dot_general3A_60 = tpu.matmul %add3A_55, %get3A_58, %dot_general3A_59 {dimension_numbers = #tpu.dot_dimension_numbers<[1], [0], [0], [1], [0, 0, 1, 1], [], []>, transpose_lhs_hint = false} : vector<512x128xf32>, vector<128x128xf32>, vector<512x128xf32> -> vector<512x128xf32>
    %get3A_61 = arith.constant 0 : index
    %get3A_62 = arith.constant 0 : index
    %get3A_63 = vector.load %arg12[%get3A_61, %get3A_62] : memref<128x128xf32, #tpu.memory_space<vmem>>, vector<128x128xf32>
    %dot_general3A_64 = arith.constant dense<0.000000e+00> : vector<512x128xf32>
    %dot_general3A_65 = tpu.matmul %get3A_1, %get3A_63, %dot_general3A_64 {dimension_numbers = #tpu.dot_dimension_numbers<[1], [0], [0], [1], [0, 0, 1, 1], [], []>, transpose_lhs_hint = false} : vector<512x128xf32>, vector<128x128xf32>, vector<512x128xf32> -> vector<512x128xf32>
    %add3A_66 = arith.addf %dot_general3A_60, %dot_general3A_65 : vector<512x128xf32>
    %get3A_67 = arith.constant 0 : index
    %get3A_68 = vector.load %arg13[%get3A_67] : memref<128xf32, #tpu.memory_space<vmem>>, vector<128xf32>
    %broadcast_in_dim3A_69 = vector.shape_cast %get3A_68 : vector<128xf32> to vector<1x128xf32>
    %add3A_70 = vector.broadcast %broadcast_in_dim3A_69 : vector<1x128xf32> to vector<512x128xf32>
    %add3A_71 = arith.addf %add3A_66, %add3A_70 : vector<512x128xf32>
    %abs3A_72 = math.absf %add3A_71 : vector<512x128xf32>
    %add3A_73 = arith.constant 1.000000e+00 : f32
    %add3A_74 = vector.broadcast %add3A_73 : f32 to vector<512x128xf32>
    %add3A_75 = arith.addf %add3A_74, %abs3A_72 : vector<512x128xf32>
    %div3A_76 = arith.divf %add3A_71, %add3A_75 : vector<512x128xf32>
    %get3A_77 = arith.constant 0 : index
    %get3A_78 = arith.constant 0 : index
    %get3A_79 = vector.load %arg14[%get3A_77, %get3A_78] : memref<128x64xf32, #tpu.memory_space<vmem>>, vector<128x64xf32>
    %dot_general3A_80 = arith.constant dense<0.000000e+00> : vector<512x64xf32>
    %dot_general3A_81 = tpu.matmul %div3A_76, %get3A_79, %dot_general3A_80 {dimension_numbers = #tpu.dot_dimension_numbers<[1], [0], [0], [1], [0, 0, 1, 1], [], []>, transpose_lhs_hint = false} : vector<512x128xf32>, vector<128x64xf32>, vector<512x64xf32> -> vector<512x64xf32>
    %get3A_82 = arith.constant 0 : index
    %get3A_83 = vector.load %arg15[%get3A_82] : memref<64xf32, #tpu.memory_space<vmem>>, vector<64xf32>
    %broadcast_in_dim3A_84 = vector.shape_cast %get3A_83 : vector<64xf32> to vector<1x64xf32>
    %add3A_85 = vector.broadcast %broadcast_in_dim3A_84 : vector<1x64xf32> to vector<512x64xf32>
    %add3A_86 = arith.addf %dot_general3A_81, %add3A_85 : vector<512x64xf32>
    %abs3A_87 = math.absf %add3A_86 : vector<512x64xf32>
    %add3A_88 = arith.constant 1.000000e+00 : f32
    %add3A_89 = vector.broadcast %add3A_88 : f32 to vector<512x64xf32>
    %add3A_90 = arith.addf %add3A_89, %abs3A_87 : vector<512x64xf32>
    %div3A_91 = arith.divf %add3A_86, %add3A_90 : vector<512x64xf32>
    %reduce_max3A = arith.constant dense<0xFF800000> : vector<512xf32>
    %reduce_max3A_92 = vector.multi_reduction <maximumf>, %div3A_91, %reduce_max3A [1] : vector<512x64xf32> to vector<512xf32>
    %max3A = arith.constant 0xFF800000 : f32
    %max3A_93 = vector.broadcast %max3A : f32 to vector<512xf32>
    %max3A_94 = arith.maximumf %max3A_93, %reduce_max3A_92 : vector<512xf32>
    %broadcast_in_dim3A_95 = vector.shape_cast %max3A_94 : vector<512xf32> to vector<512x1xf32>
    %sub3A = vector.broadcast %broadcast_in_dim3A_95 : vector<512x1xf32> to vector<512x64xf32>
    %sub3A_96 = arith.subf %div3A_91, %sub3A : vector<512x64xf32>
    %exp3A = math.exp %sub3A_96 : vector<512x64xf32>
    %reduce_sum3A = arith.constant dense<0.000000e+00> : vector<512xf32>
    %reduce_sum3A_97 = vector.multi_reduction <add>, %exp3A, %reduce_sum3A [1] : vector<512x64xf32> to vector<512xf32>
    %broadcast_in_dim3A_98 = vector.shape_cast %reduce_sum3A_97 : vector<512xf32> to vector<512x1xf32>
    %div3A_99 = vector.broadcast %broadcast_in_dim3A_98 : vector<512x1xf32> to vector<512x64xf32>
    %div3A_100 = arith.divf %exp3A, %div3A_99 : vector<512x64xf32>
    %get3A_101 = arith.constant 0 : index
    %get3A_102 = arith.constant 0 : index
    %get3A_103 = vector.load %arg16[%get3A_101, %get3A_102] : memref<128x64xf32, #tpu.memory_space<vmem>>, vector<128x64xf32>
    %dot_general3A_104 = arith.constant dense<0.000000e+00> : vector<512x64xf32>
    %dot_general3A_105 = tpu.matmul %get3A_1, %get3A_103, %dot_general3A_104 {dimension_numbers = #tpu.dot_dimension_numbers<[1], [0], [0], [1], [0, 0, 1, 1], [], []>, transpose_lhs_hint = false} : vector<512x128xf32>, vector<128x64xf32>, vector<512x64xf32> -> vector<512x64xf32>
    %get3A_106 = arith.constant 0 : index
    %get3A_107 = vector.load %arg17[%get3A_106] : memref<64xf32, #tpu.memory_space<vmem>>, vector<64xf32>
    %broadcast_in_dim3A_108 = vector.shape_cast %get3A_107 : vector<64xf32> to vector<1x64xf32>
    %add3A_109 = vector.broadcast %broadcast_in_dim3A_108 : vector<1x64xf32> to vector<512x64xf32>
    %add3A_110 = arith.addf %dot_general3A_105, %add3A_109 : vector<512x64xf32>
    %abs3A_111 = math.absf %add3A_110 : vector<512x64xf32>
    %add3A_112 = arith.constant 1.000000e+00 : f32
    %add3A_113 = vector.broadcast %add3A_112 : f32 to vector<512x64xf32>
    %add3A_114 = arith.addf %add3A_113, %abs3A_111 : vector<512x64xf32>
    %div3A_115 = arith.divf %add3A_110, %add3A_114 : vector<512x64xf32>
    %mul3A_116 = arith.mulf %div3A_100, %div3A_115 : vector<512x64xf32>
    %swap3A = arith.constant 0 : index
    %swap3A_117 = arith.constant 0 : index
    %swap3A_118 = vector.load %arg18[%swap3A, %swap3A_117] : memref<512x64xf32, #tpu.memory_space<vmem>>, vector<512x64xf32>
    tpu.vector_store %arg18[%swap3A, %swap3A_117], %mul3A_116 {strides = array<i32>} : memref<512x64xf32, #tpu.memory_space<vmem>>, vector<512x64xf32>,
    return
  }
  func.func @transform_0(%arg0: i32) -> (i32, i32) {
    %c0_i32 = arith.constant 0 : i32
    %c0_i32_0 = arith.constant 0 : i32
    return %arg0, %c0_i32 : i32, i32
  }
  func.func @transform_1(%arg0: i32) -> (i32, i32, i32) {
    %c0_i32 = arith.constant 0 : i32
    %c0_i32_0 = arith.constant 0 : i32
    %c0_i32_1 = arith.constant 0 : i32
    return %c0_i32, %arg0, %c0_i32_0 : i32, i32, i32
  }
  func.func @transform_2(%arg0: i32) -> (i32, i32, i32) {
    %c1_i32 = arith.constant 1 : i32
    %c0_i32 = arith.constant 0 : i32
    %c0_i32_0 = arith.constant 0 : i32
    return %c1_i32, %arg0, %c0_i32 : i32, i32, i32
  }
  func.func @transform_3(%arg0: i32) -> i32 {
    %c0_i32 = arith.constant 0 : i32
    %c0_i32_0 = arith.constant 0 : i32
    return %c0_i32 : i32
  }
  func.func @transform_4(%arg0: i32) -> (i32, i32) {
    %c0_i32 = arith.constant 0 : i32
    %c0_i32_0 = arith.constant 0 : i32
    %c0_i32_1 = arith.constant 0 : i32
    return %c0_i32, %c0_i32_0 : i32, i32
  }
  func.func @transform_5(%arg0: i32) -> i32 {
    %c0_i32 = arith.constant 0 : i32
    %c0_i32_0 = arith.constant 0 : i32
    return %c0_i32 : i32
  }
  func.func @transform_6(%arg0: i32) -> (i32, i32) {
    %c0_i32 = arith.constant 0 : i32
    %c0_i32_0 = arith.constant 0 : i32
    %c0_i32_1 = arith.constant 0 : i32
    return %c0_i32, %c0_i32_0 : i32, i32
  }
  func.func @transform_7(%arg0: i32) -> i32 {
    %c0_i32 = arith.constant 0 : i32
    %c0_i32_0 = arith.constant 0 : i32
    return %c0_i32 : i32
  }
  func.func @transform_8(%arg0: i32) -> (i32, i32) {
    %c0_i32 = arith.constant 0 : i32
    %c0_i32_0 = arith.constant 0 : i32
    %c0_i32_1 = arith.constant 0 : i32
    return %c0_i32, %c0_i32_0 : i32, i32
  }
  func.func @transform_9(%arg0: i32) -> i32 {
    %c0_i32 = arith.constant 0 : i32
    %c0_i32_0 = arith.constant 0 : i32
    return %c0_i32 : i32
  }
  func.func @transform_10(%arg0: i32) -> (i32, i32) {
    %c0_i32 = arith.constant 0 : i32
    %c0_i32_0 = arith.constant 0 : i32
    %c0_i32_1 = arith.constant 0 : i32
    return %c0_i32, %c0_i32_0 : i32, i32
  }
  func.func @transform_11(%arg0: i32) -> (i32, i32) {
    %c0_i32 = arith.constant 0 : i32
    %c0_i32_0 = arith.constant 0 : i32
    %c0_i32_1 = arith.constant 0 : i32
    return %c0_i32, %c0_i32_0 : i32, i32
  }
  func.func @transform_12(%arg0: i32) -> i32 {
    %c0_i32 = arith.constant 0 : i32
    %c0_i32_0 = arith.constant 0 : i32
    return %c0_i32 : i32
  }
  func.func @transform_13(%arg0: i32) -> (i32, i32) {
    %c0_i32 = arith.constant 0 : i32
    %c0_i32_0 = arith.constant 0 : i32
    %c0_i32_1 = arith.constant 0 : i32
    return %c0_i32, %c0_i32_0 : i32, i32
  }
  func.func @transform_14(%arg0: i32) -> i32 {
    %c0_i32 = arith.constant 0 : i32
    %c0_i32_0 = arith.constant 0 : i32
    return %c0_i32 : i32
  }
  func.func @transform_15(%arg0: i32) -> (i32, i32) {
    %c0_i32 = arith.constant 0 : i32
    %c0_i32_0 = arith.constant 0 : i32
    %c0_i32_1 = arith.constant 0 : i32
    return %c0_i32, %c0_i32_0 : i32, i32
  }
  func.func @transform_16(%arg0: i32) -> i32 {
    %c0_i32 = arith.constant 0 : i32
    %c0_i32_0 = arith.constant 0 : i32
    return %c0_i32 : i32
  }
  func.func @transform_17(%arg0: i32) -> (i32, i32) {
    %c0_i32 = arith.constant 0 : i32
    %c0_i32_0 = arith.constant 0 : i32
    return %arg0, %c0_i32 : i32, i32
  }
}

module attributes {stable_mosaic.version = 14 : i64} {
  func.func @_pool_body(%arg0: i32, %arg1: memref<512x128xf32, #tpu.memory_space<vmem>>, %arg2: memref<512x64xf32, #tpu.memory_space<vmem>>, %arg3: memref<512xi32, #tpu.memory_space<vmem>>, %arg4: memref<64x42xf32, #tpu.memory_space<vmem>>, %arg5: memref<42xf32, #tpu.memory_space<vmem>>, %arg6: memref<42x32xf32, #tpu.memory_space<vmem>>, %arg7: memref<32xf32, #tpu.memory_space<vmem>>, %arg8: memref<32x1xf32, #tpu.memory_space<vmem>>, %arg9: memref<1xf32, #tpu.memory_space<vmem>>, %arg10: memref<64x1xf32, #tpu.memory_space<vmem>>, %arg11: memref<64x64xf32, #tpu.memory_space<vmem>>) attributes {dimension_semantics = [#tpu.dimension_semantics<arbitrary>], iteration_bounds = array<i64: 20>, scalar_prefetch = 0 : i64, scratch_operands = 1 : i64, tpu.core_type = #tpu.core_type<tc>, window_params = [{transform_indices = @transform_0, window_bounds = array<i64: 512, 128>}, {transform_indices = @transform_1, window_bounds = array<i64: 512, 64>}, {transform_indices = @transform_2, window_bounds = array<i64: 512>}, {pipeline_mode = #tpu.pipeline_mode<synchronous>, transform_indices = @transform_3, window_bounds = array<i64: 64, 42>}, {pipeline_mode = #tpu.pipeline_mode<synchronous>, transform_indices = @transform_4, window_bounds = array<i64: 42>}, {pipeline_mode = #tpu.pipeline_mode<synchronous>, transform_indices = @transform_5, window_bounds = array<i64: 42, 32>}, {pipeline_mode = #tpu.pipeline_mode<synchronous>, transform_indices = @transform_6, window_bounds = array<i64: 32>}, {pipeline_mode = #tpu.pipeline_mode<synchronous>, transform_indices = @transform_7, window_bounds = array<i64: 32, 1>}, {pipeline_mode = #tpu.pipeline_mode<synchronous>, transform_indices = @transform_8, window_bounds = array<i64: 1>}, {pipeline_mode = #tpu.pipeline_mode<synchronous>, transform_indices = @transform_9, window_bounds = array<i64: 64, 1>}]} {
    %eq3A = arith.constant 0 : i32
    %eq3A_0 = arith.cmpi eq, %arg0, %eq3A : i32
    %convert_element_type3A = arith.extui %eq3A_0 : i1 to i32
    %cond3A = arith.constant 0 : i32
    %cond3A_1 = arith.cmpi ne, %convert_element_type3A, %cond3A : i32
    scf.if %cond3A_1 {
      %broadcast_in_dim3A_30 = arith.constant 0.000000e+00 : f32
      %broadcast_in_dim3A_31 = vector.broadcast %broadcast_in_dim3A_30 : f32 to vector<64x64xf32>
      %swap3A_32 = arith.constant 0 : index
      %swap3A_33 = arith.constant 0 : index
      %swap3A_34 = vector.load %arg11[%swap3A_32, %swap3A_33] : memref<64x64xf32, #tpu.memory_space<vmem>>, vector<64x64xf32>
      tpu.vector_store %arg11[%swap3A_32, %swap3A_33], %broadcast_in_dim3A_31 {strides = array<i32>} : memref<64x64xf32, #tpu.memory_space<vmem>>, vector<64x64xf32>,
    } else {
    }
    %get3A = arith.constant 0 : index
    %get3A_2 = arith.constant 14 : index
    %get3A_3 = vector.load %arg1[%get3A, %get3A_2] : memref<512x128xf32, #tpu.memory_space<vmem>>, vector<512x1xf32>
    %eq3A_4 = arith.constant -1.000000e+00 : f32
    %eq3A_5 = vector.broadcast %eq3A_4 : f32 to vector<512x1xf32>
    %eq3A_6 = arith.cmpf oeq, %get3A_3, %eq3A_5 : vector<512x1xf32>
    %get3A_7 = arith.constant 0 : index
    %get3A_8 = arith.constant 0 : index
    %get3A_9 = vector.load %arg2[%get3A_7, %get3A_8] : memref<512x64xf32, #tpu.memory_space<vmem>>, vector<512x64xf32>
    %jit3A = arith.constant 0.000000e+00 : f32
    %broadcast_in_dim3A = vector.shape_cast %eq3A_6 : vector<512x1xi1> to vector<512x1xi1>
    %broadcast_in_dim3A_10 = vector.broadcast %broadcast_in_dim3A : vector<512x1xi1> to vector<512x64xi1>
    %broadcast_in_dim3A_11 = vector.broadcast %jit3A : f32 to vector<512x64xf32>
    %select_n3A = arith.select %broadcast_in_dim3A_10, %broadcast_in_dim3A_11, %get3A_9 : vector<512x64xi1>, vector<512x64xf32>
    %get3A_12 = arith.constant 0 : index
    %get3A_13 = vector.load %arg3[%get3A_12] : memref<512xi32, #tpu.memory_space<vmem>>, vector<512xi32>
    %broadcast_in_dim3A_14 = vector.shape_cast %get3A_13 : vector<512xi32> to vector<512x1xi32>
    %iota3A = tpu.iota {dimensions = array<i32: 1>} : vector<512x64xi32>
    %eq3A_15 = vector.broadcast %broadcast_in_dim3A_14 : vector<512x1xi32> to vector<512x64xi32>
    %eq3A_16 = arith.cmpi eq, %eq3A_15, %iota3A : vector<512x64xi32>
    %convert_element_type3A_17 = arith.extui %eq3A_16 : vector<512x64xi1> to vector<512x64xi32>
    %convert_element_type3A_18 = arith.sitofp %convert_element_type3A_17 : vector<512x64xi32> to vector<512x64xf32>
    %get3A_19 = arith.constant 0 : index
    %get3A_20 = arith.constant 0 : index
    %get3A_21 = vector.load %arg11[%get3A_19, %get3A_20] : memref<64x64xf32, #tpu.memory_space<vmem>>, vector<64x64xf32>
    %dot_general3A = arith.constant dense<0.000000e+00> : vector<64x64xf32>
    %dot_general3A_22 = tpu.matmul %convert_element_type3A_18, %select_n3A, %dot_general3A {dimension_numbers = #tpu.dot_dimension_numbers<[0], [0], [1], [1], [0, 1, 1, 1], [], []>, transpose_lhs_hint = false} : vector<512x64xf32>, vector<512x64xf32>, vector<64x64xf32> -> vector<64x64xf32>
    %add3A = arith.addf %get3A_21, %dot_general3A_22 : vector<64x64xf32>
    %swap3A = arith.constant 0 : index
    %swap3A_23 = arith.constant 0 : index
    %swap3A_24 = vector.load %arg11[%swap3A, %swap3A_23] : memref<64x64xf32, #tpu.memory_space<vmem>>, vector<64x64xf32>
    tpu.vector_store %arg11[%swap3A, %swap3A_23], %add3A {strides = array<i32>} : memref<64x64xf32, #tpu.memory_space<vmem>>, vector<64x64xf32>,
    %eq3A_25 = arith.constant 19 : i32
    %eq3A_26 = arith.cmpi eq, %arg0, %eq3A_25 : i32
    %convert_element_type3A_27 = arith.extui %eq3A_26 : i1 to i32
    %cond3A_28 = arith.constant 0 : i32
    %cond3A_29 = arith.cmpi ne, %convert_element_type3A_27, %cond3A_28 : i32
    scf.if %cond3A_29 {
      %get3A_30 = arith.constant 0 : index
      %get3A_31 = arith.constant 0 : index
      %get3A_32 = vector.load %arg11[%get3A_30, %get3A_31] : memref<64x64xf32, #tpu.memory_space<vmem>>, vector<64x64xf32>
      %get3A_33 = arith.constant 0 : index
      %get3A_34 = arith.constant 0 : index
      %get3A_35 = vector.load %arg4[%get3A_33, %get3A_34] : memref<64x42xf32, #tpu.memory_space<vmem>>, vector<64x42xf32>
      %dot_general3A_36 = arith.constant dense<0.000000e+00> : vector<64x42xf32>
      %dot_general3A_37 = tpu.matmul %get3A_32, %get3A_35, %dot_general3A_36 {dimension_numbers = #tpu.dot_dimension_numbers<[1], [0], [0], [1], [0, 0, 1, 1], [], []>, transpose_lhs_hint = false} : vector<64x64xf32>, vector<64x42xf32>, vector<64x42xf32> -> vector<64x42xf32>
      %get3A_38 = arith.constant 0 : index
      %get3A_39 = vector.load %arg5[%get3A_38] : memref<42xf32, #tpu.memory_space<vmem>>, vector<42xf32>
      %broadcast_in_dim3A_40 = vector.shape_cast %get3A_39 : vector<42xf32> to vector<1x42xf32>
      %add3A_41 = vector.broadcast %broadcast_in_dim3A_40 : vector<1x42xf32> to vector<64x42xf32>
      %add3A_42 = arith.addf %dot_general3A_37, %add3A_41 : vector<64x42xf32>
      %max3A = arith.constant 0.000000e+00 : f32
      %max3A_43 = vector.broadcast %max3A : f32 to vector<64x42xf32>
      %max3A_44 = arith.maximumf %add3A_42, %max3A_43 : vector<64x42xf32>
      %get3A_45 = arith.constant 0 : index
      %get3A_46 = arith.constant 0 : index
      %get3A_47 = vector.load %arg6[%get3A_45, %get3A_46] : memref<42x32xf32, #tpu.memory_space<vmem>>, vector<42x32xf32>
      %dot_general3A_48 = arith.constant dense<0.000000e+00> : vector<64x32xf32>
      %dot_general3A_49 = tpu.matmul %max3A_44, %get3A_47, %dot_general3A_48 {dimension_numbers = #tpu.dot_dimension_numbers<[1], [0], [0], [1], [0, 0, 1, 1], [], []>, transpose_lhs_hint = false} : vector<64x42xf32>, vector<42x32xf32>, vector<64x32xf32> -> vector<64x32xf32>
      %get3A_50 = arith.constant 0 : index
      %get3A_51 = vector.load %arg7[%get3A_50] : memref<32xf32, #tpu.memory_space<vmem>>, vector<32xf32>
      %broadcast_in_dim3A_52 = vector.shape_cast %get3A_51 : vector<32xf32> to vector<1x32xf32>
      %add3A_53 = vector.broadcast %broadcast_in_dim3A_52 : vector<1x32xf32> to vector<64x32xf32>
      %add3A_54 = arith.addf %dot_general3A_49, %add3A_53 : vector<64x32xf32>
      %max3A_55 = arith.constant 0.000000e+00 : f32
      %max3A_56 = vector.broadcast %max3A_55 : f32 to vector<64x32xf32>
      %max3A_57 = arith.maximumf %add3A_54, %max3A_56 : vector<64x32xf32>
      %get3A_58 = arith.constant 0 : index
      %get3A_59 = arith.constant 0 : index
      %get3A_60 = vector.load %arg8[%get3A_58, %get3A_59] : memref<32x1xf32, #tpu.memory_space<vmem>>, vector<32x1xf32>
      %dot_general3A_61 = arith.constant dense<0.000000e+00> : vector<64x1xf32>
      %dot_general3A_62 = tpu.matmul %max3A_57, %get3A_60, %dot_general3A_61 {dimension_numbers = #tpu.dot_dimension_numbers<[1], [0], [0], [1], [0, 0, 1, 1], [], []>, transpose_lhs_hint = false} : vector<64x32xf32>, vector<32x1xf32>, vector<64x1xf32> -> vector<64x1xf32>
      %get3A_63 = arith.constant 0 : index
      %get3A_64 = vector.load %arg9[%get3A_63] : memref<1xf32, #tpu.memory_space<vmem>>, vector<1xf32>
      %broadcast_in_dim3A_65 = vector.shape_cast %get3A_64 : vector<1xf32> to vector<1x1xf32>
      %add3A_66 = vector.broadcast %broadcast_in_dim3A_65 : vector<1x1xf32> to vector<64x1xf32>
      %add3A_67 = arith.addf %dot_general3A_62, %add3A_66 : vector<64x1xf32>
      %swap3A_68 = arith.constant 0 : index
      %swap3A_69 = arith.constant 0 : index
      %swap3A_70 = vector.load %arg10[%swap3A_68, %swap3A_69] : memref<64x1xf32, #tpu.memory_space<vmem>>, vector<64x1xf32>
      tpu.vector_store %arg10[%swap3A_68, %swap3A_69], %add3A_67 {strides = array<i32>} : memref<64x1xf32, #tpu.memory_space<vmem>>, vector<64x1xf32>,
    } else {
    }
    return
  }
  func.func @transform_0(%arg0: i32) -> (i32, i32) {
    %c0_i32 = arith.constant 0 : i32
    %c0_i32_0 = arith.constant 0 : i32
    return %arg0, %c0_i32 : i32, i32
  }
  func.func @transform_1(%arg0: i32) -> (i32, i32) {
    %c0_i32 = arith.constant 0 : i32
    %c0_i32_0 = arith.constant 0 : i32
    return %arg0, %c0_i32 : i32, i32
  }
  func.func @transform_2(%arg0: i32) -> i32 {
    %c0_i32 = arith.constant 0 : i32
    return %arg0 : i32
  }
  func.func @transform_3(%arg0: i32) -> (i32, i32) {
    %c0_i32 = arith.constant 0 : i32
    %c0_i32_0 = arith.constant 0 : i32
    %c0_i32_1 = arith.constant 0 : i32
    return %c0_i32, %c0_i32_0 : i32, i32
  }
  func.func @transform_4(%arg0: i32) -> i32 {
    %c0_i32 = arith.constant 0 : i32
    %c0_i32_0 = arith.constant 0 : i32
    return %c0_i32 : i32
  }
  func.func @transform_5(%arg0: i32) -> (i32, i32) {
    %c0_i32 = arith.constant 0 : i32
    %c0_i32_0 = arith.constant 0 : i32
    %c0_i32_1 = arith.constant 0 : i32
    return %c0_i32, %c0_i32_0 : i32, i32
  }
  func.func @transform_6(%arg0: i32) -> i32 {
    %c0_i32 = arith.constant 0 : i32
    %c0_i32_0 = arith.constant 0 : i32
    return %c0_i32 : i32
  }
  func.func @transform_7(%arg0: i32) -> (i32, i32) {
    %c0_i32 = arith.constant 0 : i32
    %c0_i32_0 = arith.constant 0 : i32
    %c0_i32_1 = arith.constant 0 : i32
    return %c0_i32, %c0_i32_0 : i32, i32
  }
  func.func @transform_8(%arg0: i32) -> i32 {
    %c0_i32 = arith.constant 0 : i32
    %c0_i32_0 = arith.constant 0 : i32
    return %c0_i32 : i32
  }
  func.func @transform_9(%arg0: i32) -> (i32, i32) {
    %c0_i32 = arith.constant 0 : i32
    %c0_i32_0 = arith.constant 0 : i32
    %c0_i32_1 = arith.constant 0 : i32
    return %c0_i32, %c0_i32_0 : i32, i32
  }
}

</mosaic_0001>

<sc_bundles>
// kernel: kernel.11.cloned.1.call-start
scs
__scs_entry_jumppad:
0x0: {  	(pc) =	sbr.rel $0x88, $3  }
0x1: {  	(tag) =	ssettag $0x0;
	lr =	simm.s32 $0x1  }
0x2: {  	[smem:$0x3F7D] =	sst lr;
	_ =	strace $0xD0000000  }
0x3: {  	_ = 	snop  }
0x4: {  	_ = 	snop  }
0x5: {  	_ = 	snop  }
0x6: {  	_ = 	snop  }
0x7: {  	_ = 	snop  }
__scs_overlays_trampoline_lowered:
0x8: {  	[smem:$0x3F8C] =	sst s0  }
0x9: {  	[smem:$0x3F8D] =	sst s1  }
0xa: {  	[smem:$0x3F8E] =	sst s2  }
0xb: {  	[smem:$0x3F8F] =	sst s3  }
0xc: {  	[smem:$0x3F90] =	sst s4  }
0xd: {  	[smem:$0x3F91] =	sst s5  }
0xe: {  	[smem:$0x3F92] =	sst s6  }
0xf: {  	[smem:$0x3F93] =	sst s7  }
0x10: {  	[smem:$0x3F94] =	sst s8  }
0x11: {  	[smem:$0x3F95] =	sst s9;
	s0 =	simm.s32 @!p0 $0x0  }
0x12: {  	s1 =	sld [smem:$0x3F7B];
	s0 =	simm.s32 @p0 $0x1  }
0x13: {  	[smem:$0x3F96] =	sst s0;
	s0 =	simm.s32 @!p1 $0x0  }
0x14: {  	s2 =	sld [smem:$0x3F7A];
	s0 =	simm.s32 @p1 $0x1  }
0x15: {  	[smem:$0x3F97] =	sst s0;
	s0 =	simm.s32 @!p2 $0x0  }
0x16: {  	s3 =	sld [smem:$0x3FDB];
	s0 =	simm.s32 @p2 $0x1  }
0x17: {  	s4 =	simm.s32 $0x1BF5;
	[smem:$0x3F99] =	sst s0  }
0x18: {  	s0 =	sld [smem:$0x3F7C];
	_ =	swait.ge [sflag:s4], $0x0  }
0x19: {  	s7 =	sld [smem:$0x3F7D]  }
0x1a: {  	s8 =	sadd.s32 $0xFFFFE003, lr  }
0x1b: {  	s9 =	sadd.s32 $0xFFFFFEF7, lr;
	s5 =	simm.s32 $0xFFFFFFFF;
	p2 =	slt.u32 s8, $0xFFFFF086  }
0x1c: {  	p1 =	slt.u32 s9, $0xF7A;
	s5 =	simm.s32 @!p2 $0x0  }
0x1d: {  	s5 =	simm.s32 @p1 $0x1;
	p0 =	seq.s32 s7, s2  }
0x1e: {  	s7 =	smul.u32 @!p0 $0xF7A, s2;
	p2 =	seq.s32 @!p0 s5, $0x0  }
0x1f: {  	s9 =	smul.u32 $0xF7A, s1;
	s8 =	simm.s32 @!p0 $0x1BF5;
	p2 =	por !p2, p0  }
0x20: {  	[sflag:s8] =	ssyncset.s32 @!p0 $0xFFFFF086;
	s6 =	sadd.s32 @!p0 s3, s7;
	s7 =	simm.s32 @!p0 $0x108  }
0x21: {  	s3 =	sadd.s32 s3, s9;
	s6 =	sadd.s32 @!p0 $0x88, s6;
	s7 =	simm.s32 @p2 $0x1082  }
0x22: {  	[simem:s7], [sflag:s8] =	dma.local @!p0 [hbm:s6], $0xF7A  }
0x23: {  	s9 =	sor.u32 $0xD0000000, s2;
	s6 =	simm.s32 $0x108;
	_ =	swait.ge @!p0 [sflag:s8], $0x0  }
0x24: {  	s3 =	sadd.s32 $0x88, s3;
	s6 =	simm.s32 @!p1 $0x1082;
	[sflag:s4] =	ssyncset.s32 $0xFFFFF086  }
0x25: {  	[simem:s6], [sflag:s4] =	dma.local [hbm:s3], $0xF7A  }
0x26: {  	[smem:$0x3F7D] =	sst s1;
	(tag) =	ssettag s2;
	_ =	strace s9  }
0x27: {  	s1 =	sld [smem:$0x3F8D]  }
0x28: {  	s2 =	sld [smem:$0x3F8E]  }
0x29: {  	s4 =	sld [smem:$0x3F90]  }
0x2a: {  	p0 =	seq.s32 s5, $0x0;
	s5 =	sld [smem:$0x3F91]  }
0x2b: {  	s6 =	sld [smem:$0x3F92]  }
0x2c: {  	s7 =	sld [smem:$0x3F93]  }
0x2d: {  	s3 =	simm.s32 $0x108;
	s8 =	sld [smem:$0x3F94]  }
0x2e: {  	s3 =	simm.s32 @!p0 $0x1082;
	s9 =	sld [smem:$0x3F95]  }
0x2f: {  	lr =	sadd.s32 s0, s3;
	s0 =	sld [smem:$0x3F8C]  }
0x30: {  	s3 =	sld [smem:$0x3F8F]  }
0x31: {  	[smem:$0x3F98] =	sst s10  }
0x32: {  	s10 =	sld [smem:$0x3F96];
	_ =	sdelay $0x3  }
0x33: {  	p0 =	seq.s32 s10, $0x1;
	s10 =	sld [smem:$0x3F98];
	_ =	sdelay $0x3  }
0x34: {  	[smem:$0x3F98] =	sst s10  }
0x35: {  	s10 =	sld [smem:$0x3F97];
	_ =	sdelay $0x3  }
0x36: {  	p1 =	seq.s32 s10, $0x1;
	s10 =	sld [smem:$0x3F98];
	_ =	sdelay $0x3  }
0x37: {  	[smem:$0x3F98] =	sst s10  }
0x38: {  	s10 =	sld [smem:$0x3F99]  }
0x39: {  	_ = 	snop;
	(pc) =	sbr.ind lr, $3  }
0x3a: {  	_ = 	snop  }
0x3b: {  	_ = 	snop  }
0x3c: {  	p2 =	seq.s32 s10, $0x1;
	s10 =	sld [smem:$0x3F98]  }
0x3d: {  	_ =	shalt  }
0x3e: {  	_ =	shalt  }
0x3f: {  	_ =	shalt  }
0x40: {  	_ =	shalt  }
0x41: {  	_ =	shalt  }
0x42: {  	_ =	shalt  }
0x43: {  	_ =	shalt  }
0x44: {  	_ =	shalt  }
0x45: {  	_ =	shalt  }
0x46: {  	_ =	shalt  }
0x47: {  	_ =	shalt  }
0x48: {  	_ =	shalt  }
0x49: {  	_ =	shalt  }
0x4a: {  	_ =	shalt  }
0x4b: {  	_ =	shalt  }
0x4c: {  	_ =	shalt  }
0x4d: {  	_ =	shalt  }
0x4e: {  	_ =	shalt  }
0x4f: {  	_ =	shalt  }
0x50: {  	_ =	shalt  }
0x51: {  	_ =	shalt  }
0x52: {  	_ =	shalt  }
0x53: {  	_ =	shalt  }
0x54: {  	_ =	shalt  }
0x55: {  	_ =	shalt  }
0x56: {  	_ =	shalt  }
0x57: {  	_ =	shalt  }
0x58: {  	_ =	shalt  }
0x59: {  	_ =	shalt  }
0x5a: {  	_ =	shalt  }
0x5b: {  	_ =	shalt  }
0x5c: {  	_ =	shalt  }
0x5d: {  	_ =	shalt  }
0x5e: {  	_ =	shalt  }
0x5f: {  	_ =	shalt  }
0x60: {  	_ =	shalt  }
0x61: {  	_ =	shalt  }
0x62: {  	_ =	shalt  }
0x63: {  	_ =	shalt  }
0x64: {  	_ =	shalt  }
0x65: {  	_ =	shalt  }
0x66: {  	_ =	shalt  }
0x67: {  	_ =	shalt  }
0x68: {  	_ =	shalt  }
0x69: {  	_ =	shalt  }
0x6a: {  	_ =	shalt  }
0x6b: {  	_ =	shalt  }
0x6c: {  	_ =	shalt  }
0x6d: {  	_ =	shalt  }
0x6e: {  	_ =	shalt  }
0x6f: {  	_ =	shalt  }
0x70: {  	_ =	shalt  }
0x71: {  	_ =	shalt  }
0x72: {  	_ =	shalt  }
0x73: {  	_ =	shalt  }
0x74: {  	_ =	shalt  }
0x75: {  	_ =	shalt  }
0x76: {  	_ =	shalt  }
0x77: {  	_ =	shalt  }
0x78: {  	_ =	shalt  }
0x79: {  	_ =	shalt  }
0x7a: {  	_ =	shalt  }
0x7b: {  	_ =	shalt  }
0x7c: {  	_ =	shalt  }
0x7d: {  	_ =	shalt  }
0x7e: {  	_ =	shalt  }
0x7f: {  	_ =	shalt  }
0x80: {  	_ =	shalt  }
0x81: {  	_ =	shalt  }
0x82: {  	_ =	shalt  }
0x83: {  	_ =	shalt  }
0x84: {  	_ =	shalt  }
0x85: {  	_ =	shalt  }
0x86: {  	_ =	shalt  }
0x87: {  	_ =	shalt  }
.Lfunc_end0:
.L_simem_size_0:
called_computation.1_lowered:
.L_overlay_start_0:
0x88: {  	s2 =	sld [smem:$0x3FD9]  }
0x89: {  	s3 =	sld [smem:$0x3FFE];
	_ =	sdelay $0x1  }
0x8a: {  	s1 =	srdreg.scid  }
0x8b: {  	s0 =	sand.u32 $0x1, s1  }
0x8c: {  	s16 =	sshll.u32 s0, $0xA;
	s2 =	sadd.s32 s3, s2  }
0x8d: {  	s2 =	sadd.s32 s2, s16  }
0x8e: {  	[smem:$0x3FA4] =	sst s2  }
0x8f: {  	_ = 	snop  }
0x90: {  	(tm) =	ssettm $0x1  }
0x91: {  	s17 =	sld [smem:$0x3FFB];
	_ =	sdelay $0x3  }
0x92: {  	_ =	strace s17  }
0x93: {  	s2 =	sld [smem:$0x3FFC];
	_ =	sdelay $0x3  }
0x94: {  	_ =	strace s2  }
0x95: {  	s2 =	sld [smem:$0x3FFD];
	_ =	sdelay $0x3  }
0x96: {  	_ =	strace s2  }
0x97: {  	_ =	strace $0x8FFFFFFF  }
0x98: {  	s18 =	sld [smem:$0x3FDB];
	_ =	sdelay $0x1  }
0x99: {  	s19 =	simm.s32 $_scs_section_size  }
0x9a: {  	s4 =	simm.s32 $_size__tile_overlayer_lowered;
	s5 =	simm.s32 $_tile_overlayer_lowered  }
0x9b: {  	s22 =	simm.s32 $0x1BFF;
	s21 =	sshll.u32 s5, $0x1;
	s2 =	sadd.s32 s19, s18  }
0x9c: {  	s6 =	simm.s32 $0x0;
	s20 =	sshll.u32 s4, $0x1;
	s4 =	sadd.s32 s21, s2  }
0x9d: {  	[timem:s6], [sflag:s22] =	dma.local [hbm:s4], s20  }
0x9e: {  	_ =	swait.ge [sflag:s22], s20  }
0x9f: {  	s3 =	ssub.s32 $0x0, s20;
	[sflag:s22] =	ssyncset.done $0x0  }
0xa0: {  	[sflag:s22] =	ssyncadd.s32 s3;
	_ =	sdelay $0x1  }
0xa1: {  	s23 =	simm.s32 $0x1B8B  }
0xa2: {  	_ =	swait.ge [sflag:s23], $0x1  }
0xa3: {  	[sflag:s23] =	ssyncset.done $0x0  }
0xa4: {  	s25 =	simm.s32 $0x1B8E;
	s24 =	sld [smem:$0x3FFE];
	[sflag:s23] =	ssyncadd.s32 $0xFFFFFFFF  }
0xa5: {  	s26 =	simm.s32 $execute0_lowered;
	[smem:$0x3FD2] =	sst s25  }
0xa6: {  	s4 =	sshll.u32 s26, $0x1;
	_ =	strace $0x80000049;
	[dreg:$0x1] =	wrdreg $0xFFFFFFFF  }
0xa7: {  	s28 =	simm.s32 $_size_execute0_lowered;
	s2 =	sadd.s32 s2, s4;
	[dreg:$0x0] =	wrdreg $0x0  }
0xa8: {  	s4 =	sshll.u32 s28, $0x1;
	[dreg:$0x2] =	wrdreg s2  }
0xa9: {  	[dreg:$0x3] =	wrdreg s4  }
0xaa: {  	[dreg:$0x4] =	wrdreg $0xC0  }
0xab: {  	_ =	task [dreg:s6], $0x5FFFF  }
0xac: {  	[dreg:$0x1] =	wrdreg $0xFFFFFFFF  }
0xad: {  	[dreg:$0x0] =	wrdreg $0x60  }
0xae: {  	[dreg:$0x2] =	wrdreg s24  }
0xaf: {  	[dreg:$0x3] =	wrdreg $0xC1000  }
0xb0: {  	[dreg:$0x4] =	wrdreg $0x9  }
0xb1: {  	_ =	task.clear_ibuf [dreg:s6], $0x5FFFF;
	_ =	strace $0x90000049  }
0xb2: {  	s29 =	simm.s32 $0x9;
	_ =	strace $0x8000004B  }
0xb3: {  	_ =	swait.ge [sflag:s29], $0x1  }
0xb4: {  	[sflag:s29] =	ssyncadd.s32 $0xFFFFFFFF  }
0xb5: {  	_ =	strace $0x9000004B  }
0xb6: {  	_ =	sfence  }
0xb7: {  	s30 =	sld [smem:$0x0];
	_ =	sdelay $0x2  }
0xb8: {  	s31 =	sshll.u32 s1, $0xD;
	s1 =	sshrl.u32 s1, $0x2  }
0xb9: {  	s3 =	sand.u32 $0x4000, s31;
	s1 =	sadd.s32 s1, s30  }
0xba: {  	s0 =	sor.u32 s3, s0;
	s1 =	sshll.u32 s1, $0x11  }
0xbb: {  	s0 =	sor.u32 s1, s0  }
0xbc: {  	s0 =	sadd.s32 $0x8F2B, s0  }
0xbd: {  	[sflag:s0] =	ssyncadd.remote.s32 $0x1  }
0xbe: {  	_ =	sfence.sel $0xFFFF  }
0xbf: {  	[dreg:$0x0] =	wrdreg $0xFFFFFFFF;
	(pc) =	sbr.abs _section_cstart, $3  }
0xc0: {  	[dreg:$0x1] =	wrdreg $0xFFFFFFFF  }
0xc1: {  	_ =	task.clear_ibuf [dreg:s6], $0x2FFFF;
	_ =	strace $0x9FFFFFFF  }
0xc2: {  	(tm) =	ssettm $0x7FFFFFFF  }
0xc3: {  	_ =	shalt  }
tec
execute0_lowered:
.L_overlay_start_1:
0x0: {  	(tag) =	ssettag $0x1  }
0x1: {  	s0 =	rddreg [dreg:$0x0]  }
0x2: {  	s1 =	rddreg [dreg:$0x1];
	s2 =	simm.s32 $0x0  }
0x3: {  	s3 =	srdreg.scid;
	s11 =	stileid.u32;
	s17 =	simm.s32 $0x6E  }
0x4: {  	s21 =	simm.s32 $0x5;
	s22 =	simm.s32 $0x80;
	s28 =	simm.s32 $0x1  }
0x5: {  	s29 =	simm.s32 $0x2;
	s30 =	simm.s32 $0x3;
	s31 =	simm.s32 $0x4  }
0x6: {  	[smem:$0x7FF] =	sst s2;
	s4 =	sadd.s32 $0x42E00, s0;
	s5 =	sadd.s32 $0x6E00, s0  }
0x7: {  	s3 =	sand.u32 $0x1, s3;
	s7 =	smul.u32 $0x50000, s11;
	s6 =	sadd.s32 $0x542E00, s0  }
0x8: {  	s10 =	sadd.s32 $0xA42E00, s0;
	s13 =	sadd.s32 $0x12C000, s1;
	s26 =	smul.u32 $0x32, s11  }
0x9: {  	s14 =	sadd.s32 $0x130000, s1;
	s15 =	sadd.s32 $0x134000, s1;
	s18 =	sadd.s32 $0x138000, s1  }
0xa: {  	_ =	strace $0x8000004A;
	s8 =	smul.u32 $0x28000, s3;
	s9 =	ssub.s32 $0x2, s3  }
0xb: {  	[dreg:$0x3] =	wrdreg s10;
	s10 =	smul.u32 $0x6E, s11;
	p0 =	seq.s32 s3, $0x0  }
0xc: {  	s23 =	sshrl.u32 s9, $0x1;
	s7 =	sshrl.u32 s7, $0x2;
	s16 =	sadd.s32 $0x6E0, s26  }
0xd: {  	s17 =	simm.s32 @!p0 $0x32;
	s26 =	simm.s32 $0x8100;
	s0 =	sadd.s32 s8, s0  }
0xe: {  	s9 =	ssub.s32 s9, s23;
	s8 =	sadd.s32 s7, s1;
	s16 =	smov.u32 @p0 s10  }
0xf: {  	p0 =	seq.s32 s11, $0xF;
	s23 =	simm.s32 $0x100;
	s7 =	sadd.s32 $0x4000, s8  }
0x10: {  	s24 =	sadd.s32 $0x8000, s8;
	s25 =	sadd.s32 $0xC000, s8;
	[dreg:$0x4] =	wrdreg s7  }
0x11: {  	s19 =	sadd.s32 $0x6AE00, s0;
	s0 =	smul.u32 $0x2800, s11;
	[dreg:$0x5] =	wrdreg s24  }
0x12: {  	s12 =	sadd.s32 $0x10000, s8;
	s20 =	smax.u32 s9, $0x1;
	[dreg:$0x6] =	wrdreg s25  }
0x13: {  	v0 =	vimm.f32 $0.0e+00;
	s24 =	simm.s32 $0x4100;
	s25 =	sadd.s32 @!p0 s0, s19;
	s0 =	simm.s32 $0x0  }
.LBB2_1:
0x14: {  	s3 =	simm.s32 $0x0;
	s7 =	simm.s32 $0x200  }
.LBB2_2:
0x15: {  	p1 =	sne.s32 s7, $0xFE00;
	[tilespmem:s3+$0x170] =	vst v0  }
0x16: {  	[tilespmem:s3+$0x100] =	vst v0  }
0x17: {  	[tilespmem:s3+$0x110] =	vst v0  }
.Ltmp0:
0x18: {  	[tilespmem:s3+$0x120] =	vst v0;
	(pc) =	sbr.rel @p1 .LBB2_2-.Ltmp0, $4  }
0x19: {  	[tilespmem:s3+$0x130] =	vst v0  }
0x1a: {  	[tilespmem:s3+$0x140] =	vst v0  }
0x1b: {  	[tilespmem:s3+$0x150] =	vst v0  }
0x1c: {  	[tilespmem:s3+$0x160] =	vst v0;
	s3 =	sshra.s32 s7, $0x2;
	s7 =	sadd.s32 $0x200, s7  }
0x1d: {  	[tilespmem:s3+$0x170] =	vst v0  }
0x1e: {  	[tilespmem:s3+$0x100] =	vst v0  }
0x1f: {  	[tilespmem:s3+$0x110] =	vst v0  }
0x20: {  	[tilespmem:s3+$0x120] =	vst v0  }
0x21: {  	[tilespmem:s3+$0x130] =	vst v0  }
0x22: {  	[tilespmem:s3+$0x140] =	vst v0  }
0x23: {  	[tilespmem:s3+$0x150] =	vst v0  }
0x24: {  	[tilespmem:s3+$0x160] =	vst v0;
	s3 =	simm.s32 @p0 $0x100;
	s7 =	simm.s32 @p0 $0x5  }
0x25: {  	[spmem:s13] =	stream.linear.scatter @p0 [tilespmem:s3], [sflag:$0x5], $0x4000, $0x38;
	[tilespmem:$0x1F980] =	vst v63  }
0x26: {  	_ =	swait.ge @p0 [sflag:s7], $0x4000  }
0x27: {  	[sflag:s7] =	ssyncset.done @p0 $0x0  }
0x28: {  	[sflag:s7] =	ssyncadd.s32 @p0 $0xFFFFC000  }
0x29: {  	[spmem:s14] =	stream.linear.scatter @p0 [tilespmem:s3], [sflag:$0x5], $0x4000, $0x38;
	[tilespmem:$0x1F980] =	vst v63  }
0x2a: {  	_ =	swait.ge @p0 [sflag:s7], $0x4000  }
0x2b: {  	[sflag:s7] =	ssyncset.done @p0 $0x0  }
0x2c: {  	[sflag:s7] =	ssyncadd.s32 @p0 $0xFFFFC000  }
0x2d: {  	[spmem:s15] =	stream.linear.scatter @p0 [tilespmem:s3], [sflag:$0x5], $0x4000, $0x38;
	[tilespmem:$0x1F980] =	vst v63  }
0x2e: {  	_ =	swait.ge @p0 [sflag:s7], $0x4000  }
0x2f: {  	[sflag:s7] =	ssyncset.done @p0 $0x0  }
0x30: {  	[sflag:s7] =	ssyncadd.s32 @p0 $0xFFFFC000  }
0x31: {  	[spmem:s18] =	stream.linear.scatter @p0 [tilespmem:s3], [sflag:$0x5], $0x800, $0x38;
	[tilespmem:$0x1F980] =	vst v63  }
0x32: {  	_ =	swait.ge @p0 [sflag:s7], $0x800  }
0x33: {  	[sflag:s7] =	ssyncset.done @p0 $0x0  }
0x34: {  	s3 =	simm.s32 @!p0 $0x100;
	[sflag:s7] =	ssyncadd.s32 @p0 $0xFFFFF800;
	s7 =	simm.s32 @!p0 $0x5  }
0x35: {  	[spmem:s8] =	stream.linear.scatter @!p0 [tilespmem:s3], [sflag:$0x5], $0x4000, $0x38;
	[tilespmem:$0x1F980] =	vst v63  }
0x36: {  	_ =	swait.ge @!p0 [sflag:s7], $0x4000  }
0x37: {  	[sflag:s7] =	ssyncset.done @!p0 $0x0  }
0x38: {  	s9 =	rddreg [dreg:$0x4];
	[sflag:s7] =	ssyncadd.s32 @!p0 $0xFFFFC000  }
0x39: {  	[spmem:s9] =	stream.linear.scatter @!p0 [tilespmem:s3], [sflag:$0x5], $0x4000, $0x38;
	[tilespmem:$0x1F980] =	vst v63  }
0x3a: {  	_ =	swait.ge @!p0 [sflag:s7], $0x4000  }
0x3b: {  	[sflag:s7] =	ssyncset.done @!p0 $0x0  }
0x3c: {  	s9 =	rddreg [dreg:$0x5];
	[sflag:s7] =	ssyncadd.s32 @!p0 $0xFFFFC000  }
0x3d: {  	[spmem:s9] =	stream.linear.scatter @!p0 [tilespmem:s3], [sflag:$0x5], $0x4000, $0x38;
	[tilespmem:$0x1F980] =	vst v63  }
0x3e: {  	_ =	swait.ge @!p0 [sflag:s7], $0x4000  }
0x3f: {  	[sflag:s7] =	ssyncset.done @!p0 $0x0  }
0x40: {  	s9 =	rddreg [dreg:$0x6];
	[sflag:s7] =	ssyncadd.s32 @!p0 $0xFFFFC000  }
0x41: {  	[spmem:s9] =	stream.linear.scatter @!p0 [tilespmem:s3], [sflag:$0x5], $0x4000, $0x38;
	[tilespmem:$0x1F980] =	vst v63  }
0x42: {  	_ =	swait.ge @!p0 [sflag:s7], $0x4000  }
0x43: {  	[sflag:s7] =	ssyncset.done @!p0 $0x0  }
0x44: {  	[sflag:s7] =	ssyncadd.s32 @!p0 $0xFFFFC000  }
0x45: {  	[spmem:s12] =	stream.linear.scatter @!p0 [tilespmem:s3], [sflag:$0x5], $0x4000, $0x38;
	[tilespmem:$0x1F980] =	vst v63  }
0x46: {  	_ =	swait.ge @!p0 [sflag:s7], $0x4000  }
0x47: {  	[sflag:s7] =	ssyncset.done @!p0 $0x0  }
0x48: {  	[sflag:s7] =	ssyncadd.s32 @!p0 $0xFFFFC000  }
0x49: {  	s3 =	simm.s32 $0x0;
	s7 =	simm.s32 $0x0;
	[bflag:$0x0] =	sbarrier.arrive $0xFFFF  }
.LBB2_4:
0x4a: {  	s9 =	sadd.s32 s16, s7  }
0x4b: {  	s10 =	sshll.u32 s9, $0x5  }
0x4c: {  	s10 =	sadd.s32 s5, s10  }
0x4d: {  	[tilespmem:s3], [sflag:$0x5] =	stream.linear.gather [hbm4b:s10+s3], $0x100, $0x38;
	[tilespmem:$0x1F980] =	vst v63  }
0x4e: {  	_ =	swait.ge [sflag:s21], $0x100  }
0x4f: {  	[sflag:s21] =	ssyncset.done $0x0  }
0x50: {  	[sflag:s21] =	ssyncadd.s32 $0xFFFFFF00  }
0x51: {  	[tilespmem:s23], [sflag:$0x1] =	stream.indirect.gather [hbm4b:s4+s22], $0x80, s3, s22, $0xb8;
	[tilespmem:$0x1F980] =	vst v63  }
0x52: {  	s9 =	sshll.u32 s9, $0xB  }
0x53: {  	[tilespmem:s24], [sflag:$0x2] =	stream.indirect.gather [hbm4b:s4+s22], $0x80, s22, s22, $0xb8;
	[tilespmem:$0x1F980] =	vst v63  }
0x54: {  	s9 =	sadd.s32 s6, s9  }
0x55: {  	[tilespmem:s26], [sflag:$0x5] =	stream.linear.gather [hbm4b:s9+s3], $0x4000, $0x38;
	[tilespmem:$0x1F980] =	vst v63  }
0x56: {  	_ =	swait.ge [sflag:s21], $0x4000  }
0x57: {  	[sflag:s21] =	ssyncset.done $0x0  }
0x58: {  	[sflag:s21] =	ssyncadd.s32 $0xFFFFC000  }
0x59: {  	_ =	swait.ge [sflag:s28], $0x4000  }
0x5a: {  	[sflag:s28] =	ssyncset.done $0x0  }
0x5b: {  	[sflag:s28] =	ssyncadd.s32 $0xFFFFC000  }
0x5c: {  	_ =	swait.ge [sflag:s29], $0x4000  }
0x5d: {  	[sflag:s29] =	ssyncset.done $0x0  }
0x5e: {  	s9 =	simm.s32 $0x0;
	[sflag:s29] =	ssyncadd.s32 $0xFFFFC000  }
0x5f: {  	v4 =	vld [tilespmem:s9+$0x8100]  }
0x60: {  	v5 =	vld [tilespmem:s9+$0x8110]  }
0x61: {  	v6 =	vld [tilespmem:s9+$0x8120]  }
0x62: {  	v7 =	vld [tilespmem:s9+$0x8130]  }
0x63: {  	v8 =	vld [tilespmem:s9+$0x8140]  }
0x64: {  	v3 =	vld [tilespmem:s9+$0x8150]  }
0x65: {  	v2 =	vld [tilespmem:s9+$0x8160]  }
0x66: {  	v1 =	vld [tilespmem:s9+$0x8170]  }
0x67: {  	v9 =	vld [tilespmem:s9+$0x100]  }
0x68: {  	v10 =	vld [tilespmem:s9+$0x4100]  }
0x69: {  	v11 =	vld [tilespmem:s9+$0x110]  }
0x6a: {  	v12 =	vld [tilespmem:s9+$0x4110]  }
0x6b: {  	v13 =	vld [tilespmem:s9+$0x120]  }
0x6c: {  	v14 =	vld [tilespmem:s9+$0x4120];
	v9 =	vmul.f32 v9, v4  }
0x6d: {  	v15 =	vld [tilespmem:s9+$0x130];
	v4 =	vmul.f32 v10, v4  }
0x6e: {  	v10 =	vmul.f32 v11, v5;
	[tilespmem:s9+$0x100] =	vst v9;
	v9 =	vld [tilespmem:s9+$0x4130]  }
0x6f: {  	v11 =	vld [tilespmem:s9+$0x140];
	[tilespmem:s9+$0x4100] =	vst v4;
	v4 =	vmul.f32 v12, v5  }
0x70: {  	v63 =	vld [tilespmem:s9+$0x4140];
	[tilespmem:s9+$0x110] =	vst v10;
	v10 =	vmul.f32 v13, v6  }
0x71: {  	v5 =	vld [tilespmem:s9+$0x150];
	v6 =	vmul.f32 v14, v6;
	[tilespmem:s9+$0x4110] =	vst v4  }
0x72: {  	[tilespmem:s9+$0x120] =	vst v10;
	v4 =	vld [tilespmem:s9+$0x4150];
	v10 =	vmul.f32 v15, v7  }
0x73: {  	[tilespmem:s9+$0x4120] =	vst v6;
	v6 =	vld [tilespmem:s9+$0x160];
	v9 =	vmul.f32 v9, v7  }
0x74: {  	[tilespmem:s9+$0x130] =	vst v10;
	v10 =	vmul.f32 v11, v8;
	v7 =	vld [tilespmem:s9+$0x4160]  }
0x75: {  	s10 =	simm.s32 $0x200;
	[tilespmem:s9+$0x4130] =	vst v9;
	v9 =	vmul.f32 v63, v8;
	v8 =	vld [tilespmem:s9+$0x170]  }
.LBB2_5:
0x76: {  	s11 =	sshra.s32 s10, $0x2;
	p1 =	sne.s32 s10, $0xFE00;
	[tilespmem:s9+$0x140] =	vst v10;
	v5 =	vmul.f32 v5, v3;
	v10 =	vld [tilespmem:s9+$0x4170]  }
0x77: {  	v11 =	vld [tilespmem:s11+$0x8100];
	[tilespmem:s9+$0x4140] =	vst v9;
	v3 =	vmul.f32 v4, v3  }
0x78: {  	v4 =	vld [tilespmem:s11+$0x8110];
	[tilespmem:s9+$0x150] =	vst v5;
	v5 =	vmul.f32 v6, v2  }
0x79: {  	v6 =	vld [tilespmem:s11+$0x8120];
	[tilespmem:s9+$0x4150] =	vst v3;
	v2 =	vmul.f32 v7, v2  }
0x7a: {  	v7 =	vld [tilespmem:s11+$0x8130];
	[tilespmem:s9+$0x160] =	vst v5;
	v5 =	vmul.f32 v8, v1  }
0x7b: {  	v8 =	vld [tilespmem:s11+$0x8140];
	[tilespmem:s9+$0x4160] =	vst v2;
	v1 =	vmul.f32 v10, v1  }
0x7c: {  	v3 =	vld [tilespmem:s11+$0x8150];
	[tilespmem:s9+$0x170] =	vst v5  }
0x7d: {  	v2 =	vld [tilespmem:s11+$0x8160];
	[tilespmem:s9+$0x4170] =	vst v1;
	s9 =	smov.u32 s11  }
0x7e: {  	v1 =	vld [tilespmem:s9+$0x8170]  }
0x7f: {  	v5 =	vld [tilespmem:s9+$0x100]  }
0x80: {  	v9 =	vld [tilespmem:s9+$0x4100]  }
0x81: {  	v10 =	vld [tilespmem:s9+$0x110]  }
0x82: {  	v12 =	vld [tilespmem:s9+$0x4110]  }
0x83: {  	v13 =	vld [tilespmem:s9+$0x120]  }
0x84: {  	v5 =	vmul.f32 v5, v11;
	v14 =	vld [tilespmem:s9+$0x4120]  }
0x85: {  	v9 =	vmul.f32 v9, v11;
	v11 =	vld [tilespmem:s9+$0x130]  }
0x86: {  	[tilespmem:s9+$0x100] =	vst v5;
	v5 =	vmul.f32 v10, v4;
	v10 =	vld [tilespmem:s9+$0x4130]  }
0x87: {  	[tilespmem:s9+$0x4100] =	vst v9;
	v4 =	vmul.f32 v12, v4;
	v9 =	vld [tilespmem:s9+$0x140]  }
0x88: {  	[tilespmem:s9+$0x110] =	vst v5;
	v12 =	vmul.f32 v13, v6;
	v13 =	vld [tilespmem:s9+$0x4140]  }
.Ltmp1:
0x89: {  	[tilespmem:s9+$0x4110] =	vst v4;
	v6 =	vmul.f32 v14, v6;
	v5 =	vld [tilespmem:s9+$0x150];
	(pc) =	sbr.rel @p1 .LBB2_5-.Ltmp1, $4  }
0x8a: {  	[tilespmem:s9+$0x120] =	vst v12;
	v11 =	vmul.f32 v11, v7;
	v4 =	vld [tilespmem:s9+$0x4150]  }
0x8b: {  	[tilespmem:s9+$0x4120] =	vst v6;
	v12 =	vmul.f32 v10, v7;
	v6 =	vld [tilespmem:s9+$0x160]  }
0x8c: {  	[tilespmem:s9+$0x130] =	vst v11;
	v10 =	vmul.f32 v9, v8;
	v7 =	vld [tilespmem:s9+$0x4160]  }
0x8d: {  	s10 =	sadd.s32 $0x200, s10;
	[tilespmem:s9+$0x4130] =	vst v12;
	v9 =	vmul.f32 v13, v8;
	v8 =	vld [tilespmem:s9+$0x170]  }
0x8e: {  	[tilespmem:s9+$0x140] =	vst v10;
	v5 =	vmul.f32 v5, v3;
	v62 =	vld [tilespmem:s9+$0x4170]  }
0x8f: {  	[tilespmem:s9+$0x4140] =	vst v9;
	v3 =	vmul.f32 v4, v3  }
0x90: {  	[tilespmem:s9+$0x150] =	vst v5;
	v63 =	vmul.f32 v6, v2  }
0x91: {  	[tilespmem:s9+$0x4150] =	vst v3;
	v2 =	vmul.f32 v7, v2  }
0x92: {  	[tilespmem:s9+$0x160] =	vst v63;
	v3 =	vmul.f32 v8, v1  }
0x93: {  	[tilespmem:s9+$0x4160] =	vst v2;
	v1 =	vmul.f32 v62, v1  }
0x94: {  	[tilespmem:s9+$0x170] =	vst v3  }
0x95: {  	[tilespmem:s9+$0x4170] =	vst v1  }
0x96: {  	[spmem:s1] =	stream.indirect.scatter.add.f32 [tilespmem:s23], [sflag:$0x3], $0x80, s22, s22, $0xb8;
	[tilespmem:$0x1F980] =	vst v63  }
0x97: {  	s7 =	sadd.s32 $0x1, s7  }
0x98: {  	[spmem:s1] =	stream.indirect.scatter.add.f32 [tilespmem:s24], [sflag:$0x4], $0x80, s2, s22, $0xb8;
	[tilespmem:$0x1F980] =	vst v63  }
0x99: {  	p1 =	sne.s32 s7, s17;
	_ =	swait.ge [sflag:s30], $0x4000  }
.Ltmp2:
0x9a: {  	[sflag:s30] =	ssyncset.done $0x0;
	(pc) =	sbr.rel @p1 .LBB2_4-.Ltmp2, $4  }
0x9b: {  	[sflag:s30] =	ssyncadd.s32 $0xFFFFC000  }
0x9c: {  	_ =	swait.ge [sflag:s31], $0x4000  }
0x9d: {  	[sflag:s31] =	ssyncset.done $0x0  }
0x9e: {  	[sflag:s31] =	ssyncadd.s32 $0xFFFFC000  }
0x9f: {  	[bflag:$0x0] =	sbarrier.arrive $0xFFFF  }
0xa0: {  	s3 =	sadd.s32 @p0 $0x25800, s19;
	s7 =	sshrl.u32 @p0 s13, $0x3;
	s9 =	simm.s32 @p0 $0x1FC5  }
0xa1: {  	[hbm:s3], [sflag:s9] =	dma.local @p0 [spmem:s7], $0x1900  }
0xa2: {  	s3 =	simm.s32 @p0 $0x5  }
0xa3: {  	_ =	swait.ge @p0 [sflag:s3], $0x1900  }
0xa4: {  	[sflag:s3] =	ssyncset.done @p0 $0x0  }
0xa5: {  	s7 =	sadd.s32 @p0 $0x27100, s19;
	s10 =	rddreg [dreg:$0x3];
	[sflag:s3] =	ssyncadd.s32 @p0 $0xFFFFE700  }
0xa6: {  	[hbm:s7], [sflag:s9] =	dma.local @p0 [hbm:s10], $0xF00  }
0xa7: {  	s0 =	sadd.s32 $0x1, s0;
	s7 =	stileid.u32;
	_ =	swait.ge @p0 [sflag:s3], $0xF00  }
0xa8: {  	p1 =	sne.s32 s0, s20;
	s7 =	sshll.u32 @!p0 s7, $0x6;
	[sflag:s3] =	ssyncset.done @p0 $0x0  }
0xa9: {  	[sflag:s3] =	ssyncadd.s32 @p0 $0xFFFFF100;
	s3 =	sor.u32 @!p0 $0x1C05, s7;
	s7 =	sshrl.u32 @!p0 s8, $0x3  }
0xaa: {  	[hbm:s25], [sflag:s3] =	dma.local @!p0 [spmem:s7], $0x2800  }
.Ltmp3:
0xab: {  	_ = 	snop;
	(pc) =	sbr.rel @p1 .LBB2_1-.Ltmp3, $4  }
0xac: {  	s3 =	simm.s32 @!p0 $0x5  }
0xad: {  	_ =	swait.ge @!p0 [sflag:s3], $0x2800  }
0xae: {  	[sflag:s3] =	ssyncset.done @!p0 $0x0  }
0xaf: {  	[sflag:s3] =	ssyncadd.s32 @!p0 $0xFFFFD800  }
0xb0: {  	_ =	sfence.sel $0x180000  }
0xb1: {  	[bflag:$0x0] =	sbarrier.arrive $0xFFFF  }
0xb2: {  	_ =	strace $0x9000004A  }
0xb3: {  	s0 =	stileid.u32;
	[bflag:$0x2] =	sbarrier.arrive $0xFFFF  }
0xb4: {  	p0 =	sne.s32 s0, $0x0;
	s0 =	rddreg [dreg:$0x2]  }
0xb5: {  	s0 =	sadd.s32 @!p0 $0x100000, s0  }
0xb6: {  	[sflag:s0] =	ssyncadd.tile.s32 @!p0 $0x1;
	_ =	shalt  }
.Lfunc_end2:
_tile_overlayer_lowered:
.L_overlay_start_2:
0xb7: {  	(tag) =	ssettag $0x2  }
0xb8: {  	s0 =	rddreg [dreg:$0x0];
	s2 =	stileid.u32  }
0xb9: {  	s1 =	rddreg [dreg:$0x1];
	p0 =	sne.s32 s2, $0x0  }
0xba: {  	s3 =	rddreg [dreg:$0x2];
	[bflag:$0x3] =	sbarrier.arrive $0xFFFF;
	s2 =	simm.s32 @!p0 $0x1C05  }
0xbb: {  	[timem:s3], [sflag:s2] =	dma.local @!p0 [hbm:s0], s1  }
0xbc: {  	s0 =	simm.s32 @!p0 $0x5  }
0xbd: {  	_ =	swait.ge @!p0 [sflag:s0], s1  }
0xbe: {  	s1 =	ssub.s32 @!p0 $0x0, s1;
	[sflag:s0] =	ssyncset.done @!p0 $0x0  }
0xbf: {  	[sflag:s0] =	ssyncadd.s32 @!p0 s1  }
0xc0: {  	[bflag:$0x3] =	sbarrier.arrive $0xFFFF  }
0xc1: {  	_ =	shalt  }

// kernel: kernel.8.cloned.1.call-start
scs
__scs_entry_jumppad:
0x0: {  	(pc) =	sbr.rel $0x88, $3  }
0x1: {  	(tag) =	ssettag $0x0;
	lr =	simm.s32 $0x1  }
0x2: {  	[smem:$0x3F7D] =	sst lr;
	_ =	strace $0xD0000000  }
0x3: {  	_ = 	snop  }
0x4: {  	_ = 	snop  }
0x5: {  	_ = 	snop  }
0x6: {  	_ = 	snop  }
0x7: {  	_ = 	snop  }
__scs_overlays_trampoline_lowered:
0x8: {  	[smem:$0x3F8C] =	sst s0  }
0x9: {  	[smem:$0x3F8D] =	sst s1  }
0xa: {  	[smem:$0x3F8E] =	sst s2  }
0xb: {  	[smem:$0x3F8F] =	sst s3  }
0xc: {  	[smem:$0x3F90] =	sst s4  }
0xd: {  	[smem:$0x3F91] =	sst s5  }
0xe: {  	[smem:$0x3F92] =	sst s6  }
0xf: {  	[smem:$0x3F93] =	sst s7  }
0x10: {  	[smem:$0x3F94] =	sst s8  }
0x11: {  	[smem:$0x3F95] =	sst s9;
	s0 =	simm.s32 @!p0 $0x0  }
0x12: {  	s1 =	sld [smem:$0x3F7B];
	s0 =	simm.s32 @p0 $0x1  }
0x13: {  	[smem:$0x3F96] =	sst s0;
	s0 =	simm.s32 @!p1 $0x0  }
0x14: {  	s2 =	sld [smem:$0x3F7A];
	s0 =	simm.s32 @p1 $0x1  }
0x15: {  	[smem:$0x3F97] =	sst s0;
	s0 =	simm.s32 @!p2 $0x0  }
0x16: {  	s3 =	sld [smem:$0x3FDB];
	s0 =	simm.s32 @p2 $0x1  }
0x17: {  	s4 =	simm.s32 $0x1BF5;
	[smem:$0x3F99] =	sst s0  }
0x18: {  	s0 =	sld [smem:$0x3F7C];
	_ =	swait.ge [sflag:s4], $0x0  }
0x19: {  	s7 =	sld [smem:$0x3F7D]  }
0x1a: {  	s8 =	sadd.s32 $0xFFFFE003, lr  }
0x1b: {  	s9 =	sadd.s32 $0xFFFFFEF7, lr;
	s5 =	simm.s32 $0xFFFFFFFF;
	p2 =	slt.u32 s8, $0xFFFFF086  }
0x1c: {  	p1 =	slt.u32 s9, $0xF7A;
	s5 =	simm.s32 @!p2 $0x0  }
0x1d: {  	s5 =	simm.s32 @p1 $0x1;
	p0 =	seq.s32 s7, s2  }
0x1e: {  	s7 =	smul.u32 @!p0 $0xF7A, s2;
	p2 =	seq.s32 @!p0 s5, $0x0  }
0x1f: {  	s9 =	smul.u32 $0xF7A, s1;
	s8 =	simm.s32 @!p0 $0x1BF5;
	p2 =	por !p2, p0  }
0x20: {  	[sflag:s8] =	ssyncset.s32 @!p0 $0xFFFFF086;
	s6 =	sadd.s32 @!p0 s3, s7;
	s7 =	simm.s32 @!p0 $0x108  }
0x21: {  	s3 =	sadd.s32 s3, s9;
	s6 =	sadd.s32 @!p0 $0x88, s6;
	s7 =	simm.s32 @p2 $0x1082  }
0x22: {  	[simem:s7], [sflag:s8] =	dma.local @!p0 [hbm:s6], $0xF7A  }
0x23: {  	s9 =	sor.u32 $0xD0000000, s2;
	s6 =	simm.s32 $0x108;
	_ =	swait.ge @!p0 [sflag:s8], $0x0  }
0x24: {  	s3 =	sadd.s32 $0x88, s3;
	s6 =	simm.s32 @!p1 $0x1082;
	[sflag:s4] =	ssyncset.s32 $0xFFFFF086  }
0x25: {  	[simem:s6], [sflag:s4] =	dma.local [hbm:s3], $0xF7A  }
0x26: {  	[smem:$0x3F7D] =	sst s1;
	(tag) =	ssettag s2;
	_ =	strace s9  }
0x27: {  	s1 =	sld [smem:$0x3F8D]  }
0x28: {  	s2 =	sld [smem:$0x3F8E]  }
0x29: {  	s4 =	sld [smem:$0x3F90]  }
0x2a: {  	p0 =	seq.s32 s5, $0x0;
	s5 =	sld [smem:$0x3F91]  }
0x2b: {  	s6 =	sld [smem:$0x3F92]  }
0x2c: {  	s7 =	sld [smem:$0x3F93]  }
0x2d: {  	s3 =	simm.s32 $0x108;
	s8 =	sld [smem:$0x3F94]  }
0x2e: {  	s3 =	simm.s32 @!p0 $0x1082;
	s9 =	sld [smem:$0x3F95]  }
0x2f: {  	lr =	sadd.s32 s0, s3;
	s0 =	sld [smem:$0x3F8C]  }
0x30: {  	s3 =	sld [smem:$0x3F8F]  }
0x31: {  	[smem:$0x3F98] =	sst s10  }
0x32: {  	s10 =	sld [smem:$0x3F96];
	_ =	sdelay $0x3  }
0x33: {  	p0 =	seq.s32 s10, $0x1;
	s10 =	sld [smem:$0x3F98];
	_ =	sdelay $0x3  }
0x34: {  	[smem:$0x3F98] =	sst s10  }
0x35: {  	s10 =	sld [smem:$0x3F97];
	_ =	sdelay $0x3  }
0x36: {  	p1 =	seq.s32 s10, $0x1;
	s10 =	sld [smem:$0x3F98];
	_ =	sdelay $0x3  }
0x37: {  	[smem:$0x3F98] =	sst s10  }
0x38: {  	s10 =	sld [smem:$0x3F99]  }
0x39: {  	_ = 	snop;
	(pc) =	sbr.ind lr, $3  }
0x3a: {  	_ = 	snop  }
0x3b: {  	_ = 	snop  }
0x3c: {  	p2 =	seq.s32 s10, $0x1;
	s10 =	sld [smem:$0x3F98]  }
0x3d: {  	_ =	shalt  }
0x3e: {  	_ =	shalt  }
0x3f: {  	_ =	shalt  }
0x40: {  	_ =	shalt  }
0x41: {  	_ =	shalt  }
0x42: {  	_ =	shalt  }
0x43: {  	_ =	shalt  }
0x44: {  	_ =	shalt  }
0x45: {  	_ =	shalt  }
0x46: {  	_ =	shalt  }
0x47: {  	_ =	shalt  }
0x48: {  	_ =	shalt  }
0x49: {  	_ =	shalt  }
0x4a: {  	_ =	shalt  }
0x4b: {  	_ =	shalt  }
0x4c: {  	_ =	shalt  }
0x4d: {  	_ =	shalt  }
0x4e: {  	_ =	shalt  }
0x4f: {  	_ =	shalt  }
0x50: {  	_ =	shalt  }
0x51: {  	_ =	shalt  }
0x52: {  	_ =	shalt  }
0x53: {  	_ =	shalt  }
0x54: {  	_ =	shalt  }
0x55: {  	_ =	shalt  }
0x56: {  	_ =	shalt  }
0x57: {  	_ =	shalt  }
0x58: {  	_ =	shalt  }
0x59: {  	_ =	shalt  }
0x5a: {  	_ =	shalt  }
0x5b: {  	_ =	shalt  }
0x5c: {  	_ =	shalt  }
0x5d: {  	_ =	shalt  }
0x5e: {  	_ =	shalt  }
0x5f: {  	_ =	shalt  }
0x60: {  	_ =	shalt  }
0x61: {  	_ =	shalt  }
0x62: {  	_ =	shalt  }
0x63: {  	_ =	shalt  }
0x64: {  	_ =	shalt  }
0x65: {  	_ =	shalt  }
0x66: {  	_ =	shalt  }
0x67: {  	_ =	shalt  }
0x68: {  	_ =	shalt  }
0x69: {  	_ =	shalt  }
0x6a: {  	_ =	shalt  }
0x6b: {  	_ =	shalt  }
0x6c: {  	_ =	shalt  }
0x6d: {  	_ =	shalt  }
0x6e: {  	_ =	shalt  }
0x6f: {  	_ =	shalt  }
0x70: {  	_ =	shalt  }
0x71: {  	_ =	shalt  }
0x72: {  	_ =	shalt  }
0x73: {  	_ =	shalt  }
0x74: {  	_ =	shalt  }
0x75: {  	_ =	shalt  }
0x76: {  	_ =	shalt  }
0x77: {  	_ =	shalt  }
0x78: {  	_ =	shalt  }
0x79: {  	_ =	shalt  }
0x7a: {  	_ =	shalt  }
0x7b: {  	_ =	shalt  }
0x7c: {  	_ =	shalt  }
0x7d: {  	_ =	shalt  }
0x7e: {  	_ =	shalt  }
0x7f: {  	_ =	shalt  }
0x80: {  	_ =	shalt  }
0x81: {  	_ =	shalt  }
0x82: {  	_ =	shalt  }
0x83: {  	_ =	shalt  }
0x84: {  	_ =	shalt  }
0x85: {  	_ =	shalt  }
0x86: {  	_ =	shalt  }
0x87: {  	_ =	shalt  }
.Lfunc_end0:
.L_simem_size_0:
called_computation_lowered:
.L_overlay_start_0:
0x88: {  	s2 =	sld [smem:$0x3FD9]  }
0x89: {  	s3 =	sld [smem:$0x3FFE];
	_ =	sdelay $0x1  }
0x8a: {  	s1 =	srdreg.scid  }
0x8b: {  	s0 =	sand.u32 $0x1, s1  }
0x8c: {  	s16 =	sshll.u32 s0, $0xA;
	s2 =	sadd.s32 s3, s2  }
0x8d: {  	s2 =	sadd.s32 s2, s16  }
0x8e: {  	[smem:$0x3FA4] =	sst s2  }
0x8f: {  	_ = 	snop  }
0x90: {  	(tm) =	ssettm $0x1  }
0x91: {  	s17 =	sld [smem:$0x3FFB];
	_ =	sdelay $0x3  }
0x92: {  	_ =	strace s17  }
0x93: {  	s2 =	sld [smem:$0x3FFC];
	_ =	sdelay $0x3  }
0x94: {  	_ =	strace s2  }
0x95: {  	s2 =	sld [smem:$0x3FFD];
	_ =	sdelay $0x3  }
0x96: {  	_ =	strace s2  }
0x97: {  	_ =	strace $0x8FFFFFFF  }
0x98: {  	s18 =	sld [smem:$0x3FDB];
	_ =	sdelay $0x1  }
0x99: {  	s19 =	simm.s32 $_scs_section_size  }
0x9a: {  	s4 =	simm.s32 $_size__tile_overlayer_lowered;
	s5 =	simm.s32 $_tile_overlayer_lowered  }
0x9b: {  	s22 =	simm.s32 $0x1BFF;
	s21 =	sshll.u32 s5, $0x1;
	s2 =	sadd.s32 s19, s18  }
0x9c: {  	s6 =	simm.s32 $0x0;
	s20 =	sshll.u32 s4, $0x1;
	s4 =	sadd.s32 s21, s2  }
0x9d: {  	[timem:s6], [sflag:s22] =	dma.local [hbm:s4], s20  }
0x9e: {  	_ =	swait.ge [sflag:s22], s20  }
0x9f: {  	s3 =	ssub.s32 $0x0, s20;
	[sflag:s22] =	ssyncset.done $0x0  }
0xa0: {  	[sflag:s22] =	ssyncadd.s32 s3;
	_ =	sdelay $0x1  }
0xa1: {  	s23 =	simm.s32 $0x1B8B  }
0xa2: {  	_ =	swait.ge [sflag:s23], $0x1  }
0xa3: {  	[sflag:s23] =	ssyncset.done $0x0  }
0xa4: {  	s25 =	simm.s32 $0x1B8E;
	s24 =	sld [smem:$0x3FFE];
	[sflag:s23] =	ssyncadd.s32 $0xFFFFFFFF  }
0xa5: {  	s26 =	simm.s32 $execute0_lowered;
	[smem:$0x3FD2] =	sst s25  }
0xa6: {  	s4 =	sshll.u32 s26, $0x1;
	_ =	strace $0x80000046;
	[dreg:$0x1] =	wrdreg $0xFFFFFFFF  }
0xa7: {  	s28 =	simm.s32 $_size_execute0_lowered;
	s2 =	sadd.s32 s2, s4;
	[dreg:$0x0] =	wrdreg $0x0  }
0xa8: {  	s4 =	sshll.u32 s28, $0x1;
	[dreg:$0x2] =	wrdreg s2  }
0xa9: {  	[dreg:$0x3] =	wrdreg s4  }
0xaa: {  	[dreg:$0x4] =	wrdreg $0xC0  }
0xab: {  	_ =	task [dreg:s6], $0x5FFFF  }
0xac: {  	[dreg:$0x1] =	wrdreg $0xFFFFFFFF  }
0xad: {  	[dreg:$0x0] =	wrdreg $0x60  }
0xae: {  	[dreg:$0x2] =	wrdreg s24  }
0xaf: {  	[dreg:$0x3] =	wrdreg $0xC1000  }
0xb0: {  	[dreg:$0x4] =	wrdreg $0x9  }
0xb1: {  	_ =	task.clear_ibuf [dreg:s6], $0x5FFFF;
	_ =	strace $0x90000046  }
0xb2: {  	s29 =	simm.s32 $0x9;
	_ =	strace $0x80000048  }
0xb3: {  	_ =	swait.ge [sflag:s29], $0x1  }
0xb4: {  	[sflag:s29] =	ssyncadd.s32 $0xFFFFFFFF  }
0xb5: {  	_ =	strace $0x90000048  }
0xb6: {  	_ =	sfence  }
0xb7: {  	s30 =	sld [smem:$0x0];
	_ =	sdelay $0x2  }
0xb8: {  	s31 =	sshll.u32 s1, $0xD;
	s1 =	sshrl.u32 s1, $0x2  }
0xb9: {  	s3 =	sand.u32 $0x4000, s31;
	s1 =	sadd.s32 s1, s30  }
0xba: {  	s0 =	sor.u32 s3, s0;
	s1 =	sshll.u32 s1, $0x11  }
0xbb: {  	s0 =	sor.u32 s1, s0  }
0xbc: {  	s0 =	sadd.s32 $0x8F2B, s0  }
0xbd: {  	[sflag:s0] =	ssyncadd.remote.s32 $0x1  }
0xbe: {  	_ =	sfence.sel $0xFFFF  }
0xbf: {  	[dreg:$0x0] =	wrdreg $0xFFFFFFFF;
	(pc) =	sbr.abs _section_cstart, $3  }
0xc0: {  	[dreg:$0x1] =	wrdreg $0xFFFFFFFF  }
0xc1: {  	_ =	task.clear_ibuf [dreg:s6], $0x2FFFF;
	_ =	strace $0x9FFFFFFF  }
0xc2: {  	(tm) =	ssettm $0x7FFFFFFF  }
0xc3: {  	_ =	shalt  }
tec
execute0_lowered:
.L_overlay_start_1:
0x0: {  	(tag) =	ssettag $0x1  }
0x1: {  	s0 =	rddreg [dreg:$0x0]  }
0x2: {  	s1 =	rddreg [dreg:$0x1];
	s2 =	simm.s32 $0x0  }
0x3: {  	s3 =	srdreg.scid;
	s11 =	stileid.u32;
	s17 =	simm.s32 $0x6E  }
0x4: {  	s21 =	simm.s32 $0x5;
	s22 =	simm.s32 $0x80;
	s28 =	simm.s32 $0x1  }
0x5: {  	s29 =	simm.s32 $0x2;
	s30 =	simm.s32 $0x3;
	s31 =	simm.s32 $0x4  }
0x6: {  	[smem:$0x7FF] =	sst s2;
	s4 =	sadd.s32 $0x1AE00, s0;
	s5 =	sadd.s32 $0x6E00, s0  }
0x7: {  	s3 =	sand.u32 $0x1, s3;
	s7 =	smul.u32 $0x50000, s11;
	s6 =	sadd.s32 $0x42E00, s0  }
0x8: {  	s10 =	sadd.s32 $0xA42E00, s0;
	s13 =	sadd.s32 $0x12C000, s1;
	s26 =	smul.u32 $0x32, s11  }
0x9: {  	s14 =	sadd.s32 $0x130000, s1;
	s15 =	sadd.s32 $0x134000, s1;
	s18 =	sadd.s32 $0x138000, s1  }
0xa: {  	_ =	strace $0x80000047;
	s8 =	smul.u32 $0x28000, s3;
	s9 =	ssub.s32 $0x2, s3  }
0xb: {  	[dreg:$0x3] =	wrdreg s10;
	s10 =	smul.u32 $0x6E, s11;
	p0 =	seq.s32 s3, $0x0  }
0xc: {  	s23 =	sshrl.u32 s9, $0x1;
	s7 =	sshrl.u32 s7, $0x2;
	s16 =	sadd.s32 $0x6E0, s26  }
0xd: {  	s17 =	simm.s32 @!p0 $0x32;
	s26 =	simm.s32 $0x8100;
	s0 =	sadd.s32 s8, s0  }
0xe: {  	s9 =	ssub.s32 s9, s23;
	s8 =	sadd.s32 s7, s1;
	s16 =	smov.u32 @p0 s10  }
0xf: {  	p0 =	seq.s32 s11, $0xF;
	s23 =	simm.s32 $0x100;
	s7 =	sadd.s32 $0x4000, s8  }
0x10: {  	s24 =	sadd.s32 $0x8000, s8;
	s25 =	sadd.s32 $0xC000, s8;
	[dreg:$0x4] =	wrdreg s7  }
0x11: {  	s19 =	sadd.s32 $0xA45600, s0;
	s0 =	smul.u32 $0x2800, s11;
	[dreg:$0x5] =	wrdreg s24  }
0x12: {  	s12 =	sadd.s32 $0x10000, s8;
	s20 =	smax.u32 s9, $0x1;
	[dreg:$0x6] =	wrdreg s25  }
0x13: {  	v0 =	vimm.f32 $0.0e+00;
	s24 =	simm.s32 $0x4100;
	s25 =	sadd.s32 @!p0 s0, s19;
	s0 =	simm.s32 $0x0  }
.LBB2_1:
0x14: {  	s3 =	simm.s32 $0x0;
	s7 =	simm.s32 $0x200  }
.LBB2_2:
0x15: {  	p1 =	sne.s32 s7, $0xFE00;
	[tilespmem:s3+$0x170] =	vst v0  }
0x16: {  	[tilespmem:s3+$0x100] =	vst v0  }
0x17: {  	[tilespmem:s3+$0x110] =	vst v0  }
.Ltmp0:
0x18: {  	[tilespmem:s3+$0x120] =	vst v0;
	(pc) =	sbr.rel @p1 .LBB2_2-.Ltmp0, $4  }
0x19: {  	[tilespmem:s3+$0x130] =	vst v0  }
0x1a: {  	[tilespmem:s3+$0x140] =	vst v0  }
0x1b: {  	[tilespmem:s3+$0x150] =	vst v0  }
0x1c: {  	[tilespmem:s3+$0x160] =	vst v0;
	s3 =	sshra.s32 s7, $0x2;
	s7 =	sadd.s32 $0x200, s7  }
0x1d: {  	[tilespmem:s3+$0x170] =	vst v0  }
0x1e: {  	[tilespmem:s3+$0x100] =	vst v0  }
0x1f: {  	[tilespmem:s3+$0x110] =	vst v0  }
0x20: {  	[tilespmem:s3+$0x120] =	vst v0  }
0x21: {  	[tilespmem:s3+$0x130] =	vst v0  }
0x22: {  	[tilespmem:s3+$0x140] =	vst v0  }
0x23: {  	[tilespmem:s3+$0x150] =	vst v0  }
0x24: {  	[tilespmem:s3+$0x160] =	vst v0;
	s3 =	simm.s32 @p0 $0x100;
	s7 =	simm.s32 @p0 $0x5  }
0x25: {  	[spmem:s13] =	stream.linear.scatter @p0 [tilespmem:s3], [sflag:$0x5], $0x4000, $0x38;
	[tilespmem:$0x1F980] =	vst v63  }
0x26: {  	_ =	swait.ge @p0 [sflag:s7], $0x4000  }
0x27: {  	[sflag:s7] =	ssyncset.done @p0 $0x0  }
0x28: {  	[sflag:s7] =	ssyncadd.s32 @p0 $0xFFFFC000  }
0x29: {  	[spmem:s14] =	stream.linear.scatter @p0 [tilespmem:s3], [sflag:$0x5], $0x4000, $0x38;
	[tilespmem:$0x1F980] =	vst v63  }
0x2a: {  	_ =	swait.ge @p0 [sflag:s7], $0x4000  }
0x2b: {  	[sflag:s7] =	ssyncset.done @p0 $0x0  }
0x2c: {  	[sflag:s7] =	ssyncadd.s32 @p0 $0xFFFFC000  }
0x2d: {  	[spmem:s15] =	stream.linear.scatter @p0 [tilespmem:s3], [sflag:$0x5], $0x4000, $0x38;
	[tilespmem:$0x1F980] =	vst v63  }
0x2e: {  	_ =	swait.ge @p0 [sflag:s7], $0x4000  }
0x2f: {  	[sflag:s7] =	ssyncset.done @p0 $0x0  }
0x30: {  	[sflag:s7] =	ssyncadd.s32 @p0 $0xFFFFC000  }
0x31: {  	[spmem:s18] =	stream.linear.scatter @p0 [tilespmem:s3], [sflag:$0x5], $0x800, $0x38;
	[tilespmem:$0x1F980] =	vst v63  }
0x32: {  	_ =	swait.ge @p0 [sflag:s7], $0x800  }
0x33: {  	[sflag:s7] =	ssyncset.done @p0 $0x0  }
0x34: {  	s3 =	simm.s32 @!p0 $0x100;
	[sflag:s7] =	ssyncadd.s32 @p0 $0xFFFFF800;
	s7 =	simm.s32 @!p0 $0x5  }
0x35: {  	[spmem:s8] =	stream.linear.scatter @!p0 [tilespmem:s3], [sflag:$0x5], $0x4000, $0x38;
	[tilespmem:$0x1F980] =	vst v63  }
0x36: {  	_ =	swait.ge @!p0 [sflag:s7], $0x4000  }
0x37: {  	[sflag:s7] =	ssyncset.done @!p0 $0x0  }
0x38: {  	s9 =	rddreg [dreg:$0x4];
	[sflag:s7] =	ssyncadd.s32 @!p0 $0xFFFFC000  }
0x39: {  	[spmem:s9] =	stream.linear.scatter @!p0 [tilespmem:s3], [sflag:$0x5], $0x4000, $0x38;
	[tilespmem:$0x1F980] =	vst v63  }
0x3a: {  	_ =	swait.ge @!p0 [sflag:s7], $0x4000  }
0x3b: {  	[sflag:s7] =	ssyncset.done @!p0 $0x0  }
0x3c: {  	s9 =	rddreg [dreg:$0x5];
	[sflag:s7] =	ssyncadd.s32 @!p0 $0xFFFFC000  }
0x3d: {  	[spmem:s9] =	stream.linear.scatter @!p0 [tilespmem:s3], [sflag:$0x5], $0x4000, $0x38;
	[tilespmem:$0x1F980] =	vst v63  }
0x3e: {  	_ =	swait.ge @!p0 [sflag:s7], $0x4000  }
0x3f: {  	[sflag:s7] =	ssyncset.done @!p0 $0x0  }
0x40: {  	s9 =	rddreg [dreg:$0x6];
	[sflag:s7] =	ssyncadd.s32 @!p0 $0xFFFFC000  }
0x41: {  	[spmem:s9] =	stream.linear.scatter @!p0 [tilespmem:s3], [sflag:$0x5], $0x4000, $0x38;
	[tilespmem:$0x1F980] =	vst v63  }
0x42: {  	_ =	swait.ge @!p0 [sflag:s7], $0x4000  }
0x43: {  	[sflag:s7] =	ssyncset.done @!p0 $0x0  }
0x44: {  	[sflag:s7] =	ssyncadd.s32 @!p0 $0xFFFFC000  }
0x45: {  	[spmem:s12] =	stream.linear.scatter @!p0 [tilespmem:s3], [sflag:$0x5], $0x4000, $0x38;
	[tilespmem:$0x1F980] =	vst v63  }
0x46: {  	_ =	swait.ge @!p0 [sflag:s7], $0x4000  }
0x47: {  	[sflag:s7] =	ssyncset.done @!p0 $0x0  }
0x48: {  	[sflag:s7] =	ssyncadd.s32 @!p0 $0xFFFFC000  }
0x49: {  	s3 =	simm.s32 $0x0;
	s7 =	simm.s32 $0x0;
	[bflag:$0x0] =	sbarrier.arrive $0xFFFF  }
.LBB2_4:
0x4a: {  	s9 =	sadd.s32 s16, s7  }
0x4b: {  	s10 =	sshll.u32 s9, $0x5  }
0x4c: {  	s10 =	sadd.s32 s5, s10  }
0x4d: {  	[tilespmem:s3], [sflag:$0x5] =	stream.linear.gather [hbm4b:s10+s3], $0x100, $0x38;
	[tilespmem:$0x1F980] =	vst v63  }
0x4e: {  	_ =	swait.ge [sflag:s21], $0x100  }
0x4f: {  	[sflag:s21] =	ssyncset.done $0x0  }
0x50: {  	[sflag:s21] =	ssyncadd.s32 $0xFFFFFF00  }
0x51: {  	[tilespmem:s23], [sflag:$0x1] =	stream.indirect.gather [hbm4b:s4+s22], $0x80, s3, s22, $0xb8;
	[tilespmem:$0x1F980] =	vst v63  }
0x52: {  	s9 =	sshll.u32 s9, $0xB  }
0x53: {  	[tilespmem:s24], [sflag:$0x2] =	stream.indirect.gather [hbm4b:s4+s22], $0x80, s22, s22, $0xb8;
	[tilespmem:$0x1F980] =	vst v63  }
0x54: {  	s9 =	sadd.s32 s6, s9  }
0x55: {  	[tilespmem:s26], [sflag:$0x5] =	stream.linear.gather [hbm4b:s9+s3], $0x4000, $0x38;
	[tilespmem:$0x1F980] =	vst v63  }
0x56: {  	_ =	swait.ge [sflag:s21], $0x4000  }
0x57: {  	[sflag:s21] =	ssyncset.done $0x0  }
0x58: {  	[sflag:s21] =	ssyncadd.s32 $0xFFFFC000  }
0x59: {  	_ =	swait.ge [sflag:s28], $0x4000  }
0x5a: {  	[sflag:s28] =	ssyncset.done $0x0  }
0x5b: {  	[sflag:s28] =	ssyncadd.s32 $0xFFFFC000  }
0x5c: {  	_ =	swait.ge [sflag:s29], $0x4000  }
0x5d: {  	[sflag:s29] =	ssyncset.done $0x0  }
0x5e: {  	s9 =	simm.s32 $0x0;
	[sflag:s29] =	ssyncadd.s32 $0xFFFFC000  }
0x5f: {  	v4 =	vld [tilespmem:s9+$0x8100]  }
0x60: {  	v5 =	vld [tilespmem:s9+$0x8110]  }
0x61: {  	v6 =	vld [tilespmem:s9+$0x8120]  }
0x62: {  	v7 =	vld [tilespmem:s9+$0x8130]  }
0x63: {  	v8 =	vld [tilespmem:s9+$0x8140]  }
0x64: {  	v3 =	vld [tilespmem:s9+$0x8150]  }
0x65: {  	v2 =	vld [tilespmem:s9+$0x8160]  }
0x66: {  	v1 =	vld [tilespmem:s9+$0x8170]  }
0x67: {  	v9 =	vld [tilespmem:s9+$0x100]  }
0x68: {  	v10 =	vld [tilespmem:s9+$0x4100]  }
0x69: {  	v11 =	vld [tilespmem:s9+$0x110]  }
0x6a: {  	v12 =	vld [tilespmem:s9+$0x4110]  }
0x6b: {  	v13 =	vld [tilespmem:s9+$0x120]  }
0x6c: {  	v14 =	vld [tilespmem:s9+$0x4120];
	v9 =	vmul.f32 v9, v4  }
0x6d: {  	v15 =	vld [tilespmem:s9+$0x130];
	v4 =	vmul.f32 v10, v4  }
0x6e: {  	v10 =	vmul.f32 v11, v5;
	[tilespmem:s9+$0x100] =	vst v9;
	v9 =	vld [tilespmem:s9+$0x4130]  }
0x6f: {  	v11 =	vld [tilespmem:s9+$0x140];
	[tilespmem:s9+$0x4100] =	vst v4;
	v4 =	vmul.f32 v12, v5  }
0x70: {  	v63 =	vld [tilespmem:s9+$0x4140];
	[tilespmem:s9+$0x110] =	vst v10;
	v10 =	vmul.f32 v13, v6  }
0x71: {  	v5 =	vld [tilespmem:s9+$0x150];
	v6 =	vmul.f32 v14, v6;
	[tilespmem:s9+$0x4110] =	vst v4  }
0x72: {  	[tilespmem:s9+$0x120] =	vst v10;
	v4 =	vld [tilespmem:s9+$0x4150];
	v10 =	vmul.f32 v15, v7  }
0x73: {  	[tilespmem:s9+$0x4120] =	vst v6;
	v6 =	vld [tilespmem:s9+$0x160];
	v9 =	vmul.f32 v9, v7  }
0x74: {  	[tilespmem:s9+$0x130] =	vst v10;
	v10 =	vmul.f32 v11, v8;
	v7 =	vld [tilespmem:s9+$0x4160]  }
0x75: {  	s10 =	simm.s32 $0x200;
	[tilespmem:s9+$0x4130] =	vst v9;
	v9 =	vmul.f32 v63, v8;
	v8 =	vld [tilespmem:s9+$0x170]  }
.LBB2_5:
0x76: {  	s11 =	sshra.s32 s10, $0x2;
	p1 =	sne.s32 s10, $0xFE00;
	[tilespmem:s9+$0x140] =	vst v10;
	v5 =	vmul.f32 v5, v3;
	v10 =	vld [tilespmem:s9+$0x4170]  }
0x77: {  	v11 =	vld [tilespmem:s11+$0x8100];
	[tilespmem:s9+$0x4140] =	vst v9;
	v3 =	vmul.f32 v4, v3  }
0x78: {  	v4 =	vld [tilespmem:s11+$0x8110];
	[tilespmem:s9+$0x150] =	vst v5;
	v5 =	vmul.f32 v6, v2  }
0x79: {  	v6 =	vld [tilespmem:s11+$0x8120];
	[tilespmem:s9+$0x4150] =	vst v3;
	v2 =	vmul.f32 v7, v2  }
0x7a: {  	v7 =	vld [tilespmem:s11+$0x8130];
	[tilespmem:s9+$0x160] =	vst v5;
	v5 =	vmul.f32 v8, v1  }
0x7b: {  	v8 =	vld [tilespmem:s11+$0x8140];
	[tilespmem:s9+$0x4160] =	vst v2;
	v1 =	vmul.f32 v10, v1  }
0x7c: {  	v3 =	vld [tilespmem:s11+$0x8150];
	[tilespmem:s9+$0x170] =	vst v5  }
0x7d: {  	v2 =	vld [tilespmem:s11+$0x8160];
	[tilespmem:s9+$0x4170] =	vst v1;
	s9 =	smov.u32 s11  }
0x7e: {  	v1 =	vld [tilespmem:s9+$0x8170]  }
0x7f: {  	v5 =	vld [tilespmem:s9+$0x100]  }
0x80: {  	v9 =	vld [tilespmem:s9+$0x4100]  }
0x81: {  	v10 =	vld [tilespmem:s9+$0x110]  }
0x82: {  	v12 =	vld [tilespmem:s9+$0x4110]  }
0x83: {  	v13 =	vld [tilespmem:s9+$0x120]  }
0x84: {  	v5 =	vmul.f32 v5, v11;
	v14 =	vld [tilespmem:s9+$0x4120]  }
0x85: {  	v9 =	vmul.f32 v9, v11;
	v11 =	vld [tilespmem:s9+$0x130]  }
0x86: {  	[tilespmem:s9+$0x100] =	vst v5;
	v5 =	vmul.f32 v10, v4;
	v10 =	vld [tilespmem:s9+$0x4130]  }
0x87: {  	[tilespmem:s9+$0x4100] =	vst v9;
	v4 =	vmul.f32 v12, v4;
	v9 =	vld [tilespmem:s9+$0x140]  }
0x88: {  	[tilespmem:s9+$0x110] =	vst v5;
	v12 =	vmul.f32 v13, v6;
	v13 =	vld [tilespmem:s9+$0x4140]  }
.Ltmp1:
0x89: {  	[tilespmem:s9+$0x4110] =	vst v4;
	v6 =	vmul.f32 v14, v6;
	v5 =	vld [tilespmem:s9+$0x150];
	(pc) =	sbr.rel @p1 .LBB2_5-.Ltmp1, $4  }
0x8a: {  	[tilespmem:s9+$0x120] =	vst v12;
	v11 =	vmul.f32 v11, v7;
	v4 =	vld [tilespmem:s9+$0x4150]  }
0x8b: {  	[tilespmem:s9+$0x4120] =	vst v6;
	v12 =	vmul.f32 v10, v7;
	v6 =	vld [tilespmem:s9+$0x160]  }
0x8c: {  	[tilespmem:s9+$0x130] =	vst v11;
	v10 =	vmul.f32 v9, v8;
	v7 =	vld [tilespmem:s9+$0x4160]  }
0x8d: {  	s10 =	sadd.s32 $0x200, s10;
	[tilespmem:s9+$0x4130] =	vst v12;
	v9 =	vmul.f32 v13, v8;
	v8 =	vld [tilespmem:s9+$0x170]  }
0x8e: {  	[tilespmem:s9+$0x140] =	vst v10;
	v5 =	vmul.f32 v5, v3;
	v62 =	vld [tilespmem:s9+$0x4170]  }
0x8f: {  	[tilespmem:s9+$0x4140] =	vst v9;
	v3 =	vmul.f32 v4, v3  }
0x90: {  	[tilespmem:s9+$0x150] =	vst v5;
	v63 =	vmul.f32 v6, v2  }
0x91: {  	[tilespmem:s9+$0x4150] =	vst v3;
	v2 =	vmul.f32 v7, v2  }
0x92: {  	[tilespmem:s9+$0x160] =	vst v63;
	v3 =	vmul.f32 v8, v1  }
0x93: {  	[tilespmem:s9+$0x4160] =	vst v2;
	v1 =	vmul.f32 v62, v1  }
0x94: {  	[tilespmem:s9+$0x170] =	vst v3  }
0x95: {  	[tilespmem:s9+$0x4170] =	vst v1  }
0x96: {  	[spmem:s1] =	stream.indirect.scatter.add.f32 [tilespmem:s23], [sflag:$0x3], $0x80, s22, s22, $0xb8;
	[tilespmem:$0x1F980] =	vst v63  }
0x97: {  	s7 =	sadd.s32 $0x1, s7  }
0x98: {  	[spmem:s1] =	stream.indirect.scatter.add.f32 [tilespmem:s24], [sflag:$0x4], $0x80, s2, s22, $0xb8;
	[tilespmem:$0x1F980] =	vst v63  }
0x99: {  	p1 =	sne.s32 s7, s17;
	_ =	swait.ge [sflag:s30], $0x4000  }
.Ltmp2:
0x9a: {  	[sflag:s30] =	ssyncset.done $0x0;
	(pc) =	sbr.rel @p1 .LBB2_4-.Ltmp2, $4  }
0x9b: {  	[sflag:s30] =	ssyncadd.s32 $0xFFFFC000  }
0x9c: {  	_ =	swait.ge [sflag:s31], $0x4000  }
0x9d: {  	[sflag:s31] =	ssyncset.done $0x0  }
0x9e: {  	[sflag:s31] =	ssyncadd.s32 $0xFFFFC000  }
0x9f: {  	[bflag:$0x0] =	sbarrier.arrive $0xFFFF  }
0xa0: {  	s3 =	sadd.s32 @p0 $0x25800, s19;
	s7 =	sshrl.u32 @p0 s13, $0x3;
	s9 =	simm.s32 @p0 $0x1FC5  }
0xa1: {  	[hbm:s3], [sflag:s9] =	dma.local @p0 [spmem:s7], $0x1900  }
0xa2: {  	s3 =	simm.s32 @p0 $0x5  }
0xa3: {  	_ =	swait.ge @p0 [sflag:s3], $0x1900  }
0xa4: {  	[sflag:s3] =	ssyncset.done @p0 $0x0  }
0xa5: {  	s7 =	sadd.s32 @p0 $0x27100, s19;
	s10 =	rddreg [dreg:$0x3];
	[sflag:s3] =	ssyncadd.s32 @p0 $0xFFFFE700  }
0xa6: {  	[hbm:s7], [sflag:s9] =	dma.local @p0 [hbm:s10], $0xF00  }
0xa7: {  	s0 =	sadd.s32 $0x1, s0;
	s7 =	stileid.u32;
	_ =	swait.ge @p0 [sflag:s3], $0xF00  }
0xa8: {  	p1 =	sne.s32 s0, s20;
	s7 =	sshll.u32 @!p0 s7, $0x6;
	[sflag:s3] =	ssyncset.done @p0 $0x0  }
0xa9: {  	[sflag:s3] =	ssyncadd.s32 @p0 $0xFFFFF100;
	s3 =	sor.u32 @!p0 $0x1C05, s7;
	s7 =	sshrl.u32 @!p0 s8, $0x3  }
0xaa: {  	[hbm:s25], [sflag:s3] =	dma.local @!p0 [spmem:s7], $0x2800  }
.Ltmp3:
0xab: {  	_ = 	snop;
	(pc) =	sbr.rel @p1 .LBB2_1-.Ltmp3, $4  }
0xac: {  	s3 =	simm.s32 @!p0 $0x5  }
0xad: {  	_ =	swait.ge @!p0 [sflag:s3], $0x2800  }
0xae: {  	[sflag:s3] =	ssyncset.done @!p0 $0x0  }
0xaf: {  	[sflag:s3] =	ssyncadd.s32 @!p0 $0xFFFFD800  }
0xb0: {  	_ =	sfence.sel $0x180000  }
0xb1: {  	[bflag:$0x0] =	sbarrier.arrive $0xFFFF  }
0xb2: {  	_ =	strace $0x90000047  }
0xb3: {  	s0 =	stileid.u32;
	[bflag:$0x2] =	sbarrier.arrive $0xFFFF  }
0xb4: {  	p0 =	sne.s32 s0, $0x0;
	s0 =	rddreg [dreg:$0x2]  }
0xb5: {  	s0 =	sadd.s32 @!p0 $0x100000, s0  }
0xb6: {  	[sflag:s0] =	ssyncadd.tile.s32 @!p0 $0x1;
	_ =	shalt  }
.Lfunc_end2:
_tile_overlayer_lowered:
.L_overlay_start_2:
0xb7: {  	(tag) =	ssettag $0x2  }
0xb8: {  	s0 =	rddreg [dreg:$0x0];
	s2 =	stileid.u32  }
0xb9: {  	s1 =	rddreg [dreg:$0x1];
	p0 =	sne.s32 s2, $0x0  }
0xba: {  	s3 =	rddreg [dreg:$0x2];
	[bflag:$0x3] =	sbarrier.arrive $0xFFFF;
	s2 =	simm.s32 @!p0 $0x1C05  }
0xbb: {  	[timem:s3], [sflag:s2] =	dma.local @!p0 [hbm:s0], s1  }
0xbc: {  	s0 =	simm.s32 @!p0 $0x5  }
0xbd: {  	_ =	swait.ge @!p0 [sflag:s0], s1  }
0xbe: {  	s1 =	ssub.s32 @!p0 $0x0, s1;
	[sflag:s0] =	ssyncset.done @!p0 $0x0  }
0xbf: {  	[sflag:s0] =	ssyncadd.s32 @!p0 s1  }
0xc0: {  	[bflag:$0x3] =	sbarrier.arrive $0xFFFF  }
0xc1: {  	_ =	shalt  }

</sc_bundles>
